<compile_context>
chip_gen: v7x
topology: tpu7x:2x2x1
jax: 0.10.2.dev20260603
libtpu: 0.0.44.dev20260713+nightly
codegen_flags: <defaults>
</compile_context>

<pallas_src>
import jax
import jax.numpy as jnp
from jax import lax
from jax.experimental import pallas as pl
from jax.experimental.pallas import tpu as pltpu
from jax.experimental.pallas import tpu_sc as plsc

N_NODES = 10000
N_EDGES = 160000
TE = 2 * N_EDGES
D_NODE = 768
D_OUT = 32
TWP = 128
NP1 = 10240

NC, NS = 2, 16
NW = NC * NS
EP = 163840
EW = EP // NW
CA = 128
NCHUNK_A = EW // CA
PER_WB = TE // NW
CB = 400
NCHUNK_B = PER_WB // CB
ROWS_SUB = NP1 // NS


def _sc_mesh():
    return plsc.VectorSubcoreMesh(core_axis_name="c", subcore_axis_name="s",
                                  num_cores=NC, num_subcores=NS)



def _tc1_body(x_ref, w_ref, o_ref):
    xw = jnp.dot(x_ref[...], w_ref[...], preferred_element_type=jnp.float32)
    o_ref[...] = jnp.concatenate(
        [xw, jnp.zeros((xw.shape[0], TWP - D_OUT), jnp.float32)], axis=1)


def _tc1(x, w):
    blk = 2000
    return pl.pallas_call(
        _tc1_body,
        grid=(N_NODES // blk,),
        in_specs=[
            pl.BlockSpec((blk, D_NODE), lambda i: (i, 0)),
            pl.BlockSpec((D_NODE, D_OUT), lambda i: (0, 0)),
        ],
        out_specs=pl.BlockSpec((blk, TWP), lambda i: (i, 0)),
        out_shape=jax.ShapeDtypeStruct((N_NODES, TWP), jnp.float32),
    )(x, w)



def _sca_body(xwp, e1d, dsti, part, tab_s, idx_v, ev, xg, rows, sem):
    c = lax.axis_index("c")
    s = lax.axis_index("s")
    wid = s * NC + c
    zero16 = jnp.zeros((16,), jnp.float32)
    lane = lax.iota(jnp.int32, 16)
    unit16 = (lane == 0).astype(jnp.float32)

    def _z1(i, carry):
        for k in range(TWP // 16):
            rows[i, pl.ds(k * 16, 16)] = zero16
        return carry
    lax.fori_loop(0, CA, _z1, 0)

    for z in range(ROWS_SUB // CA):
        pltpu.sync_copy(rows, tab_s.at[pl.ds(s * ROWS_SUB + z * CA, CA)])
    plsc.subcore_barrier()

    base0 = wid * EW

    def _edge(j, jj, acc):
        a0 = xg[j, pl.ds(0, 16)]
        b0 = ev[pl.ds(j * 32, 16)]
        a1 = xg[j, pl.ds(16, 16)]
        b1 = ev[pl.ds(j * 32 + 16, 16)]
        sj = jnp.sum(a0 * b0 + a1 * b1)
        return jnp.where(lane == jj, sj, acc)

    def _emit(j, ex_s):
        rows[j, pl.ds(0, 16)] = ev[pl.ds(j * 32, 16)] * ex_s
        rows[j, pl.ds(16, 16)] = ev[pl.ds(j * 32 + 16, 16)] * ex_s
        rows[j, pl.ds(32, 16)] = unit16 * ex_s

    def _chunk(g, carry):
        base = pl.multiple_of(base0 + g * CA, 8)
        pltpu.sync_copy(dsti.at[pl.ds(base, CA)], idx_v)
        pltpu.sync_copy(e1d.at[pl.ds(base * 32, CA * 32)], ev)
        pltpu.async_copy(xwp.at[idx_v], xg, sem).wait()

        def _grp(t, carry2):
            jb = t * 16
            acc = jnp.zeros((16,), jnp.float32)
            for jj in range(16):
                acc = _edge(jb + jj, jj, acc)
            ex = jnp.exp(acc)
            for jj in range(16):
                _emit(jb + jj, ex[jj])
            return carry2
        lax.fori_loop(0, CA // 16, _grp, 0)

        pltpu.sync_copy(rows, tab_s.at[idx_v], add=True)
        return carry
    lax.fori_loop(0, NCHUNK_A, _chunk, 0)

    plsc.subcore_barrier()
    pltpu.sync_copy(tab_s.at[pl.ds(s * ROWS_SUB, ROWS_SUB)],
                    part.at[pl.ds(c * NP1 + s * ROWS_SUB, ROWS_SUB)])


def _sca(xwp, e1d, dsti):
    return pl.kernel(
        _sca_body,
        out_type=jax.ShapeDtypeStruct((NC * NP1, TWP), jnp.float32),
        mesh=_sc_mesh(),
        compiler_params=pltpu.CompilerParams(needs_layout_passes=False),
        scratch_types=[
            pltpu.VMEM_SHARED((NP1, TWP), jnp.float32),
            pltpu.VMEM((CA,), jnp.int32),
            pltpu.VMEM((CA * D_OUT,), jnp.float32),
            pltpu.VMEM((CA, TWP), jnp.float32),
            pltpu.VMEM((CA, TWP), jnp.float32),
            pltpu.SemaphoreType.DMA,
        ],
    )(xwp, e1d, dsti)



def _tc2_body(p1_ref, p2_ref, o_ref):
    p1 = p1_ref[...]
    p2 = p2_ref[...]
    s1 = p1[0] + p1[1]
    s2 = p2[0] + p2[1]
    d1 = s1[:, D_OUT:D_OUT + 1]
    d2 = s2[:, D_OUT:D_OUT + 1]
    r1 = s1[:, 0:D_OUT] / jnp.where(d1 > 0.0, d1, 1.0)
    r2 = s2[:, 0:D_OUT] / jnp.where(d2 > 0.0, d2, 1.0)
    o_ref[...] = jnp.concatenate([r1, r2, r1, r2], axis=1)


def _tc2(part1, part2):
    blk = 2000
    return pl.pallas_call(
        _tc2_body,
        grid=(N_NODES // blk,),
        in_specs=[
            pl.BlockSpec((2, blk, TWP), lambda i: (0, i, 0)),
            pl.BlockSpec((2, blk, TWP), lambda i: (0, i, 0)),
        ],
        out_specs=pl.BlockSpec((blk, TWP), lambda i: (i, 0)),
        out_shape=jax.ShapeDtypeStruct((N_NODES, TWP), jnp.float32),
    )(part1, part2)



def _scb_body(relf, srci, dsti, s_out, d_out, idx_v, buf, sem):
    c = lax.axis_index("c")
    s = lax.axis_index("s")
    wid = s * NC + c
    base0 = wid * PER_WB

    def _chunk(g, carry):
        base = pl.multiple_of(base0 + g * CB, 8)
        pltpu.sync_copy(srci.at[pl.ds(base, CB)], idx_v)
        pltpu.async_copy(relf.at[idx_v], buf, sem).wait()
        pltpu.sync_copy(buf, s_out.at[pl.ds(base, CB)])
        pltpu.sync_copy(dsti.at[pl.ds(base, CB)], idx_v)
        pltpu.async_copy(relf.at[idx_v], buf, sem).wait()
        pltpu.sync_copy(buf, d_out.at[pl.ds(base, CB)])
        return carry
    lax.fori_loop(0, NCHUNK_B, _chunk, 0)


def _scb(relf, srci, dsti):
    sds = jax.ShapeDtypeStruct((TE, TWP), jnp.float32)
    return pl.kernel(
        _scb_body,
        out_type=(sds, sds),
        mesh=_sc_mesh(),
        compiler_params=pltpu.CompilerParams(use_tc_tiling_on_sc=True),
        scratch_types=[
            pltpu.VMEM((CB,), jnp.int32),
            pltpu.VMEM((CB, TWP), jnp.float32),
            pltpu.SemaphoreType.DMA,
        ],
    )(relf, srci, dsti)



def _tc3_body(s_ref, d_ref, e_ref, wf_ref, sm_ref, b_ref, o_ref):
    sb = s_ref[...][:, 0:2 * D_OUT]
    t = jnp.dot(sb, wf_ref[...],
                preferred_element_type=jnp.float32)
    d2 = d_ref[...]
    drep = jnp.concatenate([d2] * 16, axis=1)
    p = t * drep
    nr = jnp.dot(p, sm_ref[...],
                 preferred_element_type=jnp.float32) + b_ref[...]
    eb = e_ref[...]
    o_ref[...] = eb + jax.nn.sigmoid(nr) * eb


def _tc3(sg, dg, ecat, wf, sm, b):
    blk = 640
    k2 = D_OUT * 2 * D_OUT
    return pl.pallas_call(
        _tc3_body,
        grid=(TE // blk,),
        in_specs=[
            pl.BlockSpec((blk, TWP), lambda i: (i, 0)),
            pl.BlockSpec((blk, TWP), lambda i: (i, 0)),
            pl.BlockSpec((blk, D_OUT), lambda i: (i, 0)),
            pl.BlockSpec((2 * D_OUT, k2), lambda i: (0, 0)),
            pl.BlockSpec((k2, D_OUT), lambda i: (0, 0)),
            pl.BlockSpec((1, D_OUT), lambda i: (0, 0)),
        ],
        out_specs=pl.BlockSpec((blk, D_OUT), lambda i: (i, 0)),
        out_shape=jax.ShapeDtypeStruct((TE, D_OUT), jnp.float32),
    )(sg, dg, ecat, wf, sm, b)



def kernel(x, edge_index_r1, edge_index_r2, e1, e2, W_bl, W_bl1, b_bl1):
    xwp = _tc1(x, W_bl[0])
    xwp_p = jnp.concatenate(
        [xwp, jnp.zeros((NP1 - N_NODES, TWP), jnp.float32)], axis=0)
    npad = EP - N_EDGES
    epad = jnp.zeros((npad * D_OUT,), jnp.float32)
    ipad = jnp.full((npad,), N_NODES, jnp.int32)
    e1p = jnp.concatenate([e1.reshape(-1), epad])
    e2p = jnp.concatenate([e2.reshape(-1), epad])
    d1p = jnp.concatenate([edge_index_r1[1], ipad])
    d2p = jnp.concatenate([edge_index_r2[1], ipad])

    part1 = _sca(xwp_p, e1p, d1p)
    part2 = _sca(xwp_p, e2p, d2p)
    relf = _tc2(part1.reshape(NC, NP1, TWP),
                part2.reshape(NC, NP1, TWP))

    srci = jnp.concatenate([edge_index_r1[0], edge_index_r2[0]], axis=0)
    dsti = jnp.concatenate([edge_index_r1[1], edge_index_r2[1]], axis=0)
    sg, dg = _scb(relf, srci, dsti)

    wf = W_bl1.transpose(1, 0, 2).reshape(2 * D_OUT, D_OUT * 2 * D_OUT)
    sm = (jnp.arange(D_OUT * 2 * D_OUT)[:, None] // (2 * D_OUT)
          == jnp.arange(D_OUT)[None, :]).astype(jnp.float32)
    ecat = jnp.concatenate([e1, e2], axis=0)
    out = _tc3(sg, dg, ecat, wf, sm, b_bl1.reshape(1, D_OUT))
    return out.reshape(2, N_EDGES, D_OUT)

# --- scband reference (transcript-rebuilt; emitter-appended) ---
"""Pipeline reference for scband-graph-model-35012573397311 (READ-ONLY COPY).

The authoritative reference and input builder live on the scoring server;
editing this copy changes nothing except your own understanding.
"""

import jax, jax.numpy as jnp
import numpy as np

N_NODES = 10000
N_EDGES = 160000
D_NODE = 768
D_OUT = 32
CHUNKS = 16


def setup_inputs(seed: int = 0) -> dict:
    key = jax.random.key(seed)
    ks = jax.random.split(key, 8)
    x = jax.random.normal(ks[0], (N_NODES, D_NODE), dtype=jnp.float32)
    edge_index_r1 = jax.random.randint(ks[1], (2, N_EDGES), 0, N_NODES, dtype=jnp.int32)
    edge_index_r2 = jax.random.randint(ks[2], (2, N_EDGES), 0, N_NODES, dtype=jnp.int32)
    e1 = jax.random.normal(ks[3], (N_EDGES, D_OUT), dtype=jnp.float32)
    e2 = jax.random.normal(ks[4], (N_EDGES, D_OUT), dtype=jnp.float32)
    W_bl = jax.random.normal(ks[5], (1, D_NODE, D_OUT), dtype=jnp.float32) * 0.02
    W_bl1 = jax.random.normal(ks[6], (D_OUT, 2 * D_OUT, 2 * D_OUT), dtype=jnp.float32) * 0.02
    b_bl1 = jnp.zeros((D_OUT,), dtype=jnp.float32)
    return {"x": x, "edge_index_r1": edge_index_r1, "edge_index_r2": edge_index_r2,
            "e1": e1, "e2": e2, "W_bl": W_bl, "W_bl1": W_bl1, "b_bl1": b_bl1}


def _bilinear(x1, x2, W, chunks=CHUNKS):
    # torch.nn.Bilinear: out[n, o] = x1[n] @ W[o] @ x2[n]; chunked to bound memory
    n = x1.shape[0]
    x1c = x1.reshape(chunks, n // chunks, x1.shape[1])
    x2c = x2.reshape(chunks, n // chunks, x2.shape[1])
    out = jax.lax.map(lambda ab: jnp.einsum('ni,oij,nj->no', ab[0], W, ab[1]), (x1c, x2c))
    return out.reshape(n, W.shape[0])


def _segment_softmax(scores, seg, num_segments):
    smax = jax.ops.segment_max(scores, seg, num_segments=num_segments)
    smax = jnp.where(jnp.isfinite(smax), smax, 0.0)
    ex = jnp.exp(scores - smax[seg])
    denom = jax.ops.segment_sum(ex, seg, num_segments=num_segments)
    denom = jnp.where(denom > 0, denom, 1.0)
    return ex / denom[seg]


def _node_relation(x, e, edge_index, W_bl, num_nodes):
    # copy_e messages reduced at dst with attention scored by Bilinear(n_dst, e) -> softmax over incoming edges
    dst = edge_index[1]
    scores = _bilinear(x[dst], e, W_bl)[:, 0]
    alpha = _segment_softmax(scores, dst, num_nodes)
    return jax.ops.segment_sum(e * alpha[:, None], dst, num_segments=num_nodes)


def reference(x, edge_index_r1, edge_index_r2, e1, e2, W_bl, W_bl1, b_bl1):
    num_nodes = x.shape[0]
    rel1 = _node_relation(x, e1, edge_index_r1, W_bl, num_nodes)
    rel2 = _node_relation(x, e2, edge_index_r2, W_bl, num_nodes)
    # 'stack' cross-reducer over the two edge types -> [N, 2, D_OUT], then flattened per node
    rel_flat = jnp.stack([rel1, rel2], axis=1).reshape(num_nodes, -1)
    outs = []
    for edge_index, e in ((edge_index_r1, e1), (edge_index_r2, e2)):
        s = rel_flat[edge_index[0]]
        d = rel_flat[edge_index[1]]
        new_rel = _bilinear(s, d, W_bl1) + b_bl1
        outs.append(e + jax.nn.sigmoid(new_rel) * e)
    return jnp.stack(outs, axis=0)

if __name__ == "__main__":
    import jax
    _d = setup_inputs()
    print(jax.jit(kernel)(*tuple(_d.values())))

</pallas_src>

<mosaic_0001>
#map = affine_map<(d0, d1) -> (0, 0)>
#map1 = affine_map<(d0, d1) -> (0)>
module attributes {stable_mosaic.version = 14 : i64} {
  func.func @_sca_body(%arg0: i32, %arg1: i32, %arg2: memref<10240x128xf32, #tpu.memory_space<hbm>>, %arg3: memref<5242880xf32, #tpu.memory_space<hbm>>, %arg4: memref<163840xi32, #tpu.memory_space<hbm>>, %arg5: memref<20480x128xf32, #tpu.memory_space<hbm>>, %arg6: memref<10240x128xf32, #tpu.memory_space<vmem_shared>>, %arg7: memref<128xi32, #tpu.memory_space<vmem>>, %arg8: memref<4096xf32, #tpu.memory_space<vmem>>, %arg9: memref<128x128xf32, #tpu.memory_space<vmem>>, %arg10: memref<128x128xf32, #tpu.memory_space<vmem>>, %arg11: memref<!tpu.dma_semaphore, #tpu.memory_space<semaphore_mem>>) attributes {dimension_semantics = [#tpu.dimension_semantics<core_parallel>, #tpu.dimension_semantics<subcore_parallel>], iteration_bounds = array<i64: 2, 16>, scalar_prefetch = 0 : i64, scratch_operands = 6 : i64, tpu.core_type = #tpu.core_type<sc_vector_subcore>, window_params = [{transform_indices = #map}, {transform_indices = #map1}, {transform_indices = #map1}, {transform_indices = #map}]} {
    %mul3A = arith.constant 2 : i32
    %mul3A_0 = arith.muli %arg1, %mul3A : i32
    %add3A = arith.addi %mul3A_0, %arg0 : i32
    %broadcast_in_dim3A = arith.constant 0.000000e+00 : f32
    %broadcast_in_dim3A_1 = vector.broadcast %broadcast_in_dim3A : f32 to vector<16xf32>
    %iota3A = tpu.iota {dimensions = array<i32: 0>} : vector<16xi32>
    %eq3A = arith.constant 0 : i32
    %eq3A_2 = vector.broadcast %eq3A : i32 to vector<16xi32>
    %eq3A_3 = arith.cmpi eq, %iota3A, %eq3A_2 : vector<16xi32>
    %convert_element_type3A = arith.extui %eq3A_3 : vector<16xi1> to vector<16xi32>
    %convert_element_type3A_4 = arith.sitofp %convert_element_type3A : vector<16xi32> to vector<16xf32>
    %scan3A = arith.constant 0 : i32
    %scan3A_5 = arith.constant 0 : i32
    %scan3A_6 = arith.constant 128 : i32
    %scan3A_7 = arith.addi %scan3A_5, %scan3A_6 : i32
    %scan3A_8 = arith.constant 1 : i32
    scf.for %scan3A_46 = %scan3A_5 to %scan3A_7 step %scan3A_8  : i32 {
      %swap3A = arith.index_cast %scan3A_46 : i32 to index
      %swap3A_47 = arith.constant 0 : index
      %swap3A_48 = tpu.vector_load %arg10[%swap3A, %swap3A_47] {strides = array<i32>} : memref<128x128xf32, #tpu.memory_space<vmem>>, vector<16xf32>,
      tpu.vector_store %arg10[%swap3A, %swap3A_47], %broadcast_in_dim3A_1 {strides = array<i32>} : memref<128x128xf32, #tpu.memory_space<vmem>>, vector<16xf32>,
      %swap3A_49 = arith.index_cast %scan3A_46 : i32 to index
      %swap3A_50 = arith.constant 16 : index
      %swap3A_51 = tpu.vector_load %arg10[%swap3A_49, %swap3A_50] {strides = array<i32>} : memref<128x128xf32, #tpu.memory_space<vmem>>, vector<16xf32>,
      tpu.vector_store %arg10[%swap3A_49, %swap3A_50], %broadcast_in_dim3A_1 {strides = array<i32>} : memref<128x128xf32, #tpu.memory_space<vmem>>, vector<16xf32>,
      %swap3A_52 = arith.index_cast %scan3A_46 : i32 to index
      %swap3A_53 = arith.constant 32 : index
      %swap3A_54 = tpu.vector_load %arg10[%swap3A_52, %swap3A_53] {strides = array<i32>} : memref<128x128xf32, #tpu.memory_space<vmem>>, vector<16xf32>,
      tpu.vector_store %arg10[%swap3A_52, %swap3A_53], %broadcast_in_dim3A_1 {strides = array<i32>} : memref<128x128xf32, #tpu.memory_space<vmem>>, vector<16xf32>,
      %swap3A_55 = arith.index_cast %scan3A_46 : i32 to index
      %swap3A_56 = arith.constant 48 : index
      %swap3A_57 = tpu.vector_load %arg10[%swap3A_55, %swap3A_56] {strides = array<i32>} : memref<128x128xf32, #tpu.memory_space<vmem>>, vector<16xf32>,
      tpu.vector_store %arg10[%swap3A_55, %swap3A_56], %broadcast_in_dim3A_1 {strides = array<i32>} : memref<128x128xf32, #tpu.memory_space<vmem>>, vector<16xf32>,
      %swap3A_58 = arith.index_cast %scan3A_46 : i32 to index
      %swap3A_59 = arith.constant 64 : index
      %swap3A_60 = tpu.vector_load %arg10[%swap3A_58, %swap3A_59] {strides = array<i32>} : memref<128x128xf32, #tpu.memory_space<vmem>>, vector<16xf32>,
      tpu.vector_store %arg10[%swap3A_58, %swap3A_59], %broadcast_in_dim3A_1 {strides = array<i32>} : memref<128x128xf32, #tpu.memory_space<vmem>>, vector<16xf32>,
      %swap3A_61 = arith.index_cast %scan3A_46 : i32 to index
      %swap3A_62 = arith.constant 80 : index
      %swap3A_63 = tpu.vector_load %arg10[%swap3A_61, %swap3A_62] {strides = array<i32>} : memref<128x128xf32, #tpu.memory_space<vmem>>, vector<16xf32>,
      tpu.vector_store %arg10[%swap3A_61, %swap3A_62], %broadcast_in_dim3A_1 {strides = array<i32>} : memref<128x128xf32, #tpu.memory_space<vmem>>, vector<16xf32>,
      %swap3A_64 = arith.index_cast %scan3A_46 : i32 to index
      %swap3A_65 = arith.constant 96 : index
      %swap3A_66 = tpu.vector_load %arg10[%swap3A_64, %swap3A_65] {strides = array<i32>} : memref<128x128xf32, #tpu.memory_space<vmem>>, vector<16xf32>,
      tpu.vector_store %arg10[%swap3A_64, %swap3A_65], %broadcast_in_dim3A_1 {strides = array<i32>} : memref<128x128xf32, #tpu.memory_space<vmem>>, vector<16xf32>,
      %swap3A_67 = arith.index_cast %scan3A_46 : i32 to index
      %swap3A_68 = arith.constant 112 : index
      %swap3A_69 = tpu.vector_load %arg10[%swap3A_67, %swap3A_68] {strides = array<i32>} : memref<128x128xf32, #tpu.memory_space<vmem>>, vector<16xf32>,
      tpu.vector_store %arg10[%swap3A_67, %swap3A_68], %broadcast_in_dim3A_1 {strides = array<i32>} : memref<128x128xf32, #tpu.memory_space<vmem>>, vector<16xf32>,
    }
    %scan3A_9 = arith.constant 128 : i32
    %mul3A_10 = arith.constant 640 : i32
    %mul3A_11 = arith.muli %arg1, %mul3A_10 : i32
    %add3A_12 = arith.constant 0 : i32
    %add3A_13 = arith.addi %mul3A_11, %add3A_12 : i32
    "tpu.region"() ({
      %run_scoped3A = tpu.sem_alloc : memref<!tpu.dma_semaphore, #tpu.memory_space<semaphore_mem>>
      %dma_start3A = arith.constant 0 : i32
      %dma_start3A_46 = tpu.memref_slice %arg6[%add3A_13, %dma_start3A] : memref<10240x128xf32, #tpu.memory_space<vmem_shared>> -> memref<128x128xf32, #tpu.memory_space<vmem_shared>>
      %dma_start3A_47 = arith.constant 0 : i32
      %dma_start3A_48 = tpu.memref_slice %arg6[%add3A_13, %dma_start3A_47] : memref<10240x128xf32, #tpu.memory_space<vmem_shared>> -> memref<128x128xf32, #tpu.memory_space<vmem_shared>>
      tpu.enqueue_dma source(%arg10 : memref<128x128xf32, #tpu.memory_space<vmem>>) target(%dma_start3A_48 : memref<128x128xf32, #tpu.memory_space<vmem_shared>>) target_semaphore(%run_scoped3A : memref<!tpu.dma_semaphore, #tpu.memory_space<semaphore_mem>>)
      %dma_wait3A = arith.constant 0 : i32
      %dma_wait3A_49 = tpu.memref_slice %arg6[%add3A_13, %dma_wait3A] : memref<10240x128xf32, #tpu.memory_space<vmem_shared>> -> memref<128x128xf32, #tpu.memory_space<vmem_shared>>
      %dma_wait3A_50 = arith.constant 0 : i32
      %dma_wait3A_51 = tpu.memref_slice %arg6[%add3A_13, %dma_wait3A_50] : memref<10240x128xf32, #tpu.memory_space<vmem_shared>> -> memref<128x128xf32, #tpu.memory_space<vmem_shared>>
      tpu.wait_dma2 semaphore(%run_scoped3A : memref<!tpu.dma_semaphore, #tpu.memory_space<semaphore_mem>>) src(%arg10 : memref<128x128xf32, #tpu.memory_space<vmem>>) dst(%dma_wait3A_51 : memref<128x128xf32, #tpu.memory_space<vmem_shared>>)
      tpu.yield
    }) : () -> ()
    %mul3A_14 = arith.constant 640 : i32
    %mul3A_15 = arith.muli %arg1, %mul3A_14 : i32
    %add3A_16 = arith.constant 128 : i32
    %add3A_17 = arith.addi %mul3A_15, %add3A_16 : i32
    "tpu.region"() ({
      %run_scoped3A = tpu.sem_alloc : memref<!tpu.dma_semaphore, #tpu.memory_space<semaphore_mem>>
      %dma_start3A = arith.constant 0 : i32
      %dma_start3A_46 = tpu.memref_slice %arg6[%add3A_17, %dma_start3A] : memref<10240x128xf32, #tpu.memory_space<vmem_shared>> -> memref<128x128xf32, #tpu.memory_space<vmem_shared>>
      %dma_start3A_47 = arith.constant 0 : i32
      %dma_start3A_48 = tpu.memref_slice %arg6[%add3A_17, %dma_start3A_47] : memref<10240x128xf32, #tpu.memory_space<vmem_shared>> -> memref<128x128xf32, #tpu.memory_space<vmem_shared>>
      tpu.enqueue_dma source(%arg10 : memref<128x128xf32, #tpu.memory_space<vmem>>) target(%dma_start3A_48 : memref<128x128xf32, #tpu.memory_space<vmem_shared>>) target_semaphore(%run_scoped3A : memref<!tpu.dma_semaphore, #tpu.memory_space<semaphore_mem>>)
      %dma_wait3A = arith.constant 0 : i32
      %dma_wait3A_49 = tpu.memref_slice %arg6[%add3A_17, %dma_wait3A] : memref<10240x128xf32, #tpu.memory_space<vmem_shared>> -> memref<128x128xf32, #tpu.memory_space<vmem_shared>>
      %dma_wait3A_50 = arith.constant 0 : i32
      %dma_wait3A_51 = tpu.memref_slice %arg6[%add3A_17, %dma_wait3A_50] : memref<10240x128xf32, #tpu.memory_space<vmem_shared>> -> memref<128x128xf32, #tpu.memory_space<vmem_shared>>
      tpu.wait_dma2 semaphore(%run_scoped3A : memref<!tpu.dma_semaphore, #tpu.memory_space<semaphore_mem>>) src(%arg10 : memref<128x128xf32, #tpu.memory_space<vmem>>) dst(%dma_wait3A_51 : memref<128x128xf32, #tpu.memory_space<vmem_shared>>)
      tpu.yield
    }) : () -> ()
    %mul3A_18 = arith.constant 640 : i32
    %mul3A_19 = arith.muli %arg1, %mul3A_18 : i32
    %add3A_20 = arith.constant 256 : i32
    %add3A_21 = arith.addi %mul3A_19, %add3A_20 : i32
    "tpu.region"() ({
      %run_scoped3A = tpu.sem_alloc : memref<!tpu.dma_semaphore, #tpu.memory_space<semaphore_mem>>
      %dma_start3A = arith.constant 0 : i32
      %dma_start3A_46 = tpu.memref_slice %arg6[%add3A_21, %dma_start3A] : memref<10240x128xf32, #tpu.memory_space<vmem_shared>> -> memref<128x128xf32, #tpu.memory_space<vmem_shared>>
      %dma_start3A_47 = arith.constant 0 : i32
      %dma_start3A_48 = tpu.memref_slice %arg6[%add3A_21, %dma_start3A_47] : memref<10240x128xf32, #tpu.memory_space<vmem_shared>> -> memref<128x128xf32, #tpu.memory_space<vmem_shared>>
      tpu.enqueue_dma source(%arg10 : memref<128x128xf32, #tpu.memory_space<vmem>>) target(%dma_start3A_48 : memref<128x128xf32, #tpu.memory_space<vmem_shared>>) target_semaphore(%run_scoped3A : memref<!tpu.dma_semaphore, #tpu.memory_space<semaphore_mem>>)
      %dma_wait3A = arith.constant 0 : i32
      %dma_wait3A_49 = tpu.memref_slice %arg6[%add3A_21, %dma_wait3A] : memref<10240x128xf32, #tpu.memory_space<vmem_shared>> -> memref<128x128xf32, #tpu.memory_space<vmem_shared>>
      %dma_wait3A_50 = arith.constant 0 : i32
      %dma_wait3A_51 = tpu.memref_slice %arg6[%add3A_21, %dma_wait3A_50] : memref<10240x128xf32, #tpu.memory_space<vmem_shared>> -> memref<128x128xf32, #tpu.memory_space<vmem_shared>>
      tpu.wait_dma2 semaphore(%run_scoped3A : memref<!tpu.dma_semaphore, #tpu.memory_space<semaphore_mem>>) src(%arg10 : memref<128x128xf32, #tpu.memory_space<vmem>>) dst(%dma_wait3A_51 : memref<128x128xf32, #tpu.memory_space<vmem_shared>>)
      tpu.yield
    }) : () -> ()
    %mul3A_22 = arith.constant 640 : i32
    %mul3A_23 = arith.muli %arg1, %mul3A_22 : i32
    %add3A_24 = arith.constant 384 : i32
    %add3A_25 = arith.addi %mul3A_23, %add3A_24 : i32
    "tpu.region"() ({
      %run_scoped3A = tpu.sem_alloc : memref<!tpu.dma_semaphore, #tpu.memory_space<semaphore_mem>>
      %dma_start3A = arith.constant 0 : i32
      %dma_start3A_46 = tpu.memref_slice %arg6[%add3A_25, %dma_start3A] : memref<10240x128xf32, #tpu.memory_space<vmem_shared>> -> memref<128x128xf32, #tpu.memory_space<vmem_shared>>
      %dma_start3A_47 = arith.constant 0 : i32
      %dma_start3A_48 = tpu.memref_slice %arg6[%add3A_25, %dma_start3A_47] : memref<10240x128xf32, #tpu.memory_space<vmem_shared>> -> memref<128x128xf32, #tpu.memory_space<vmem_shared>>
      tpu.enqueue_dma source(%arg10 : memref<128x128xf32, #tpu.memory_space<vmem>>) target(%dma_start3A_48 : memref<128x128xf32, #tpu.memory_space<vmem_shared>>) target_semaphore(%run_scoped3A : memref<!tpu.dma_semaphore, #tpu.memory_space<semaphore_mem>>)
      %dma_wait3A = arith.constant 0 : i32
      %dma_wait3A_49 = tpu.memref_slice %arg6[%add3A_25, %dma_wait3A] : memref<10240x128xf32, #tpu.memory_space<vmem_shared>> -> memref<128x128xf32, #tpu.memory_space<vmem_shared>>
      %dma_wait3A_50 = arith.constant 0 : i32
      %dma_wait3A_51 = tpu.memref_slice %arg6[%add3A_25, %dma_wait3A_50] : memref<10240x128xf32, #tpu.memory_space<vmem_shared>> -> memref<128x128xf32, #tpu.memory_space<vmem_shared>>
      tpu.wait_dma2 semaphore(%run_scoped3A : memref<!tpu.dma_semaphore, #tpu.memory_space<semaphore_mem>>) src(%arg10 : memref<128x128xf32, #tpu.memory_space<vmem>>) dst(%dma_wait3A_51 : memref<128x128xf32, #tpu.memory_space<vmem_shared>>)
      tpu.yield
    }) : () -> ()
    %mul3A_26 = arith.constant 640 : i32
    %mul3A_27 = arith.muli %arg1, %mul3A_26 : i32
    %add3A_28 = arith.constant 512 : i32
    %add3A_29 = arith.addi %mul3A_27, %add3A_28 : i32
    "tpu.region"() ({
      %run_scoped3A = tpu.sem_alloc : memref<!tpu.dma_semaphore, #tpu.memory_space<semaphore_mem>>
      %dma_start3A = arith.constant 0 : i32
      %dma_start3A_46 = tpu.memref_slice %arg6[%add3A_29, %dma_start3A] : memref<10240x128xf32, #tpu.memory_space<vmem_shared>> -> memref<128x128xf32, #tpu.memory_space<vmem_shared>>
      %dma_start3A_47 = arith.constant 0 : i32
      %dma_start3A_48 = tpu.memref_slice %arg6[%add3A_29, %dma_start3A_47] : memref<10240x128xf32, #tpu.memory_space<vmem_shared>> -> memref<128x128xf32, #tpu.memory_space<vmem_shared>>
      tpu.enqueue_dma source(%arg10 : memref<128x128xf32, #tpu.memory_space<vmem>>) target(%dma_start3A_48 : memref<128x128xf32, #tpu.memory_space<vmem_shared>>) target_semaphore(%run_scoped3A : memref<!tpu.dma_semaphore, #tpu.memory_space<semaphore_mem>>)
      %dma_wait3A = arith.constant 0 : i32
      %dma_wait3A_49 = tpu.memref_slice %arg6[%add3A_29, %dma_wait3A] : memref<10240x128xf32, #tpu.memory_space<vmem_shared>> -> memref<128x128xf32, #tpu.memory_space<vmem_shared>>
      %dma_wait3A_50 = arith.constant 0 : i32
      %dma_wait3A_51 = tpu.memref_slice %arg6[%add3A_29, %dma_wait3A_50] : memref<10240x128xf32, #tpu.memory_space<vmem_shared>> -> memref<128x128xf32, #tpu.memory_space<vmem_shared>>
      tpu.wait_dma2 semaphore(%run_scoped3A : memref<!tpu.dma_semaphore, #tpu.memory_space<semaphore_mem>>) src(%arg10 : memref<128x128xf32, #tpu.memory_space<vmem>>) dst(%dma_wait3A_51 : memref<128x128xf32, #tpu.memory_space<vmem_shared>>)
      tpu.yield
    }) : () -> ()
    %barrier3A = arith.constant 0 : index
    tpu.barrier barrier_id(%barrier3A)
    %mul3A_30 = arith.constant 5120 : i32
    %mul3A_31 = arith.muli %add3A, %mul3A_30 : i32
    %scan3A_32 = arith.constant 0 : i32
    %scan3A_33 = arith.constant 0 : i32
    %scan3A_34 = arith.constant 40 : i32
    %scan3A_35 = arith.addi %scan3A_33, %scan3A_34 : i32
    %scan3A_36 = arith.constant 1 : i32
    scf.for %scan3A_46 = %scan3A_33 to %scan3A_35 step %scan3A_36  : i32 {
      %mul3A_47 = arith.constant 128 : i32
      %mul3A_48 = arith.muli %scan3A_46, %mul3A_47 : i32
      %add3A_49 = arith.addi %mul3A_31, %mul3A_48 : i32
      %multiple_of3A = tpu.assume_multiple %add3A_49, 8 : i32
      "tpu.region"() ({
        %run_scoped3A = tpu.sem_alloc : memref<!tpu.dma_semaphore, #tpu.memory_space<semaphore_mem>>
        %dma_start3A_62 = tpu.memref_slice %arg4[%multiple_of3A] : memref<163840xi32, #tpu.memory_space<hbm>> -> memref<128xi32, #tpu.memory_space<hbm>>
        %dma_start3A_63 = tpu.memref_slice %arg4[%multiple_of3A] : memref<163840xi32, #tpu.memory_space<hbm>> -> memref<128xi32, #tpu.memory_space<hbm>>
        tpu.enqueue_dma source(%dma_start3A_63 : memref<128xi32, #tpu.memory_space<hbm>>) target(%arg7 : memref<128xi32, #tpu.memory_space<vmem>>) target_semaphore(%run_scoped3A : memref<!tpu.dma_semaphore, #tpu.memory_space<semaphore_mem>>)
        %dma_wait3A_64 = tpu.memref_slice %arg4[%multiple_of3A] : memref<163840xi32, #tpu.memory_space<hbm>> -> memref<128xi32, #tpu.memory_space<hbm>>
        %dma_wait3A_65 = tpu.memref_slice %arg4[%multiple_of3A] : memref<163840xi32, #tpu.memory_space<hbm>> -> memref<128xi32, #tpu.memory_space<hbm>>
        tpu.wait_dma2 semaphore(%run_scoped3A : memref<!tpu.dma_semaphore, #tpu.memory_space<semaphore_mem>>) src(%dma_wait3A_65 : memref<128xi32, #tpu.memory_space<hbm>>) dst(%arg7 : memref<128xi32, #tpu.memory_space<vmem>>)
        tpu.yield
      }) : () -> ()
      %mul3A_50 = arith.constant 32 : i32
      %mul3A_51 = arith.muli %multiple_of3A, %mul3A_50 : i32
      "tpu.region"() ({
        %run_scoped3A = tpu.sem_alloc : memref<!tpu.dma_semaphore, #tpu.memory_space<semaphore_mem>>
        %dma_start3A_62 = tpu.memref_slice %arg3[%mul3A_51] : memref<5242880xf32, #tpu.memory_space<hbm>> -> memref<4096xf32, #tpu.memory_space<hbm>>
        %dma_start3A_63 = tpu.memref_slice %arg3[%mul3A_51] : memref<5242880xf32, #tpu.memory_space<hbm>> -> memref<4096xf32, #tpu.memory_space<hbm>>
        tpu.enqueue_dma source(%dma_start3A_63 : memref<4096xf32, #tpu.memory_space<hbm>>) target(%arg8 : memref<4096xf32, #tpu.memory_space<vmem>>) target_semaphore(%run_scoped3A : memref<!tpu.dma_semaphore, #tpu.memory_space<semaphore_mem>>)
        %dma_wait3A_64 = tpu.memref_slice %arg3[%mul3A_51] : memref<5242880xf32, #tpu.memory_space<hbm>> -> memref<4096xf32, #tpu.memory_space<hbm>>
        %dma_wait3A_65 = tpu.memref_slice %arg3[%mul3A_51] : memref<5242880xf32, #tpu.memory_space<hbm>> -> memref<4096xf32, #tpu.memory_space<hbm>>
        tpu.wait_dma2 semaphore(%run_scoped3A : memref<!tpu.dma_semaphore, #tpu.memory_space<semaphore_mem>>) src(%dma_wait3A_65 : memref<4096xf32, #tpu.memory_space<hbm>>) dst(%arg8 : memref<4096xf32, #tpu.memory_space<vmem>>)
        tpu.yield
      }) : () -> ()
      %dma_start3A = arith.constant 0 : i32
      %dma_start3A_52 = arith.constant 0 : i32
      %dma_start3A_53 = tpu.memref_slice %arg2[%dma_start3A, %dma_start3A_52] : memref<10240x128xf32, #tpu.memory_space<hbm>> -> memref<10240x128xf32, #tpu.memory_space<hbm>>
      tpu.enqueue_indirect_dma source(%dma_start3A_53 : memref<10240x128xf32, #tpu.memory_space<hbm>>) target(%arg9 : memref<128x128xf32, #tpu.memory_space<vmem>>) offsets(%arg7 : memref<128xi32, #tpu.memory_space<vmem>>) semaphore(%arg11 : memref<!tpu.dma_semaphore, #tpu.memory_space<semaphore_mem>>)
      %dma_wait3A = arith.constant 0 : i32
      %dma_wait3A_54 = arith.constant 0 : i32
      %dma_wait3A_55 = tpu.memref_slice %arg2[%dma_wait3A, %dma_wait3A_54] : memref<10240x128xf32, #tpu.memory_space<hbm>> -> memref<10240x128xf32, #tpu.memory_space<hbm>>
      tpu.wait_indirect_dma semaphore(%arg11 : memref<!tpu.dma_semaphore, #tpu.memory_space<semaphore_mem>>) src(%dma_wait3A_55 : memref<10240x128xf32, #tpu.memory_space<hbm>>) dst(%arg9 : memref<128x128xf32, #tpu.memory_space<vmem>>)
      %scan3A_56 = arith.constant 0 : i32
      %scan3A_57 = arith.constant 0 : i32
      %scan3A_58 = arith.constant 8 : i32
      %scan3A_59 = arith.addi %scan3A_57, %scan3A_58 : i32
      %scan3A_60 = arith.constant 1 : i32
      scf.for %scan3A_62 = %scan3A_57 to %scan3A_59 step %scan3A_60  : i32 {
        %mul3A_63 = arith.constant 16 : i32
        %mul3A_64 = arith.muli %scan3A_62, %mul3A_63 : i32
        %broadcast_in_dim3A_65 = arith.constant 0.000000e+00 : f32
        %broadcast_in_dim3A_66 = vector.broadcast %broadcast_in_dim3A_65 : f32 to vector<16xf32>
        %add3A_67 = arith.constant 0 : i32
        %add3A_68 = arith.addi %mul3A_64, %add3A_67 : i32
        %get3A = arith.index_cast %add3A_68 : i32 to index
        %get3A_69 = arith.constant 0 : index
        %get3A_70 = tpu.vector_load %arg9[%get3A, %get3A_69] {strides = array<i32>} : memref<128x128xf32, #tpu.memory_space<vmem>>, vector<16xf32>,
        %mul3A_71 = arith.constant 32 : i32
        %mul3A_72 = arith.muli %add3A_68, %mul3A_71 : i32
        %get3A_73 = arith.index_cast %mul3A_72 : i32 to index
        %get3A_74 = tpu.vector_load %arg8[%get3A_73] {strides = array<i32>} : memref<4096xf32, #tpu.memory_space<vmem>>, vector<16xf32>,
        %get3A_75 = arith.index_cast %add3A_68 : i32 to index
        %get3A_76 = arith.constant 16 : index
        %get3A_77 = tpu.vector_load %arg9[%get3A_75, %get3A_76] {strides = array<i32>} : memref<128x128xf32, #tpu.memory_space<vmem>>, vector<16xf32>,
        %mul3A_78 = arith.constant 32 : i32
        %mul3A_79 = arith.muli %add3A_68, %mul3A_78 : i32
        %add3A_80 = arith.constant 16 : i32
        %add3A_81 = arith.addi %mul3A_79, %add3A_80 : i32
        %get3A_82 = arith.index_cast %add3A_81 : i32 to index
        %get3A_83 = tpu.vector_load %arg8[%get3A_82] {strides = array<i32>} : memref<4096xf32, #tpu.memory_space<vmem>>, vector<16xf32>,
        %mul3A_84 = arith.mulf %get3A_70, %get3A_74 : vector<16xf32>
        %mul3A_85 = arith.mulf %get3A_77, %get3A_83 : vector<16xf32>
        %add3A_86 = arith.addf %mul3A_84, %mul3A_85 : vector<16xf32>
        %reduce_sum3A = arith.constant true
        %reduce_sum3A_87 = vector.broadcast %reduce_sum3A : i1 to vector<16xi1>
        %reduce_sum3A_88 = tpu.scan <sum>, %add3A_86 masked %reduce_sum3A_87 : vector<16xf32>, vector<16xi1> -> vector<16xf32>
        %reduce_sum3A_89 = vector.extract %reduce_sum3A_88[15] : f32 from vector<16xf32>
        %eq3A_90 = arith.constant 0 : i32
        %eq3A_91 = vector.broadcast %eq3A_90 : i32 to vector<16xi32>
        %eq3A_92 = arith.cmpi eq, %iota3A, %eq3A_91 : vector<16xi32>
        %broadcast_in_dim3A_93 = vector.broadcast %reduce_sum3A_89 : f32 to vector<16xf32>
        %select_n3A = arith.select %eq3A_92, %broadcast_in_dim3A_93, %broadcast_in_dim3A_66 : vector<16xi1>, vector<16xf32>
        %add3A_94 = arith.constant 1 : i32
        %add3A_95 = arith.addi %mul3A_64, %add3A_94 : i32
        %get3A_96 = arith.index_cast %add3A_95 : i32 to index
        %get3A_97 = arith.constant 0 : index
        %get3A_98 = tpu.vector_load %arg9[%get3A_96, %get3A_97] {strides = array<i32>} : memref<128x128xf32, #tpu.memory_space<vmem>>, vector<16xf32>,
        %mul3A_99 = arith.constant 32 : i32
        %mul3A_100 = arith.muli %add3A_95, %mul3A_99 : i32
        %get3A_101 = arith.index_cast %mul3A_100 : i32 to index
        %get3A_102 = tpu.vector_load %arg8[%get3A_101] {strides = array<i32>} : memref<4096xf32, #tpu.memory_space<vmem>>, vector<16xf32>,
        %get3A_103 = arith.index_cast %add3A_95 : i32 to index
        %get3A_104 = arith.constant 16 : index
        %get3A_105 = tpu.vector_load %arg9[%get3A_103, %get3A_104] {strides = array<i32>} : memref<128x128xf32, #tpu.memory_space<vmem>>, vector<16xf32>,
        %mul3A_106 = arith.constant 32 : i32
        %mul3A_107 = arith.muli %add3A_95, %mul3A_106 : i32
        %add3A_108 = arith.constant 16 : i32
        %add3A_109 = arith.addi %mul3A_107, %add3A_108 : i32
        %get3A_110 = arith.index_cast %add3A_109 : i32 to index
        %get3A_111 = tpu.vector_load %arg8[%get3A_110] {strides = array<i32>} : memref<4096xf32, #tpu.memory_space<vmem>>, vector<16xf32>,
        %mul3A_112 = arith.mulf %get3A_98, %get3A_102 : vector<16xf32>
        %mul3A_113 = arith.mulf %get3A_105, %get3A_111 : vector<16xf32>
        %add3A_114 = arith.addf %mul3A_112, %mul3A_113 : vector<16xf32>
        %reduce_sum3A_115 = arith.constant true
        %reduce_sum3A_116 = vector.broadcast %reduce_sum3A_115 : i1 to vector<16xi1>
        %reduce_sum3A_117 = tpu.scan <sum>, %add3A_114 masked %reduce_sum3A_116 : vector<16xf32>, vector<16xi1> -> vector<16xf32>
        %reduce_sum3A_118 = vector.extract %reduce_sum3A_117[15] : f32 from vector<16xf32>
        %eq3A_119 = arith.constant 1 : i32
        %eq3A_120 = vector.broadcast %eq3A_119 : i32 to vector<16xi32>
        %eq3A_121 = arith.cmpi eq, %iota3A, %eq3A_120 : vector<16xi32>
        %broadcast_in_dim3A_122 = vector.broadcast %reduce_sum3A_118 : f32 to vector<16xf32>
        %select_n3A_123 = arith.select %eq3A_121, %broadcast_in_dim3A_122, %select_n3A : vector<16xi1>, vector<16xf32>
        %add3A_124 = arith.constant 2 : i32
        %add3A_125 = arith.addi %mul3A_64, %add3A_124 : i32
        %get3A_126 = arith.index_cast %add3A_125 : i32 to index
        %get3A_127 = arith.constant 0 : index
        %get3A_128 = tpu.vector_load %arg9[%get3A_126, %get3A_127] {strides = array<i32>} : memref<128x128xf32, #tpu.memory_space<vmem>>, vector<16xf32>,
        %mul3A_129 = arith.constant 32 : i32
        %mul3A_130 = arith.muli %add3A_125, %mul3A_129 : i32
        %get3A_131 = arith.index_cast %mul3A_130 : i32 to index
        %get3A_132 = tpu.vector_load %arg8[%get3A_131] {strides = array<i32>} : memref<4096xf32, #tpu.memory_space<vmem>>, vector<16xf32>,
        %get3A_133 = arith.index_cast %add3A_125 : i32 to index
        %get3A_134 = arith.constant 16 : index
        %get3A_135 = tpu.vector_load %arg9[%get3A_133, %get3A_134] {strides = array<i32>} : memref<128x128xf32, #tpu.memory_space<vmem>>, vector<16xf32>,
        %mul3A_136 = arith.constant 32 : i32
        %mul3A_137 = arith.muli %add3A_125, %mul3A_136 : i32
        %add3A_138 = arith.constant 16 : i32
        %add3A_139 = arith.addi %mul3A_137, %add3A_138 : i32
        %get3A_140 = arith.index_cast %add3A_139 : i32 to index
        %get3A_141 = tpu.vector_load %arg8[%get3A_140] {strides = array<i32>} : memref<4096xf32, #tpu.memory_space<vmem>>, vector<16xf32>,
        %mul3A_142 = arith.mulf %get3A_128, %get3A_132 : vector<16xf32>
        %mul3A_143 = arith.mulf %get3A_135, %get3A_141 : vector<16xf32>
        %add3A_144 = arith.addf %mul3A_142, %mul3A_143 : vector<16xf32>
        %reduce_sum3A_145 = arith.constant true
        %reduce_sum3A_146 = vector.broadcast %reduce_sum3A_145 : i1 to vector<16xi1>
        %reduce_sum3A_147 = tpu.scan <sum>, %add3A_144 masked %reduce_sum3A_146 : vector<16xf32>, vector<16xi1> -> vector<16xf32>
        %reduce_sum3A_148 = vector.extract %reduce_sum3A_147[15] : f32 from vector<16xf32>
        %eq3A_149 = arith.constant 2 : i32
        %eq3A_150 = vector.broadcast %eq3A_149 : i32 to vector<16xi32>
        %eq3A_151 = arith.cmpi eq, %iota3A, %eq3A_150 : vector<16xi32>
        %broadcast_in_dim3A_152 = vector.broadcast %reduce_sum3A_148 : f32 to vector<16xf32>
        %select_n3A_153 = arith.select %eq3A_151, %broadcast_in_dim3A_152, %select_n3A_123 : vector<16xi1>, vector<16xf32>
        %add3A_154 = arith.constant 3 : i32
        %add3A_155 = arith.addi %mul3A_64, %add3A_154 : i32
        %get3A_156 = arith.index_cast %add3A_155 : i32 to index
        %get3A_157 = arith.constant 0 : index
        %get3A_158 = tpu.vector_load %arg9[%get3A_156, %get3A_157] {strides = array<i32>} : memref<128x128xf32, #tpu.memory_space<vmem>>, vector<16xf32>,
        %mul3A_159 = arith.constant 32 : i32
        %mul3A_160 = arith.muli %add3A_155, %mul3A_159 : i32
        %get3A_161 = arith.index_cast %mul3A_160 : i32 to index
        %get3A_162 = tpu.vector_load %arg8[%get3A_161] {strides = array<i32>} : memref<4096xf32, #tpu.memory_space<vmem>>, vector<16xf32>,
        %get3A_163 = arith.index_cast %add3A_155 : i32 to index
        %get3A_164 = arith.constant 16 : index
        %get3A_165 = tpu.vector_load %arg9[%get3A_163, %get3A_164] {strides = array<i32>} : memref<128x128xf32, #tpu.memory_space<vmem>>, vector<16xf32>,
        %mul3A_166 = arith.constant 32 : i32
        %mul3A_167 = arith.muli %add3A_155, %mul3A_166 : i32
        %add3A_168 = arith.constant 16 : i32
        %add3A_169 = arith.addi %mul3A_167, %add3A_168 : i32
        %get3A_170 = arith.index_cast %add3A_169 : i32 to index
        %get3A_171 = tpu.vector_load %arg8[%get3A_170] {strides = array<i32>} : memref<4096xf32, #tpu.memory_space<vmem>>, vector<16xf32>,
        %mul3A_172 = arith.mulf %get3A_158, %get3A_162 : vector<16xf32>
        %mul3A_173 = arith.mulf %get3A_165, %get3A_171 : vector<16xf32>
        %add3A_174 = arith.addf %mul3A_172, %mul3A_173 : vector<16xf32>
        %reduce_sum3A_175 = arith.constant true
        %reduce_sum3A_176 = vector.broadcast %reduce_sum3A_175 : i1 to vector<16xi1>
        %reduce_sum3A_177 = tpu.scan <sum>, %add3A_174 masked %reduce_sum3A_176 : vector<16xf32>, vector<16xi1> -> vector<16xf32>
        %reduce_sum3A_178 = vector.extract %reduce_sum3A_177[15] : f32 from vector<16xf32>
        %eq3A_179 = arith.constant 3 : i32
        %eq3A_180 = vector.broadcast %eq3A_179 : i32 to vector<16xi32>
        %eq3A_181 = arith.cmpi eq, %iota3A, %eq3A_180 : vector<16xi32>
        %broadcast_in_dim3A_182 = vector.broadcast %reduce_sum3A_178 : f32 to vector<16xf32>
        %select_n3A_183 = arith.select %eq3A_181, %broadcast_in_dim3A_182, %select_n3A_153 : vector<16xi1>, vector<16xf32>
        %add3A_184 = arith.constant 4 : i32
        %add3A_185 = arith.addi %mul3A_64, %add3A_184 : i32
        %get3A_186 = arith.index_cast %add3A_185 : i32 to index
        %get3A_187 = arith.constant 0 : index
        %get3A_188 = tpu.vector_load %arg9[%get3A_186, %get3A_187] {strides = array<i32>} : memref<128x128xf32, #tpu.memory_space<vmem>>, vector<16xf32>,
        %mul3A_189 = arith.constant 32 : i32
        %mul3A_190 = arith.muli %add3A_185, %mul3A_189 : i32
        %get3A_191 = arith.index_cast %mul3A_190 : i32 to index
        %get3A_192 = tpu.vector_load %arg8[%get3A_191] {strides = array<i32>} : memref<4096xf32, #tpu.memory_space<vmem>>, vector<16xf32>,
        %get3A_193 = arith.index_cast %add3A_185 : i32 to index
        %get3A_194 = arith.constant 16 : index
        %get3A_195 = tpu.vector_load %arg9[%get3A_193, %get3A_194] {strides = array<i32>} : memref<128x128xf32, #tpu.memory_space<vmem>>, vector<16xf32>,
        %mul3A_196 = arith.constant 32 : i32
        %mul3A_197 = arith.muli %add3A_185, %mul3A_196 : i32
        %add3A_198 = arith.constant 16 : i32
        %add3A_199 = arith.addi %mul3A_197, %add3A_198 : i32
        %get3A_200 = arith.index_cast %add3A_199 : i32 to index
        %get3A_201 = tpu.vector_load %arg8[%get3A_200] {strides = array<i32>} : memref<4096xf32, #tpu.memory_space<vmem>>, vector<16xf32>,
        %mul3A_202 = arith.mulf %get3A_188, %get3A_192 : vector<16xf32>
        %mul3A_203 = arith.mulf %get3A_195, %get3A_201 : vector<16xf32>
        %add3A_204 = arith.addf %mul3A_202, %mul3A_203 : vector<16xf32>
        %reduce_sum3A_205 = arith.constant true
        %reduce_sum3A_206 = vector.broadcast %reduce_sum3A_205 : i1 to vector<16xi1>
        %reduce_sum3A_207 = tpu.scan <sum>, %add3A_204 masked %reduce_sum3A_206 : vector<16xf32>, vector<16xi1> -> vector<16xf32>
        %reduce_sum3A_208 = vector.extract %reduce_sum3A_207[15] : f32 from vector<16xf32>
        %eq3A_209 = arith.constant 4 : i32
        %eq3A_210 = vector.broadcast %eq3A_209 : i32 to vector<16xi32>
        %eq3A_211 = arith.cmpi eq, %iota3A, %eq3A_210 : vector<16xi32>
        %broadcast_in_dim3A_212 = vector.broadcast %reduce_sum3A_208 : f32 to vector<16xf32>
        %select_n3A_213 = arith.select %eq3A_211, %broadcast_in_dim3A_212, %select_n3A_183 : vector<16xi1>, vector<16xf32>
        %add3A_214 = arith.constant 5 : i32
        %add3A_215 = arith.addi %mul3A_64, %add3A_214 : i32
        %get3A_216 = arith.index_cast %add3A_215 : i32 to index
        %get3A_217 = arith.constant 0 : index
        %get3A_218 = tpu.vector_load %arg9[%get3A_216, %get3A_217] {strides = array<i32>} : memref<128x128xf32, #tpu.memory_space<vmem>>, vector<16xf32>,
        %mul3A_219 = arith.constant 32 : i32
        %mul3A_220 = arith.muli %add3A_215, %mul3A_219 : i32
        %get3A_221 = arith.index_cast %mul3A_220 : i32 to index
        %get3A_222 = tpu.vector_load %arg8[%get3A_221] {strides = array<i32>} : memref<4096xf32, #tpu.memory_space<vmem>>, vector<16xf32>,
        %get3A_223 = arith.index_cast %add3A_215 : i32 to index
        %get3A_224 = arith.constant 16 : index
        %get3A_225 = tpu.vector_load %arg9[%get3A_223, %get3A_224] {strides = array<i32>} : memref<128x128xf32, #tpu.memory_space<vmem>>, vector<16xf32>,
        %mul3A_226 = arith.constant 32 : i32
        %mul3A_227 = arith.muli %add3A_215, %mul3A_226 : i32
        %add3A_228 = arith.constant 16 : i32
        %add3A_229 = arith.addi %mul3A_227, %add3A_228 : i32
        %get3A_230 = arith.index_cast %add3A_229 : i32 to index
        %get3A_231 = tpu.vector_load %arg8[%get3A_230] {strides = array<i32>} : memref<4096xf32, #tpu.memory_space<vmem>>, vector<16xf32>,
        %mul3A_232 = arith.mulf %get3A_218, %get3A_222 : vector<16xf32>
        %mul3A_233 = arith.mulf %get3A_225, %get3A_231 : vector<16xf32>
        %add3A_234 = arith.addf %mul3A_232, %mul3A_233 : vector<16xf32>
        %reduce_sum3A_235 = arith.constant true
        %reduce_sum3A_236 = vector.broadcast %reduce_sum3A_235 : i1 to vector<16xi1>
        %reduce_sum3A_237 = tpu.scan <sum>, %add3A_234 masked %reduce_sum3A_236 : vector<16xf32>, vector<16xi1> -> vector<16xf32>
        %reduce_sum3A_238 = vector.extract %reduce_sum3A_237[15] : f32 from vector<16xf32>
        %eq3A_239 = arith.constant 5 : i32
        %eq3A_240 = vector.broadcast %eq3A_239 : i32 to vector<16xi32>
        %eq3A_241 = arith.cmpi eq, %iota3A, %eq3A_240 : vector<16xi32>
        %broadcast_in_dim3A_242 = vector.broadcast %reduce_sum3A_238 : f32 to vector<16xf32>
        %select_n3A_243 = arith.select %eq3A_241, %broadcast_in_dim3A_242, %select_n3A_213 : vector<16xi1>, vector<16xf32>
        %add3A_244 = arith.constant 6 : i32
        %add3A_245 = arith.addi %mul3A_64, %add3A_244 : i32
        %get3A_246 = arith.index_cast %add3A_245 : i32 to index
        %get3A_247 = arith.constant 0 : index
        %get3A_248 = tpu.vector_load %arg9[%get3A_246, %get3A_247] {strides = array<i32>} : memref<128x128xf32, #tpu.memory_space<vmem>>, vector<16xf32>,
        %mul3A_249 = arith.constant 32 : i32
        %mul3A_250 = arith.muli %add3A_245, %mul3A_249 : i32
        %get3A_251 = arith.index_cast %mul3A_250 : i32 to index
        %get3A_252 = tpu.vector_load %arg8[%get3A_251] {strides = array<i32>} : memref<4096xf32, #tpu.memory_space<vmem>>, vector<16xf32>,
        %get3A_253 = arith.index_cast %add3A_245 : i32 to index
        %get3A_254 = arith.constant 16 : index
        %get3A_255 = tpu.vector_load %arg9[%get3A_253, %get3A_254] {strides = array<i32>} : memref<128x128xf32, #tpu.memory_space<vmem>>, vector<16xf32>,
        %mul3A_256 = arith.constant 32 : i32
        %mul3A_257 = arith.muli %add3A_245, %mul3A_256 : i32
        %add3A_258 = arith.constant 16 : i32
        %add3A_259 = arith.addi %mul3A_257, %add3A_258 : i32
        %get3A_260 = arith.index_cast %add3A_259 : i32 to index
        %get3A_261 = tpu.vector_load %arg8[%get3A_260] {strides = array<i32>} : memref<4096xf32, #tpu.memory_space<vmem>>, vector<16xf32>,
        %mul3A_262 = arith.mulf %get3A_248, %get3A_252 : vector<16xf32>
        %mul3A_263 = arith.mulf %get3A_255, %get3A_261 : vector<16xf32>
        %add3A_264 = arith.addf %mul3A_262, %mul3A_263 : vector<16xf32>
        %reduce_sum3A_265 = arith.constant true
        %reduce_sum3A_266 = vector.broadcast %reduce_sum3A_265 : i1 to vector<16xi1>
        %reduce_sum3A_267 = tpu.scan <sum>, %add3A_264 masked %reduce_sum3A_266 : vector<16xf32>, vector<16xi1> -> vector<16xf32>
        %reduce_sum3A_268 = vector.extract %reduce_sum3A_267[15] : f32 from vector<16xf32>
        %eq3A_269 = arith.constant 6 : i32
        %eq3A_270 = vector.broadcast %eq3A_269 : i32 to vector<16xi32>
        %eq3A_271 = arith.cmpi eq, %iota3A, %eq3A_270 : vector<16xi32>
        %broadcast_in_dim3A_272 = vector.broadcast %reduce_sum3A_268 : f32 to vector<16xf32>
        %select_n3A_273 = arith.select %eq3A_271, %broadcast_in_dim3A_272, %select_n3A_243 : vector<16xi1>, vector<16xf32>
        %add3A_274 = arith.constant 7 : i32
        %add3A_275 = arith.addi %mul3A_64, %add3A_274 : i32
        %get3A_276 = arith.index_cast %add3A_275 : i32 to index
        %get3A_277 = arith.constant 0 : index
        %get3A_278 = tpu.vector_load %arg9[%get3A_276, %get3A_277] {strides = array<i32>} : memref<128x128xf32, #tpu.memory_space<vmem>>, vector<16xf32>,
        %mul3A_279 = arith.constant 32 : i32
        %mul3A_280 = arith.muli %add3A_275, %mul3A_279 : i32
        %get3A_281 = arith.index_cast %mul3A_280 : i32 to index
        %get3A_282 = tpu.vector_load %arg8[%get3A_281] {strides = array<i32>} : memref<4096xf32, #tpu.memory_space<vmem>>, vector<16xf32>,
        %get3A_283 = arith.index_cast %add3A_275 : i32 to index
        %get3A_284 = arith.constant 16 : index
        %get3A_285 = tpu.vector_load %arg9[%get3A_283, %get3A_284] {strides = array<i32>} : memref<128x128xf32, #tpu.memory_space<vmem>>, vector<16xf32>,
        %mul3A_286 = arith.constant 32 : i32
        %mul3A_287 = arith.muli %add3A_275, %mul3A_286 : i32
        %add3A_288 = arith.constant 16 : i32
        %add3A_289 = arith.addi %mul3A_287, %add3A_288 : i32
        %get3A_290 = arith.index_cast %add3A_289 : i32 to index
        %get3A_291 = tpu.vector_load %arg8[%get3A_290] {strides = array<i32>} : memref<4096xf32, #tpu.memory_space<vmem>>, vector<16xf32>,
        %mul3A_292 = arith.mulf %get3A_278, %get3A_282 : vector<16xf32>
        %mul3A_293 = arith.mulf %get3A_285, %get3A_291 : vector<16xf32>
        %add3A_294 = arith.addf %mul3A_292, %mul3A_293 : vector<16xf32>
        %reduce_sum3A_295 = arith.constant true
        %reduce_sum3A_296 = vector.broadcast %reduce_sum3A_295 : i1 to vector<16xi1>
        %reduce_sum3A_297 = tpu.scan <sum>, %add3A_294 masked %reduce_sum3A_296 : vector<16xf32>, vector<16xi1> -> vector<16xf32>
        %reduce_sum3A_298 = vector.extract %reduce_sum3A_297[15] : f32 from vector<16xf32>
        %eq3A_299 = arith.constant 7 : i32
        %eq3A_300 = vector.broadcast %eq3A_299 : i32 to vector<16xi32>
        %eq3A_301 = arith.cmpi eq, %iota3A, %eq3A_300 : vector<16xi32>
        %broadcast_in_dim3A_302 = vector.broadcast %reduce_sum3A_298 : f32 to vector<16xf32>
        %select_n3A_303 = arith.select %eq3A_301, %broadcast_in_dim3A_302, %select_n3A_273 : vector<16xi1>, vector<16xf32>
        %add3A_304 = arith.constant 8 : i32
        %add3A_305 = arith.addi %mul3A_64, %add3A_304 : i32
        %get3A_306 = arith.index_cast %add3A_305 : i32 to index
        %get3A_307 = arith.constant 0 : index
        %get3A_308 = tpu.vector_load %arg9[%get3A_306, %get3A_307] {strides = array<i32>} : memref<128x128xf32, #tpu.memory_space<vmem>>, vector<16xf32>,
        %mul3A_309 = arith.constant 32 : i32
        %mul3A_310 = arith.muli %add3A_305, %mul3A_309 : i32
        %get3A_311 = arith.index_cast %mul3A_310 : i32 to index
        %get3A_312 = tpu.vector_load %arg8[%get3A_311] {strides = array<i32>} : memref<4096xf32, #tpu.memory_space<vmem>>, vector<16xf32>,
        %get3A_313 = arith.index_cast %add3A_305 : i32 to index
        %get3A_314 = arith.constant 16 : index
        %get3A_315 = tpu.vector_load %arg9[%get3A_313, %get3A_314] {strides = array<i32>} : memref<128x128xf32, #tpu.memory_space<vmem>>, vector<16xf32>,
        %mul3A_316 = arith.constant 32 : i32
        %mul3A_317 = arith.muli %add3A_305, %mul3A_316 : i32
        %add3A_318 = arith.constant 16 : i32
        %add3A_319 = arith.addi %mul3A_317, %add3A_318 : i32
        %get3A_320 = arith.index_cast %add3A_319 : i32 to index
        %get3A_321 = tpu.vector_load %arg8[%get3A_320] {strides = array<i32>} : memref<4096xf32, #tpu.memory_space<vmem>>, vector<16xf32>,
        %mul3A_322 = arith.mulf %get3A_308, %get3A_312 : vector<16xf32>
        %mul3A_323 = arith.mulf %get3A_315, %get3A_321 : vector<16xf32>
        %add3A_324 = arith.addf %mul3A_322, %mul3A_323 : vector<16xf32>
        %reduce_sum3A_325 = arith.constant true
        %reduce_sum3A_326 = vector.broadcast %reduce_sum3A_325 : i1 to vector<16xi1>
        %reduce_sum3A_327 = tpu.scan <sum>, %add3A_324 masked %reduce_sum3A_326 : vector<16xf32>, vector<16xi1> -> vector<16xf32>
        %reduce_sum3A_328 = vector.extract %reduce_sum3A_327[15] : f32 from vector<16xf32>
        %eq3A_329 = arith.constant 8 : i32
        %eq3A_330 = vector.broadcast %eq3A_329 : i32 to vector<16xi32>
        %eq3A_331 = arith.cmpi eq, %iota3A, %eq3A_330 : vector<16xi32>
        %broadcast_in_dim3A_332 = vector.broadcast %reduce_sum3A_328 : f32 to vector<16xf32>
        %select_n3A_333 = arith.select %eq3A_331, %broadcast_in_dim3A_332, %select_n3A_303 : vector<16xi1>, vector<16xf32>
        %add3A_334 = arith.constant 9 : i32
        %add3A_335 = arith.addi %mul3A_64, %add3A_334 : i32
        %get3A_336 = arith.index_cast %add3A_335 : i32 to index
        %get3A_337 = arith.constant 0 : index
        %get3A_338 = tpu.vector_load %arg9[%get3A_336, %get3A_337] {strides = array<i32>} : memref<128x128xf32, #tpu.memory_space<vmem>>, vector<16xf32>,
        %mul3A_339 = arith.constant 32 : i32
        %mul3A_340 = arith.muli %add3A_335, %mul3A_339 : i32
        %get3A_341 = arith.index_cast %mul3A_340 : i32 to index
        %get3A_342 = tpu.vector_load %arg8[%get3A_341] {strides = array<i32>} : memref<4096xf32, #tpu.memory_space<vmem>>, vector<16xf32>,
        %get3A_343 = arith.index_cast %add3A_335 : i32 to index
        %get3A_344 = arith.constant 16 : index
        %get3A_345 = tpu.vector_load %arg9[%get3A_343, %get3A_344] {strides = array<i32>} : memref<128x128xf32, #tpu.memory_space<vmem>>, vector<16xf32>,
        %mul3A_346 = arith.constant 32 : i32
        %mul3A_347 = arith.muli %add3A_335, %mul3A_346 : i32
        %add3A_348 = arith.constant 16 : i32
        %add3A_349 = arith.addi %mul3A_347, %add3A_348 : i32
        %get3A_350 = arith.index_cast %add3A_349 : i32 to index
        %get3A_351 = tpu.vector_load %arg8[%get3A_350] {strides = array<i32>} : memref<4096xf32, #tpu.memory_space<vmem>>, vector<16xf32>,
        %mul3A_352 = arith.mulf %get3A_338, %get3A_342 : vector<16xf32>
        %mul3A_353 = arith.mulf %get3A_345, %get3A_351 : vector<16xf32>
        %add3A_354 = arith.addf %mul3A_352, %mul3A_353 : vector<16xf32>
        %reduce_sum3A_355 = arith.constant true
        %reduce_sum3A_356 = vector.broadcast %reduce_sum3A_355 : i1 to vector<16xi1>
        %reduce_sum3A_357 = tpu.scan <sum>, %add3A_354 masked %reduce_sum3A_356 : vector<16xf32>, vector<16xi1> -> vector<16xf32>
        %reduce_sum3A_358 = vector.extract %reduce_sum3A_357[15] : f32 from vector<16xf32>
        %eq3A_359 = arith.constant 9 : i32
        %eq3A_360 = vector.broadcast %eq3A_359 : i32 to vector<16xi32>
        %eq3A_361 = arith.cmpi eq, %iota3A, %eq3A_360 : vector<16xi32>
        %broadcast_in_dim3A_362 = vector.broadcast %reduce_sum3A_358 : f32 to vector<16xf32>
        %select_n3A_363 = arith.select %eq3A_361, %broadcast_in_dim3A_362, %select_n3A_333 : vector<16xi1>, vector<16xf32>
        %add3A_364 = arith.constant 10 : i32
        %add3A_365 = arith.addi %mul3A_64, %add3A_364 : i32
        %get3A_366 = arith.index_cast %add3A_365 : i32 to index
        %get3A_367 = arith.constant 0 : index
        %get3A_368 = tpu.vector_load %arg9[%get3A_366, %get3A_367] {strides = array<i32>} : memref<128x128xf32, #tpu.memory_space<vmem>>, vector<16xf32>,
        %mul3A_369 = arith.constant 32 : i32
        %mul3A_370 = arith.muli %add3A_365, %mul3A_369 : i32
        %get3A_371 = arith.index_cast %mul3A_370 : i32 to index
        %get3A_372 = tpu.vector_load %arg8[%get3A_371] {strides = array<i32>} : memref<4096xf32, #tpu.memory_space<vmem>>, vector<16xf32>,
        %get3A_373 = arith.index_cast %add3A_365 : i32 to index
        %get3A_374 = arith.constant 16 : index
        %get3A_375 = tpu.vector_load %arg9[%get3A_373, %get3A_374] {strides = array<i32>} : memref<128x128xf32, #tpu.memory_space<vmem>>, vector<16xf32>,
        %mul3A_376 = arith.constant 32 : i32
        %mul3A_377 = arith.muli %add3A_365, %mul3A_376 : i32
        %add3A_378 = arith.constant 16 : i32
        %add3A_379 = arith.addi %mul3A_377, %add3A_378 : i32
        %get3A_380 = arith.index_cast %add3A_379 : i32 to index
        %get3A_381 = tpu.vector_load %arg8[%get3A_380] {strides = array<i32>} : memref<4096xf32, #tpu.memory_space<vmem>>, vector<16xf32>,
        %mul3A_382 = arith.mulf %get3A_368, %get3A_372 : vector<16xf32>
        %mul3A_383 = arith.mulf %get3A_375, %get3A_381 : vector<16xf32>
        %add3A_384 = arith.addf %mul3A_382, %mul3A_383 : vector<16xf32>
        %reduce_sum3A_385 = arith.constant true
        %reduce_sum3A_386 = vector.broadcast %reduce_sum3A_385 : i1 to vector<16xi1>
        %reduce_sum3A_387 = tpu.scan <sum>, %add3A_384 masked %reduce_sum3A_386 : vector<16xf32>, vector<16xi1> -> vector<16xf32>
        %reduce_sum3A_388 = vector.extract %reduce_sum3A_387[15] : f32 from vector<16xf32>
        %eq3A_389 = arith.constant 10 : i32
        %eq3A_390 = vector.broadcast %eq3A_389 : i32 to vector<16xi32>
        %eq3A_391 = arith.cmpi eq, %iota3A, %eq3A_390 : vector<16xi32>
        %broadcast_in_dim3A_392 = vector.broadcast %reduce_sum3A_388 : f32 to vector<16xf32>
        %select_n3A_393 = arith.select %eq3A_391, %broadcast_in_dim3A_392, %select_n3A_363 : vector<16xi1>, vector<16xf32>
        %add3A_394 = arith.constant 11 : i32
        %add3A_395 = arith.addi %mul3A_64, %add3A_394 : i32
        %get3A_396 = arith.index_cast %add3A_395 : i32 to index
        %get3A_397 = arith.constant 0 : index
        %get3A_398 = tpu.vector_load %arg9[%get3A_396, %get3A_397] {strides = array<i32>} : memref<128x128xf32, #tpu.memory_space<vmem>>, vector<16xf32>,
        %mul3A_399 = arith.constant 32 : i32
        %mul3A_400 = arith.muli %add3A_395, %mul3A_399 : i32
        %get3A_401 = arith.index_cast %mul3A_400 : i32 to index
        %get3A_402 = tpu.vector_load %arg8[%get3A_401] {strides = array<i32>} : memref<4096xf32, #tpu.memory_space<vmem>>, vector<16xf32>,
        %get3A_403 = arith.index_cast %add3A_395 : i32 to index
        %get3A_404 = arith.constant 16 : index
        %get3A_405 = tpu.vector_load %arg9[%get3A_403, %get3A_404] {strides = array<i32>} : memref<128x128xf32, #tpu.memory_space<vmem>>, vector<16xf32>,
        %mul3A_406 = arith.constant 32 : i32
        %mul3A_407 = arith.muli %add3A_395, %mul3A_406 : i32
        %add3A_408 = arith.constant 16 : i32
        %add3A_409 = arith.addi %mul3A_407, %add3A_408 : i32
        %get3A_410 = arith.index_cast %add3A_409 : i32 to index
        %get3A_411 = tpu.vector_load %arg8[%get3A_410] {strides = array<i32>} : memref<4096xf32, #tpu.memory_space<vmem>>, vector<16xf32>,
        %mul3A_412 = arith.mulf %get3A_398, %get3A_402 : vector<16xf32>
        %mul3A_413 = arith.mulf %get3A_405, %get3A_411 : vector<16xf32>
        %add3A_414 = arith.addf %mul3A_412, %mul3A_413 : vector<16xf32>
        %reduce_sum3A_415 = arith.constant true
        %reduce_sum3A_416 = vector.broadcast %reduce_sum3A_415 : i1 to vector<16xi1>
        %reduce_sum3A_417 = tpu.scan <sum>, %add3A_414 masked %reduce_sum3A_416 : vector<16xf32>, vector<16xi1> -> vector<16xf32>
        %reduce_sum3A_418 = vector.extract %reduce_sum3A_417[15] : f32 from vector<16xf32>
        %eq3A_419 = arith.constant 11 : i32
        %eq3A_420 = vector.broadcast %eq3A_419 : i32 to vector<16xi32>
        %eq3A_421 = arith.cmpi eq, %iota3A, %eq3A_420 : vector<16xi32>
        %broadcast_in_dim3A_422 = vector.broadcast %reduce_sum3A_418 : f32 to vector<16xf32>
        %select_n3A_423 = arith.select %eq3A_421, %broadcast_in_dim3A_422, %select_n3A_393 : vector<16xi1>, vector<16xf32>
        %add3A_424 = arith.constant 12 : i32
        %add3A_425 = arith.addi %mul3A_64, %add3A_424 : i32
        %get3A_426 = arith.index_cast %add3A_425 : i32 to index
        %get3A_427 = arith.constant 0 : index
        %get3A_428 = tpu.vector_load %arg9[%get3A_426, %get3A_427] {strides = array<i32>} : memref<128x128xf32, #tpu.memory_space<vmem>>, vector<16xf32>,
        %mul3A_429 = arith.constant 32 : i32
        %mul3A_430 = arith.muli %add3A_425, %mul3A_429 : i32
        %get3A_431 = arith.index_cast %mul3A_430 : i32 to index
        %get3A_432 = tpu.vector_load %arg8[%get3A_431] {strides = array<i32>} : memref<4096xf32, #tpu.memory_space<vmem>>, vector<16xf32>,
        %get3A_433 = arith.index_cast %add3A_425 : i32 to index
        %get3A_434 = arith.constant 16 : index
        %get3A_435 = tpu.vector_load %arg9[%get3A_433, %get3A_434] {strides = array<i32>} : memref<128x128xf32, #tpu.memory_space<vmem>>, vector<16xf32>,
        %mul3A_436 = arith.constant 32 : i32
        %mul3A_437 = arith.muli %add3A_425, %mul3A_436 : i32
        %add3A_438 = arith.constant 16 : i32
        %add3A_439 = arith.addi %mul3A_437, %add3A_438 : i32
        %get3A_440 = arith.index_cast %add3A_439 : i32 to index
        %get3A_441 = tpu.vector_load %arg8[%get3A_440] {strides = array<i32>} : memref<4096xf32, #tpu.memory_space<vmem>>, vector<16xf32>,
        %mul3A_442 = arith.mulf %get3A_428, %get3A_432 : vector<16xf32>
        %mul3A_443 = arith.mulf %get3A_435, %get3A_441 : vector<16xf32>
        %add3A_444 = arith.addf %mul3A_442, %mul3A_443 : vector<16xf32>
        %reduce_sum3A_445 = arith.constant true
        %reduce_sum3A_446 = vector.broadcast %reduce_sum3A_445 : i1 to vector<16xi1>
        %reduce_sum3A_447 = tpu.scan <sum>, %add3A_444 masked %reduce_sum3A_446 : vector<16xf32>, vector<16xi1> -> vector<16xf32>
        %reduce_sum3A_448 = vector.extract %reduce_sum3A_447[15] : f32 from vector<16xf32>
        %eq3A_449 = arith.constant 12 : i32
        %eq3A_450 = vector.broadcast %eq3A_449 : i32 to vector<16xi32>
        %eq3A_451 = arith.cmpi eq, %iota3A, %eq3A_450 : vector<16xi32>
        %broadcast_in_dim3A_452 = vector.broadcast %reduce_sum3A_448 : f32 to vector<16xf32>
        %select_n3A_453 = arith.select %eq3A_451, %broadcast_in_dim3A_452, %select_n3A_423 : vector<16xi1>, vector<16xf32>
        %add3A_454 = arith.constant 13 : i32
        %add3A_455 = arith.addi %mul3A_64, %add3A_454 : i32
        %get3A_456 = arith.index_cast %add3A_455 : i32 to index
        %get3A_457 = arith.constant 0 : index
        %get3A_458 = tpu.vector_load %arg9[%get3A_456, %get3A_457] {strides = array<i32>} : memref<128x128xf32, #tpu.memory_space<vmem>>, vector<16xf32>,
        %mul3A_459 = arith.constant 32 : i32
        %mul3A_460 = arith.muli %add3A_455, %mul3A_459 : i32
        %get3A_461 = arith.index_cast %mul3A_460 : i32 to index
        %get3A_462 = tpu.vector_load %arg8[%get3A_461] {strides = array<i32>} : memref<4096xf32, #tpu.memory_space<vmem>>, vector<16xf32>,
        %get3A_463 = arith.index_cast %add3A_455 : i32 to index
        %get3A_464 = arith.constant 16 : index
        %get3A_465 = tpu.vector_load %arg9[%get3A_463, %get3A_464] {strides = array<i32>} : memref<128x128xf32, #tpu.memory_space<vmem>>, vector<16xf32>,
        %mul3A_466 = arith.constant 32 : i32
        %mul3A_467 = arith.muli %add3A_455, %mul3A_466 : i32
        %add3A_468 = arith.constant 16 : i32
        %add3A_469 = arith.addi %mul3A_467, %add3A_468 : i32
        %get3A_470 = arith.index_cast %add3A_469 : i32 to index
        %get3A_471 = tpu.vector_load %arg8[%get3A_470] {strides = array<i32>} : memref<4096xf32, #tpu.memory_space<vmem>>, vector<16xf32>,
        %mul3A_472 = arith.mulf %get3A_458, %get3A_462 : vector<16xf32>
        %mul3A_473 = arith.mulf %get3A_465, %get3A_471 : vector<16xf32>
        %add3A_474 = arith.addf %mul3A_472, %mul3A_473 : vector<16xf32>
        %reduce_sum3A_475 = arith.constant true
        %reduce_sum3A_476 = vector.broadcast %reduce_sum3A_475 : i1 to vector<16xi1>
        %reduce_sum3A_477 = tpu.scan <sum>, %add3A_474 masked %reduce_sum3A_476 : vector<16xf32>, vector<16xi1> -> vector<16xf32>
        %reduce_sum3A_478 = vector.extract %reduce_sum3A_477[15] : f32 from vector<16xf32>
        %eq3A_479 = arith.constant 13 : i32
        %eq3A_480 = vector.broadcast %eq3A_479 : i32 to vector<16xi32>
        %eq3A_481 = arith.cmpi eq, %iota3A, %eq3A_480 : vector<16xi32>
        %broadcast_in_dim3A_482 = vector.broadcast %reduce_sum3A_478 : f32 to vector<16xf32>
        %select_n3A_483 = arith.select %eq3A_481, %broadcast_in_dim3A_482, %select_n3A_453 : vector<16xi1>, vector<16xf32>
        %add3A_484 = arith.constant 14 : i32
        %add3A_485 = arith.addi %mul3A_64, %add3A_484 : i32
        %get3A_486 = arith.index_cast %add3A_485 : i32 to index
        %get3A_487 = arith.constant 0 : index
        %get3A_488 = tpu.vector_load %arg9[%get3A_486, %get3A_487] {strides = array<i32>} : memref<128x128xf32, #tpu.memory_space<vmem>>, vector<16xf32>,
        %mul3A_489 = arith.constant 32 : i32
        %mul3A_490 = arith.muli %add3A_485, %mul3A_489 : i32
        %get3A_491 = arith.index_cast %mul3A_490 : i32 to index
        %get3A_492 = tpu.vector_load %arg8[%get3A_491] {strides = array<i32>} : memref<4096xf32, #tpu.memory_space<vmem>>, vector<16xf32>,
        %get3A_493 = arith.index_cast %add3A_485 : i32 to index
        %get3A_494 = arith.constant 16 : index
        %get3A_495 = tpu.vector_load %arg9[%get3A_493, %get3A_494] {strides = array<i32>} : memref<128x128xf32, #tpu.memory_space<vmem>>, vector<16xf32>,
        %mul3A_496 = arith.constant 32 : i32
        %mul3A_497 = arith.muli %add3A_485, %mul3A_496 : i32
        %add3A_498 = arith.constant 16 : i32
        %add3A_499 = arith.addi %mul3A_497, %add3A_498 : i32
        %get3A_500 = arith.index_cast %add3A_499 : i32 to index
        %get3A_501 = tpu.vector_load %arg8[%get3A_500] {strides = array<i32>} : memref<4096xf32, #tpu.memory_space<vmem>>, vector<16xf32>,
        %mul3A_502 = arith.mulf %get3A_488, %get3A_492 : vector<16xf32>
        %mul3A_503 = arith.mulf %get3A_495, %get3A_501 : vector<16xf32>
        %add3A_504 = arith.addf %mul3A_502, %mul3A_503 : vector<16xf32>
        %reduce_sum3A_505 = arith.constant true
        %reduce_sum3A_506 = vector.broadcast %reduce_sum3A_505 : i1 to vector<16xi1>
        %reduce_sum3A_507 = tpu.scan <sum>, %add3A_504 masked %reduce_sum3A_506 : vector<16xf32>, vector<16xi1> -> vector<16xf32>
        %reduce_sum3A_508 = vector.extract %reduce_sum3A_507[15] : f32 from vector<16xf32>
        %eq3A_509 = arith.constant 14 : i32
        %eq3A_510 = vector.broadcast %eq3A_509 : i32 to vector<16xi32>
        %eq3A_511 = arith.cmpi eq, %iota3A, %eq3A_510 : vector<16xi32>
        %broadcast_in_dim3A_512 = vector.broadcast %reduce_sum3A_508 : f32 to vector<16xf32>
        %select_n3A_513 = arith.select %eq3A_511, %broadcast_in_dim3A_512, %select_n3A_483 : vector<16xi1>, vector<16xf32>
        %add3A_514 = arith.constant 15 : i32
        %add3A_515 = arith.addi %mul3A_64, %add3A_514 : i32
        %get3A_516 = arith.index_cast %add3A_515 : i32 to index
        %get3A_517 = arith.constant 0 : index
        %get3A_518 = tpu.vector_load %arg9[%get3A_516, %get3A_517] {strides = array<i32>} : memref<128x128xf32, #tpu.memory_space<vmem>>, vector<16xf32>,
        %mul3A_519 = arith.constant 32 : i32
        %mul3A_520 = arith.muli %add3A_515, %mul3A_519 : i32
        %get3A_521 = arith.index_cast %mul3A_520 : i32 to index
        %get3A_522 = tpu.vector_load %arg8[%get3A_521] {strides = array<i32>} : memref<4096xf32, #tpu.memory_space<vmem>>, vector<16xf32>,
        %get3A_523 = arith.index_cast %add3A_515 : i32 to index
        %get3A_524 = arith.constant 16 : index
        %get3A_525 = tpu.vector_load %arg9[%get3A_523, %get3A_524] {strides = array<i32>} : memref<128x128xf32, #tpu.memory_space<vmem>>, vector<16xf32>,
        %mul3A_526 = arith.constant 32 : i32
        %mul3A_527 = arith.muli %add3A_515, %mul3A_526 : i32
        %add3A_528 = arith.constant 16 : i32
        %add3A_529 = arith.addi %mul3A_527, %add3A_528 : i32
        %get3A_530 = arith.index_cast %add3A_529 : i32 to index
        %get3A_531 = tpu.vector_load %arg8[%get3A_530] {strides = array<i32>} : memref<4096xf32, #tpu.memory_space<vmem>>, vector<16xf32>,
        %mul3A_532 = arith.mulf %get3A_518, %get3A_522 : vector<16xf32>
        %mul3A_533 = arith.mulf %get3A_525, %get3A_531 : vector<16xf32>
        %add3A_534 = arith.addf %mul3A_532, %mul3A_533 : vector<16xf32>
        %reduce_sum3A_535 = arith.constant true
        %reduce_sum3A_536 = vector.broadcast %reduce_sum3A_535 : i1 to vector<16xi1>
        %reduce_sum3A_537 = tpu.scan <sum>, %add3A_534 masked %reduce_sum3A_536 : vector<16xf32>, vector<16xi1> -> vector<16xf32>
        %reduce_sum3A_538 = vector.extract %reduce_sum3A_537[15] : f32 from vector<16xf32>
        %eq3A_539 = arith.constant 15 : i32
        %eq3A_540 = vector.broadcast %eq3A_539 : i32 to vector<16xi32>
        %eq3A_541 = arith.cmpi eq, %iota3A, %eq3A_540 : vector<16xi32>
        %broadcast_in_dim3A_542 = vector.broadcast %reduce_sum3A_538 : f32 to vector<16xf32>
        %select_n3A_543 = arith.select %eq3A_541, %broadcast_in_dim3A_542, %select_n3A_513 : vector<16xi1>, vector<16xf32>
        %exp3A = math.exp %select_n3A_543 : vector<16xf32>
        %add3A_544 = arith.constant 0 : i32
        %add3A_545 = arith.addi %mul3A_64, %add3A_544 : i32
        %slice3A = vector.extract_strided_slice %exp3A {offsets = [0], sizes = [1], strides = [1]} : vector<16xf32> to vector<1xf32>
        %squeeze3A = vector.extract %slice3A[0] : f32 from vector<1xf32>
        %mul3A_546 = arith.constant 32 : i32
        %mul3A_547 = arith.muli %add3A_545, %mul3A_546 : i32
        %get3A_548 = arith.index_cast %mul3A_547 : i32 to index
        %get3A_549 = tpu.vector_load %arg8[%get3A_548] {strides = array<i32>} : memref<4096xf32, #tpu.memory_space<vmem>>, vector<16xf32>,
        %mul3A_550 = vector.broadcast %squeeze3A : f32 to vector<16xf32>
        %mul3A_551 = arith.mulf %get3A_549, %mul3A_550 : vector<16xf32>
        %swap3A = arith.index_cast %add3A_545 : i32 to index
        %swap3A_552 = arith.constant 0 : index
        %swap3A_553 = tpu.vector_load %arg10[%swap3A, %swap3A_552] {strides = array<i32>} : memref<128x128xf32, #tpu.memory_space<vmem>>, vector<16xf32>,
        tpu.vector_store %arg10[%swap3A, %swap3A_552], %mul3A_551 {strides = array<i32>} : memref<128x128xf32, #tpu.memory_space<vmem>>, vector<16xf32>,
        %mul3A_554 = arith.constant 32 : i32
        %mul3A_555 = arith.muli %add3A_545, %mul3A_554 : i32
        %add3A_556 = arith.constant 16 : i32
        %add3A_557 = arith.addi %mul3A_555, %add3A_556 : i32
        %get3A_558 = arith.index_cast %add3A_557 : i32 to index
        %get3A_559 = tpu.vector_load %arg8[%get3A_558] {strides = array<i32>} : memref<4096xf32, #tpu.memory_space<vmem>>, vector<16xf32>,
        %mul3A_560 = vector.broadcast %squeeze3A : f32 to vector<16xf32>
        %mul3A_561 = arith.mulf %get3A_559, %mul3A_560 : vector<16xf32>
        %swap3A_562 = arith.index_cast %add3A_545 : i32 to index
        %swap3A_563 = arith.constant 16 : index
        %swap3A_564 = tpu.vector_load %arg10[%swap3A_562, %swap3A_563] {strides = array<i32>} : memref<128x128xf32, #tpu.memory_space<vmem>>, vector<16xf32>,
        tpu.vector_store %arg10[%swap3A_562, %swap3A_563], %mul3A_561 {strides = array<i32>} : memref<128x128xf32, #tpu.memory_space<vmem>>, vector<16xf32>,
        %mul3A_565 = vector.broadcast %squeeze3A : f32 to vector<16xf32>
        %mul3A_566 = arith.mulf %convert_element_type3A_4, %mul3A_565 : vector<16xf32>
        %swap3A_567 = arith.index_cast %add3A_545 : i32 to index
        %swap3A_568 = arith.constant 32 : index
        %swap3A_569 = tpu.vector_load %arg10[%swap3A_567, %swap3A_568] {strides = array<i32>} : memref<128x128xf32, #tpu.memory_space<vmem>>, vector<16xf32>,
        tpu.vector_store %arg10[%swap3A_567, %swap3A_568], %mul3A_566 {strides = array<i32>} : memref<128x128xf32, #tpu.memory_space<vmem>>, vector<16xf32>,
        %add3A_570 = arith.constant 1 : i32
        %add3A_571 = arith.addi %mul3A_64, %add3A_570 : i32
        %slice3A_572 = vector.extract_strided_slice %exp3A {offsets = [1], sizes = [1], strides = [1]} : vector<16xf32> to vector<1xf32>
        %squeeze3A_573 = vector.extract %slice3A_572[0] : f32 from vector<1xf32>
        %mul3A_574 = arith.constant 32 : i32
        %mul3A_575 = arith.muli %add3A_571, %mul3A_574 : i32
        %get3A_576 = arith.index_cast %mul3A_575 : i32 to index
        %get3A_577 = tpu.vector_load %arg8[%get3A_576] {strides = array<i32>} : memref<4096xf32, #tpu.memory_space<vmem>>, vector<16xf32>,
        %mul3A_578 = vector.broadcast %squeeze3A_573 : f32 to vector<16xf32>
        %mul3A_579 = arith.mulf %get3A_577, %mul3A_578 : vector<16xf32>
        %swap3A_580 = arith.index_cast %add3A_571 : i32 to index
        %swap3A_581 = arith.constant 0 : index
        %swap3A_582 = tpu.vector_load %arg10[%swap3A_580, %swap3A_581] {strides = array<i32>} : memref<128x128xf32, #tpu.memory_space<vmem>>, vector<16xf32>,
        tpu.vector_store %arg10[%swap3A_580, %swap3A_581], %mul3A_579 {strides = array<i32>} : memref<128x128xf32, #tpu.memory_space<vmem>>, vector<16xf32>,
        %mul3A_583 = arith.constant 32 : i32
        %mul3A_584 = arith.muli %add3A_571, %mul3A_583 : i32
        %add3A_585 = arith.constant 16 : i32
        %add3A_586 = arith.addi %mul3A_584, %add3A_585 : i32
        %get3A_587 = arith.index_cast %add3A_586 : i32 to index
        %get3A_588 = tpu.vector_load %arg8[%get3A_587] {strides = array<i32>} : memref<4096xf32, #tpu.memory_space<vmem>>, vector<16xf32>,
        %mul3A_589 = vector.broadcast %squeeze3A_573 : f32 to vector<16xf32>
        %mul3A_590 = arith.mulf %get3A_588, %mul3A_589 : vector<16xf32>
        %swap3A_591 = arith.index_cast %add3A_571 : i32 to index
        %swap3A_592 = arith.constant 16 : index
        %swap3A_593 = tpu.vector_load %arg10[%swap3A_591, %swap3A_592] {strides = array<i32>} : memref<128x128xf32, #tpu.memory_space<vmem>>, vector<16xf32>,
        tpu.vector_store %arg10[%swap3A_591, %swap3A_592], %mul3A_590 {strides = array<i32>} : memref<128x128xf32, #tpu.memory_space<vmem>>, vector<16xf32>,
        %mul3A_594 = vector.broadcast %squeeze3A_573 : f32 to vector<16xf32>
        %mul3A_595 = arith.mulf %convert_element_type3A_4, %mul3A_594 : vector<16xf32>
        %swap3A_596 = arith.index_cast %add3A_571 : i32 to index
        %swap3A_597 = arith.constant 32 : index
        %swap3A_598 = tpu.vector_load %arg10[%swap3A_596, %swap3A_597] {strides = array<i32>} : memref<128x128xf32, #tpu.memory_space<vmem>>, vector<16xf32>,
        tpu.vector_store %arg10[%swap3A_596, %swap3A_597], %mul3A_595 {strides = array<i32>} : memref<128x128xf32, #tpu.memory_space<vmem>>, vector<16xf32>,
        %add3A_599 = arith.constant 2 : i32
        %add3A_600 = arith.addi %mul3A_64, %add3A_599 : i32
        %slice3A_601 = vector.extract_strided_slice %exp3A {offsets = [2], sizes = [1], strides = [1]} : vector<16xf32> to vector<1xf32>
        %squeeze3A_602 = vector.extract %slice3A_601[0] : f32 from vector<1xf32>
        %mul3A_603 = arith.constant 32 : i32
        %mul3A_604 = arith.muli %add3A_600, %mul3A_603 : i32
        %get3A_605 = arith.index_cast %mul3A_604 : i32 to index
        %get3A_606 = tpu.vector_load %arg8[%get3A_605] {strides = array<i32>} : memref<4096xf32, #tpu.memory_space<vmem>>, vector<16xf32>,
        %mul3A_607 = vector.broadcast %squeeze3A_602 : f32 to vector<16xf32>
        %mul3A_608 = arith.mulf %get3A_606, %mul3A_607 : vector<16xf32>
        %swap3A_609 = arith.index_cast %add3A_600 : i32 to index
        %swap3A_610 = arith.constant 0 : index
        %swap3A_611 = tpu.vector_load %arg10[%swap3A_609, %swap3A_610] {strides = array<i32>} : memref<128x128xf32, #tpu.memory_space<vmem>>, vector<16xf32>,
        tpu.vector_store %arg10[%swap3A_609, %swap3A_610], %mul3A_608 {strides = array<i32>} : memref<128x128xf32, #tpu.memory_space<vmem>>, vector<16xf32>,
        %mul3A_612 = arith.constant 32 : i32
        %mul3A_613 = arith.muli %add3A_600, %mul3A_612 : i32
        %add3A_614 = arith.constant 16 : i32
        %add3A_615 = arith.addi %mul3A_613, %add3A_614 : i32
        %get3A_616 = arith.index_cast %add3A_615 : i32 to index
        %get3A_617 = tpu.vector_load %arg8[%get3A_616] {strides = array<i32>} : memref<4096xf32, #tpu.memory_space<vmem>>, vector<16xf32>,
        %mul3A_618 = vector.broadcast %squeeze3A_602 : f32 to vector<16xf32>
        %mul3A_619 = arith.mulf %get3A_617, %mul3A_618 : vector<16xf32>
        %swap3A_620 = arith.index_cast %add3A_600 : i32 to index
        %swap3A_621 = arith.constant 16 : index
        %swap3A_622 = tpu.vector_load %arg10[%swap3A_620, %swap3A_621] {strides = array<i32>} : memref<128x128xf32, #tpu.memory_space<vmem>>, vector<16xf32>,
        tpu.vector_store %arg10[%swap3A_620, %swap3A_621], %mul3A_619 {strides = array<i32>} : memref<128x128xf32, #tpu.memory_space<vmem>>, vector<16xf32>,
        %mul3A_623 = vector.broadcast %squeeze3A_602 : f32 to vector<16xf32>
        %mul3A_624 = arith.mulf %convert_element_type3A_4, %mul3A_623 : vector<16xf32>
        %swap3A_625 = arith.index_cast %add3A_600 : i32 to index
        %swap3A_626 = arith.constant 32 : index
        %swap3A_627 = tpu.vector_load %arg10[%swap3A_625, %swap3A_626] {strides = array<i32>} : memref<128x128xf32, #tpu.memory_space<vmem>>, vector<16xf32>,
        tpu.vector_store %arg10[%swap3A_625, %swap3A_626], %mul3A_624 {strides = array<i32>} : memref<128x128xf32, #tpu.memory_space<vmem>>, vector<16xf32>,
        %add3A_628 = arith.constant 3 : i32
        %add3A_629 = arith.addi %mul3A_64, %add3A_628 : i32
        %slice3A_630 = vector.extract_strided_slice %exp3A {offsets = [3], sizes = [1], strides = [1]} : vector<16xf32> to vector<1xf32>
        %squeeze3A_631 = vector.extract %slice3A_630[0] : f32 from vector<1xf32>
        %mul3A_632 = arith.constant 32 : i32
        %mul3A_633 = arith.muli %add3A_629, %mul3A_632 : i32
        %get3A_634 = arith.index_cast %mul3A_633 : i32 to index
        %get3A_635 = tpu.vector_load %arg8[%get3A_634] {strides = array<i32>} : memref<4096xf32, #tpu.memory_space<vmem>>, vector<16xf32>,
        %mul3A_636 = vector.broadcast %squeeze3A_631 : f32 to vector<16xf32>
        %mul3A_637 = arith.mulf %get3A_635, %mul3A_636 : vector<16xf32>
        %swap3A_638 = arith.index_cast %add3A_629 : i32 to index
        %swap3A_639 = arith.constant 0 : index
        %swap3A_640 = tpu.vector_load %arg10[%swap3A_638, %swap3A_639] {strides = array<i32>} : memref<128x128xf32, #tpu.memory_space<vmem>>, vector<16xf32>,
        tpu.vector_store %arg10[%swap3A_638, %swap3A_639], %mul3A_637 {strides = array<i32>} : memref<128x128xf32, #tpu.memory_space<vmem>>, vector<16xf32>,
        %mul3A_641 = arith.constant 32 : i32
        %mul3A_642 = arith.muli %add3A_629, %mul3A_641 : i32
        %add3A_643 = arith.constant 16 : i32
        %add3A_644 = arith.addi %mul3A_642, %add3A_643 : i32
        %get3A_645 = arith.index_cast %add3A_644 : i32 to index
        %get3A_646 = tpu.vector_load %arg8[%get3A_645] {strides = array<i32>} : memref<4096xf32, #tpu.memory_space<vmem>>, vector<16xf32>,
        %mul3A_647 = vector.broadcast %squeeze3A_631 : f32 to vector<16xf32>
        %mul3A_648 = arith.mulf %get3A_646, %mul3A_647 : vector<16xf32>
        %swap3A_649 = arith.index_cast %add3A_629 : i32 to index
        %swap3A_650 = arith.constant 16 : index
        %swap3A_651 = tpu.vector_load %arg10[%swap3A_649, %swap3A_650] {strides = array<i32>} : memref<128x128xf32, #tpu.memory_space<vmem>>, vector<16xf32>,
        tpu.vector_store %arg10[%swap3A_649, %swap3A_650], %mul3A_648 {strides = array<i32>} : memref<128x128xf32, #tpu.memory_space<vmem>>, vector<16xf32>,
        %mul3A_652 = vector.broadcast %squeeze3A_631 : f32 to vector<16xf32>
        %mul3A_653 = arith.mulf %convert_element_type3A_4, %mul3A_652 : vector<16xf32>
        %swap3A_654 = arith.index_cast %add3A_629 : i32 to index
        %swap3A_655 = arith.constant 32 : index
        %swap3A_656 = tpu.vector_load %arg10[%swap3A_654, %swap3A_655] {strides = array<i32>} : memref<128x128xf32, #tpu.memory_space<vmem>>, vector<16xf32>,
        tpu.vector_store %arg10[%swap3A_654, %swap3A_655], %mul3A_653 {strides = array<i32>} : memref<128x128xf32, #tpu.memory_space<vmem>>, vector<16xf32>,
        %add3A_657 = arith.constant 4 : i32
        %add3A_658 = arith.addi %mul3A_64, %add3A_657 : i32
        %slice3A_659 = vector.extract_strided_slice %exp3A {offsets = [4], sizes = [1], strides = [1]} : vector<16xf32> to vector<1xf32>
        %squeeze3A_660 = vector.extract %slice3A_659[0] : f32 from vector<1xf32>
        %mul3A_661 = arith.constant 32 : i32
        %mul3A_662 = arith.muli %add3A_658, %mul3A_661 : i32
        %get3A_663 = arith.index_cast %mul3A_662 : i32 to index
        %get3A_664 = tpu.vector_load %arg8[%get3A_663] {strides = array<i32>} : memref<4096xf32, #tpu.memory_space<vmem>>, vector<16xf32>,
        %mul3A_665 = vector.broadcast %squeeze3A_660 : f32 to vector<16xf32>
        %mul3A_666 = arith.mulf %get3A_664, %mul3A_665 : vector<16xf32>
        %swap3A_667 = arith.index_cast %add3A_658 : i32 to index
        %swap3A_668 = arith.constant 0 : index
        %swap3A_669 = tpu.vector_load %arg10[%swap3A_667, %swap3A_668] {strides = array<i32>} : memref<128x128xf32, #tpu.memory_space<vmem>>, vector<16xf32>,
        tpu.vector_store %arg10[%swap3A_667, %swap3A_668], %mul3A_666 {strides = array<i32>} : memref<128x128xf32, #tpu.memory_space<vmem>>, vector<16xf32>,
        %mul3A_670 = arith.constant 32 : i32
        %mul3A_671 = arith.muli %add3A_658, %mul3A_670 : i32
        %add3A_672 = arith.constant 16 : i32
        %add3A_673 = arith.addi %mul3A_671, %add3A_672 : i32
        %get3A_674 = arith.index_cast %add3A_673 : i32 to index
        %get3A_675 = tpu.vector_load %arg8[%get3A_674] {strides = array<i32>} : memref<4096xf32, #tpu.memory_space<vmem>>, vector<16xf32>,
        %mul3A_676 = vector.broadcast %squeeze3A_660 : f32 to vector<16xf32>
        %mul3A_677 = arith.mulf %get3A_675, %mul3A_676 : vector<16xf32>
        %swap3A_678 = arith.index_cast %add3A_658 : i32 to index
        %swap3A_679 = arith.constant 16 : index
        %swap3A_680 = tpu.vector_load %arg10[%swap3A_678, %swap3A_679] {strides = array<i32>} : memref<128x128xf32, #tpu.memory_space<vmem>>, vector<16xf32>,
        tpu.vector_store %arg10[%swap3A_678, %swap3A_679], %mul3A_677 {strides = array<i32>} : memref<128x128xf32, #tpu.memory_space<vmem>>, vector<16xf32>,
        %mul3A_681 = vector.broadcast %squeeze3A_660 : f32 to vector<16xf32>
        %mul3A_682 = arith.mulf %convert_element_type3A_4, %mul3A_681 : vector<16xf32>
        %swap3A_683 = arith.index_cast %add3A_658 : i32 to index
        %swap3A_684 = arith.constant 32 : index
        %swap3A_685 = tpu.vector_load %arg10[%swap3A_683, %swap3A_684] {strides = array<i32>} : memref<128x128xf32, #tpu.memory_space<vmem>>, vector<16xf32>,
        tpu.vector_store %arg10[%swap3A_683, %swap3A_684], %mul3A_682 {strides = array<i32>} : memref<128x128xf32, #tpu.memory_space<vmem>>, vector<16xf32>,
        %add3A_686 = arith.constant 5 : i32
        %add3A_687 = arith.addi %mul3A_64, %add3A_686 : i32
        %slice3A_688 = vector.extract_strided_slice %exp3A {offsets = [5], sizes = [1], strides = [1]} : vector<16xf32> to vector<1xf32>
        %squeeze3A_689 = vector.extract %slice3A_688[0] : f32 from vector<1xf32>
        %mul3A_690 = arith.constant 32 : i32
        %mul3A_691 = arith.muli %add3A_687, %mul3A_690 : i32
        %get3A_692 = arith.index_cast %mul3A_691 : i32 to index
        %get3A_693 = tpu.vector_load %arg8[%get3A_692] {strides = array<i32>} : memref<4096xf32, #tpu.memory_space<vmem>>, vector<16xf32>,
        %mul3A_694 = vector.broadcast %squeeze3A_689 : f32 to vector<16xf32>
        %mul3A_695 = arith.mulf %get3A_693, %mul3A_694 : vector<16xf32>
        %swap3A_696 = arith.index_cast %add3A_687 : i32 to index
        %swap3A_697 = arith.constant 0 : index
        %swap3A_698 = tpu.vector_load %arg10[%swap3A_696, %swap3A_697] {strides = array<i32>} : memref<128x128xf32, #tpu.memory_space<vmem>>, vector<16xf32>,
        tpu.vector_store %arg10[%swap3A_696, %swap3A_697], %mul3A_695 {strides = array<i32>} : memref<128x128xf32, #tpu.memory_space<vmem>>, vector<16xf32>,
        %mul3A_699 = arith.constant 32 : i32
        %mul3A_700 = arith.muli %add3A_687, %mul3A_699 : i32
        %add3A_701 = arith.constant 16 : i32
        %add3A_702 = arith.addi %mul3A_700, %add3A_701 : i32
        %get3A_703 = arith.index_cast %add3A_702 : i32 to index
        %get3A_704 = tpu.vector_load %arg8[%get3A_703] {strides = array<i32>} : memref<4096xf32, #tpu.memory_space<vmem>>, vector<16xf32>,
        %mul3A_705 = vector.broadcast %squeeze3A_689 : f32 to vector<16xf32>
        %mul3A_706 = arith.mulf %get3A_704, %mul3A_705 : vector<16xf32>
        %swap3A_707 = arith.index_cast %add3A_687 : i32 to index
        %swap3A_708 = arith.constant 16 : index
        %swap3A_709 = tpu.vector_load %arg10[%swap3A_707, %swap3A_708] {strides = array<i32>} : memref<128x128xf32, #tpu.memory_space<vmem>>, vector<16xf32>,
        tpu.vector_store %arg10[%swap3A_707, %swap3A_708], %mul3A_706 {strides = array<i32>} : memref<128x128xf32, #tpu.memory_space<vmem>>, vector<16xf32>,
        %mul3A_710 = vector.broadcast %squeeze3A_689 : f32 to vector<16xf32>
        %mul3A_711 = arith.mulf %convert_element_type3A_4, %mul3A_710 : vector<16xf32>
        %swap3A_712 = arith.index_cast %add3A_687 : i32 to index
        %swap3A_713 = arith.constant 32 : index
        %swap3A_714 = tpu.vector_load %arg10[%swap3A_712, %swap3A_713] {strides = array<i32>} : memref<128x128xf32, #tpu.memory_space<vmem>>, vector<16xf32>,
        tpu.vector_store %arg10[%swap3A_712, %swap3A_713], %mul3A_711 {strides = array<i32>} : memref<128x128xf32, #tpu.memory_space<vmem>>, vector<16xf32>,
        %add3A_715 = arith.constant 6 : i32
        %add3A_716 = arith.addi %mul3A_64, %add3A_715 : i32
        %slice3A_717 = vector.extract_strided_slice %exp3A {offsets = [6], sizes = [1], strides = [1]} : vector<16xf32> to vector<1xf32>
        %squeeze3A_718 = vector.extract %slice3A_717[0] : f32 from vector<1xf32>
        %mul3A_719 = arith.constant 32 : i32
        %mul3A_720 = arith.muli %add3A_716, %mul3A_719 : i32
        %get3A_721 = arith.index_cast %mul3A_720 : i32 to index
        %get3A_722 = tpu.vector_load %arg8[%get3A_721] {strides = array<i32>} : memref<4096xf32, #tpu.memory_space<vmem>>, vector<16xf32>,
        %mul3A_723 = vector.broadcast %squeeze3A_718 : f32 to vector<16xf32>
        %mul3A_724 = arith.mulf %get3A_722, %mul3A_723 : vector<16xf32>
        %swap3A_725 = arith.index_cast %add3A_716 : i32 to index
        %swap3A_726 = arith.constant 0 : index
        %swap3A_727 = tpu.vector_load %arg10[%swap3A_725, %swap3A_726] {strides = array<i32>} : memref<128x128xf32, #tpu.memory_space<vmem>>, vector<16xf32>,
        tpu.vector_store %arg10[%swap3A_725, %swap3A_726], %mul3A_724 {strides = array<i32>} : memref<128x128xf32, #tpu.memory_space<vmem>>, vector<16xf32>,
        %mul3A_728 = arith.constant 32 : i32
        %mul3A_729 = arith.muli %add3A_716, %mul3A_728 : i32
        %add3A_730 = arith.constant 16 : i32
        %add3A_731 = arith.addi %mul3A_729, %add3A_730 : i32
        %get3A_732 = arith.index_cast %add3A_731 : i32 to index
        %get3A_733 = tpu.vector_load %arg8[%get3A_732] {strides = array<i32>} : memref<4096xf32, #tpu.memory_space<vmem>>, vector<16xf32>,
        %mul3A_734 = vector.broadcast %squeeze3A_718 : f32 to vector<16xf32>
        %mul3A_735 = arith.mulf %get3A_733, %mul3A_734 : vector<16xf32>
        %swap3A_736 = arith.index_cast %add3A_716 : i32 to index
        %swap3A_737 = arith.constant 16 : index
        %swap3A_738 = tpu.vector_load %arg10[%swap3A_736, %swap3A_737] {strides = array<i32>} : memref<128x128xf32, #tpu.memory_space<vmem>>, vector<16xf32>,
        tpu.vector_store %arg10[%swap3A_736, %swap3A_737], %mul3A_735 {strides = array<i32>} : memref<128x128xf32, #tpu.memory_space<vmem>>, vector<16xf32>,
        %mul3A_739 = vector.broadcast %squeeze3A_718 : f32 to vector<16xf32>
        %mul3A_740 = arith.mulf %convert_element_type3A_4, %mul3A_739 : vector<16xf32>
        %swap3A_741 = arith.index_cast %add3A_716 : i32 to index
        %swap3A_742 = arith.constant 32 : index
        %swap3A_743 = tpu.vector_load %arg10[%swap3A_741, %swap3A_742] {strides = array<i32>} : memref<128x128xf32, #tpu.memory_space<vmem>>, vector<16xf32>,
        tpu.vector_store %arg10[%swap3A_741, %swap3A_742], %mul3A_740 {strides = array<i32>} : memref<128x128xf32, #tpu.memory_space<vmem>>, vector<16xf32>,
        %add3A_744 = arith.constant 7 : i32
        %add3A_745 = arith.addi %mul3A_64, %add3A_744 : i32
        %slice3A_746 = vector.extract_strided_slice %exp3A {offsets = [7], sizes = [1], strides = [1]} : vector<16xf32> to vector<1xf32>
        %squeeze3A_747 = vector.extract %slice3A_746[0] : f32 from vector<1xf32>
        %mul3A_748 = arith.constant 32 : i32
        %mul3A_749 = arith.muli %add3A_745, %mul3A_748 : i32
        %get3A_750 = arith.index_cast %mul3A_749 : i32 to index
        %get3A_751 = tpu.vector_load %arg8[%get3A_750] {strides = array<i32>} : memref<4096xf32, #tpu.memory_space<vmem>>, vector<16xf32>,
        %mul3A_752 = vector.broadcast %squeeze3A_747 : f32 to vector<16xf32>
        %mul3A_753 = arith.mulf %get3A_751, %mul3A_752 : vector<16xf32>
        %swap3A_754 = arith.index_cast %add3A_745 : i32 to index
        %swap3A_755 = arith.constant 0 : index
        %swap3A_756 = tpu.vector_load %arg10[%swap3A_754, %swap3A_755] {strides = array<i32>} : memref<128x128xf32, #tpu.memory_space<vmem>>, vector<16xf32>,
        tpu.vector_store %arg10[%swap3A_754, %swap3A_755], %mul3A_753 {strides = array<i32>} : memref<128x128xf32, #tpu.memory_space<vmem>>, vector<16xf32>,
        %mul3A_757 = arith.constant 32 : i32
        %mul3A_758 = arith.muli %add3A_745, %mul3A_757 : i32
        %add3A_759 = arith.constant 16 : i32
        %add3A_760 = arith.addi %mul3A_758, %add3A_759 : i32
        %get3A_761 = arith.index_cast %add3A_760 : i32 to index
        %get3A_762 = tpu.vector_load %arg8[%get3A_761] {strides = array<i32>} : memref<4096xf32, #tpu.memory_space<vmem>>, vector<16xf32>,
        %mul3A_763 = vector.broadcast %squeeze3A_747 : f32 to vector<16xf32>
        %mul3A_764 = arith.mulf %get3A_762, %mul3A_763 : vector<16xf32>
        %swap3A_765 = arith.index_cast %add3A_745 : i32 to index
        %swap3A_766 = arith.constant 16 : index
        %swap3A_767 = tpu.vector_load %arg10[%swap3A_765, %swap3A_766] {strides = array<i32>} : memref<128x128xf32, #tpu.memory_space<vmem>>, vector<16xf32>,
        tpu.vector_store %arg10[%swap3A_765, %swap3A_766], %mul3A_764 {strides = array<i32>} : memref<128x128xf32, #tpu.memory_space<vmem>>, vector<16xf32>,
        %mul3A_768 = vector.broadcast %squeeze3A_747 : f32 to vector<16xf32>
        %mul3A_769 = arith.mulf %convert_element_type3A_4, %mul3A_768 : vector<16xf32>
        %swap3A_770 = arith.index_cast %add3A_745 : i32 to index
        %swap3A_771 = arith.constant 32 : index
        %swap3A_772 = tpu.vector_load %arg10[%swap3A_770, %swap3A_771] {strides = array<i32>} : memref<128x128xf32, #tpu.memory_space<vmem>>, vector<16xf32>,
        tpu.vector_store %arg10[%swap3A_770, %swap3A_771], %mul3A_769 {strides = array<i32>} : memref<128x128xf32, #tpu.memory_space<vmem>>, vector<16xf32>,
        %add3A_773 = arith.constant 8 : i32
        %add3A_774 = arith.addi %mul3A_64, %add3A_773 : i32
        %slice3A_775 = vector.extract_strided_slice %exp3A {offsets = [8], sizes = [1], strides = [1]} : vector<16xf32> to vector<1xf32>
        %squeeze3A_776 = vector.extract %slice3A_775[0] : f32 from vector<1xf32>
        %mul3A_777 = arith.constant 32 : i32
        %mul3A_778 = arith.muli %add3A_774, %mul3A_777 : i32
        %get3A_779 = arith.index_cast %mul3A_778 : i32 to index
        %get3A_780 = tpu.vector_load %arg8[%get3A_779] {strides = array<i32>} : memref<4096xf32, #tpu.memory_space<vmem>>, vector<16xf32>,
        %mul3A_781 = vector.broadcast %squeeze3A_776 : f32 to vector<16xf32>
        %mul3A_782 = arith.mulf %get3A_780, %mul3A_781 : vector<16xf32>
        %swap3A_783 = arith.index_cast %add3A_774 : i32 to index
        %swap3A_784 = arith.constant 0 : index
        %swap3A_785 = tpu.vector_load %arg10[%swap3A_783, %swap3A_784] {strides = array<i32>} : memref<128x128xf32, #tpu.memory_space<vmem>>, vector<16xf32>,
        tpu.vector_store %arg10[%swap3A_783, %swap3A_784], %mul3A_782 {strides = array<i32>} : memref<128x128xf32, #tpu.memory_space<vmem>>, vector<16xf32>,
        %mul3A_786 = arith.constant 32 : i32
        %mul3A_787 = arith.muli %add3A_774, %mul3A_786 : i32
        %add3A_788 = arith.constant 16 : i32
        %add3A_789 = arith.addi %mul3A_787, %add3A_788 : i32
        %get3A_790 = arith.index_cast %add3A_789 : i32 to index
        %get3A_791 = tpu.vector_load %arg8[%get3A_790] {strides = array<i32>} : memref<4096xf32, #tpu.memory_space<vmem>>, vector<16xf32>,
        %mul3A_792 = vector.broadcast %squeeze3A_776 : f32 to vector<16xf32>
        %mul3A_793 = arith.mulf %get3A_791, %mul3A_792 : vector<16xf32>
        %swap3A_794 = arith.index_cast %add3A_774 : i32 to index
        %swap3A_795 = arith.constant 16 : index
        %swap3A_796 = tpu.vector_load %arg10[%swap3A_794, %swap3A_795] {strides = array<i32>} : memref<128x128xf32, #tpu.memory_space<vmem>>, vector<16xf32>,
        tpu.vector_store %arg10[%swap3A_794, %swap3A_795], %mul3A_793 {strides = array<i32>} : memref<128x128xf32, #tpu.memory_space<vmem>>, vector<16xf32>,
        %mul3A_797 = vector.broadcast %squeeze3A_776 : f32 to vector<16xf32>
        %mul3A_798 = arith.mulf %convert_element_type3A_4, %mul3A_797 : vector<16xf32>
        %swap3A_799 = arith.index_cast %add3A_774 : i32 to index
        %swap3A_800 = arith.constant 32 : index
        %swap3A_801 = tpu.vector_load %arg10[%swap3A_799, %swap3A_800] {strides = array<i32>} : memref<128x128xf32, #tpu.memory_space<vmem>>, vector<16xf32>,
        tpu.vector_store %arg10[%swap3A_799, %swap3A_800], %mul3A_798 {strides = array<i32>} : memref<128x128xf32, #tpu.memory_space<vmem>>, vector<16xf32>,
        %add3A_802 = arith.constant 9 : i32
        %add3A_803 = arith.addi %mul3A_64, %add3A_802 : i32
        %slice3A_804 = vector.extract_strided_slice %exp3A {offsets = [9], sizes = [1], strides = [1]} : vector<16xf32> to vector<1xf32>
        %squeeze3A_805 = vector.extract %slice3A_804[0] : f32 from vector<1xf32>
        %mul3A_806 = arith.constant 32 : i32
        %mul3A_807 = arith.muli %add3A_803, %mul3A_806 : i32
        %get3A_808 = arith.index_cast %mul3A_807 : i32 to index
        %get3A_809 = tpu.vector_load %arg8[%get3A_808] {strides = array<i32>} : memref<4096xf32, #tpu.memory_space<vmem>>, vector<16xf32>,
        %mul3A_810 = vector.broadcast %squeeze3A_805 : f32 to vector<16xf32>
        %mul3A_811 = arith.mulf %get3A_809, %mul3A_810 : vector<16xf32>
        %swap3A_812 = arith.index_cast %add3A_803 : i32 to index
        %swap3A_813 = arith.constant 0 : index
        %swap3A_814 = tpu.vector_load %arg10[%swap3A_812, %swap3A_813] {strides = array<i32>} : memref<128x128xf32, #tpu.memory_space<vmem>>, vector<16xf32>,
        tpu.vector_store %arg10[%swap3A_812, %swap3A_813], %mul3A_811 {strides = array<i32>} : memref<128x128xf32, #tpu.memory_space<vmem>>, vector<16xf32>,
        %mul3A_815 = arith.constant 32 : i32
        %mul3A_816 = arith.muli %add3A_803, %mul3A_815 : i32
        %add3A_817 = arith.constant 16 : i32
        %add3A_818 = arith.addi %mul3A_816, %add3A_817 : i32
        %get3A_819 = arith.index_cast %add3A_818 : i32 to index
        %get3A_820 = tpu.vector_load %arg8[%get3A_819] {strides = array<i32>} : memref<4096xf32, #tpu.memory_space<vmem>>, vector<16xf32>,
        %mul3A_821 = vector.broadcast %squeeze3A_805 : f32 to vector<16xf32>
        %mul3A_822 = arith.mulf %get3A_820, %mul3A_821 : vector<16xf32>
        %swap3A_823 = arith.index_cast %add3A_803 : i32 to index
        %swap3A_824 = arith.constant 16 : index
        %swap3A_825 = tpu.vector_load %arg10[%swap3A_823, %swap3A_824] {strides = array<i32>} : memref<128x128xf32, #tpu.memory_space<vmem>>, vector<16xf32>,
        tpu.vector_store %arg10[%swap3A_823, %swap3A_824], %mul3A_822 {strides = array<i32>} : memref<128x128xf32, #tpu.memory_space<vmem>>, vector<16xf32>,
        %mul3A_826 = vector.broadcast %squeeze3A_805 : f32 to vector<16xf32>
        %mul3A_827 = arith.mulf %convert_element_type3A_4, %mul3A_826 : vector<16xf32>
        %swap3A_828 = arith.index_cast %add3A_803 : i32 to index
        %swap3A_829 = arith.constant 32 : index
        %swap3A_830 = tpu.vector_load %arg10[%swap3A_828, %swap3A_829] {strides = array<i32>} : memref<128x128xf32, #tpu.memory_space<vmem>>, vector<16xf32>,
        tpu.vector_store %arg10[%swap3A_828, %swap3A_829], %mul3A_827 {strides = array<i32>} : memref<128x128xf32, #tpu.memory_space<vmem>>, vector<16xf32>,
        %add3A_831 = arith.constant 10 : i32
        %add3A_832 = arith.addi %mul3A_64, %add3A_831 : i32
        %slice3A_833 = vector.extract_strided_slice %exp3A {offsets = [10], sizes = [1], strides = [1]} : vector<16xf32> to vector<1xf32>
        %squeeze3A_834 = vector.extract %slice3A_833[0] : f32 from vector<1xf32>
        %mul3A_835 = arith.constant 32 : i32
        %mul3A_836 = arith.muli %add3A_832, %mul3A_835 : i32
        %get3A_837 = arith.index_cast %mul3A_836 : i32 to index
        %get3A_838 = tpu.vector_load %arg8[%get3A_837] {strides = array<i32>} : memref<4096xf32, #tpu.memory_space<vmem>>, vector<16xf32>,
        %mul3A_839 = vector.broadcast %squeeze3A_834 : f32 to vector<16xf32>
        %mul3A_840 = arith.mulf %get3A_838, %mul3A_839 : vector<16xf32>
        %swap3A_841 = arith.index_cast %add3A_832 : i32 to index
        %swap3A_842 = arith.constant 0 : index
        %swap3A_843 = tpu.vector_load %arg10[%swap3A_841, %swap3A_842] {strides = array<i32>} : memref<128x128xf32, #tpu.memory_space<vmem>>, vector<16xf32>,
        tpu.vector_store %arg10[%swap3A_841, %swap3A_842], %mul3A_840 {strides = array<i32>} : memref<128x128xf32, #tpu.memory_space<vmem>>, vector<16xf32>,
        %mul3A_844 = arith.constant 32 : i32
        %mul3A_845 = arith.muli %add3A_832, %mul3A_844 : i32
        %add3A_846 = arith.constant 16 : i32
        %add3A_847 = arith.addi %mul3A_845, %add3A_846 : i32
        %get3A_848 = arith.index_cast %add3A_847 : i32 to index
        %get3A_849 = tpu.vector_load %arg8[%get3A_848] {strides = array<i32>} : memref<4096xf32, #tpu.memory_space<vmem>>, vector<16xf32>,
        %mul3A_850 = vector.broadcast %squeeze3A_834 : f32 to vector<16xf32>
        %mul3A_851 = arith.mulf %get3A_849, %mul3A_850 : vector<16xf32>
        %swap3A_852 = arith.index_cast %add3A_832 : i32 to index
        %swap3A_853 = arith.constant 16 : index
        %swap3A_854 = tpu.vector_load %arg10[%swap3A_852, %swap3A_853] {strides = array<i32>} : memref<128x128xf32, #tpu.memory_space<vmem>>, vector<16xf32>,
        tpu.vector_store %arg10[%swap3A_852, %swap3A_853], %mul3A_851 {strides = array<i32>} : memref<128x128xf32, #tpu.memory_space<vmem>>, vector<16xf32>,
        %mul3A_855 = vector.broadcast %squeeze3A_834 : f32 to vector<16xf32>
        %mul3A_856 = arith.mulf %convert_element_type3A_4, %mul3A_855 : vector<16xf32>
        %swap3A_857 = arith.index_cast %add3A_832 : i32 to index
        %swap3A_858 = arith.constant 32 : index
        %swap3A_859 = tpu.vector_load %arg10[%swap3A_857, %swap3A_858] {strides = array<i32>} : memref<128x128xf32, #tpu.memory_space<vmem>>, vector<16xf32>,
        tpu.vector_store %arg10[%swap3A_857, %swap3A_858], %mul3A_856 {strides = array<i32>} : memref<128x128xf32, #tpu.memory_space<vmem>>, vector<16xf32>,
        %add3A_860 = arith.constant 11 : i32
        %add3A_861 = arith.addi %mul3A_64, %add3A_860 : i32
        %slice3A_862 = vector.extract_strided_slice %exp3A {offsets = [11], sizes = [1], strides = [1]} : vector<16xf32> to vector<1xf32>
        %squeeze3A_863 = vector.extract %slice3A_862[0] : f32 from vector<1xf32>
        %mul3A_864 = arith.constant 32 : i32
        %mul3A_865 = arith.muli %add3A_861, %mul3A_864 : i32
        %get3A_866 = arith.index_cast %mul3A_865 : i32 to index
        %get3A_867 = tpu.vector_load %arg8[%get3A_866] {strides = array<i32>} : memref<4096xf32, #tpu.memory_space<vmem>>, vector<16xf32>,
        %mul3A_868 = vector.broadcast %squeeze3A_863 : f32 to vector<16xf32>
        %mul3A_869 = arith.mulf %get3A_867, %mul3A_868 : vector<16xf32>
        %swap3A_870 = arith.index_cast %add3A_861 : i32 to index
        %swap3A_871 = arith.constant 0 : index
        %swap3A_872 = tpu.vector_load %arg10[%swap3A_870, %swap3A_871] {strides = array<i32>} : memref<128x128xf32, #tpu.memory_space<vmem>>, vector<16xf32>,
        tpu.vector_store %arg10[%swap3A_870, %swap3A_871], %mul3A_869 {strides = array<i32>} : memref<128x128xf32, #tpu.memory_space<vmem>>, vector<16xf32>,
        %mul3A_873 = arith.constant 32 : i32
        %mul3A_874 = arith.muli %add3A_861, %mul3A_873 : i32
        %add3A_875 = arith.constant 16 : i32
        %add3A_876 = arith.addi %mul3A_874, %add3A_875 : i32
        %get3A_877 = arith.index_cast %add3A_876 : i32 to index
        %get3A_878 = tpu.vector_load %arg8[%get3A_877] {strides = array<i32>} : memref<4096xf32, #tpu.memory_space<vmem>>, vector<16xf32>,
        %mul3A_879 = vector.broadcast %squeeze3A_863 : f32 to vector<16xf32>
        %mul3A_880 = arith.mulf %get3A_878, %mul3A_879 : vector<16xf32>
        %swap3A_881 = arith.index_cast %add3A_861 : i32 to index
        %swap3A_882 = arith.constant 16 : index
        %swap3A_883 = tpu.vector_load %arg10[%swap3A_881, %swap3A_882] {strides = array<i32>} : memref<128x128xf32, #tpu.memory_space<vmem>>, vector<16xf32>,
        tpu.vector_store %arg10[%swap3A_881, %swap3A_882], %mul3A_880 {strides = array<i32>} : memref<128x128xf32, #tpu.memory_space<vmem>>, vector<16xf32>,
        %mul3A_884 = vector.broadcast %squeeze3A_863 : f32 to vector<16xf32>
        %mul3A_885 = arith.mulf %convert_element_type3A_4, %mul3A_884 : vector<16xf32>
        %swap3A_886 = arith.index_cast %add3A_861 : i32 to index
        %swap3A_887 = arith.constant 32 : index
        %swap3A_888 = tpu.vector_load %arg10[%swap3A_886, %swap3A_887] {strides = array<i32>} : memref<128x128xf32, #tpu.memory_space<vmem>>, vector<16xf32>,
        tpu.vector_store %arg10[%swap3A_886, %swap3A_887], %mul3A_885 {strides = array<i32>} : memref<128x128xf32, #tpu.memory_space<vmem>>, vector<16xf32>,
        %add3A_889 = arith.constant 12 : i32
        %add3A_890 = arith.addi %mul3A_64, %add3A_889 : i32
        %slice3A_891 = vector.extract_strided_slice %exp3A {offsets = [12], sizes = [1], strides = [1]} : vector<16xf32> to vector<1xf32>
        %squeeze3A_892 = vector.extract %slice3A_891[0] : f32 from vector<1xf32>
        %mul3A_893 = arith.constant 32 : i32
        %mul3A_894 = arith.muli %add3A_890, %mul3A_893 : i32
        %get3A_895 = arith.index_cast %mul3A_894 : i32 to index
        %get3A_896 = tpu.vector_load %arg8[%get3A_895] {strides = array<i32>} : memref<4096xf32, #tpu.memory_space<vmem>>, vector<16xf32>,
        %mul3A_897 = vector.broadcast %squeeze3A_892 : f32 to vector<16xf32>
        %mul3A_898 = arith.mulf %get3A_896, %mul3A_897 : vector<16xf32>
        %swap3A_899 = arith.index_cast %add3A_890 : i32 to index
        %swap3A_900 = arith.constant 0 : index
        %swap3A_901 = tpu.vector_load %arg10[%swap3A_899, %swap3A_900] {strides = array<i32>} : memref<128x128xf32, #tpu.memory_space<vmem>>, vector<16xf32>,
        tpu.vector_store %arg10[%swap3A_899, %swap3A_900], %mul3A_898 {strides = array<i32>} : memref<128x128xf32, #tpu.memory_space<vmem>>, vector<16xf32>,
        %mul3A_902 = arith.constant 32 : i32
        %mul3A_903 = arith.muli %add3A_890, %mul3A_902 : i32
        %add3A_904 = arith.constant 16 : i32
        %add3A_905 = arith.addi %mul3A_903, %add3A_904 : i32
        %get3A_906 = arith.index_cast %add3A_905 : i32 to index
        %get3A_907 = tpu.vector_load %arg8[%get3A_906] {strides = array<i32>} : memref<4096xf32, #tpu.memory_space<vmem>>, vector<16xf32>,
        %mul3A_908 = vector.broadcast %squeeze3A_892 : f32 to vector<16xf32>
        %mul3A_909 = arith.mulf %get3A_907, %mul3A_908 : vector<16xf32>
        %swap3A_910 = arith.index_cast %add3A_890 : i32 to index
        %swap3A_911 = arith.constant 16 : index
        %swap3A_912 = tpu.vector_load %arg10[%swap3A_910, %swap3A_911] {strides = array<i32>} : memref<128x128xf32, #tpu.memory_space<vmem>>, vector<16xf32>,
        tpu.vector_store %arg10[%swap3A_910, %swap3A_911], %mul3A_909 {strides = array<i32>} : memref<128x128xf32, #tpu.memory_space<vmem>>, vector<16xf32>,
        %mul3A_913 = vector.broadcast %squeeze3A_892 : f32 to vector<16xf32>
        %mul3A_914 = arith.mulf %convert_element_type3A_4, %mul3A_913 : vector<16xf32>
        %swap3A_915 = arith.index_cast %add3A_890 : i32 to index
        %swap3A_916 = arith.constant 32 : index
        %swap3A_917 = tpu.vector_load %arg10[%swap3A_915, %swap3A_916] {strides = array<i32>} : memref<128x128xf32, #tpu.memory_space<vmem>>, vector<16xf32>,
        tpu.vector_store %arg10[%swap3A_915, %swap3A_916], %mul3A_914 {strides = array<i32>} : memref<128x128xf32, #tpu.memory_space<vmem>>, vector<16xf32>,
        %add3A_918 = arith.constant 13 : i32
        %add3A_919 = arith.addi %mul3A_64, %add3A_918 : i32
        %slice3A_920 = vector.extract_strided_slice %exp3A {offsets = [13], sizes = [1], strides = [1]} : vector<16xf32> to vector<1xf32>
        %squeeze3A_921 = vector.extract %slice3A_920[0] : f32 from vector<1xf32>
        %mul3A_922 = arith.constant 32 : i32
        %mul3A_923 = arith.muli %add3A_919, %mul3A_922 : i32
        %get3A_924 = arith.index_cast %mul3A_923 : i32 to index
        %get3A_925 = tpu.vector_load %arg8[%get3A_924] {strides = array<i32>} : memref<4096xf32, #tpu.memory_space<vmem>>, vector<16xf32>,
        %mul3A_926 = vector.broadcast %squeeze3A_921 : f32 to vector<16xf32>
        %mul3A_927 = arith.mulf %get3A_925, %mul3A_926 : vector<16xf32>
        %swap3A_928 = arith.index_cast %add3A_919 : i32 to index
        %swap3A_929 = arith.constant 0 : index
        %swap3A_930 = tpu.vector_load %arg10[%swap3A_928, %swap3A_929] {strides = array<i32>} : memref<128x128xf32, #tpu.memory_space<vmem>>, vector<16xf32>,
        tpu.vector_store %arg10[%swap3A_928, %swap3A_929], %mul3A_927 {strides = array<i32>} : memref<128x128xf32, #tpu.memory_space<vmem>>, vector<16xf32>,
        %mul3A_931 = arith.constant 32 : i32
        %mul3A_932 = arith.muli %add3A_919, %mul3A_931 : i32
        %add3A_933 = arith.constant 16 : i32
        %add3A_934 = arith.addi %mul3A_932, %add3A_933 : i32
        %get3A_935 = arith.index_cast %add3A_934 : i32 to index
        %get3A_936 = tpu.vector_load %arg8[%get3A_935] {strides = array<i32>} : memref<4096xf32, #tpu.memory_space<vmem>>, vector<16xf32>,
        %mul3A_937 = vector.broadcast %squeeze3A_921 : f32 to vector<16xf32>
        %mul3A_938 = arith.mulf %get3A_936, %mul3A_937 : vector<16xf32>
        %swap3A_939 = arith.index_cast %add3A_919 : i32 to index
        %swap3A_940 = arith.constant 16 : index
        %swap3A_941 = tpu.vector_load %arg10[%swap3A_939, %swap3A_940] {strides = array<i32>} : memref<128x128xf32, #tpu.memory_space<vmem>>, vector<16xf32>,
        tpu.vector_store %arg10[%swap3A_939, %swap3A_940], %mul3A_938 {strides = array<i32>} : memref<128x128xf32, #tpu.memory_space<vmem>>, vector<16xf32>,
        %mul3A_942 = vector.broadcast %squeeze3A_921 : f32 to vector<16xf32>
        %mul3A_943 = arith.mulf %convert_element_type3A_4, %mul3A_942 : vector<16xf32>
        %swap3A_944 = arith.index_cast %add3A_919 : i32 to index
        %swap3A_945 = arith.constant 32 : index
        %swap3A_946 = tpu.vector_load %arg10[%swap3A_944, %swap3A_945] {strides = array<i32>} : memref<128x128xf32, #tpu.memory_space<vmem>>, vector<16xf32>,
        tpu.vector_store %arg10[%swap3A_944, %swap3A_945], %mul3A_943 {strides = array<i32>} : memref<128x128xf32, #tpu.memory_space<vmem>>, vector<16xf32>,
        %add3A_947 = arith.constant 14 : i32
        %add3A_948 = arith.addi %mul3A_64, %add3A_947 : i32
        %slice3A_949 = vector.extract_strided_slice %exp3A {offsets = [14], sizes = [1], strides = [1]} : vector<16xf32> to vector<1xf32>
        %squeeze3A_950 = vector.extract %slice3A_949[0] : f32 from vector<1xf32>
        %mul3A_951 = arith.constant 32 : i32
        %mul3A_952 = arith.muli %add3A_948, %mul3A_951 : i32
        %get3A_953 = arith.index_cast %mul3A_952 : i32 to index
        %get3A_954 = tpu.vector_load %arg8[%get3A_953] {strides = array<i32>} : memref<4096xf32, #tpu.memory_space<vmem>>, vector<16xf32>,
        %mul3A_955 = vector.broadcast %squeeze3A_950 : f32 to vector<16xf32>
        %mul3A_956 = arith.mulf %get3A_954, %mul3A_955 : vector<16xf32>
        %swap3A_957 = arith.index_cast %add3A_948 : i32 to index
        %swap3A_958 = arith.constant 0 : index
        %swap3A_959 = tpu.vector_load %arg10[%swap3A_957, %swap3A_958] {strides = array<i32>} : memref<128x128xf32, #tpu.memory_space<vmem>>, vector<16xf32>,
        tpu.vector_store %arg10[%swap3A_957, %swap3A_958], %mul3A_956 {strides = array<i32>} : memref<128x128xf32, #tpu.memory_space<vmem>>, vector<16xf32>,
        %mul3A_960 = arith.constant 32 : i32
        %mul3A_961 = arith.muli %add3A_948, %mul3A_960 : i32
        %add3A_962 = arith.constant 16 : i32
        %add3A_963 = arith.addi %mul3A_961, %add3A_962 : i32
        %get3A_964 = arith.index_cast %add3A_963 : i32 to index
        %get3A_965 = tpu.vector_load %arg8[%get3A_964] {strides = array<i32>} : memref<4096xf32, #tpu.memory_space<vmem>>, vector<16xf32>,
        %mul3A_966 = vector.broadcast %squeeze3A_950 : f32 to vector<16xf32>
        %mul3A_967 = arith.mulf %get3A_965, %mul3A_966 : vector<16xf32>
        %swap3A_968 = arith.index_cast %add3A_948 : i32 to index
        %swap3A_969 = arith.constant 16 : index
        %swap3A_970 = tpu.vector_load %arg10[%swap3A_968, %swap3A_969] {strides = array<i32>} : memref<128x128xf32, #tpu.memory_space<vmem>>, vector<16xf32>,
        tpu.vector_store %arg10[%swap3A_968, %swap3A_969], %mul3A_967 {strides = array<i32>} : memref<128x128xf32, #tpu.memory_space<vmem>>, vector<16xf32>,
        %mul3A_971 = vector.broadcast %squeeze3A_950 : f32 to vector<16xf32>
        %mul3A_972 = arith.mulf %convert_element_type3A_4, %mul3A_971 : vector<16xf32>
        %swap3A_973 = arith.index_cast %add3A_948 : i32 to index
        %swap3A_974 = arith.constant 32 : index
        %swap3A_975 = tpu.vector_load %arg10[%swap3A_973, %swap3A_974] {strides = array<i32>} : memref<128x128xf32, #tpu.memory_space<vmem>>, vector<16xf32>,
        tpu.vector_store %arg10[%swap3A_973, %swap3A_974], %mul3A_972 {strides = array<i32>} : memref<128x128xf32, #tpu.memory_space<vmem>>, vector<16xf32>,
        %add3A_976 = arith.constant 15 : i32
        %add3A_977 = arith.addi %mul3A_64, %add3A_976 : i32
        %slice3A_978 = vector.extract_strided_slice %exp3A {offsets = [15], sizes = [1], strides = [1]} : vector<16xf32> to vector<1xf32>
        %squeeze3A_979 = vector.extract %slice3A_978[0] : f32 from vector<1xf32>
        %mul3A_980 = arith.constant 32 : i32
        %mul3A_981 = arith.muli %add3A_977, %mul3A_980 : i32
        %get3A_982 = arith.index_cast %mul3A_981 : i32 to index
        %get3A_983 = tpu.vector_load %arg8[%get3A_982] {strides = array<i32>} : memref<4096xf32, #tpu.memory_space<vmem>>, vector<16xf32>,
        %mul3A_984 = vector.broadcast %squeeze3A_979 : f32 to vector<16xf32>
        %mul3A_985 = arith.mulf %get3A_983, %mul3A_984 : vector<16xf32>
        %swap3A_986 = arith.index_cast %add3A_977 : i32 to index
        %swap3A_987 = arith.constant 0 : index
        %swap3A_988 = tpu.vector_load %arg10[%swap3A_986, %swap3A_987] {strides = array<i32>} : memref<128x128xf32, #tpu.memory_space<vmem>>, vector<16xf32>,
        tpu.vector_store %arg10[%swap3A_986, %swap3A_987], %mul3A_985 {strides = array<i32>} : memref<128x128xf32, #tpu.memory_space<vmem>>, vector<16xf32>,
        %mul3A_989 = arith.constant 32 : i32
        %mul3A_990 = arith.muli %add3A_977, %mul3A_989 : i32
        %add3A_991 = arith.constant 16 : i32
        %add3A_992 = arith.addi %mul3A_990, %add3A_991 : i32
        %get3A_993 = arith.index_cast %add3A_992 : i32 to index
        %get3A_994 = tpu.vector_load %arg8[%get3A_993] {strides = array<i32>} : memref<4096xf32, #tpu.memory_space<vmem>>, vector<16xf32>,
        %mul3A_995 = vector.broadcast %squeeze3A_979 : f32 to vector<16xf32>
        %mul3A_996 = arith.mulf %get3A_994, %mul3A_995 : vector<16xf32>
        %swap3A_997 = arith.index_cast %add3A_977 : i32 to index
        %swap3A_998 = arith.constant 16 : index
        %swap3A_999 = tpu.vector_load %arg10[%swap3A_997, %swap3A_998] {strides = array<i32>} : memref<128x128xf32, #tpu.memory_space<vmem>>, vector<16xf32>,
        tpu.vector_store %arg10[%swap3A_997, %swap3A_998], %mul3A_996 {strides = array<i32>} : memref<128x128xf32, #tpu.memory_space<vmem>>, vector<16xf32>,
        %mul3A_1000 = vector.broadcast %squeeze3A_979 : f32 to vector<16xf32>
        %mul3A_1001 = arith.mulf %convert_element_type3A_4, %mul3A_1000 : vector<16xf32>
        %swap3A_1002 = arith.index_cast %add3A_977 : i32 to index
        %swap3A_1003 = arith.constant 32 : index
        %swap3A_1004 = tpu.vector_load %arg10[%swap3A_1002, %swap3A_1003] {strides = array<i32>} : memref<128x128xf32, #tpu.memory_space<vmem>>, vector<16xf32>,
        tpu.vector_store %arg10[%swap3A_1002, %swap3A_1003], %mul3A_1001 {strides = array<i32>} : memref<128x128xf32, #tpu.memory_space<vmem>>, vector<16xf32>,
      }
      %scan3A_61 = arith.constant 8 : i32
      "tpu.region"() ({
        %run_scoped3A = tpu.sem_alloc : memref<!tpu.dma_semaphore, #tpu.memory_space<semaphore_mem>>
        %dma_start3A_62 = arith.constant 0 : i32
        %dma_start3A_63 = arith.constant 0 : i32
        %dma_start3A_64 = tpu.memref_slice %arg6[%dma_start3A_62, %dma_start3A_63] : memref<10240x128xf32, #tpu.memory_space<vmem_shared>> -> memref<10240x128xf32, #tpu.memory_space<vmem_shared>>
        tpu.enqueue_indirect_dma source(%arg10 : memref<128x128xf32, #tpu.memory_space<vmem>>) target(%dma_start3A_64 : memref<10240x128xf32, #tpu.memory_space<vmem_shared>>) offsets(%arg7 : memref<128xi32, #tpu.memory_space<vmem>>) semaphore(%run_scoped3A : memref<!tpu.dma_semaphore, #tpu.memory_space<semaphore_mem>>) {add = true}
        %dma_wait3A_65 = arith.constant 0 : i32
        %dma_wait3A_66 = arith.constant 0 : i32
        %dma_wait3A_67 = tpu.memref_slice %arg6[%dma_wait3A_65, %dma_wait3A_66] : memref<10240x128xf32, #tpu.memory_space<vmem_shared>> -> memref<10240x128xf32, #tpu.memory_space<vmem_shared>>
        tpu.wait_indirect_dma semaphore(%run_scoped3A : memref<!tpu.dma_semaphore, #tpu.memory_space<semaphore_mem>>) src(%arg10 : memref<128x128xf32, #tpu.memory_space<vmem>>) dst(%dma_wait3A_67 : memref<10240x128xf32, #tpu.memory_space<vmem_shared>>)
        tpu.yield
      }) : () -> ()
    }
    %scan3A_37 = arith.constant 40 : i32
    %barrier3A_38 = arith.constant 0 : index
    tpu.barrier barrier_id(%barrier3A_38)
    %mul3A_39 = arith.constant 640 : i32
    %mul3A_40 = arith.muli %arg1, %mul3A_39 : i32
    %mul3A_41 = arith.constant 10240 : i32
    %mul3A_42 = arith.muli %arg0, %mul3A_41 : i32
    %mul3A_43 = arith.constant 640 : i32
    %mul3A_44 = arith.muli %arg1, %mul3A_43 : i32
    %add3A_45 = arith.addi %mul3A_42, %mul3A_44 : i32
    "tpu.region"() ({
      %run_scoped3A = tpu.sem_alloc : memref<!tpu.dma_semaphore, #tpu.memory_space<semaphore_mem>>
      %dma_start3A = arith.constant 0 : i32
      %dma_start3A_46 = tpu.memref_slice %arg5[%add3A_45, %dma_start3A] : memref<20480x128xf32, #tpu.memory_space<hbm>> -> memref<640x128xf32, #tpu.memory_space<hbm>>
      %dma_start3A_47 = arith.constant 0 : i32
      %dma_start3A_48 = tpu.memref_slice %arg6[%mul3A_40, %dma_start3A_47] : memref<10240x128xf32, #tpu.memory_space<vmem_shared>> -> memref<640x128xf32, #tpu.memory_space<vmem_shared>>
      tpu.enqueue_dma source(%dma_start3A_48 : memref<640x128xf32, #tpu.memory_space<vmem_shared>>) target(%dma_start3A_46 : memref<640x128xf32, #tpu.memory_space<hbm>>) target_semaphore(%run_scoped3A : memref<!tpu.dma_semaphore, #tpu.memory_space<semaphore_mem>>)
      %dma_wait3A = arith.constant 0 : i32
      %dma_wait3A_49 = tpu.memref_slice %arg5[%add3A_45, %dma_wait3A] : memref<20480x128xf32, #tpu.memory_space<hbm>> -> memref<640x128xf32, #tpu.memory_space<hbm>>
      %dma_wait3A_50 = arith.constant 0 : i32
      %dma_wait3A_51 = tpu.memref_slice %arg6[%mul3A_40, %dma_wait3A_50] : memref<10240x128xf32, #tpu.memory_space<vmem_shared>> -> memref<640x128xf32, #tpu.memory_space<vmem_shared>>
      tpu.wait_dma2 semaphore(%run_scoped3A : memref<!tpu.dma_semaphore, #tpu.memory_space<semaphore_mem>>) src(%dma_wait3A_51 : memref<640x128xf32, #tpu.memory_space<vmem_shared>>) dst(%dma_wait3A_49 : memref<640x128xf32, #tpu.memory_space<hbm>>)
      tpu.yield
    }) : () -> ()
    return
  }
}

#map = affine_map<(d0, d1) -> (0, 0)>
#map1 = affine_map<(d0, d1) -> (0)>
module attributes {stable_mosaic.version = 14 : i64} {
  func.func @_scb_body(%arg0: i32, %arg1: i32, %arg2: memref<10000x128xf32, #tpu.memory_space<hbm>>, %arg3: memref<320000xi32, #tpu.memory_space<hbm>>, %arg4: memref<320000xi32, #tpu.memory_space<hbm>>, %arg5: memref<320000x128xf32, #tpu.memory_space<hbm>>, %arg6: memref<320000x128xf32, #tpu.memory_space<hbm>>, %arg7: memref<400xi32, #tpu.memory_space<vmem>>, %arg8: memref<400x128xf32, #tpu.memory_space<vmem>>, %arg9: memref<!tpu.dma_semaphore, #tpu.memory_space<semaphore_mem>>) attributes {dimension_semantics = [#tpu.dimension_semantics<core_parallel>, #tpu.dimension_semantics<subcore_parallel>], iteration_bounds = array<i64: 2, 16>, scalar_prefetch = 0 : i64, scratch_operands = 3 : i64, tpu.core_type = #tpu.core_type<sc_vector_subcore>, window_params = [{transform_indices = #map}, {transform_indices = #map1}, {transform_indices = #map1}, {transform_indices = #map}, {transform_indices = #map}]} {
    %mul3A = arith.constant 2 : i32
    %mul3A_0 = arith.muli %arg1, %mul3A : i32
    %add3A = arith.addi %mul3A_0, %arg0 : i32
    %mul3A_1 = arith.constant 10000 : i32
    %mul3A_2 = arith.muli %add3A, %mul3A_1 : i32
    %scan3A = arith.constant 0 : i32
    %scan3A_3 = arith.constant 0 : i32
    %scan3A_4 = arith.constant 25 : i32
    %scan3A_5 = arith.addi %scan3A_3, %scan3A_4 : i32
    %scan3A_6 = arith.constant 1 : i32
    scf.for %scan3A_8 = %scan3A_3 to %scan3A_5 step %scan3A_6  : i32 {
      %mul3A_9 = arith.constant 400 : i32
      %mul3A_10 = arith.muli %scan3A_8, %mul3A_9 : i32
      %add3A_11 = arith.addi %mul3A_2, %mul3A_10 : i32
      %multiple_of3A = tpu.assume_multiple %add3A_11, 8 : i32
      "tpu.region"() ({
        %run_scoped3A = tpu.sem_alloc : memref<!tpu.dma_semaphore, #tpu.memory_space<semaphore_mem>>
        %dma_start3A_22 = tpu.memref_slice %arg3[%multiple_of3A] : memref<320000xi32, #tpu.memory_space<hbm>> -> memref<400xi32, #tpu.memory_space<hbm>>
        %dma_start3A_23 = tpu.memref_slice %arg3[%multiple_of3A] : memref<320000xi32, #tpu.memory_space<hbm>> -> memref<400xi32, #tpu.memory_space<hbm>>
        tpu.enqueue_dma source(%dma_start3A_23 : memref<400xi32, #tpu.memory_space<hbm>>) target(%arg7 : memref<400xi32, #tpu.memory_space<vmem>>) target_semaphore(%run_scoped3A : memref<!tpu.dma_semaphore, #tpu.memory_space<semaphore_mem>>)
        %dma_wait3A_24 = tpu.memref_slice %arg3[%multiple_of3A] : memref<320000xi32, #tpu.memory_space<hbm>> -> memref<400xi32, #tpu.memory_space<hbm>>
        %dma_wait3A_25 = tpu.memref_slice %arg3[%multiple_of3A] : memref<320000xi32, #tpu.memory_space<hbm>> -> memref<400xi32, #tpu.memory_space<hbm>>
        tpu.wait_dma2 semaphore(%run_scoped3A : memref<!tpu.dma_semaphore, #tpu.memory_space<semaphore_mem>>) src(%dma_wait3A_25 : memref<400xi32, #tpu.memory_space<hbm>>) dst(%arg7 : memref<400xi32, #tpu.memory_space<vmem>>)
        tpu.yield
      }) : () -> ()
      %dma_start3A = arith.constant 0 : i32
      %dma_start3A_12 = arith.constant 0 : i32
      %dma_start3A_13 = tpu.memref_slice %arg2[%dma_start3A, %dma_start3A_12] : memref<10000x128xf32, #tpu.memory_space<hbm>> -> memref<10000x128xf32, #tpu.memory_space<hbm>>
      tpu.enqueue_indirect_dma source(%dma_start3A_13 : memref<10000x128xf32, #tpu.memory_space<hbm>>) target(%arg8 : memref<400x128xf32, #tpu.memory_space<vmem>>) offsets(%arg7 : memref<400xi32, #tpu.memory_space<vmem>>) semaphore(%arg9 : memref<!tpu.dma_semaphore, #tpu.memory_space<semaphore_mem>>)
      %dma_wait3A = arith.constant 0 : i32
      %dma_wait3A_14 = arith.constant 0 : i32
      %dma_wait3A_15 = tpu.memref_slice %arg2[%dma_wait3A, %dma_wait3A_14] : memref<10000x128xf32, #tpu.memory_space<hbm>> -> memref<10000x128xf32, #tpu.memory_space<hbm>>
      tpu.wait_indirect_dma semaphore(%arg9 : memref<!tpu.dma_semaphore, #tpu.memory_space<semaphore_mem>>) src(%dma_wait3A_15 : memref<10000x128xf32, #tpu.memory_space<hbm>>) dst(%arg8 : memref<400x128xf32, #tpu.memory_space<vmem>>)
      "tpu.region"() ({
        %run_scoped3A = tpu.sem_alloc : memref<!tpu.dma_semaphore, #tpu.memory_space<semaphore_mem>>
        %dma_start3A_22 = arith.constant 0 : i32
        %dma_start3A_23 = tpu.memref_slice %arg5[%multiple_of3A, %dma_start3A_22] : memref<320000x128xf32, #tpu.memory_space<hbm>> -> memref<400x128xf32, #tpu.memory_space<hbm>>
        %dma_start3A_24 = arith.constant 0 : i32
        %dma_start3A_25 = tpu.memref_slice %arg5[%multiple_of3A, %dma_start3A_24] : memref<320000x128xf32, #tpu.memory_space<hbm>> -> memref<400x128xf32, #tpu.memory_space<hbm>>
        tpu.enqueue_dma source(%arg8 : memref<400x128xf32, #tpu.memory_space<vmem>>) target(%dma_start3A_25 : memref<400x128xf32, #tpu.memory_space<hbm>>) target_semaphore(%run_scoped3A : memref<!tpu.dma_semaphore, #tpu.memory_space<semaphore_mem>>)
        %dma_wait3A_26 = arith.constant 0 : i32
        %dma_wait3A_27 = tpu.memref_slice %arg5[%multiple_of3A, %dma_wait3A_26] : memref<320000x128xf32, #tpu.memory_space<hbm>> -> memref<400x128xf32, #tpu.memory_space<hbm>>
        %dma_wait3A_28 = arith.constant 0 : i32
        %dma_wait3A_29 = tpu.memref_slice %arg5[%multiple_of3A, %dma_wait3A_28] : memref<320000x128xf32, #tpu.memory_space<hbm>> -> memref<400x128xf32, #tpu.memory_space<hbm>>
        tpu.wait_dma2 semaphore(%run_scoped3A : memref<!tpu.dma_semaphore, #tpu.memory_space<semaphore_mem>>) src(%arg8 : memref<400x128xf32, #tpu.memory_space<vmem>>) dst(%dma_wait3A_29 : memref<400x128xf32, #tpu.memory_space<hbm>>)
        tpu.yield
      }) : () -> ()
      "tpu.region"() ({
        %run_scoped3A = tpu.sem_alloc : memref<!tpu.dma_semaphore, #tpu.memory_space<semaphore_mem>>
        %dma_start3A_22 = tpu.memref_slice %arg4[%multiple_of3A] : memref<320000xi32, #tpu.memory_space<hbm>> -> memref<400xi32, #tpu.memory_space<hbm>>
        %dma_start3A_23 = tpu.memref_slice %arg4[%multiple_of3A] : memref<320000xi32, #tpu.memory_space<hbm>> -> memref<400xi32, #tpu.memory_space<hbm>>
        tpu.enqueue_dma source(%dma_start3A_23 : memref<400xi32, #tpu.memory_space<hbm>>) target(%arg7 : memref<400xi32, #tpu.memory_space<vmem>>) target_semaphore(%run_scoped3A : memref<!tpu.dma_semaphore, #tpu.memory_space<semaphore_mem>>)
        %dma_wait3A_24 = tpu.memref_slice %arg4[%multiple_of3A] : memref<320000xi32, #tpu.memory_space<hbm>> -> memref<400xi32, #tpu.memory_space<hbm>>
        %dma_wait3A_25 = tpu.memref_slice %arg4[%multiple_of3A] : memref<320000xi32, #tpu.memory_space<hbm>> -> memref<400xi32, #tpu.memory_space<hbm>>
        tpu.wait_dma2 semaphore(%run_scoped3A : memref<!tpu.dma_semaphore, #tpu.memory_space<semaphore_mem>>) src(%dma_wait3A_25 : memref<400xi32, #tpu.memory_space<hbm>>) dst(%arg7 : memref<400xi32, #tpu.memory_space<vmem>>)
        tpu.yield
      }) : () -> ()
      %dma_start3A_16 = arith.constant 0 : i32
      %dma_start3A_17 = arith.constant 0 : i32
      %dma_start3A_18 = tpu.memref_slice %arg2[%dma_start3A_16, %dma_start3A_17] : memref<10000x128xf32, #tpu.memory_space<hbm>> -> memref<10000x128xf32, #tpu.memory_space<hbm>>
      tpu.enqueue_indirect_dma source(%dma_start3A_18 : memref<10000x128xf32, #tpu.memory_space<hbm>>) target(%arg8 : memref<400x128xf32, #tpu.memory_space<vmem>>) offsets(%arg7 : memref<400xi32, #tpu.memory_space<vmem>>) semaphore(%arg9 : memref<!tpu.dma_semaphore, #tpu.memory_space<semaphore_mem>>)
      %dma_wait3A_19 = arith.constant 0 : i32
      %dma_wait3A_20 = arith.constant 0 : i32
      %dma_wait3A_21 = tpu.memref_slice %arg2[%dma_wait3A_19, %dma_wait3A_20] : memref<10000x128xf32, #tpu.memory_space<hbm>> -> memref<10000x128xf32, #tpu.memory_space<hbm>>
      tpu.wait_indirect_dma semaphore(%arg9 : memref<!tpu.dma_semaphore, #tpu.memory_space<semaphore_mem>>) src(%dma_wait3A_21 : memref<10000x128xf32, #tpu.memory_space<hbm>>) dst(%arg8 : memref<400x128xf32, #tpu.memory_space<vmem>>)
      "tpu.region"() ({
        %run_scoped3A = tpu.sem_alloc : memref<!tpu.dma_semaphore, #tpu.memory_space<semaphore_mem>>
        %dma_start3A_22 = arith.constant 0 : i32
        %dma_start3A_23 = tpu.memref_slice %arg6[%multiple_of3A, %dma_start3A_22] : memref<320000x128xf32, #tpu.memory_space<hbm>> -> memref<400x128xf32, #tpu.memory_space<hbm>>
        %dma_start3A_24 = arith.constant 0 : i32
        %dma_start3A_25 = tpu.memref_slice %arg6[%multiple_of3A, %dma_start3A_24] : memref<320000x128xf32, #tpu.memory_space<hbm>> -> memref<400x128xf32, #tpu.memory_space<hbm>>
        tpu.enqueue_dma source(%arg8 : memref<400x128xf32, #tpu.memory_space<vmem>>) target(%dma_start3A_25 : memref<400x128xf32, #tpu.memory_space<hbm>>) target_semaphore(%run_scoped3A : memref<!tpu.dma_semaphore, #tpu.memory_space<semaphore_mem>>)
        %dma_wait3A_26 = arith.constant 0 : i32
        %dma_wait3A_27 = tpu.memref_slice %arg6[%multiple_of3A, %dma_wait3A_26] : memref<320000x128xf32, #tpu.memory_space<hbm>> -> memref<400x128xf32, #tpu.memory_space<hbm>>
        %dma_wait3A_28 = arith.constant 0 : i32
        %dma_wait3A_29 = tpu.memref_slice %arg6[%multiple_of3A, %dma_wait3A_28] : memref<320000x128xf32, #tpu.memory_space<hbm>> -> memref<400x128xf32, #tpu.memory_space<hbm>>
        tpu.wait_dma2 semaphore(%run_scoped3A : memref<!tpu.dma_semaphore, #tpu.memory_space<semaphore_mem>>) src(%arg8 : memref<400x128xf32, #tpu.memory_space<vmem>>) dst(%dma_wait3A_29 : memref<400x128xf32, #tpu.memory_space<hbm>>)
        tpu.yield
      }) : () -> ()
    }
    %scan3A_7 = arith.constant 25 : i32
    return
  }
}

#map = affine_map<(d0, d1) -> (0, 0)>
#map1 = affine_map<(d0, d1) -> (0)>
module attributes {stable_mosaic.version = 14 : i64} {
  func.func @_sca_body(%arg0: i32, %arg1: i32, %arg2: memref<10240x128xf32, #tpu.memory_space<hbm>>, %arg3: memref<5242880xf32, #tpu.memory_space<hbm>>, %arg4: memref<163840xi32, #tpu.memory_space<hbm>>, %arg5: memref<20480x128xf32, #tpu.memory_space<hbm>>, %arg6: memref<10240x128xf32, #tpu.memory_space<vmem_shared>>, %arg7: memref<128xi32, #tpu.memory_space<vmem>>, %arg8: memref<4096xf32, #tpu.memory_space<vmem>>, %arg9: memref<128x128xf32, #tpu.memory_space<vmem>>, %arg10: memref<128x128xf32, #tpu.memory_space<vmem>>, %arg11: memref<!tpu.dma_semaphore, #tpu.memory_space<semaphore_mem>>) attributes {dimension_semantics = [#tpu.dimension_semantics<core_parallel>, #tpu.dimension_semantics<subcore_parallel>], iteration_bounds = array<i64: 2, 16>, scalar_prefetch = 0 : i64, scratch_operands = 6 : i64, tpu.core_type = #tpu.core_type<sc_vector_subcore>, window_params = [{transform_indices = #map}, {transform_indices = #map1}, {transform_indices = #map1}, {transform_indices = #map}]} {
    %mul3A = arith.constant 2 : i32
    %mul3A_0 = arith.muli %arg1, %mul3A : i32
    %add3A = arith.addi %mul3A_0, %arg0 : i32
    %broadcast_in_dim3A = arith.constant 0.000000e+00 : f32
    %broadcast_in_dim3A_1 = vector.broadcast %broadcast_in_dim3A : f32 to vector<16xf32>
    %iota3A = tpu.iota {dimensions = array<i32: 0>} : vector<16xi32>
    %eq3A = arith.constant 0 : i32
    %eq3A_2 = vector.broadcast %eq3A : i32 to vector<16xi32>
    %eq3A_3 = arith.cmpi eq, %iota3A, %eq3A_2 : vector<16xi32>
    %convert_element_type3A = arith.extui %eq3A_3 : vector<16xi1> to vector<16xi32>
    %convert_element_type3A_4 = arith.sitofp %convert_element_type3A : vector<16xi32> to vector<16xf32>
    %scan3A = arith.constant 0 : i32
    %scan3A_5 = arith.constant 0 : i32
    %scan3A_6 = arith.constant 128 : i32
    %scan3A_7 = arith.addi %scan3A_5, %scan3A_6 : i32
    %scan3A_8 = arith.constant 1 : i32
    scf.for %scan3A_46 = %scan3A_5 to %scan3A_7 step %scan3A_8  : i32 {
      %swap3A = arith.index_cast %scan3A_46 : i32 to index
      %swap3A_47 = arith.constant 0 : index
      %swap3A_48 = tpu.vector_load %arg10[%swap3A, %swap3A_47] {strides = array<i32>} : memref<128x128xf32, #tpu.memory_space<vmem>>, vector<16xf32>,
      tpu.vector_store %arg10[%swap3A, %swap3A_47], %broadcast_in_dim3A_1 {strides = array<i32>} : memref<128x128xf32, #tpu.memory_space<vmem>>, vector<16xf32>,
      %swap3A_49 = arith.index_cast %scan3A_46 : i32 to index
      %swap3A_50 = arith.constant 16 : index
      %swap3A_51 = tpu.vector_load %arg10[%swap3A_49, %swap3A_50] {strides = array<i32>} : memref<128x128xf32, #tpu.memory_space<vmem>>, vector<16xf32>,
      tpu.vector_store %arg10[%swap3A_49, %swap3A_50], %broadcast_in_dim3A_1 {strides = array<i32>} : memref<128x128xf32, #tpu.memory_space<vmem>>, vector<16xf32>,
      %swap3A_52 = arith.index_cast %scan3A_46 : i32 to index
      %swap3A_53 = arith.constant 32 : index
      %swap3A_54 = tpu.vector_load %arg10[%swap3A_52, %swap3A_53] {strides = array<i32>} : memref<128x128xf32, #tpu.memory_space<vmem>>, vector<16xf32>,
      tpu.vector_store %arg10[%swap3A_52, %swap3A_53], %broadcast_in_dim3A_1 {strides = array<i32>} : memref<128x128xf32, #tpu.memory_space<vmem>>, vector<16xf32>,
      %swap3A_55 = arith.index_cast %scan3A_46 : i32 to index
      %swap3A_56 = arith.constant 48 : index
      %swap3A_57 = tpu.vector_load %arg10[%swap3A_55, %swap3A_56] {strides = array<i32>} : memref<128x128xf32, #tpu.memory_space<vmem>>, vector<16xf32>,
      tpu.vector_store %arg10[%swap3A_55, %swap3A_56], %broadcast_in_dim3A_1 {strides = array<i32>} : memref<128x128xf32, #tpu.memory_space<vmem>>, vector<16xf32>,
      %swap3A_58 = arith.index_cast %scan3A_46 : i32 to index
      %swap3A_59 = arith.constant 64 : index
      %swap3A_60 = tpu.vector_load %arg10[%swap3A_58, %swap3A_59] {strides = array<i32>} : memref<128x128xf32, #tpu.memory_space<vmem>>, vector<16xf32>,
      tpu.vector_store %arg10[%swap3A_58, %swap3A_59], %broadcast_in_dim3A_1 {strides = array<i32>} : memref<128x128xf32, #tpu.memory_space<vmem>>, vector<16xf32>,
      %swap3A_61 = arith.index_cast %scan3A_46 : i32 to index
      %swap3A_62 = arith.constant 80 : index
      %swap3A_63 = tpu.vector_load %arg10[%swap3A_61, %swap3A_62] {strides = array<i32>} : memref<128x128xf32, #tpu.memory_space<vmem>>, vector<16xf32>,
      tpu.vector_store %arg10[%swap3A_61, %swap3A_62], %broadcast_in_dim3A_1 {strides = array<i32>} : memref<128x128xf32, #tpu.memory_space<vmem>>, vector<16xf32>,
      %swap3A_64 = arith.index_cast %scan3A_46 : i32 to index
      %swap3A_65 = arith.constant 96 : index
      %swap3A_66 = tpu.vector_load %arg10[%swap3A_64, %swap3A_65] {strides = array<i32>} : memref<128x128xf32, #tpu.memory_space<vmem>>, vector<16xf32>,
      tpu.vector_store %arg10[%swap3A_64, %swap3A_65], %broadcast_in_dim3A_1 {strides = array<i32>} : memref<128x128xf32, #tpu.memory_space<vmem>>, vector<16xf32>,
      %swap3A_67 = arith.index_cast %scan3A_46 : i32 to index
      %swap3A_68 = arith.constant 112 : index
      %swap3A_69 = tpu.vector_load %arg10[%swap3A_67, %swap3A_68] {strides = array<i32>} : memref<128x128xf32, #tpu.memory_space<vmem>>, vector<16xf32>,
      tpu.vector_store %arg10[%swap3A_67, %swap3A_68], %broadcast_in_dim3A_1 {strides = array<i32>} : memref<128x128xf32, #tpu.memory_space<vmem>>, vector<16xf32>,
    }
    %scan3A_9 = arith.constant 128 : i32
    %mul3A_10 = arith.constant 640 : i32
    %mul3A_11 = arith.muli %arg1, %mul3A_10 : i32
    %add3A_12 = arith.constant 0 : i32
    %add3A_13 = arith.addi %mul3A_11, %add3A_12 : i32
    "tpu.region"() ({
      %run_scoped3A = tpu.sem_alloc : memref<!tpu.dma_semaphore, #tpu.memory_space<semaphore_mem>>
      %dma_start3A = arith.constant 0 : i32
      %dma_start3A_46 = tpu.memref_slice %arg6[%add3A_13, %dma_start3A] : memref<10240x128xf32, #tpu.memory_space<vmem_shared>> -> memref<128x128xf32, #tpu.memory_space<vmem_shared>>
      %dma_start3A_47 = arith.constant 0 : i32
      %dma_start3A_48 = tpu.memref_slice %arg6[%add3A_13, %dma_start3A_47] : memref<10240x128xf32, #tpu.memory_space<vmem_shared>> -> memref<128x128xf32, #tpu.memory_space<vmem_shared>>
      tpu.enqueue_dma source(%arg10 : memref<128x128xf32, #tpu.memory_space<vmem>>) target(%dma_start3A_48 : memref<128x128xf32, #tpu.memory_space<vmem_shared>>) target_semaphore(%run_scoped3A : memref<!tpu.dma_semaphore, #tpu.memory_space<semaphore_mem>>)
      %dma_wait3A = arith.constant 0 : i32
      %dma_wait3A_49 = tpu.memref_slice %arg6[%add3A_13, %dma_wait3A] : memref<10240x128xf32, #tpu.memory_space<vmem_shared>> -> memref<128x128xf32, #tpu.memory_space<vmem_shared>>
      %dma_wait3A_50 = arith.constant 0 : i32
      %dma_wait3A_51 = tpu.memref_slice %arg6[%add3A_13, %dma_wait3A_50] : memref<10240x128xf32, #tpu.memory_space<vmem_shared>> -> memref<128x128xf32, #tpu.memory_space<vmem_shared>>
      tpu.wait_dma2 semaphore(%run_scoped3A : memref<!tpu.dma_semaphore, #tpu.memory_space<semaphore_mem>>) src(%arg10 : memref<128x128xf32, #tpu.memory_space<vmem>>) dst(%dma_wait3A_51 : memref<128x128xf32, #tpu.memory_space<vmem_shared>>)
      tpu.yield
    }) : () -> ()
    %mul3A_14 = arith.constant 640 : i32
    %mul3A_15 = arith.muli %arg1, %mul3A_14 : i32
    %add3A_16 = arith.constant 128 : i32
    %add3A_17 = arith.addi %mul3A_15, %add3A_16 : i32
    "tpu.region"() ({
      %run_scoped3A = tpu.sem_alloc : memref<!tpu.dma_semaphore, #tpu.memory_space<semaphore_mem>>
      %dma_start3A = arith.constant 0 : i32
      %dma_start3A_46 = tpu.memref_slice %arg6[%add3A_17, %dma_start3A] : memref<10240x128xf32, #tpu.memory_space<vmem_shared>> -> memref<128x128xf32, #tpu.memory_space<vmem_shared>>
      %dma_start3A_47 = arith.constant 0 : i32
      %dma_start3A_48 = tpu.memref_slice %arg6[%add3A_17, %dma_start3A_47] : memref<10240x128xf32, #tpu.memory_space<vmem_shared>> -> memref<128x128xf32, #tpu.memory_space<vmem_shared>>
      tpu.enqueue_dma source(%arg10 : memref<128x128xf32, #tpu.memory_space<vmem>>) target(%dma_start3A_48 : memref<128x128xf32, #tpu.memory_space<vmem_shared>>) target_semaphore(%run_scoped3A : memref<!tpu.dma_semaphore, #tpu.memory_space<semaphore_mem>>)
      %dma_wait3A = arith.constant 0 : i32
      %dma_wait3A_49 = tpu.memref_slice %arg6[%add3A_17, %dma_wait3A] : memref<10240x128xf32, #tpu.memory_space<vmem_shared>> -> memref<128x128xf32, #tpu.memory_space<vmem_shared>>
      %dma_wait3A_50 = arith.constant 0 : i32
      %dma_wait3A_51 = tpu.memref_slice %arg6[%add3A_17, %dma_wait3A_50] : memref<10240x128xf32, #tpu.memory_space<vmem_shared>> -> memref<128x128xf32, #tpu.memory_space<vmem_shared>>
      tpu.wait_dma2 semaphore(%run_scoped3A : memref<!tpu.dma_semaphore, #tpu.memory_space<semaphore_mem>>) src(%arg10 : memref<128x128xf32, #tpu.memory_space<vmem>>) dst(%dma_wait3A_51 : memref<128x128xf32, #tpu.memory_space<vmem_shared>>)
      tpu.yield
    }) : () -> ()
    %mul3A_18 = arith.constant 640 : i32
    %mul3A_19 = arith.muli %arg1, %mul3A_18 : i32
    %add3A_20 = arith.constant 256 : i32
    %add3A_21 = arith.addi %mul3A_19, %add3A_20 : i32
    "tpu.region"() ({
      %run_scoped3A = tpu.sem_alloc : memref<!tpu.dma_semaphore, #tpu.memory_space<semaphore_mem>>
      %dma_start3A = arith.constant 0 : i32
      %dma_start3A_46 = tpu.memref_slice %arg6[%add3A_21, %dma_start3A] : memref<10240x128xf32, #tpu.memory_space<vmem_shared>> -> memref<128x128xf32, #tpu.memory_space<vmem_shared>>
      %dma_start3A_47 = arith.constant 0 : i32
      %dma_start3A_48 = tpu.memref_slice %arg6[%add3A_21, %dma_start3A_47] : memref<10240x128xf32, #tpu.memory_space<vmem_shared>> -> memref<128x128xf32, #tpu.memory_space<vmem_shared>>
      tpu.enqueue_dma source(%arg10 : memref<128x128xf32, #tpu.memory_space<vmem>>) target(%dma_start3A_48 : memref<128x128xf32, #tpu.memory_space<vmem_shared>>) target_semaphore(%run_scoped3A : memref<!tpu.dma_semaphore, #tpu.memory_space<semaphore_mem>>)
      %dma_wait3A = arith.constant 0 : i32
      %dma_wait3A_49 = tpu.memref_slice %arg6[%add3A_21, %dma_wait3A] : memref<10240x128xf32, #tpu.memory_space<vmem_shared>> -> memref<128x128xf32, #tpu.memory_space<vmem_shared>>
      %dma_wait3A_50 = arith.constant 0 : i32
      %dma_wait3A_51 = tpu.memref_slice %arg6[%add3A_21, %dma_wait3A_50] : memref<10240x128xf32, #tpu.memory_space<vmem_shared>> -> memref<128x128xf32, #tpu.memory_space<vmem_shared>>
      tpu.wait_dma2 semaphore(%run_scoped3A : memref<!tpu.dma_semaphore, #tpu.memory_space<semaphore_mem>>) src(%arg10 : memref<128x128xf32, #tpu.memory_space<vmem>>) dst(%dma_wait3A_51 : memref<128x128xf32, #tpu.memory_space<vmem_shared>>)
      tpu.yield
    }) : () -> ()
    %mul3A_22 = arith.constant 640 : i32
    %mul3A_23 = arith.muli %arg1, %mul3A_22 : i32
    %add3A_24 = arith.constant 384 : i32
    %add3A_25 = arith.addi %mul3A_23, %add3A_24 : i32
    "tpu.region"() ({
      %run_scoped3A = tpu.sem_alloc : memref<!tpu.dma_semaphore, #tpu.memory_space<semaphore_mem>>
      %dma_start3A = arith.constant 0 : i32
      %dma_start3A_46 = tpu.memref_slice %arg6[%add3A_25, %dma_start3A] : memref<10240x128xf32, #tpu.memory_space<vmem_shared>> -> memref<128x128xf32, #tpu.memory_space<vmem_shared>>
      %dma_start3A_47 = arith.constant 0 : i32
      %dma_start3A_48 = tpu.memref_slice %arg6[%add3A_25, %dma_start3A_47] : memref<10240x128xf32, #tpu.memory_space<vmem_shared>> -> memref<128x128xf32, #tpu.memory_space<vmem_shared>>
      tpu.enqueue_dma source(%arg10 : memref<128x128xf32, #tpu.memory_space<vmem>>) target(%dma_start3A_48 : memref<128x128xf32, #tpu.memory_space<vmem_shared>>) target_semaphore(%run_scoped3A : memref<!tpu.dma_semaphore, #tpu.memory_space<semaphore_mem>>)
      %dma_wait3A = arith.constant 0 : i32
      %dma_wait3A_49 = tpu.memref_slice %arg6[%add3A_25, %dma_wait3A] : memref<10240x128xf32, #tpu.memory_space<vmem_shared>> -> memref<128x128xf32, #tpu.memory_space<vmem_shared>>
      %dma_wait3A_50 = arith.constant 0 : i32
      %dma_wait3A_51 = tpu.memref_slice %arg6[%add3A_25, %dma_wait3A_50] : memref<10240x128xf32, #tpu.memory_space<vmem_shared>> -> memref<128x128xf32, #tpu.memory_space<vmem_shared>>
      tpu.wait_dma2 semaphore(%run_scoped3A : memref<!tpu.dma_semaphore, #tpu.memory_space<semaphore_mem>>) src(%arg10 : memref<128x128xf32, #tpu.memory_space<vmem>>) dst(%dma_wait3A_51 : memref<128x128xf32, #tpu.memory_space<vmem_shared>>)
      tpu.yield
    }) : () -> ()
    %mul3A_26 = arith.constant 640 : i32
    %mul3A_27 = arith.muli %arg1, %mul3A_26 : i32
    %add3A_28 = arith.constant 512 : i32
    %add3A_29 = arith.addi %mul3A_27, %add3A_28 : i32
    "tpu.region"() ({
      %run_scoped3A = tpu.sem_alloc : memref<!tpu.dma_semaphore, #tpu.memory_space<semaphore_mem>>
      %dma_start3A = arith.constant 0 : i32
      %dma_start3A_46 = tpu.memref_slice %arg6[%add3A_29, %dma_start3A] : memref<10240x128xf32, #tpu.memory_space<vmem_shared>> -> memref<128x128xf32, #tpu.memory_space<vmem_shared>>
      %dma_start3A_47 = arith.constant 0 : i32
      %dma_start3A_48 = tpu.memref_slice %arg6[%add3A_29, %dma_start3A_47] : memref<10240x128xf32, #tpu.memory_space<vmem_shared>> -> memref<128x128xf32, #tpu.memory_space<vmem_shared>>
      tpu.enqueue_dma source(%arg10 : memref<128x128xf32, #tpu.memory_space<vmem>>) target(%dma_start3A_48 : memref<128x128xf32, #tpu.memory_space<vmem_shared>>) target_semaphore(%run_scoped3A : memref<!tpu.dma_semaphore, #tpu.memory_space<semaphore_mem>>)
      %dma_wait3A = arith.constant 0 : i32
      %dma_wait3A_49 = tpu.memref_slice %arg6[%add3A_29, %dma_wait3A] : memref<10240x128xf32, #tpu.memory_space<vmem_shared>> -> memref<128x128xf32, #tpu.memory_space<vmem_shared>>
      %dma_wait3A_50 = arith.constant 0 : i32
      %dma_wait3A_51 = tpu.memref_slice %arg6[%add3A_29, %dma_wait3A_50] : memref<10240x128xf32, #tpu.memory_space<vmem_shared>> -> memref<128x128xf32, #tpu.memory_space<vmem_shared>>
      tpu.wait_dma2 semaphore(%run_scoped3A : memref<!tpu.dma_semaphore, #tpu.memory_space<semaphore_mem>>) src(%arg10 : memref<128x128xf32, #tpu.memory_space<vmem>>) dst(%dma_wait3A_51 : memref<128x128xf32, #tpu.memory_space<vmem_shared>>)
      tpu.yield
    }) : () -> ()
    %barrier3A = arith.constant 0 : index
    tpu.barrier barrier_id(%barrier3A)
    %mul3A_30 = arith.constant 5120 : i32
    %mul3A_31 = arith.muli %add3A, %mul3A_30 : i32
    %scan3A_32 = arith.constant 0 : i32
    %scan3A_33 = arith.constant 0 : i32
    %scan3A_34 = arith.constant 40 : i32
    %scan3A_35 = arith.addi %scan3A_33, %scan3A_34 : i32
    %scan3A_36 = arith.constant 1 : i32
    scf.for %scan3A_46 = %scan3A_33 to %scan3A_35 step %scan3A_36  : i32 {
      %mul3A_47 = arith.constant 128 : i32
      %mul3A_48 = arith.muli %scan3A_46, %mul3A_47 : i32
      %add3A_49 = arith.addi %mul3A_31, %mul3A_48 : i32
      %multiple_of3A = tpu.assume_multiple %add3A_49, 8 : i32
      "tpu.region"() ({
        %run_scoped3A = tpu.sem_alloc : memref<!tpu.dma_semaphore, #tpu.memory_space<semaphore_mem>>
        %dma_start3A_62 = tpu.memref_slice %arg4[%multiple_of3A] : memref<163840xi32, #tpu.memory_space<hbm>> -> memref<128xi32, #tpu.memory_space<hbm>>
        %dma_start3A_63 = tpu.memref_slice %arg4[%multiple_of3A] : memref<163840xi32, #tpu.memory_space<hbm>> -> memref<128xi32, #tpu.memory_space<hbm>>
        tpu.enqueue_dma source(%dma_start3A_63 : memref<128xi32, #tpu.memory_space<hbm>>) target(%arg7 : memref<128xi32, #tpu.memory_space<vmem>>) target_semaphore(%run_scoped3A : memref<!tpu.dma_semaphore, #tpu.memory_space<semaphore_mem>>)
        %dma_wait3A_64 = tpu.memref_slice %arg4[%multiple_of3A] : memref<163840xi32, #tpu.memory_space<hbm>> -> memref<128xi32, #tpu.memory_space<hbm>>
        %dma_wait3A_65 = tpu.memref_slice %arg4[%multiple_of3A] : memref<163840xi32, #tpu.memory_space<hbm>> -> memref<128xi32, #tpu.memory_space<hbm>>
        tpu.wait_dma2 semaphore(%run_scoped3A : memref<!tpu.dma_semaphore, #tpu.memory_space<semaphore_mem>>) src(%dma_wait3A_65 : memref<128xi32, #tpu.memory_space<hbm>>) dst(%arg7 : memref<128xi32, #tpu.memory_space<vmem>>)
        tpu.yield
      }) : () -> ()
      %mul3A_50 = arith.constant 32 : i32
      %mul3A_51 = arith.muli %multiple_of3A, %mul3A_50 : i32
      "tpu.region"() ({
        %run_scoped3A = tpu.sem_alloc : memref<!tpu.dma_semaphore, #tpu.memory_space<semaphore_mem>>
        %dma_start3A_62 = tpu.memref_slice %arg3[%mul3A_51] : memref<5242880xf32, #tpu.memory_space<hbm>> -> memref<4096xf32, #tpu.memory_space<hbm>>
        %dma_start3A_63 = tpu.memref_slice %arg3[%mul3A_51] : memref<5242880xf32, #tpu.memory_space<hbm>> -> memref<4096xf32, #tpu.memory_space<hbm>>
        tpu.enqueue_dma source(%dma_start3A_63 : memref<4096xf32, #tpu.memory_space<hbm>>) target(%arg8 : memref<4096xf32, #tpu.memory_space<vmem>>) target_semaphore(%run_scoped3A : memref<!tpu.dma_semaphore, #tpu.memory_space<semaphore_mem>>)
        %dma_wait3A_64 = tpu.memref_slice %arg3[%mul3A_51] : memref<5242880xf32, #tpu.memory_space<hbm>> -> memref<4096xf32, #tpu.memory_space<hbm>>
        %dma_wait3A_65 = tpu.memref_slice %arg3[%mul3A_51] : memref<5242880xf32, #tpu.memory_space<hbm>> -> memref<4096xf32, #tpu.memory_space<hbm>>
        tpu.wait_dma2 semaphore(%run_scoped3A : memref<!tpu.dma_semaphore, #tpu.memory_space<semaphore_mem>>) src(%dma_wait3A_65 : memref<4096xf32, #tpu.memory_space<hbm>>) dst(%arg8 : memref<4096xf32, #tpu.memory_space<vmem>>)
        tpu.yield
      }) : () -> ()
      %dma_start3A = arith.constant 0 : i32
      %dma_start3A_52 = arith.constant 0 : i32
      %dma_start3A_53 = tpu.memref_slice %arg2[%dma_start3A, %dma_start3A_52] : memref<10240x128xf32, #tpu.memory_space<hbm>> -> memref<10240x128xf32, #tpu.memory_space<hbm>>
      tpu.enqueue_indirect_dma source(%dma_start3A_53 : memref<10240x128xf32, #tpu.memory_space<hbm>>) target(%arg9 : memref<128x128xf32, #tpu.memory_space<vmem>>) offsets(%arg7 : memref<128xi32, #tpu.memory_space<vmem>>) semaphore(%arg11 : memref<!tpu.dma_semaphore, #tpu.memory_space<semaphore_mem>>)
      %dma_wait3A = arith.constant 0 : i32
      %dma_wait3A_54 = arith.constant 0 : i32
      %dma_wait3A_55 = tpu.memref_slice %arg2[%dma_wait3A, %dma_wait3A_54] : memref<10240x128xf32, #tpu.memory_space<hbm>> -> memref<10240x128xf32, #tpu.memory_space<hbm>>
      tpu.wait_indirect_dma semaphore(%arg11 : memref<!tpu.dma_semaphore, #tpu.memory_space<semaphore_mem>>) src(%dma_wait3A_55 : memref<10240x128xf32, #tpu.memory_space<hbm>>) dst(%arg9 : memref<128x128xf32, #tpu.memory_space<vmem>>)
      %scan3A_56 = arith.constant 0 : i32
      %scan3A_57 = arith.constant 0 : i32
      %scan3A_58 = arith.constant 8 : i32
      %scan3A_59 = arith.addi %scan3A_57, %scan3A_58 : i32
      %scan3A_60 = arith.constant 1 : i32
      scf.for %scan3A_62 = %scan3A_57 to %scan3A_59 step %scan3A_60  : i32 {
        %mul3A_63 = arith.constant 16 : i32
        %mul3A_64 = arith.muli %scan3A_62, %mul3A_63 : i32
        %broadcast_in_dim3A_65 = arith.constant 0.000000e+00 : f32
        %broadcast_in_dim3A_66 = vector.broadcast %broadcast_in_dim3A_65 : f32 to vector<16xf32>
        %add3A_67 = arith.constant 0 : i32
        %add3A_68 = arith.addi %mul3A_64, %add3A_67 : i32
        %get3A = arith.index_cast %add3A_68 : i32 to index
        %get3A_69 = arith.constant 0 : index
        %get3A_70 = tpu.vector_load %arg9[%get3A, %get3A_69] {strides = array<i32>} : memref<128x128xf32, #tpu.memory_space<vmem>>, vector<16xf32>,
        %mul3A_71 = arith.constant 32 : i32
        %mul3A_72 = arith.muli %add3A_68, %mul3A_71 : i32
        %get3A_73 = arith.index_cast %mul3A_72 : i32 to index
        %get3A_74 = tpu.vector_load %arg8[%get3A_73] {strides = array<i32>} : memref<4096xf32, #tpu.memory_space<vmem>>, vector<16xf32>,
        %get3A_75 = arith.index_cast %add3A_68 : i32 to index
        %get3A_76 = arith.constant 16 : index
        %get3A_77 = tpu.vector_load %arg9[%get3A_75, %get3A_76] {strides = array<i32>} : memref<128x128xf32, #tpu.memory_space<vmem>>, vector<16xf32>,
        %mul3A_78 = arith.constant 32 : i32
        %mul3A_79 = arith.muli %add3A_68, %mul3A_78 : i32
        %add3A_80 = arith.constant 16 : i32
        %add3A_81 = arith.addi %mul3A_79, %add3A_80 : i32
        %get3A_82 = arith.index_cast %add3A_81 : i32 to index
        %get3A_83 = tpu.vector_load %arg8[%get3A_82] {strides = array<i32>} : memref<4096xf32, #tpu.memory_space<vmem>>, vector<16xf32>,
        %mul3A_84 = arith.mulf %get3A_70, %get3A_74 : vector<16xf32>
        %mul3A_85 = arith.mulf %get3A_77, %get3A_83 : vector<16xf32>
        %add3A_86 = arith.addf %mul3A_84, %mul3A_85 : vector<16xf32>
        %reduce_sum3A = arith.constant true
        %reduce_sum3A_87 = vector.broadcast %reduce_sum3A : i1 to vector<16xi1>
        %reduce_sum3A_88 = tpu.scan <sum>, %add3A_86 masked %reduce_sum3A_87 : vector<16xf32>, vector<16xi1> -> vector<16xf32>
        %reduce_sum3A_89 = vector.extract %reduce_sum3A_88[15] : f32 from vector<16xf32>
        %eq3A_90 = arith.constant 0 : i32
        %eq3A_91 = vector.broadcast %eq3A_90 : i32 to vector<16xi32>
        %eq3A_92 = arith.cmpi eq, %iota3A, %eq3A_91 : vector<16xi32>
        %broadcast_in_dim3A_93 = vector.broadcast %reduce_sum3A_89 : f32 to vector<16xf32>
        %select_n3A = arith.select %eq3A_92, %broadcast_in_dim3A_93, %broadcast_in_dim3A_66 : vector<16xi1>, vector<16xf32>
        %add3A_94 = arith.constant 1 : i32
        %add3A_95 = arith.addi %mul3A_64, %add3A_94 : i32
        %get3A_96 = arith.index_cast %add3A_95 : i32 to index
        %get3A_97 = arith.constant 0 : index
        %get3A_98 = tpu.vector_load %arg9[%get3A_96, %get3A_97] {strides = array<i32>} : memref<128x128xf32, #tpu.memory_space<vmem>>, vector<16xf32>,
        %mul3A_99 = arith.constant 32 : i32
        %mul3A_100 = arith.muli %add3A_95, %mul3A_99 : i32
        %get3A_101 = arith.index_cast %mul3A_100 : i32 to index
        %get3A_102 = tpu.vector_load %arg8[%get3A_101] {strides = array<i32>} : memref<4096xf32, #tpu.memory_space<vmem>>, vector<16xf32>,
        %get3A_103 = arith.index_cast %add3A_95 : i32 to index
        %get3A_104 = arith.constant 16 : index
        %get3A_105 = tpu.vector_load %arg9[%get3A_103, %get3A_104] {strides = array<i32>} : memref<128x128xf32, #tpu.memory_space<vmem>>, vector<16xf32>,
        %mul3A_106 = arith.constant 32 : i32
        %mul3A_107 = arith.muli %add3A_95, %mul3A_106 : i32
        %add3A_108 = arith.constant 16 : i32
        %add3A_109 = arith.addi %mul3A_107, %add3A_108 : i32
        %get3A_110 = arith.index_cast %add3A_109 : i32 to index
        %get3A_111 = tpu.vector_load %arg8[%get3A_110] {strides = array<i32>} : memref<4096xf32, #tpu.memory_space<vmem>>, vector<16xf32>,
        %mul3A_112 = arith.mulf %get3A_98, %get3A_102 : vector<16xf32>
        %mul3A_113 = arith.mulf %get3A_105, %get3A_111 : vector<16xf32>
        %add3A_114 = arith.addf %mul3A_112, %mul3A_113 : vector<16xf32>
        %reduce_sum3A_115 = arith.constant true
        %reduce_sum3A_116 = vector.broadcast %reduce_sum3A_115 : i1 to vector<16xi1>
        %reduce_sum3A_117 = tpu.scan <sum>, %add3A_114 masked %reduce_sum3A_116 : vector<16xf32>, vector<16xi1> -> vector<16xf32>
        %reduce_sum3A_118 = vector.extract %reduce_sum3A_117[15] : f32 from vector<16xf32>
        %eq3A_119 = arith.constant 1 : i32
        %eq3A_120 = vector.broadcast %eq3A_119 : i32 to vector<16xi32>
        %eq3A_121 = arith.cmpi eq, %iota3A, %eq3A_120 : vector<16xi32>
        %broadcast_in_dim3A_122 = vector.broadcast %reduce_sum3A_118 : f32 to vector<16xf32>
        %select_n3A_123 = arith.select %eq3A_121, %broadcast_in_dim3A_122, %select_n3A : vector<16xi1>, vector<16xf32>
        %add3A_124 = arith.constant 2 : i32
        %add3A_125 = arith.addi %mul3A_64, %add3A_124 : i32
        %get3A_126 = arith.index_cast %add3A_125 : i32 to index
        %get3A_127 = arith.constant 0 : index
        %get3A_128 = tpu.vector_load %arg9[%get3A_126, %get3A_127] {strides = array<i32>} : memref<128x128xf32, #tpu.memory_space<vmem>>, vector<16xf32>,
        %mul3A_129 = arith.constant 32 : i32
        %mul3A_130 = arith.muli %add3A_125, %mul3A_129 : i32
        %get3A_131 = arith.index_cast %mul3A_130 : i32 to index
        %get3A_132 = tpu.vector_load %arg8[%get3A_131] {strides = array<i32>} : memref<4096xf32, #tpu.memory_space<vmem>>, vector<16xf32>,
        %get3A_133 = arith.index_cast %add3A_125 : i32 to index
        %get3A_134 = arith.constant 16 : index
        %get3A_135 = tpu.vector_load %arg9[%get3A_133, %get3A_134] {strides = array<i32>} : memref<128x128xf32, #tpu.memory_space<vmem>>, vector<16xf32>,
        %mul3A_136 = arith.constant 32 : i32
        %mul3A_137 = arith.muli %add3A_125, %mul3A_136 : i32
        %add3A_138 = arith.constant 16 : i32
        %add3A_139 = arith.addi %mul3A_137, %add3A_138 : i32
        %get3A_140 = arith.index_cast %add3A_139 : i32 to index
        %get3A_141 = tpu.vector_load %arg8[%get3A_140] {strides = array<i32>} : memref<4096xf32, #tpu.memory_space<vmem>>, vector<16xf32>,
        %mul3A_142 = arith.mulf %get3A_128, %get3A_132 : vector<16xf32>
        %mul3A_143 = arith.mulf %get3A_135, %get3A_141 : vector<16xf32>
        %add3A_144 = arith.addf %mul3A_142, %mul3A_143 : vector<16xf32>
        %reduce_sum3A_145 = arith.constant true
        %reduce_sum3A_146 = vector.broadcast %reduce_sum3A_145 : i1 to vector<16xi1>
        %reduce_sum3A_147 = tpu.scan <sum>, %add3A_144 masked %reduce_sum3A_146 : vector<16xf32>, vector<16xi1> -> vector<16xf32>
        %reduce_sum3A_148 = vector.extract %reduce_sum3A_147[15] : f32 from vector<16xf32>
        %eq3A_149 = arith.constant 2 : i32
        %eq3A_150 = vector.broadcast %eq3A_149 : i32 to vector<16xi32>
        %eq3A_151 = arith.cmpi eq, %iota3A, %eq3A_150 : vector<16xi32>
        %broadcast_in_dim3A_152 = vector.broadcast %reduce_sum3A_148 : f32 to vector<16xf32>
        %select_n3A_153 = arith.select %eq3A_151, %broadcast_in_dim3A_152, %select_n3A_123 : vector<16xi1>, vector<16xf32>
        %add3A_154 = arith.constant 3 : i32
        %add3A_155 = arith.addi %mul3A_64, %add3A_154 : i32
        %get3A_156 = arith.index_cast %add3A_155 : i32 to index
        %get3A_157 = arith.constant 0 : index
        %get3A_158 = tpu.vector_load %arg9[%get3A_156, %get3A_157] {strides = array<i32>} : memref<128x128xf32, #tpu.memory_space<vmem>>, vector<16xf32>,
        %mul3A_159 = arith.constant 32 : i32
        %mul3A_160 = arith.muli %add3A_155, %mul3A_159 : i32
        %get3A_161 = arith.index_cast %mul3A_160 : i32 to index
        %get3A_162 = tpu.vector_load %arg8[%get3A_161] {strides = array<i32>} : memref<4096xf32, #tpu.memory_space<vmem>>, vector<16xf32>,
        %get3A_163 = arith.index_cast %add3A_155 : i32 to index
        %get3A_164 = arith.constant 16 : index
        %get3A_165 = tpu.vector_load %arg9[%get3A_163, %get3A_164] {strides = array<i32>} : memref<128x128xf32, #tpu.memory_space<vmem>>, vector<16xf32>,
        %mul3A_166 = arith.constant 32 : i32
        %mul3A_167 = arith.muli %add3A_155, %mul3A_166 : i32
        %add3A_168 = arith.constant 16 : i32
        %add3A_169 = arith.addi %mul3A_167, %add3A_168 : i32
        %get3A_170 = arith.index_cast %add3A_169 : i32 to index
        %get3A_171 = tpu.vector_load %arg8[%get3A_170] {strides = array<i32>} : memref<4096xf32, #tpu.memory_space<vmem>>, vector<16xf32>,
        %mul3A_172 = arith.mulf %get3A_158, %get3A_162 : vector<16xf32>
        %mul3A_173 = arith.mulf %get3A_165, %get3A_171 : vector<16xf32>
        %add3A_174 = arith.addf %mul3A_172, %mul3A_173 : vector<16xf32>
        %reduce_sum3A_175 = arith.constant true
        %reduce_sum3A_176 = vector.broadcast %reduce_sum3A_175 : i1 to vector<16xi1>
        %reduce_sum3A_177 = tpu.scan <sum>, %add3A_174 masked %reduce_sum3A_176 : vector<16xf32>, vector<16xi1> -> vector<16xf32>
        %reduce_sum3A_178 = vector.extract %reduce_sum3A_177[15] : f32 from vector<16xf32>
        %eq3A_179 = arith.constant 3 : i32
        %eq3A_180 = vector.broadcast %eq3A_179 : i32 to vector<16xi32>
        %eq3A_181 = arith.cmpi eq, %iota3A, %eq3A_180 : vector<16xi32>
        %broadcast_in_dim3A_182 = vector.broadcast %reduce_sum3A_178 : f32 to vector<16xf32>
        %select_n3A_183 = arith.select %eq3A_181, %broadcast_in_dim3A_182, %select_n3A_153 : vector<16xi1>, vector<16xf32>
        %add3A_184 = arith.constant 4 : i32
        %add3A_185 = arith.addi %mul3A_64, %add3A_184 : i32
        %get3A_186 = arith.index_cast %add3A_185 : i32 to index
        %get3A_187 = arith.constant 0 : index
        %get3A_188 = tpu.vector_load %arg9[%get3A_186, %get3A_187] {strides = array<i32>} : memref<128x128xf32, #tpu.memory_space<vmem>>, vector<16xf32>,
        %mul3A_189 = arith.constant 32 : i32
        %mul3A_190 = arith.muli %add3A_185, %mul3A_189 : i32
        %get3A_191 = arith.index_cast %mul3A_190 : i32 to index
        %get3A_192 = tpu.vector_load %arg8[%get3A_191] {strides = array<i32>} : memref<4096xf32, #tpu.memory_space<vmem>>, vector<16xf32>,
        %get3A_193 = arith.index_cast %add3A_185 : i32 to index
        %get3A_194 = arith.constant 16 : index
        %get3A_195 = tpu.vector_load %arg9[%get3A_193, %get3A_194] {strides = array<i32>} : memref<128x128xf32, #tpu.memory_space<vmem>>, vector<16xf32>,
        %mul3A_196 = arith.constant 32 : i32
        %mul3A_197 = arith.muli %add3A_185, %mul3A_196 : i32
        %add3A_198 = arith.constant 16 : i32
        %add3A_199 = arith.addi %mul3A_197, %add3A_198 : i32
        %get3A_200 = arith.index_cast %add3A_199 : i32 to index
        %get3A_201 = tpu.vector_load %arg8[%get3A_200] {strides = array<i32>} : memref<4096xf32, #tpu.memory_space<vmem>>, vector<16xf32>,
        %mul3A_202 = arith.mulf %get3A_188, %get3A_192 : vector<16xf32>
        %mul3A_203 = arith.mulf %get3A_195, %get3A_201 : vector<16xf32>
        %add3A_204 = arith.addf %mul3A_202, %mul3A_203 : vector<16xf32>
        %reduce_sum3A_205 = arith.constant true
        %reduce_sum3A_206 = vector.broadcast %reduce_sum3A_205 : i1 to vector<16xi1>
        %reduce_sum3A_207 = tpu.scan <sum>, %add3A_204 masked %reduce_sum3A_206 : vector<16xf32>, vector<16xi1> -> vector<16xf32>
        %reduce_sum3A_208 = vector.extract %reduce_sum3A_207[15] : f32 from vector<16xf32>
        %eq3A_209 = arith.constant 4 : i32
        %eq3A_210 = vector.broadcast %eq3A_209 : i32 to vector<16xi32>
        %eq3A_211 = arith.cmpi eq, %iota3A, %eq3A_210 : vector<16xi32>
        %broadcast_in_dim3A_212 = vector.broadcast %reduce_sum3A_208 : f32 to vector<16xf32>
        %select_n3A_213 = arith.select %eq3A_211, %broadcast_in_dim3A_212, %select_n3A_183 : vector<16xi1>, vector<16xf32>
        %add3A_214 = arith.constant 5 : i32
        %add3A_215 = arith.addi %mul3A_64, %add3A_214 : i32
        %get3A_216 = arith.index_cast %add3A_215 : i32 to index
        %get3A_217 = arith.constant 0 : index
        %get3A_218 = tpu.vector_load %arg9[%get3A_216, %get3A_217] {strides = array<i32>} : memref<128x128xf32, #tpu.memory_space<vmem>>, vector<16xf32>,
        %mul3A_219 = arith.constant 32 : i32
        %mul3A_220 = arith.muli %add3A_215, %mul3A_219 : i32
        %get3A_221 = arith.index_cast %mul3A_220 : i32 to index
        %get3A_222 = tpu.vector_load %arg8[%get3A_221] {strides = array<i32>} : memref<4096xf32, #tpu.memory_space<vmem>>, vector<16xf32>,
        %get3A_223 = arith.index_cast %add3A_215 : i32 to index
        %get3A_224 = arith.constant 16 : index
        %get3A_225 = tpu.vector_load %arg9[%get3A_223, %get3A_224] {strides = array<i32>} : memref<128x128xf32, #tpu.memory_space<vmem>>, vector<16xf32>,
        %mul3A_226 = arith.constant 32 : i32
        %mul3A_227 = arith.muli %add3A_215, %mul3A_226 : i32
        %add3A_228 = arith.constant 16 : i32
        %add3A_229 = arith.addi %mul3A_227, %add3A_228 : i32
        %get3A_230 = arith.index_cast %add3A_229 : i32 to index
        %get3A_231 = tpu.vector_load %arg8[%get3A_230] {strides = array<i32>} : memref<4096xf32, #tpu.memory_space<vmem>>, vector<16xf32>,
        %mul3A_232 = arith.mulf %get3A_218, %get3A_222 : vector<16xf32>
        %mul3A_233 = arith.mulf %get3A_225, %get3A_231 : vector<16xf32>
        %add3A_234 = arith.addf %mul3A_232, %mul3A_233 : vector<16xf32>
        %reduce_sum3A_235 = arith.constant true
        %reduce_sum3A_236 = vector.broadcast %reduce_sum3A_235 : i1 to vector<16xi1>
        %reduce_sum3A_237 = tpu.scan <sum>, %add3A_234 masked %reduce_sum3A_236 : vector<16xf32>, vector<16xi1> -> vector<16xf32>
        %reduce_sum3A_238 = vector.extract %reduce_sum3A_237[15] : f32 from vector<16xf32>
        %eq3A_239 = arith.constant 5 : i32
        %eq3A_240 = vector.broadcast %eq3A_239 : i32 to vector<16xi32>
        %eq3A_241 = arith.cmpi eq, %iota3A, %eq3A_240 : vector<16xi32>
        %broadcast_in_dim3A_242 = vector.broadcast %reduce_sum3A_238 : f32 to vector<16xf32>
        %select_n3A_243 = arith.select %eq3A_241, %broadcast_in_dim3A_242, %select_n3A_213 : vector<16xi1>, vector<16xf32>
        %add3A_244 = arith.constant 6 : i32
        %add3A_245 = arith.addi %mul3A_64, %add3A_244 : i32
        %get3A_246 = arith.index_cast %add3A_245 : i32 to index
        %get3A_247 = arith.constant 0 : index
        %get3A_248 = tpu.vector_load %arg9[%get3A_246, %get3A_247] {strides = array<i32>} : memref<128x128xf32, #tpu.memory_space<vmem>>, vector<16xf32>,
        %mul3A_249 = arith.constant 32 : i32
        %mul3A_250 = arith.muli %add3A_245, %mul3A_249 : i32
        %get3A_251 = arith.index_cast %mul3A_250 : i32 to index
        %get3A_252 = tpu.vector_load %arg8[%get3A_251] {strides = array<i32>} : memref<4096xf32, #tpu.memory_space<vmem>>, vector<16xf32>,
        %get3A_253 = arith.index_cast %add3A_245 : i32 to index
        %get3A_254 = arith.constant 16 : index
        %get3A_255 = tpu.vector_load %arg9[%get3A_253, %get3A_254] {strides = array<i32>} : memref<128x128xf32, #tpu.memory_space<vmem>>, vector<16xf32>,
        %mul3A_256 = arith.constant 32 : i32
        %mul3A_257 = arith.muli %add3A_245, %mul3A_256 : i32
        %add3A_258 = arith.constant 16 : i32
        %add3A_259 = arith.addi %mul3A_257, %add3A_258 : i32
        %get3A_260 = arith.index_cast %add3A_259 : i32 to index
        %get3A_261 = tpu.vector_load %arg8[%get3A_260] {strides = array<i32>} : memref<4096xf32, #tpu.memory_space<vmem>>, vector<16xf32>,
        %mul3A_262 = arith.mulf %get3A_248, %get3A_252 : vector<16xf32>
        %mul3A_263 = arith.mulf %get3A_255, %get3A_261 : vector<16xf32>
        %add3A_264 = arith.addf %mul3A_262, %mul3A_263 : vector<16xf32>
        %reduce_sum3A_265 = arith.constant true
        %reduce_sum3A_266 = vector.broadcast %reduce_sum3A_265 : i1 to vector<16xi1>
        %reduce_sum3A_267 = tpu.scan <sum>, %add3A_264 masked %reduce_sum3A_266 : vector<16xf32>, vector<16xi1> -> vector<16xf32>
        %reduce_sum3A_268 = vector.extract %reduce_sum3A_267[15] : f32 from vector<16xf32>
        %eq3A_269 = arith.constant 6 : i32
        %eq3A_270 = vector.broadcast %eq3A_269 : i32 to vector<16xi32>
        %eq3A_271 = arith.cmpi eq, %iota3A, %eq3A_270 : vector<16xi32>
        %broadcast_in_dim3A_272 = vector.broadcast %reduce_sum3A_268 : f32 to vector<16xf32>
        %select_n3A_273 = arith.select %eq3A_271, %broadcast_in_dim3A_272, %select_n3A_243 : vector<16xi1>, vector<16xf32>
        %add3A_274 = arith.constant 7 : i32
        %add3A_275 = arith.addi %mul3A_64, %add3A_274 : i32
        %get3A_276 = arith.index_cast %add3A_275 : i32 to index
        %get3A_277 = arith.constant 0 : index
        %get3A_278 = tpu.vector_load %arg9[%get3A_276, %get3A_277] {strides = array<i32>} : memref<128x128xf32, #tpu.memory_space<vmem>>, vector<16xf32>,
        %mul3A_279 = arith.constant 32 : i32
        %mul3A_280 = arith.muli %add3A_275, %mul3A_279 : i32
        %get3A_281 = arith.index_cast %mul3A_280 : i32 to index
        %get3A_282 = tpu.vector_load %arg8[%get3A_281] {strides = array<i32>} : memref<4096xf32, #tpu.memory_space<vmem>>, vector<16xf32>,
        %get3A_283 = arith.index_cast %add3A_275 : i32 to index
        %get3A_284 = arith.constant 16 : index
        %get3A_285 = tpu.vector_load %arg9[%get3A_283, %get3A_284] {strides = array<i32>} : memref<128x128xf32, #tpu.memory_space<vmem>>, vector<16xf32>,
        %mul3A_286 = arith.constant 32 : i32
        %mul3A_287 = arith.muli %add3A_275, %mul3A_286 : i32
        %add3A_288 = arith.constant 16 : i32
        %add3A_289 = arith.addi %mul3A_287, %add3A_288 : i32
        %get3A_290 = arith.index_cast %add3A_289 : i32 to index
        %get3A_291 = tpu.vector_load %arg8[%get3A_290] {strides = array<i32>} : memref<4096xf32, #tpu.memory_space<vmem>>, vector<16xf32>,
        %mul3A_292 = arith.mulf %get3A_278, %get3A_282 : vector<16xf32>
        %mul3A_293 = arith.mulf %get3A_285, %get3A_291 : vector<16xf32>
        %add3A_294 = arith.addf %mul3A_292, %mul3A_293 : vector<16xf32>
        %reduce_sum3A_295 = arith.constant true
        %reduce_sum3A_296 = vector.broadcast %reduce_sum3A_295 : i1 to vector<16xi1>
        %reduce_sum3A_297 = tpu.scan <sum>, %add3A_294 masked %reduce_sum3A_296 : vector<16xf32>, vector<16xi1> -> vector<16xf32>
        %reduce_sum3A_298 = vector.extract %reduce_sum3A_297[15] : f32 from vector<16xf32>
        %eq3A_299 = arith.constant 7 : i32
        %eq3A_300 = vector.broadcast %eq3A_299 : i32 to vector<16xi32>
        %eq3A_301 = arith.cmpi eq, %iota3A, %eq3A_300 : vector<16xi32>
        %broadcast_in_dim3A_302 = vector.broadcast %reduce_sum3A_298 : f32 to vector<16xf32>
        %select_n3A_303 = arith.select %eq3A_301, %broadcast_in_dim3A_302, %select_n3A_273 : vector<16xi1>, vector<16xf32>
        %add3A_304 = arith.constant 8 : i32
        %add3A_305 = arith.addi %mul3A_64, %add3A_304 : i32
        %get3A_306 = arith.index_cast %add3A_305 : i32 to index
        %get3A_307 = arith.constant 0 : index
        %get3A_308 = tpu.vector_load %arg9[%get3A_306, %get3A_307] {strides = array<i32>} : memref<128x128xf32, #tpu.memory_space<vmem>>, vector<16xf32>,
        %mul3A_309 = arith.constant 32 : i32
        %mul3A_310 = arith.muli %add3A_305, %mul3A_309 : i32
        %get3A_311 = arith.index_cast %mul3A_310 : i32 to index
        %get3A_312 = tpu.vector_load %arg8[%get3A_311] {strides = array<i32>} : memref<4096xf32, #tpu.memory_space<vmem>>, vector<16xf32>,
        %get3A_313 = arith.index_cast %add3A_305 : i32 to index
        %get3A_314 = arith.constant 16 : index
        %get3A_315 = tpu.vector_load %arg9[%get3A_313, %get3A_314] {strides = array<i32>} : memref<128x128xf32, #tpu.memory_space<vmem>>, vector<16xf32>,
        %mul3A_316 = arith.constant 32 : i32
        %mul3A_317 = arith.muli %add3A_305, %mul3A_316 : i32
        %add3A_318 = arith.constant 16 : i32
        %add3A_319 = arith.addi %mul3A_317, %add3A_318 : i32
        %get3A_320 = arith.index_cast %add3A_319 : i32 to index
        %get3A_321 = tpu.vector_load %arg8[%get3A_320] {strides = array<i32>} : memref<4096xf32, #tpu.memory_space<vmem>>, vector<16xf32>,
        %mul3A_322 = arith.mulf %get3A_308, %get3A_312 : vector<16xf32>
        %mul3A_323 = arith.mulf %get3A_315, %get3A_321 : vector<16xf32>
        %add3A_324 = arith.addf %mul3A_322, %mul3A_323 : vector<16xf32>
        %reduce_sum3A_325 = arith.constant true
        %reduce_sum3A_326 = vector.broadcast %reduce_sum3A_325 : i1 to vector<16xi1>
        %reduce_sum3A_327 = tpu.scan <sum>, %add3A_324 masked %reduce_sum3A_326 : vector<16xf32>, vector<16xi1> -> vector<16xf32>
        %reduce_sum3A_328 = vector.extract %reduce_sum3A_327[15] : f32 from vector<16xf32>
        %eq3A_329 = arith.constant 8 : i32
        %eq3A_330 = vector.broadcast %eq3A_329 : i32 to vector<16xi32>
        %eq3A_331 = arith.cmpi eq, %iota3A, %eq3A_330 : vector<16xi32>
        %broadcast_in_dim3A_332 = vector.broadcast %reduce_sum3A_328 : f32 to vector<16xf32>
        %select_n3A_333 = arith.select %eq3A_331, %broadcast_in_dim3A_332, %select_n3A_303 : vector<16xi1>, vector<16xf32>
        %add3A_334 = arith.constant 9 : i32
        %add3A_335 = arith.addi %mul3A_64, %add3A_334 : i32
        %get3A_336 = arith.index_cast %add3A_335 : i32 to index
        %get3A_337 = arith.constant 0 : index
        %get3A_338 = tpu.vector_load %arg9[%get3A_336, %get3A_337] {strides = array<i32>} : memref<128x128xf32, #tpu.memory_space<vmem>>, vector<16xf32>,
        %mul3A_339 = arith.constant 32 : i32
        %mul3A_340 = arith.muli %add3A_335, %mul3A_339 : i32
        %get3A_341 = arith.index_cast %mul3A_340 : i32 to index
        %get3A_342 = tpu.vector_load %arg8[%get3A_341] {strides = array<i32>} : memref<4096xf32, #tpu.memory_space<vmem>>, vector<16xf32>,
        %get3A_343 = arith.index_cast %add3A_335 : i32 to index
        %get3A_344 = arith.constant 16 : index
        %get3A_345 = tpu.vector_load %arg9[%get3A_343, %get3A_344] {strides = array<i32>} : memref<128x128xf32, #tpu.memory_space<vmem>>, vector<16xf32>,
        %mul3A_346 = arith.constant 32 : i32
        %mul3A_347 = arith.muli %add3A_335, %mul3A_346 : i32
        %add3A_348 = arith.constant 16 : i32
        %add3A_349 = arith.addi %mul3A_347, %add3A_348 : i32
        %get3A_350 = arith.index_cast %add3A_349 : i32 to index
        %get3A_351 = tpu.vector_load %arg8[%get3A_350] {strides = array<i32>} : memref<4096xf32, #tpu.memory_space<vmem>>, vector<16xf32>,
        %mul3A_352 = arith.mulf %get3A_338, %get3A_342 : vector<16xf32>
        %mul3A_353 = arith.mulf %get3A_345, %get3A_351 : vector<16xf32>
        %add3A_354 = arith.addf %mul3A_352, %mul3A_353 : vector<16xf32>
        %reduce_sum3A_355 = arith.constant true
        %reduce_sum3A_356 = vector.broadcast %reduce_sum3A_355 : i1 to vector<16xi1>
        %reduce_sum3A_357 = tpu.scan <sum>, %add3A_354 masked %reduce_sum3A_356 : vector<16xf32>, vector<16xi1> -> vector<16xf32>
        %reduce_sum3A_358 = vector.extract %reduce_sum3A_357[15] : f32 from vector<16xf32>
        %eq3A_359 = arith.constant 9 : i32
        %eq3A_360 = vector.broadcast %eq3A_359 : i32 to vector<16xi32>
        %eq3A_361 = arith.cmpi eq, %iota3A, %eq3A_360 : vector<16xi32>
        %broadcast_in_dim3A_362 = vector.broadcast %reduce_sum3A_358 : f32 to vector<16xf32>
        %select_n3A_363 = arith.select %eq3A_361, %broadcast_in_dim3A_362, %select_n3A_333 : vector<16xi1>, vector<16xf32>
        %add3A_364 = arith.constant 10 : i32
        %add3A_365 = arith.addi %mul3A_64, %add3A_364 : i32
        %get3A_366 = arith.index_cast %add3A_365 : i32 to index
        %get3A_367 = arith.constant 0 : index
        %get3A_368 = tpu.vector_load %arg9[%get3A_366, %get3A_367] {strides = array<i32>} : memref<128x128xf32, #tpu.memory_space<vmem>>, vector<16xf32>,
        %mul3A_369 = arith.constant 32 : i32
        %mul3A_370 = arith.muli %add3A_365, %mul3A_369 : i32
        %get3A_371 = arith.index_cast %mul3A_370 : i32 to index
        %get3A_372 = tpu.vector_load %arg8[%get3A_371] {strides = array<i32>} : memref<4096xf32, #tpu.memory_space<vmem>>, vector<16xf32>,
        %get3A_373 = arith.index_cast %add3A_365 : i32 to index
        %get3A_374 = arith.constant 16 : index
        %get3A_375 = tpu.vector_load %arg9[%get3A_373, %get3A_374] {strides = array<i32>} : memref<128x128xf32, #tpu.memory_space<vmem>>, vector<16xf32>,
        %mul3A_376 = arith.constant 32 : i32
        %mul3A_377 = arith.muli %add3A_365, %mul3A_376 : i32
        %add3A_378 = arith.constant 16 : i32
        %add3A_379 = arith.addi %mul3A_377, %add3A_378 : i32
        %get3A_380 = arith.index_cast %add3A_379 : i32 to index
        %get3A_381 = tpu.vector_load %arg8[%get3A_380] {strides = array<i32>} : memref<4096xf32, #tpu.memory_space<vmem>>, vector<16xf32>,
        %mul3A_382 = arith.mulf %get3A_368, %get3A_372 : vector<16xf32>
        %mul3A_383 = arith.mulf %get3A_375, %get3A_381 : vector<16xf32>
        %add3A_384 = arith.addf %mul3A_382, %mul3A_383 : vector<16xf32>
        %reduce_sum3A_385 = arith.constant true
        %reduce_sum3A_386 = vector.broadcast %reduce_sum3A_385 : i1 to vector<16xi1>
        %reduce_sum3A_387 = tpu.scan <sum>, %add3A_384 masked %reduce_sum3A_386 : vector<16xf32>, vector<16xi1> -> vector<16xf32>
        %reduce_sum3A_388 = vector.extract %reduce_sum3A_387[15] : f32 from vector<16xf32>
        %eq3A_389 = arith.constant 10 : i32
        %eq3A_390 = vector.broadcast %eq3A_389 : i32 to vector<16xi32>
        %eq3A_391 = arith.cmpi eq, %iota3A, %eq3A_390 : vector<16xi32>
        %broadcast_in_dim3A_392 = vector.broadcast %reduce_sum3A_388 : f32 to vector<16xf32>
        %select_n3A_393 = arith.select %eq3A_391, %broadcast_in_dim3A_392, %select_n3A_363 : vector<16xi1>, vector<16xf32>
        %add3A_394 = arith.constant 11 : i32
        %add3A_395 = arith.addi %mul3A_64, %add3A_394 : i32
        %get3A_396 = arith.index_cast %add3A_395 : i32 to index
        %get3A_397 = arith.constant 0 : index
        %get3A_398 = tpu.vector_load %arg9[%get3A_396, %get3A_397] {strides = array<i32>} : memref<128x128xf32, #tpu.memory_space<vmem>>, vector<16xf32>,
        %mul3A_399 = arith.constant 32 : i32
        %mul3A_400 = arith.muli %add3A_395, %mul3A_399 : i32
        %get3A_401 = arith.index_cast %mul3A_400 : i32 to index
        %get3A_402 = tpu.vector_load %arg8[%get3A_401] {strides = array<i32>} : memref<4096xf32, #tpu.memory_space<vmem>>, vector<16xf32>,
        %get3A_403 = arith.index_cast %add3A_395 : i32 to index
        %get3A_404 = arith.constant 16 : index
        %get3A_405 = tpu.vector_load %arg9[%get3A_403, %get3A_404] {strides = array<i32>} : memref<128x128xf32, #tpu.memory_space<vmem>>, vector<16xf32>,
        %mul3A_406 = arith.constant 32 : i32
        %mul3A_407 = arith.muli %add3A_395, %mul3A_406 : i32
        %add3A_408 = arith.constant 16 : i32
        %add3A_409 = arith.addi %mul3A_407, %add3A_408 : i32
        %get3A_410 = arith.index_cast %add3A_409 : i32 to index
        %get3A_411 = tpu.vector_load %arg8[%get3A_410] {strides = array<i32>} : memref<4096xf32, #tpu.memory_space<vmem>>, vector<16xf32>,
        %mul3A_412 = arith.mulf %get3A_398, %get3A_402 : vector<16xf32>
        %mul3A_413 = arith.mulf %get3A_405, %get3A_411 : vector<16xf32>
        %add3A_414 = arith.addf %mul3A_412, %mul3A_413 : vector<16xf32>
        %reduce_sum3A_415 = arith.constant true
        %reduce_sum3A_416 = vector.broadcast %reduce_sum3A_415 : i1 to vector<16xi1>
        %reduce_sum3A_417 = tpu.scan <sum>, %add3A_414 masked %reduce_sum3A_416 : vector<16xf32>, vector<16xi1> -> vector<16xf32>
        %reduce_sum3A_418 = vector.extract %reduce_sum3A_417[15] : f32 from vector<16xf32>
        %eq3A_419 = arith.constant 11 : i32
        %eq3A_420 = vector.broadcast %eq3A_419 : i32 to vector<16xi32>
        %eq3A_421 = arith.cmpi eq, %iota3A, %eq3A_420 : vector<16xi32>
        %broadcast_in_dim3A_422 = vector.broadcast %reduce_sum3A_418 : f32 to vector<16xf32>
        %select_n3A_423 = arith.select %eq3A_421, %broadcast_in_dim3A_422, %select_n3A_393 : vector<16xi1>, vector<16xf32>
        %add3A_424 = arith.constant 12 : i32
        %add3A_425 = arith.addi %mul3A_64, %add3A_424 : i32
        %get3A_426 = arith.index_cast %add3A_425 : i32 to index
        %get3A_427 = arith.constant 0 : index
        %get3A_428 = tpu.vector_load %arg9[%get3A_426, %get3A_427] {strides = array<i32>} : memref<128x128xf32, #tpu.memory_space<vmem>>, vector<16xf32>,
        %mul3A_429 = arith.constant 32 : i32
        %mul3A_430 = arith.muli %add3A_425, %mul3A_429 : i32
        %get3A_431 = arith.index_cast %mul3A_430 : i32 to index
        %get3A_432 = tpu.vector_load %arg8[%get3A_431] {strides = array<i32>} : memref<4096xf32, #tpu.memory_space<vmem>>, vector<16xf32>,
        %get3A_433 = arith.index_cast %add3A_425 : i32 to index
        %get3A_434 = arith.constant 16 : index
        %get3A_435 = tpu.vector_load %arg9[%get3A_433, %get3A_434] {strides = array<i32>} : memref<128x128xf32, #tpu.memory_space<vmem>>, vector<16xf32>,
        %mul3A_436 = arith.constant 32 : i32
        %mul3A_437 = arith.muli %add3A_425, %mul3A_436 : i32
        %add3A_438 = arith.constant 16 : i32
        %add3A_439 = arith.addi %mul3A_437, %add3A_438 : i32
        %get3A_440 = arith.index_cast %add3A_439 : i32 to index
        %get3A_441 = tpu.vector_load %arg8[%get3A_440] {strides = array<i32>} : memref<4096xf32, #tpu.memory_space<vmem>>, vector<16xf32>,
        %mul3A_442 = arith.mulf %get3A_428, %get3A_432 : vector<16xf32>
        %mul3A_443 = arith.mulf %get3A_435, %get3A_441 : vector<16xf32>
        %add3A_444 = arith.addf %mul3A_442, %mul3A_443 : vector<16xf32>
        %reduce_sum3A_445 = arith.constant true
        %reduce_sum3A_446 = vector.broadcast %reduce_sum3A_445 : i1 to vector<16xi1>
        %reduce_sum3A_447 = tpu.scan <sum>, %add3A_444 masked %reduce_sum3A_446 : vector<16xf32>, vector<16xi1> -> vector<16xf32>
        %reduce_sum3A_448 = vector.extract %reduce_sum3A_447[15] : f32 from vector<16xf32>
        %eq3A_449 = arith.constant 12 : i32
        %eq3A_450 = vector.broadcast %eq3A_449 : i32 to vector<16xi32>
        %eq3A_451 = arith.cmpi eq, %iota3A, %eq3A_450 : vector<16xi32>
        %broadcast_in_dim3A_452 = vector.broadcast %reduce_sum3A_448 : f32 to vector<16xf32>
        %select_n3A_453 = arith.select %eq3A_451, %broadcast_in_dim3A_452, %select_n3A_423 : vector<16xi1>, vector<16xf32>
        %add3A_454 = arith.constant 13 : i32
        %add3A_455 = arith.addi %mul3A_64, %add3A_454 : i32
        %get3A_456 = arith.index_cast %add3A_455 : i32 to index
        %get3A_457 = arith.constant 0 : index
        %get3A_458 = tpu.vector_load %arg9[%get3A_456, %get3A_457] {strides = array<i32>} : memref<128x128xf32, #tpu.memory_space<vmem>>, vector<16xf32>,
        %mul3A_459 = arith.constant 32 : i32
        %mul3A_460 = arith.muli %add3A_455, %mul3A_459 : i32
        %get3A_461 = arith.index_cast %mul3A_460 : i32 to index
        %get3A_462 = tpu.vector_load %arg8[%get3A_461] {strides = array<i32>} : memref<4096xf32, #tpu.memory_space<vmem>>, vector<16xf32>,
        %get3A_463 = arith.index_cast %add3A_455 : i32 to index
        %get3A_464 = arith.constant 16 : index
        %get3A_465 = tpu.vector_load %arg9[%get3A_463, %get3A_464] {strides = array<i32>} : memref<128x128xf32, #tpu.memory_space<vmem>>, vector<16xf32>,
        %mul3A_466 = arith.constant 32 : i32
        %mul3A_467 = arith.muli %add3A_455, %mul3A_466 : i32
        %add3A_468 = arith.constant 16 : i32
        %add3A_469 = arith.addi %mul3A_467, %add3A_468 : i32
        %get3A_470 = arith.index_cast %add3A_469 : i32 to index
        %get3A_471 = tpu.vector_load %arg8[%get3A_470] {strides = array<i32>} : memref<4096xf32, #tpu.memory_space<vmem>>, vector<16xf32>,
        %mul3A_472 = arith.mulf %get3A_458, %get3A_462 : vector<16xf32>
        %mul3A_473 = arith.mulf %get3A_465, %get3A_471 : vector<16xf32>
        %add3A_474 = arith.addf %mul3A_472, %mul3A_473 : vector<16xf32>
        %reduce_sum3A_475 = arith.constant true
        %reduce_sum3A_476 = vector.broadcast %reduce_sum3A_475 : i1 to vector<16xi1>
        %reduce_sum3A_477 = tpu.scan <sum>, %add3A_474 masked %reduce_sum3A_476 : vector<16xf32>, vector<16xi1> -> vector<16xf32>
        %reduce_sum3A_478 = vector.extract %reduce_sum3A_477[15] : f32 from vector<16xf32>
        %eq3A_479 = arith.constant 13 : i32
        %eq3A_480 = vector.broadcast %eq3A_479 : i32 to vector<16xi32>
        %eq3A_481 = arith.cmpi eq, %iota3A, %eq3A_480 : vector<16xi32>
        %broadcast_in_dim3A_482 = vector.broadcast %reduce_sum3A_478 : f32 to vector<16xf32>
        %select_n3A_483 = arith.select %eq3A_481, %broadcast_in_dim3A_482, %select_n3A_453 : vector<16xi1>, vector<16xf32>
        %add3A_484 = arith.constant 14 : i32
        %add3A_485 = arith.addi %mul3A_64, %add3A_484 : i32
        %get3A_486 = arith.index_cast %add3A_485 : i32 to index
        %get3A_487 = arith.constant 0 : index
        %get3A_488 = tpu.vector_load %arg9[%get3A_486, %get3A_487] {strides = array<i32>} : memref<128x128xf32, #tpu.memory_space<vmem>>, vector<16xf32>,
        %mul3A_489 = arith.constant 32 : i32
        %mul3A_490 = arith.muli %add3A_485, %mul3A_489 : i32
        %get3A_491 = arith.index_cast %mul3A_490 : i32 to index
        %get3A_492 = tpu.vector_load %arg8[%get3A_491] {strides = array<i32>} : memref<4096xf32, #tpu.memory_space<vmem>>, vector<16xf32>,
        %get3A_493 = arith.index_cast %add3A_485 : i32 to index
        %get3A_494 = arith.constant 16 : index
        %get3A_495 = tpu.vector_load %arg9[%get3A_493, %get3A_494] {strides = array<i32>} : memref<128x128xf32, #tpu.memory_space<vmem>>, vector<16xf32>,
        %mul3A_496 = arith.constant 32 : i32
        %mul3A_497 = arith.muli %add3A_485, %mul3A_496 : i32
        %add3A_498 = arith.constant 16 : i32
        %add3A_499 = arith.addi %mul3A_497, %add3A_498 : i32
        %get3A_500 = arith.index_cast %add3A_499 : i32 to index
        %get3A_501 = tpu.vector_load %arg8[%get3A_500] {strides = array<i32>} : memref<4096xf32, #tpu.memory_space<vmem>>, vector<16xf32>,
        %mul3A_502 = arith.mulf %get3A_488, %get3A_492 : vector<16xf32>
        %mul3A_503 = arith.mulf %get3A_495, %get3A_501 : vector<16xf32>
        %add3A_504 = arith.addf %mul3A_502, %mul3A_503 : vector<16xf32>
        %reduce_sum3A_505 = arith.constant true
        %reduce_sum3A_506 = vector.broadcast %reduce_sum3A_505 : i1 to vector<16xi1>
        %reduce_sum3A_507 = tpu.scan <sum>, %add3A_504 masked %reduce_sum3A_506 : vector<16xf32>, vector<16xi1> -> vector<16xf32>
        %reduce_sum3A_508 = vector.extract %reduce_sum3A_507[15] : f32 from vector<16xf32>
        %eq3A_509 = arith.constant 14 : i32
        %eq3A_510 = vector.broadcast %eq3A_509 : i32 to vector<16xi32>
        %eq3A_511 = arith.cmpi eq, %iota3A, %eq3A_510 : vector<16xi32>
        %broadcast_in_dim3A_512 = vector.broadcast %reduce_sum3A_508 : f32 to vector<16xf32>
        %select_n3A_513 = arith.select %eq3A_511, %broadcast_in_dim3A_512, %select_n3A_483 : vector<16xi1>, vector<16xf32>
        %add3A_514 = arith.constant 15 : i32
        %add3A_515 = arith.addi %mul3A_64, %add3A_514 : i32
        %get3A_516 = arith.index_cast %add3A_515 : i32 to index
        %get3A_517 = arith.constant 0 : index
        %get3A_518 = tpu.vector_load %arg9[%get3A_516, %get3A_517] {strides = array<i32>} : memref<128x128xf32, #tpu.memory_space<vmem>>, vector<16xf32>,
        %mul3A_519 = arith.constant 32 : i32
        %mul3A_520 = arith.muli %add3A_515, %mul3A_519 : i32
        %get3A_521 = arith.index_cast %mul3A_520 : i32 to index
        %get3A_522 = tpu.vector_load %arg8[%get3A_521] {strides = array<i32>} : memref<4096xf32, #tpu.memory_space<vmem>>, vector<16xf32>,
        %get3A_523 = arith.index_cast %add3A_515 : i32 to index
        %get3A_524 = arith.constant 16 : index
        %get3A_525 = tpu.vector_load %arg9[%get3A_523, %get3A_524] {strides = array<i32>} : memref<128x128xf32, #tpu.memory_space<vmem>>, vector<16xf32>,
        %mul3A_526 = arith.constant 32 : i32
        %mul3A_527 = arith.muli %add3A_515, %mul3A_526 : i32
        %add3A_528 = arith.constant 16 : i32
        %add3A_529 = arith.addi %mul3A_527, %add3A_528 : i32
        %get3A_530 = arith.index_cast %add3A_529 : i32 to index
        %get3A_531 = tpu.vector_load %arg8[%get3A_530] {strides = array<i32>} : memref<4096xf32, #tpu.memory_space<vmem>>, vector<16xf32>,
        %mul3A_532 = arith.mulf %get3A_518, %get3A_522 : vector<16xf32>
        %mul3A_533 = arith.mulf %get3A_525, %get3A_531 : vector<16xf32>
        %add3A_534 = arith.addf %mul3A_532, %mul3A_533 : vector<16xf32>
        %reduce_sum3A_535 = arith.constant true
        %reduce_sum3A_536 = vector.broadcast %reduce_sum3A_535 : i1 to vector<16xi1>
        %reduce_sum3A_537 = tpu.scan <sum>, %add3A_534 masked %reduce_sum3A_536 : vector<16xf32>, vector<16xi1> -> vector<16xf32>
        %reduce_sum3A_538 = vector.extract %reduce_sum3A_537[15] : f32 from vector<16xf32>
        %eq3A_539 = arith.constant 15 : i32
        %eq3A_540 = vector.broadcast %eq3A_539 : i32 to vector<16xi32>
        %eq3A_541 = arith.cmpi eq, %iota3A, %eq3A_540 : vector<16xi32>
        %broadcast_in_dim3A_542 = vector.broadcast %reduce_sum3A_538 : f32 to vector<16xf32>
        %select_n3A_543 = arith.select %eq3A_541, %broadcast_in_dim3A_542, %select_n3A_513 : vector<16xi1>, vector<16xf32>
        %exp3A = math.exp %select_n3A_543 : vector<16xf32>
        %add3A_544 = arith.constant 0 : i32
        %add3A_545 = arith.addi %mul3A_64, %add3A_544 : i32
        %slice3A = vector.extract_strided_slice %exp3A {offsets = [0], sizes = [1], strides = [1]} : vector<16xf32> to vector<1xf32>
        %squeeze3A = vector.extract %slice3A[0] : f32 from vector<1xf32>
        %mul3A_546 = arith.constant 32 : i32
        %mul3A_547 = arith.muli %add3A_545, %mul3A_546 : i32
        %get3A_548 = arith.index_cast %mul3A_547 : i32 to index
        %get3A_549 = tpu.vector_load %arg8[%get3A_548] {strides = array<i32>} : memref<4096xf32, #tpu.memory_space<vmem>>, vector<16xf32>,
        %mul3A_550 = vector.broadcast %squeeze3A : f32 to vector<16xf32>
        %mul3A_551 = arith.mulf %get3A_549, %mul3A_550 : vector<16xf32>
        %swap3A = arith.index_cast %add3A_545 : i32 to index
        %swap3A_552 = arith.constant 0 : index
        %swap3A_553 = tpu.vector_load %arg10[%swap3A, %swap3A_552] {strides = array<i32>} : memref<128x128xf32, #tpu.memory_space<vmem>>, vector<16xf32>,
        tpu.vector_store %arg10[%swap3A, %swap3A_552], %mul3A_551 {strides = array<i32>} : memref<128x128xf32, #tpu.memory_space<vmem>>, vector<16xf32>,
        %mul3A_554 = arith.constant 32 : i32
        %mul3A_555 = arith.muli %add3A_545, %mul3A_554 : i32
        %add3A_556 = arith.constant 16 : i32
        %add3A_557 = arith.addi %mul3A_555, %add3A_556 : i32
        %get3A_558 = arith.index_cast %add3A_557 : i32 to index
        %get3A_559 = tpu.vector_load %arg8[%get3A_558] {strides = array<i32>} : memref<4096xf32, #tpu.memory_space<vmem>>, vector<16xf32>,
        %mul3A_560 = vector.broadcast %squeeze3A : f32 to vector<16xf32>
        %mul3A_561 = arith.mulf %get3A_559, %mul3A_560 : vector<16xf32>
        %swap3A_562 = arith.index_cast %add3A_545 : i32 to index
        %swap3A_563 = arith.constant 16 : index
        %swap3A_564 = tpu.vector_load %arg10[%swap3A_562, %swap3A_563] {strides = array<i32>} : memref<128x128xf32, #tpu.memory_space<vmem>>, vector<16xf32>,
        tpu.vector_store %arg10[%swap3A_562, %swap3A_563], %mul3A_561 {strides = array<i32>} : memref<128x128xf32, #tpu.memory_space<vmem>>, vector<16xf32>,
        %mul3A_565 = vector.broadcast %squeeze3A : f32 to vector<16xf32>
        %mul3A_566 = arith.mulf %convert_element_type3A_4, %mul3A_565 : vector<16xf32>
        %swap3A_567 = arith.index_cast %add3A_545 : i32 to index
        %swap3A_568 = arith.constant 32 : index
        %swap3A_569 = tpu.vector_load %arg10[%swap3A_567, %swap3A_568] {strides = array<i32>} : memref<128x128xf32, #tpu.memory_space<vmem>>, vector<16xf32>,
        tpu.vector_store %arg10[%swap3A_567, %swap3A_568], %mul3A_566 {strides = array<i32>} : memref<128x128xf32, #tpu.memory_space<vmem>>, vector<16xf32>,
        %add3A_570 = arith.constant 1 : i32
        %add3A_571 = arith.addi %mul3A_64, %add3A_570 : i32
        %slice3A_572 = vector.extract_strided_slice %exp3A {offsets = [1], sizes = [1], strides = [1]} : vector<16xf32> to vector<1xf32>
        %squeeze3A_573 = vector.extract %slice3A_572[0] : f32 from vector<1xf32>
        %mul3A_574 = arith.constant 32 : i32
        %mul3A_575 = arith.muli %add3A_571, %mul3A_574 : i32
        %get3A_576 = arith.index_cast %mul3A_575 : i32 to index
        %get3A_577 = tpu.vector_load %arg8[%get3A_576] {strides = array<i32>} : memref<4096xf32, #tpu.memory_space<vmem>>, vector<16xf32>,
        %mul3A_578 = vector.broadcast %squeeze3A_573 : f32 to vector<16xf32>
        %mul3A_579 = arith.mulf %get3A_577, %mul3A_578 : vector<16xf32>
        %swap3A_580 = arith.index_cast %add3A_571 : i32 to index
        %swap3A_581 = arith.constant 0 : index
        %swap3A_582 = tpu.vector_load %arg10[%swap3A_580, %swap3A_581] {strides = array<i32>} : memref<128x128xf32, #tpu.memory_space<vmem>>, vector<16xf32>,
        tpu.vector_store %arg10[%swap3A_580, %swap3A_581], %mul3A_579 {strides = array<i32>} : memref<128x128xf32, #tpu.memory_space<vmem>>, vector<16xf32>,
        %mul3A_583 = arith.constant 32 : i32
        %mul3A_584 = arith.muli %add3A_571, %mul3A_583 : i32
        %add3A_585 = arith.constant 16 : i32
        %add3A_586 = arith.addi %mul3A_584, %add3A_585 : i32
        %get3A_587 = arith.index_cast %add3A_586 : i32 to index
        %get3A_588 = tpu.vector_load %arg8[%get3A_587] {strides = array<i32>} : memref<4096xf32, #tpu.memory_space<vmem>>, vector<16xf32>,
        %mul3A_589 = vector.broadcast %squeeze3A_573 : f32 to vector<16xf32>
        %mul3A_590 = arith.mulf %get3A_588, %mul3A_589 : vector<16xf32>
        %swap3A_591 = arith.index_cast %add3A_571 : i32 to index
        %swap3A_592 = arith.constant 16 : index
        %swap3A_593 = tpu.vector_load %arg10[%swap3A_591, %swap3A_592] {strides = array<i32>} : memref<128x128xf32, #tpu.memory_space<vmem>>, vector<16xf32>,
        tpu.vector_store %arg10[%swap3A_591, %swap3A_592], %mul3A_590 {strides = array<i32>} : memref<128x128xf32, #tpu.memory_space<vmem>>, vector<16xf32>,
        %mul3A_594 = vector.broadcast %squeeze3A_573 : f32 to vector<16xf32>
        %mul3A_595 = arith.mulf %convert_element_type3A_4, %mul3A_594 : vector<16xf32>
        %swap3A_596 = arith.index_cast %add3A_571 : i32 to index
        %swap3A_597 = arith.constant 32 : index
        %swap3A_598 = tpu.vector_load %arg10[%swap3A_596, %swap3A_597] {strides = array<i32>} : memref<128x128xf32, #tpu.memory_space<vmem>>, vector<16xf32>,
        tpu.vector_store %arg10[%swap3A_596, %swap3A_597], %mul3A_595 {strides = array<i32>} : memref<128x128xf32, #tpu.memory_space<vmem>>, vector<16xf32>,
        %add3A_599 = arith.constant 2 : i32
        %add3A_600 = arith.addi %mul3A_64, %add3A_599 : i32
        %slice3A_601 = vector.extract_strided_slice %exp3A {offsets = [2], sizes = [1], strides = [1]} : vector<16xf32> to vector<1xf32>
        %squeeze3A_602 = vector.extract %slice3A_601[0] : f32 from vector<1xf32>
        %mul3A_603 = arith.constant 32 : i32
        %mul3A_604 = arith.muli %add3A_600, %mul3A_603 : i32
        %get3A_605 = arith.index_cast %mul3A_604 : i32 to index
        %get3A_606 = tpu.vector_load %arg8[%get3A_605] {strides = array<i32>} : memref<4096xf32, #tpu.memory_space<vmem>>, vector<16xf32>,
        %mul3A_607 = vector.broadcast %squeeze3A_602 : f32 to vector<16xf32>
        %mul3A_608 = arith.mulf %get3A_606, %mul3A_607 : vector<16xf32>
        %swap3A_609 = arith.index_cast %add3A_600 : i32 to index
        %swap3A_610 = arith.constant 0 : index
        %swap3A_611 = tpu.vector_load %arg10[%swap3A_609, %swap3A_610] {strides = array<i32>} : memref<128x128xf32, #tpu.memory_space<vmem>>, vector<16xf32>,
        tpu.vector_store %arg10[%swap3A_609, %swap3A_610], %mul3A_608 {strides = array<i32>} : memref<128x128xf32, #tpu.memory_space<vmem>>, vector<16xf32>,
        %mul3A_612 = arith.constant 32 : i32
        %mul3A_613 = arith.muli %add3A_600, %mul3A_612 : i32
        %add3A_614 = arith.constant 16 : i32
        %add3A_615 = arith.addi %mul3A_613, %add3A_614 : i32
        %get3A_616 = arith.index_cast %add3A_615 : i32 to index
        %get3A_617 = tpu.vector_load %arg8[%get3A_616] {strides = array<i32>} : memref<4096xf32, #tpu.memory_space<vmem>>, vector<16xf32>,
        %mul3A_618 = vector.broadcast %squeeze3A_602 : f32 to vector<16xf32>
        %mul3A_619 = arith.mulf %get3A_617, %mul3A_618 : vector<16xf32>
        %swap3A_620 = arith.index_cast %add3A_600 : i32 to index
        %swap3A_621 = arith.constant 16 : index
        %swap3A_622 = tpu.vector_load %arg10[%swap3A_620, %swap3A_621] {strides = array<i32>} : memref<128x128xf32, #tpu.memory_space<vmem>>, vector<16xf32>,
        tpu.vector_store %arg10[%swap3A_620, %swap3A_621], %mul3A_619 {strides = array<i32>} : memref<128x128xf32, #tpu.memory_space<vmem>>, vector<16xf32>,
        %mul3A_623 = vector.broadcast %squeeze3A_602 : f32 to vector<16xf32>
        %mul3A_624 = arith.mulf %convert_element_type3A_4, %mul3A_623 : vector<16xf32>
        %swap3A_625 = arith.index_cast %add3A_600 : i32 to index
        %swap3A_626 = arith.constant 32 : index
        %swap3A_627 = tpu.vector_load %arg10[%swap3A_625, %swap3A_626] {strides = array<i32>} : memref<128x128xf32, #tpu.memory_space<vmem>>, vector<16xf32>,
        tpu.vector_store %arg10[%swap3A_625, %swap3A_626], %mul3A_624 {strides = array<i32>} : memref<128x128xf32, #tpu.memory_space<vmem>>, vector<16xf32>,
        %add3A_628 = arith.constant 3 : i32
        %add3A_629 = arith.addi %mul3A_64, %add3A_628 : i32
        %slice3A_630 = vector.extract_strided_slice %exp3A {offsets = [3], sizes = [1], strides = [1]} : vector<16xf32> to vector<1xf32>
        %squeeze3A_631 = vector.extract %slice3A_630[0] : f32 from vector<1xf32>
        %mul3A_632 = arith.constant 32 : i32
        %mul3A_633 = arith.muli %add3A_629, %mul3A_632 : i32
        %get3A_634 = arith.index_cast %mul3A_633 : i32 to index
        %get3A_635 = tpu.vector_load %arg8[%get3A_634] {strides = array<i32>} : memref<4096xf32, #tpu.memory_space<vmem>>, vector<16xf32>,
        %mul3A_636 = vector.broadcast %squeeze3A_631 : f32 to vector<16xf32>
        %mul3A_637 = arith.mulf %get3A_635, %mul3A_636 : vector<16xf32>
        %swap3A_638 = arith.index_cast %add3A_629 : i32 to index
        %swap3A_639 = arith.constant 0 : index
        %swap3A_640 = tpu.vector_load %arg10[%swap3A_638, %swap3A_639] {strides = array<i32>} : memref<128x128xf32, #tpu.memory_space<vmem>>, vector<16xf32>,
        tpu.vector_store %arg10[%swap3A_638, %swap3A_639], %mul3A_637 {strides = array<i32>} : memref<128x128xf32, #tpu.memory_space<vmem>>, vector<16xf32>,
        %mul3A_641 = arith.constant 32 : i32
        %mul3A_642 = arith.muli %add3A_629, %mul3A_641 : i32
        %add3A_643 = arith.constant 16 : i32
        %add3A_644 = arith.addi %mul3A_642, %add3A_643 : i32
        %get3A_645 = arith.index_cast %add3A_644 : i32 to index
        %get3A_646 = tpu.vector_load %arg8[%get3A_645] {strides = array<i32>} : memref<4096xf32, #tpu.memory_space<vmem>>, vector<16xf32>,
        %mul3A_647 = vector.broadcast %squeeze3A_631 : f32 to vector<16xf32>
        %mul3A_648 = arith.mulf %get3A_646, %mul3A_647 : vector<16xf32>
        %swap3A_649 = arith.index_cast %add3A_629 : i32 to index
        %swap3A_650 = arith.constant 16 : index
        %swap3A_651 = tpu.vector_load %arg10[%swap3A_649, %swap3A_650] {strides = array<i32>} : memref<128x128xf32, #tpu.memory_space<vmem>>, vector<16xf32>,
        tpu.vector_store %arg10[%swap3A_649, %swap3A_650], %mul3A_648 {strides = array<i32>} : memref<128x128xf32, #tpu.memory_space<vmem>>, vector<16xf32>,
        %mul3A_652 = vector.broadcast %squeeze3A_631 : f32 to vector<16xf32>
        %mul3A_653 = arith.mulf %convert_element_type3A_4, %mul3A_652 : vector<16xf32>
        %swap3A_654 = arith.index_cast %add3A_629 : i32 to index
        %swap3A_655 = arith.constant 32 : index
        %swap3A_656 = tpu.vector_load %arg10[%swap3A_654, %swap3A_655] {strides = array<i32>} : memref<128x128xf32, #tpu.memory_space<vmem>>, vector<16xf32>,
        tpu.vector_store %arg10[%swap3A_654, %swap3A_655], %mul3A_653 {strides = array<i32>} : memref<128x128xf32, #tpu.memory_space<vmem>>, vector<16xf32>,
        %add3A_657 = arith.constant 4 : i32
        %add3A_658 = arith.addi %mul3A_64, %add3A_657 : i32
        %slice3A_659 = vector.extract_strided_slice %exp3A {offsets = [4], sizes = [1], strides = [1]} : vector<16xf32> to vector<1xf32>
        %squeeze3A_660 = vector.extract %slice3A_659[0] : f32 from vector<1xf32>
        %mul3A_661 = arith.constant 32 : i32
        %mul3A_662 = arith.muli %add3A_658, %mul3A_661 : i32
        %get3A_663 = arith.index_cast %mul3A_662 : i32 to index
        %get3A_664 = tpu.vector_load %arg8[%get3A_663] {strides = array<i32>} : memref<4096xf32, #tpu.memory_space<vmem>>, vector<16xf32>,
        %mul3A_665 = vector.broadcast %squeeze3A_660 : f32 to vector<16xf32>
        %mul3A_666 = arith.mulf %get3A_664, %mul3A_665 : vector<16xf32>
        %swap3A_667 = arith.index_cast %add3A_658 : i32 to index
        %swap3A_668 = arith.constant 0 : index
        %swap3A_669 = tpu.vector_load %arg10[%swap3A_667, %swap3A_668] {strides = array<i32>} : memref<128x128xf32, #tpu.memory_space<vmem>>, vector<16xf32>,
        tpu.vector_store %arg10[%swap3A_667, %swap3A_668], %mul3A_666 {strides = array<i32>} : memref<128x128xf32, #tpu.memory_space<vmem>>, vector<16xf32>,
        %mul3A_670 = arith.constant 32 : i32
        %mul3A_671 = arith.muli %add3A_658, %mul3A_670 : i32
        %add3A_672 = arith.constant 16 : i32
        %add3A_673 = arith.addi %mul3A_671, %add3A_672 : i32
        %get3A_674 = arith.index_cast %add3A_673 : i32 to index
        %get3A_675 = tpu.vector_load %arg8[%get3A_674] {strides = array<i32>} : memref<4096xf32, #tpu.memory_space<vmem>>, vector<16xf32>,
        %mul3A_676 = vector.broadcast %squeeze3A_660 : f32 to vector<16xf32>
        %mul3A_677 = arith.mulf %get3A_675, %mul3A_676 : vector<16xf32>
        %swap3A_678 = arith.index_cast %add3A_658 : i32 to index
        %swap3A_679 = arith.constant 16 : index
        %swap3A_680 = tpu.vector_load %arg10[%swap3A_678, %swap3A_679] {strides = array<i32>} : memref<128x128xf32, #tpu.memory_space<vmem>>, vector<16xf32>,
        tpu.vector_store %arg10[%swap3A_678, %swap3A_679], %mul3A_677 {strides = array<i32>} : memref<128x128xf32, #tpu.memory_space<vmem>>, vector<16xf32>,
        %mul3A_681 = vector.broadcast %squeeze3A_660 : f32 to vector<16xf32>
        %mul3A_682 = arith.mulf %convert_element_type3A_4, %mul3A_681 : vector<16xf32>
        %swap3A_683 = arith.index_cast %add3A_658 : i32 to index
        %swap3A_684 = arith.constant 32 : index
        %swap3A_685 = tpu.vector_load %arg10[%swap3A_683, %swap3A_684] {strides = array<i32>} : memref<128x128xf32, #tpu.memory_space<vmem>>, vector<16xf32>,
        tpu.vector_store %arg10[%swap3A_683, %swap3A_684], %mul3A_682 {strides = array<i32>} : memref<128x128xf32, #tpu.memory_space<vmem>>, vector<16xf32>,
        %add3A_686 = arith.constant 5 : i32
        %add3A_687 = arith.addi %mul3A_64, %add3A_686 : i32
        %slice3A_688 = vector.extract_strided_slice %exp3A {offsets = [5], sizes = [1], strides = [1]} : vector<16xf32> to vector<1xf32>
        %squeeze3A_689 = vector.extract %slice3A_688[0] : f32 from vector<1xf32>
        %mul3A_690 = arith.constant 32 : i32
        %mul3A_691 = arith.muli %add3A_687, %mul3A_690 : i32
        %get3A_692 = arith.index_cast %mul3A_691 : i32 to index
        %get3A_693 = tpu.vector_load %arg8[%get3A_692] {strides = array<i32>} : memref<4096xf32, #tpu.memory_space<vmem>>, vector<16xf32>,
        %mul3A_694 = vector.broadcast %squeeze3A_689 : f32 to vector<16xf32>
        %mul3A_695 = arith.mulf %get3A_693, %mul3A_694 : vector<16xf32>
        %swap3A_696 = arith.index_cast %add3A_687 : i32 to index
        %swap3A_697 = arith.constant 0 : index
        %swap3A_698 = tpu.vector_load %arg10[%swap3A_696, %swap3A_697] {strides = array<i32>} : memref<128x128xf32, #tpu.memory_space<vmem>>, vector<16xf32>,
        tpu.vector_store %arg10[%swap3A_696, %swap3A_697], %mul3A_695 {strides = array<i32>} : memref<128x128xf32, #tpu.memory_space<vmem>>, vector<16xf32>,
        %mul3A_699 = arith.constant 32 : i32
        %mul3A_700 = arith.muli %add3A_687, %mul3A_699 : i32
        %add3A_701 = arith.constant 16 : i32
        %add3A_702 = arith.addi %mul3A_700, %add3A_701 : i32
        %get3A_703 = arith.index_cast %add3A_702 : i32 to index
        %get3A_704 = tpu.vector_load %arg8[%get3A_703] {strides = array<i32>} : memref<4096xf32, #tpu.memory_space<vmem>>, vector<16xf32>,
        %mul3A_705 = vector.broadcast %squeeze3A_689 : f32 to vector<16xf32>
        %mul3A_706 = arith.mulf %get3A_704, %mul3A_705 : vector<16xf32>
        %swap3A_707 = arith.index_cast %add3A_687 : i32 to index
        %swap3A_708 = arith.constant 16 : index
        %swap3A_709 = tpu.vector_load %arg10[%swap3A_707, %swap3A_708] {strides = array<i32>} : memref<128x128xf32, #tpu.memory_space<vmem>>, vector<16xf32>,
        tpu.vector_store %arg10[%swap3A_707, %swap3A_708], %mul3A_706 {strides = array<i32>} : memref<128x128xf32, #tpu.memory_space<vmem>>, vector<16xf32>,
        %mul3A_710 = vector.broadcast %squeeze3A_689 : f32 to vector<16xf32>
        %mul3A_711 = arith.mulf %convert_element_type3A_4, %mul3A_710 : vector<16xf32>
        %swap3A_712 = arith.index_cast %add3A_687 : i32 to index
        %swap3A_713 = arith.constant 32 : index
        %swap3A_714 = tpu.vector_load %arg10[%swap3A_712, %swap3A_713] {strides = array<i32>} : memref<128x128xf32, #tpu.memory_space<vmem>>, vector<16xf32>,
        tpu.vector_store %arg10[%swap3A_712, %swap3A_713], %mul3A_711 {strides = array<i32>} : memref<128x128xf32, #tpu.memory_space<vmem>>, vector<16xf32>,
        %add3A_715 = arith.constant 6 : i32
        %add3A_716 = arith.addi %mul3A_64, %add3A_715 : i32
        %slice3A_717 = vector.extract_strided_slice %exp3A {offsets = [6], sizes = [1], strides = [1]} : vector<16xf32> to vector<1xf32>
        %squeeze3A_718 = vector.extract %slice3A_717[0] : f32 from vector<1xf32>
        %mul3A_719 = arith.constant 32 : i32
        %mul3A_720 = arith.muli %add3A_716, %mul3A_719 : i32
        %get3A_721 = arith.index_cast %mul3A_720 : i32 to index
        %get3A_722 = tpu.vector_load %arg8[%get3A_721] {strides = array<i32>} : memref<4096xf32, #tpu.memory_space<vmem>>, vector<16xf32>,
        %mul3A_723 = vector.broadcast %squeeze3A_718 : f32 to vector<16xf32>
        %mul3A_724 = arith.mulf %get3A_722, %mul3A_723 : vector<16xf32>
        %swap3A_725 = arith.index_cast %add3A_716 : i32 to index
        %swap3A_726 = arith.constant 0 : index
        %swap3A_727 = tpu.vector_load %arg10[%swap3A_725, %swap3A_726] {strides = array<i32>} : memref<128x128xf32, #tpu.memory_space<vmem>>, vector<16xf32>,
        tpu.vector_store %arg10[%swap3A_725, %swap3A_726], %mul3A_724 {strides = array<i32>} : memref<128x128xf32, #tpu.memory_space<vmem>>, vector<16xf32>,
        %mul3A_728 = arith.constant 32 : i32
        %mul3A_729 = arith.muli %add3A_716, %mul3A_728 : i32
        %add3A_730 = arith.constant 16 : i32
        %add3A_731 = arith.addi %mul3A_729, %add3A_730 : i32
        %get3A_732 = arith.index_cast %add3A_731 : i32 to index
        %get3A_733 = tpu.vector_load %arg8[%get3A_732] {strides = array<i32>} : memref<4096xf32, #tpu.memory_space<vmem>>, vector<16xf32>,
        %mul3A_734 = vector.broadcast %squeeze3A_718 : f32 to vector<16xf32>
        %mul3A_735 = arith.mulf %get3A_733, %mul3A_734 : vector<16xf32>
        %swap3A_736 = arith.index_cast %add3A_716 : i32 to index
        %swap3A_737 = arith.constant 16 : index
        %swap3A_738 = tpu.vector_load %arg10[%swap3A_736, %swap3A_737] {strides = array<i32>} : memref<128x128xf32, #tpu.memory_space<vmem>>, vector<16xf32>,
        tpu.vector_store %arg10[%swap3A_736, %swap3A_737], %mul3A_735 {strides = array<i32>} : memref<128x128xf32, #tpu.memory_space<vmem>>, vector<16xf32>,
        %mul3A_739 = vector.broadcast %squeeze3A_718 : f32 to vector<16xf32>
        %mul3A_740 = arith.mulf %convert_element_type3A_4, %mul3A_739 : vector<16xf32>
        %swap3A_741 = arith.index_cast %add3A_716 : i32 to index
        %swap3A_742 = arith.constant 32 : index
        %swap3A_743 = tpu.vector_load %arg10[%swap3A_741, %swap3A_742] {strides = array<i32>} : memref<128x128xf32, #tpu.memory_space<vmem>>, vector<16xf32>,
        tpu.vector_store %arg10[%swap3A_741, %swap3A_742], %mul3A_740 {strides = array<i32>} : memref<128x128xf32, #tpu.memory_space<vmem>>, vector<16xf32>,
        %add3A_744 = arith.constant 7 : i32
        %add3A_745 = arith.addi %mul3A_64, %add3A_744 : i32
        %slice3A_746 = vector.extract_strided_slice %exp3A {offsets = [7], sizes = [1], strides = [1]} : vector<16xf32> to vector<1xf32>
        %squeeze3A_747 = vector.extract %slice3A_746[0] : f32 from vector<1xf32>
        %mul3A_748 = arith.constant 32 : i32
        %mul3A_749 = arith.muli %add3A_745, %mul3A_748 : i32
        %get3A_750 = arith.index_cast %mul3A_749 : i32 to index
        %get3A_751 = tpu.vector_load %arg8[%get3A_750] {strides = array<i32>} : memref<4096xf32, #tpu.memory_space<vmem>>, vector<16xf32>,
        %mul3A_752 = vector.broadcast %squeeze3A_747 : f32 to vector<16xf32>
        %mul3A_753 = arith.mulf %get3A_751, %mul3A_752 : vector<16xf32>
        %swap3A_754 = arith.index_cast %add3A_745 : i32 to index
        %swap3A_755 = arith.constant 0 : index
        %swap3A_756 = tpu.vector_load %arg10[%swap3A_754, %swap3A_755] {strides = array<i32>} : memref<128x128xf32, #tpu.memory_space<vmem>>, vector<16xf32>,
        tpu.vector_store %arg10[%swap3A_754, %swap3A_755], %mul3A_753 {strides = array<i32>} : memref<128x128xf32, #tpu.memory_space<vmem>>, vector<16xf32>,
        %mul3A_757 = arith.constant 32 : i32
        %mul3A_758 = arith.muli %add3A_745, %mul3A_757 : i32
        %add3A_759 = arith.constant 16 : i32
        %add3A_760 = arith.addi %mul3A_758, %add3A_759 : i32
        %get3A_761 = arith.index_cast %add3A_760 : i32 to index
        %get3A_762 = tpu.vector_load %arg8[%get3A_761] {strides = array<i32>} : memref<4096xf32, #tpu.memory_space<vmem>>, vector<16xf32>,
        %mul3A_763 = vector.broadcast %squeeze3A_747 : f32 to vector<16xf32>
        %mul3A_764 = arith.mulf %get3A_762, %mul3A_763 : vector<16xf32>
        %swap3A_765 = arith.index_cast %add3A_745 : i32 to index
        %swap3A_766 = arith.constant 16 : index
        %swap3A_767 = tpu.vector_load %arg10[%swap3A_765, %swap3A_766] {strides = array<i32>} : memref<128x128xf32, #tpu.memory_space<vmem>>, vector<16xf32>,
        tpu.vector_store %arg10[%swap3A_765, %swap3A_766], %mul3A_764 {strides = array<i32>} : memref<128x128xf32, #tpu.memory_space<vmem>>, vector<16xf32>,
        %mul3A_768 = vector.broadcast %squeeze3A_747 : f32 to vector<16xf32>
        %mul3A_769 = arith.mulf %convert_element_type3A_4, %mul3A_768 : vector<16xf32>
        %swap3A_770 = arith.index_cast %add3A_745 : i32 to index
        %swap3A_771 = arith.constant 32 : index
        %swap3A_772 = tpu.vector_load %arg10[%swap3A_770, %swap3A_771] {strides = array<i32>} : memref<128x128xf32, #tpu.memory_space<vmem>>, vector<16xf32>,
        tpu.vector_store %arg10[%swap3A_770, %swap3A_771], %mul3A_769 {strides = array<i32>} : memref<128x128xf32, #tpu.memory_space<vmem>>, vector<16xf32>,
        %add3A_773 = arith.constant 8 : i32
        %add3A_774 = arith.addi %mul3A_64, %add3A_773 : i32
        %slice3A_775 = vector.extract_strided_slice %exp3A {offsets = [8], sizes = [1], strides = [1]} : vector<16xf32> to vector<1xf32>
        %squeeze3A_776 = vector.extract %slice3A_775[0] : f32 from vector<1xf32>
        %mul3A_777 = arith.constant 32 : i32
        %mul3A_778 = arith.muli %add3A_774, %mul3A_777 : i32
        %get3A_779 = arith.index_cast %mul3A_778 : i32 to index
        %get3A_780 = tpu.vector_load %arg8[%get3A_779] {strides = array<i32>} : memref<4096xf32, #tpu.memory_space<vmem>>, vector<16xf32>,
        %mul3A_781 = vector.broadcast %squeeze3A_776 : f32 to vector<16xf32>
        %mul3A_782 = arith.mulf %get3A_780, %mul3A_781 : vector<16xf32>
        %swap3A_783 = arith.index_cast %add3A_774 : i32 to index
        %swap3A_784 = arith.constant 0 : index
        %swap3A_785 = tpu.vector_load %arg10[%swap3A_783, %swap3A_784] {strides = array<i32>} : memref<128x128xf32, #tpu.memory_space<vmem>>, vector<16xf32>,
        tpu.vector_store %arg10[%swap3A_783, %swap3A_784], %mul3A_782 {strides = array<i32>} : memref<128x128xf32, #tpu.memory_space<vmem>>, vector<16xf32>,
        %mul3A_786 = arith.constant 32 : i32
        %mul3A_787 = arith.muli %add3A_774, %mul3A_786 : i32
        %add3A_788 = arith.constant 16 : i32
        %add3A_789 = arith.addi %mul3A_787, %add3A_788 : i32
        %get3A_790 = arith.index_cast %add3A_789 : i32 to index
        %get3A_791 = tpu.vector_load %arg8[%get3A_790] {strides = array<i32>} : memref<4096xf32, #tpu.memory_space<vmem>>, vector<16xf32>,
        %mul3A_792 = vector.broadcast %squeeze3A_776 : f32 to vector<16xf32>
        %mul3A_793 = arith.mulf %get3A_791, %mul3A_792 : vector<16xf32>
        %swap3A_794 = arith.index_cast %add3A_774 : i32 to index
        %swap3A_795 = arith.constant 16 : index
        %swap3A_796 = tpu.vector_load %arg10[%swap3A_794, %swap3A_795] {strides = array<i32>} : memref<128x128xf32, #tpu.memory_space<vmem>>, vector<16xf32>,
        tpu.vector_store %arg10[%swap3A_794, %swap3A_795], %mul3A_793 {strides = array<i32>} : memref<128x128xf32, #tpu.memory_space<vmem>>, vector<16xf32>,
        %mul3A_797 = vector.broadcast %squeeze3A_776 : f32 to vector<16xf32>
        %mul3A_798 = arith.mulf %convert_element_type3A_4, %mul3A_797 : vector<16xf32>
        %swap3A_799 = arith.index_cast %add3A_774 : i32 to index
        %swap3A_800 = arith.constant 32 : index
        %swap3A_801 = tpu.vector_load %arg10[%swap3A_799, %swap3A_800] {strides = array<i32>} : memref<128x128xf32, #tpu.memory_space<vmem>>, vector<16xf32>,
        tpu.vector_store %arg10[%swap3A_799, %swap3A_800], %mul3A_798 {strides = array<i32>} : memref<128x128xf32, #tpu.memory_space<vmem>>, vector<16xf32>,
        %add3A_802 = arith.constant 9 : i32
        %add3A_803 = arith.addi %mul3A_64, %add3A_802 : i32
        %slice3A_804 = vector.extract_strided_slice %exp3A {offsets = [9], sizes = [1], strides = [1]} : vector<16xf32> to vector<1xf32>
        %squeeze3A_805 = vector.extract %slice3A_804[0] : f32 from vector<1xf32>
        %mul3A_806 = arith.constant 32 : i32
        %mul3A_807 = arith.muli %add3A_803, %mul3A_806 : i32
        %get3A_808 = arith.index_cast %mul3A_807 : i32 to index
        %get3A_809 = tpu.vector_load %arg8[%get3A_808] {strides = array<i32>} : memref<4096xf32, #tpu.memory_space<vmem>>, vector<16xf32>,
        %mul3A_810 = vector.broadcast %squeeze3A_805 : f32 to vector<16xf32>
        %mul3A_811 = arith.mulf %get3A_809, %mul3A_810 : vector<16xf32>
        %swap3A_812 = arith.index_cast %add3A_803 : i32 to index
        %swap3A_813 = arith.constant 0 : index
        %swap3A_814 = tpu.vector_load %arg10[%swap3A_812, %swap3A_813] {strides = array<i32>} : memref<128x128xf32, #tpu.memory_space<vmem>>, vector<16xf32>,
        tpu.vector_store %arg10[%swap3A_812, %swap3A_813], %mul3A_811 {strides = array<i32>} : memref<128x128xf32, #tpu.memory_space<vmem>>, vector<16xf32>,
        %mul3A_815 = arith.constant 32 : i32
        %mul3A_816 = arith.muli %add3A_803, %mul3A_815 : i32
        %add3A_817 = arith.constant 16 : i32
        %add3A_818 = arith.addi %mul3A_816, %add3A_817 : i32
        %get3A_819 = arith.index_cast %add3A_818 : i32 to index
        %get3A_820 = tpu.vector_load %arg8[%get3A_819] {strides = array<i32>} : memref<4096xf32, #tpu.memory_space<vmem>>, vector<16xf32>,
        %mul3A_821 = vector.broadcast %squeeze3A_805 : f32 to vector<16xf32>
        %mul3A_822 = arith.mulf %get3A_820, %mul3A_821 : vector<16xf32>
        %swap3A_823 = arith.index_cast %add3A_803 : i32 to index
        %swap3A_824 = arith.constant 16 : index
        %swap3A_825 = tpu.vector_load %arg10[%swap3A_823, %swap3A_824] {strides = array<i32>} : memref<128x128xf32, #tpu.memory_space<vmem>>, vector<16xf32>,
        tpu.vector_store %arg10[%swap3A_823, %swap3A_824], %mul3A_822 {strides = array<i32>} : memref<128x128xf32, #tpu.memory_space<vmem>>, vector<16xf32>,
        %mul3A_826 = vector.broadcast %squeeze3A_805 : f32 to vector<16xf32>
        %mul3A_827 = arith.mulf %convert_element_type3A_4, %mul3A_826 : vector<16xf32>
        %swap3A_828 = arith.index_cast %add3A_803 : i32 to index
        %swap3A_829 = arith.constant 32 : index
        %swap3A_830 = tpu.vector_load %arg10[%swap3A_828, %swap3A_829] {strides = array<i32>} : memref<128x128xf32, #tpu.memory_space<vmem>>, vector<16xf32>,
        tpu.vector_store %arg10[%swap3A_828, %swap3A_829], %mul3A_827 {strides = array<i32>} : memref<128x128xf32, #tpu.memory_space<vmem>>, vector<16xf32>,
        %add3A_831 = arith.constant 10 : i32
        %add3A_832 = arith.addi %mul3A_64, %add3A_831 : i32
        %slice3A_833 = vector.extract_strided_slice %exp3A {offsets = [10], sizes = [1], strides = [1]} : vector<16xf32> to vector<1xf32>
        %squeeze3A_834 = vector.extract %slice3A_833[0] : f32 from vector<1xf32>
        %mul3A_835 = arith.constant 32 : i32
        %mul3A_836 = arith.muli %add3A_832, %mul3A_835 : i32
        %get3A_837 = arith.index_cast %mul3A_836 : i32 to index
        %get3A_838 = tpu.vector_load %arg8[%get3A_837] {strides = array<i32>} : memref<4096xf32, #tpu.memory_space<vmem>>, vector<16xf32>,
        %mul3A_839 = vector.broadcast %squeeze3A_834 : f32 to vector<16xf32>
        %mul3A_840 = arith.mulf %get3A_838, %mul3A_839 : vector<16xf32>
        %swap3A_841 = arith.index_cast %add3A_832 : i32 to index
        %swap3A_842 = arith.constant 0 : index
        %swap3A_843 = tpu.vector_load %arg10[%swap3A_841, %swap3A_842] {strides = array<i32>} : memref<128x128xf32, #tpu.memory_space<vmem>>, vector<16xf32>,
        tpu.vector_store %arg10[%swap3A_841, %swap3A_842], %mul3A_840 {strides = array<i32>} : memref<128x128xf32, #tpu.memory_space<vmem>>, vector<16xf32>,
        %mul3A_844 = arith.constant 32 : i32
        %mul3A_845 = arith.muli %add3A_832, %mul3A_844 : i32
        %add3A_846 = arith.constant 16 : i32
        %add3A_847 = arith.addi %mul3A_845, %add3A_846 : i32
        %get3A_848 = arith.index_cast %add3A_847 : i32 to index
        %get3A_849 = tpu.vector_load %arg8[%get3A_848] {strides = array<i32>} : memref<4096xf32, #tpu.memory_space<vmem>>, vector<16xf32>,
        %mul3A_850 = vector.broadcast %squeeze3A_834 : f32 to vector<16xf32>
        %mul3A_851 = arith.mulf %get3A_849, %mul3A_850 : vector<16xf32>
        %swap3A_852 = arith.index_cast %add3A_832 : i32 to index
        %swap3A_853 = arith.constant 16 : index
        %swap3A_854 = tpu.vector_load %arg10[%swap3A_852, %swap3A_853] {strides = array<i32>} : memref<128x128xf32, #tpu.memory_space<vmem>>, vector<16xf32>,
        tpu.vector_store %arg10[%swap3A_852, %swap3A_853], %mul3A_851 {strides = array<i32>} : memref<128x128xf32, #tpu.memory_space<vmem>>, vector<16xf32>,
        %mul3A_855 = vector.broadcast %squeeze3A_834 : f32 to vector<16xf32>
        %mul3A_856 = arith.mulf %convert_element_type3A_4, %mul3A_855 : vector<16xf32>
        %swap3A_857 = arith.index_cast %add3A_832 : i32 to index
        %swap3A_858 = arith.constant 32 : index
        %swap3A_859 = tpu.vector_load %arg10[%swap3A_857, %swap3A_858] {strides = array<i32>} : memref<128x128xf32, #tpu.memory_space<vmem>>, vector<16xf32>,
        tpu.vector_store %arg10[%swap3A_857, %swap3A_858], %mul3A_856 {strides = array<i32>} : memref<128x128xf32, #tpu.memory_space<vmem>>, vector<16xf32>,
        %add3A_860 = arith.constant 11 : i32
        %add3A_861 = arith.addi %mul3A_64, %add3A_860 : i32
        %slice3A_862 = vector.extract_strided_slice %exp3A {offsets = [11], sizes = [1], strides = [1]} : vector<16xf32> to vector<1xf32>
        %squeeze3A_863 = vector.extract %slice3A_862[0] : f32 from vector<1xf32>
        %mul3A_864 = arith.constant 32 : i32
        %mul3A_865 = arith.muli %add3A_861, %mul3A_864 : i32
        %get3A_866 = arith.index_cast %mul3A_865 : i32 to index
        %get3A_867 = tpu.vector_load %arg8[%get3A_866] {strides = array<i32>} : memref<4096xf32, #tpu.memory_space<vmem>>, vector<16xf32>,
        %mul3A_868 = vector.broadcast %squeeze3A_863 : f32 to vector<16xf32>
        %mul3A_869 = arith.mulf %get3A_867, %mul3A_868 : vector<16xf32>
        %swap3A_870 = arith.index_cast %add3A_861 : i32 to index
        %swap3A_871 = arith.constant 0 : index
        %swap3A_872 = tpu.vector_load %arg10[%swap3A_870, %swap3A_871] {strides = array<i32>} : memref<128x128xf32, #tpu.memory_space<vmem>>, vector<16xf32>,
        tpu.vector_store %arg10[%swap3A_870, %swap3A_871], %mul3A_869 {strides = array<i32>} : memref<128x128xf32, #tpu.memory_space<vmem>>, vector<16xf32>,
        %mul3A_873 = arith.constant 32 : i32
        %mul3A_874 = arith.muli %add3A_861, %mul3A_873 : i32
        %add3A_875 = arith.constant 16 : i32
        %add3A_876 = arith.addi %mul3A_874, %add3A_875 : i32
        %get3A_877 = arith.index_cast %add3A_876 : i32 to index
        %get3A_878 = tpu.vector_load %arg8[%get3A_877] {strides = array<i32>} : memref<4096xf32, #tpu.memory_space<vmem>>, vector<16xf32>,
        %mul3A_879 = vector.broadcast %squeeze3A_863 : f32 to vector<16xf32>
        %mul3A_880 = arith.mulf %get3A_878, %mul3A_879 : vector<16xf32>
        %swap3A_881 = arith.index_cast %add3A_861 : i32 to index
        %swap3A_882 = arith.constant 16 : index
        %swap3A_883 = tpu.vector_load %arg10[%swap3A_881, %swap3A_882] {strides = array<i32>} : memref<128x128xf32, #tpu.memory_space<vmem>>, vector<16xf32>,
        tpu.vector_store %arg10[%swap3A_881, %swap3A_882], %mul3A_880 {strides = array<i32>} : memref<128x128xf32, #tpu.memory_space<vmem>>, vector<16xf32>,
        %mul3A_884 = vector.broadcast %squeeze3A_863 : f32 to vector<16xf32>
        %mul3A_885 = arith.mulf %convert_element_type3A_4, %mul3A_884 : vector<16xf32>
        %swap3A_886 = arith.index_cast %add3A_861 : i32 to index
        %swap3A_887 = arith.constant 32 : index
        %swap3A_888 = tpu.vector_load %arg10[%swap3A_886, %swap3A_887] {strides = array<i32>} : memref<128x128xf32, #tpu.memory_space<vmem>>, vector<16xf32>,
        tpu.vector_store %arg10[%swap3A_886, %swap3A_887], %mul3A_885 {strides = array<i32>} : memref<128x128xf32, #tpu.memory_space<vmem>>, vector<16xf32>,
        %add3A_889 = arith.constant 12 : i32
        %add3A_890 = arith.addi %mul3A_64, %add3A_889 : i32
        %slice3A_891 = vector.extract_strided_slice %exp3A {offsets = [12], sizes = [1], strides = [1]} : vector<16xf32> to vector<1xf32>
        %squeeze3A_892 = vector.extract %slice3A_891[0] : f32 from vector<1xf32>
        %mul3A_893 = arith.constant 32 : i32
        %mul3A_894 = arith.muli %add3A_890, %mul3A_893 : i32
        %get3A_895 = arith.index_cast %mul3A_894 : i32 to index
        %get3A_896 = tpu.vector_load %arg8[%get3A_895] {strides = array<i32>} : memref<4096xf32, #tpu.memory_space<vmem>>, vector<16xf32>,
        %mul3A_897 = vector.broadcast %squeeze3A_892 : f32 to vector<16xf32>
        %mul3A_898 = arith.mulf %get3A_896, %mul3A_897 : vector<16xf32>
        %swap3A_899 = arith.index_cast %add3A_890 : i32 to index
        %swap3A_900 = arith.constant 0 : index
        %swap3A_901 = tpu.vector_load %arg10[%swap3A_899, %swap3A_900] {strides = array<i32>} : memref<128x128xf32, #tpu.memory_space<vmem>>, vector<16xf32>,
        tpu.vector_store %arg10[%swap3A_899, %swap3A_900], %mul3A_898 {strides = array<i32>} : memref<128x128xf32, #tpu.memory_space<vmem>>, vector<16xf32>,
        %mul3A_902 = arith.constant 32 : i32
        %mul3A_903 = arith.muli %add3A_890, %mul3A_902 : i32
        %add3A_904 = arith.constant 16 : i32
        %add3A_905 = arith.addi %mul3A_903, %add3A_904 : i32
        %get3A_906 = arith.index_cast %add3A_905 : i32 to index
        %get3A_907 = tpu.vector_load %arg8[%get3A_906] {strides = array<i32>} : memref<4096xf32, #tpu.memory_space<vmem>>, vector<16xf32>,
        %mul3A_908 = vector.broadcast %squeeze3A_892 : f32 to vector<16xf32>
        %mul3A_909 = arith.mulf %get3A_907, %mul3A_908 : vector<16xf32>
        %swap3A_910 = arith.index_cast %add3A_890 : i32 to index
        %swap3A_911 = arith.constant 16 : index
        %swap3A_912 = tpu.vector_load %arg10[%swap3A_910, %swap3A_911] {strides = array<i32>} : memref<128x128xf32, #tpu.memory_space<vmem>>, vector<16xf32>,
        tpu.vector_store %arg10[%swap3A_910, %swap3A_911], %mul3A_909 {strides = array<i32>} : memref<128x128xf32, #tpu.memory_space<vmem>>, vector<16xf32>,
        %mul3A_913 = vector.broadcast %squeeze3A_892 : f32 to vector<16xf32>
        %mul3A_914 = arith.mulf %convert_element_type3A_4, %mul3A_913 : vector<16xf32>
        %swap3A_915 = arith.index_cast %add3A_890 : i32 to index
        %swap3A_916 = arith.constant 32 : index
        %swap3A_917 = tpu.vector_load %arg10[%swap3A_915, %swap3A_916] {strides = array<i32>} : memref<128x128xf32, #tpu.memory_space<vmem>>, vector<16xf32>,
        tpu.vector_store %arg10[%swap3A_915, %swap3A_916], %mul3A_914 {strides = array<i32>} : memref<128x128xf32, #tpu.memory_space<vmem>>, vector<16xf32>,
        %add3A_918 = arith.constant 13 : i32
        %add3A_919 = arith.addi %mul3A_64, %add3A_918 : i32
        %slice3A_920 = vector.extract_strided_slice %exp3A {offsets = [13], sizes = [1], strides = [1]} : vector<16xf32> to vector<1xf32>
        %squeeze3A_921 = vector.extract %slice3A_920[0] : f32 from vector<1xf32>
        %mul3A_922 = arith.constant 32 : i32
        %mul3A_923 = arith.muli %add3A_919, %mul3A_922 : i32
        %get3A_924 = arith.index_cast %mul3A_923 : i32 to index
        %get3A_925 = tpu.vector_load %arg8[%get3A_924] {strides = array<i32>} : memref<4096xf32, #tpu.memory_space<vmem>>, vector<16xf32>,
        %mul3A_926 = vector.broadcast %squeeze3A_921 : f32 to vector<16xf32>
        %mul3A_927 = arith.mulf %get3A_925, %mul3A_926 : vector<16xf32>
        %swap3A_928 = arith.index_cast %add3A_919 : i32 to index
        %swap3A_929 = arith.constant 0 : index
        %swap3A_930 = tpu.vector_load %arg10[%swap3A_928, %swap3A_929] {strides = array<i32>} : memref<128x128xf32, #tpu.memory_space<vmem>>, vector<16xf32>,
        tpu.vector_store %arg10[%swap3A_928, %swap3A_929], %mul3A_927 {strides = array<i32>} : memref<128x128xf32, #tpu.memory_space<vmem>>, vector<16xf32>,
        %mul3A_931 = arith.constant 32 : i32
        %mul3A_932 = arith.muli %add3A_919, %mul3A_931 : i32
        %add3A_933 = arith.constant 16 : i32
        %add3A_934 = arith.addi %mul3A_932, %add3A_933 : i32
        %get3A_935 = arith.index_cast %add3A_934 : i32 to index
        %get3A_936 = tpu.vector_load %arg8[%get3A_935] {strides = array<i32>} : memref<4096xf32, #tpu.memory_space<vmem>>, vector<16xf32>,
        %mul3A_937 = vector.broadcast %squeeze3A_921 : f32 to vector<16xf32>
        %mul3A_938 = arith.mulf %get3A_936, %mul3A_937 : vector<16xf32>
        %swap3A_939 = arith.index_cast %add3A_919 : i32 to index
        %swap3A_940 = arith.constant 16 : index
        %swap3A_941 = tpu.vector_load %arg10[%swap3A_939, %swap3A_940] {strides = array<i32>} : memref<128x128xf32, #tpu.memory_space<vmem>>, vector<16xf32>,
        tpu.vector_store %arg10[%swap3A_939, %swap3A_940], %mul3A_938 {strides = array<i32>} : memref<128x128xf32, #tpu.memory_space<vmem>>, vector<16xf32>,
        %mul3A_942 = vector.broadcast %squeeze3A_921 : f32 to vector<16xf32>
        %mul3A_943 = arith.mulf %convert_element_type3A_4, %mul3A_942 : vector<16xf32>
        %swap3A_944 = arith.index_cast %add3A_919 : i32 to index
        %swap3A_945 = arith.constant 32 : index
        %swap3A_946 = tpu.vector_load %arg10[%swap3A_944, %swap3A_945] {strides = array<i32>} : memref<128x128xf32, #tpu.memory_space<vmem>>, vector<16xf32>,
        tpu.vector_store %arg10[%swap3A_944, %swap3A_945], %mul3A_943 {strides = array<i32>} : memref<128x128xf32, #tpu.memory_space<vmem>>, vector<16xf32>,
        %add3A_947 = arith.constant 14 : i32
        %add3A_948 = arith.addi %mul3A_64, %add3A_947 : i32
        %slice3A_949 = vector.extract_strided_slice %exp3A {offsets = [14], sizes = [1], strides = [1]} : vector<16xf32> to vector<1xf32>
        %squeeze3A_950 = vector.extract %slice3A_949[0] : f32 from vector<1xf32>
        %mul3A_951 = arith.constant 32 : i32
        %mul3A_952 = arith.muli %add3A_948, %mul3A_951 : i32
        %get3A_953 = arith.index_cast %mul3A_952 : i32 to index
        %get3A_954 = tpu.vector_load %arg8[%get3A_953] {strides = array<i32>} : memref<4096xf32, #tpu.memory_space<vmem>>, vector<16xf32>,
        %mul3A_955 = vector.broadcast %squeeze3A_950 : f32 to vector<16xf32>
        %mul3A_956 = arith.mulf %get3A_954, %mul3A_955 : vector<16xf32>
        %swap3A_957 = arith.index_cast %add3A_948 : i32 to index
        %swap3A_958 = arith.constant 0 : index
        %swap3A_959 = tpu.vector_load %arg10[%swap3A_957, %swap3A_958] {strides = array<i32>} : memref<128x128xf32, #tpu.memory_space<vmem>>, vector<16xf32>,
        tpu.vector_store %arg10[%swap3A_957, %swap3A_958], %mul3A_956 {strides = array<i32>} : memref<128x128xf32, #tpu.memory_space<vmem>>, vector<16xf32>,
        %mul3A_960 = arith.constant 32 : i32
        %mul3A_961 = arith.muli %add3A_948, %mul3A_960 : i32
        %add3A_962 = arith.constant 16 : i32
        %add3A_963 = arith.addi %mul3A_961, %add3A_962 : i32
        %get3A_964 = arith.index_cast %add3A_963 : i32 to index
        %get3A_965 = tpu.vector_load %arg8[%get3A_964] {strides = array<i32>} : memref<4096xf32, #tpu.memory_space<vmem>>, vector<16xf32>,
        %mul3A_966 = vector.broadcast %squeeze3A_950 : f32 to vector<16xf32>
        %mul3A_967 = arith.mulf %get3A_965, %mul3A_966 : vector<16xf32>
        %swap3A_968 = arith.index_cast %add3A_948 : i32 to index
        %swap3A_969 = arith.constant 16 : index
        %swap3A_970 = tpu.vector_load %arg10[%swap3A_968, %swap3A_969] {strides = array<i32>} : memref<128x128xf32, #tpu.memory_space<vmem>>, vector<16xf32>,
        tpu.vector_store %arg10[%swap3A_968, %swap3A_969], %mul3A_967 {strides = array<i32>} : memref<128x128xf32, #tpu.memory_space<vmem>>, vector<16xf32>,
        %mul3A_971 = vector.broadcast %squeeze3A_950 : f32 to vector<16xf32>
        %mul3A_972 = arith.mulf %convert_element_type3A_4, %mul3A_971 : vector<16xf32>
        %swap3A_973 = arith.index_cast %add3A_948 : i32 to index
        %swap3A_974 = arith.constant 32 : index
        %swap3A_975 = tpu.vector_load %arg10[%swap3A_973, %swap3A_974] {strides = array<i32>} : memref<128x128xf32, #tpu.memory_space<vmem>>, vector<16xf32>,
        tpu.vector_store %arg10[%swap3A_973, %swap3A_974], %mul3A_972 {strides = array<i32>} : memref<128x128xf32, #tpu.memory_space<vmem>>, vector<16xf32>,
        %add3A_976 = arith.constant 15 : i32
        %add3A_977 = arith.addi %mul3A_64, %add3A_976 : i32
        %slice3A_978 = vector.extract_strided_slice %exp3A {offsets = [15], sizes = [1], strides = [1]} : vector<16xf32> to vector<1xf32>
        %squeeze3A_979 = vector.extract %slice3A_978[0] : f32 from vector<1xf32>
        %mul3A_980 = arith.constant 32 : i32
        %mul3A_981 = arith.muli %add3A_977, %mul3A_980 : i32
        %get3A_982 = arith.index_cast %mul3A_981 : i32 to index
        %get3A_983 = tpu.vector_load %arg8[%get3A_982] {strides = array<i32>} : memref<4096xf32, #tpu.memory_space<vmem>>, vector<16xf32>,
        %mul3A_984 = vector.broadcast %squeeze3A_979 : f32 to vector<16xf32>
        %mul3A_985 = arith.mulf %get3A_983, %mul3A_984 : vector<16xf32>
        %swap3A_986 = arith.index_cast %add3A_977 : i32 to index
        %swap3A_987 = arith.constant 0 : index
        %swap3A_988 = tpu.vector_load %arg10[%swap3A_986, %swap3A_987] {strides = array<i32>} : memref<128x128xf32, #tpu.memory_space<vmem>>, vector<16xf32>,
        tpu.vector_store %arg10[%swap3A_986, %swap3A_987], %mul3A_985 {strides = array<i32>} : memref<128x128xf32, #tpu.memory_space<vmem>>, vector<16xf32>,
        %mul3A_989 = arith.constant 32 : i32
        %mul3A_990 = arith.muli %add3A_977, %mul3A_989 : i32
        %add3A_991 = arith.constant 16 : i32
        %add3A_992 = arith.addi %mul3A_990, %add3A_991 : i32
        %get3A_993 = arith.index_cast %add3A_992 : i32 to index
        %get3A_994 = tpu.vector_load %arg8[%get3A_993] {strides = array<i32>} : memref<4096xf32, #tpu.memory_space<vmem>>, vector<16xf32>,
        %mul3A_995 = vector.broadcast %squeeze3A_979 : f32 to vector<16xf32>
        %mul3A_996 = arith.mulf %get3A_994, %mul3A_995 : vector<16xf32>
        %swap3A_997 = arith.index_cast %add3A_977 : i32 to index
        %swap3A_998 = arith.constant 16 : index
        %swap3A_999 = tpu.vector_load %arg10[%swap3A_997, %swap3A_998] {strides = array<i32>} : memref<128x128xf32, #tpu.memory_space<vmem>>, vector<16xf32>,
        tpu.vector_store %arg10[%swap3A_997, %swap3A_998], %mul3A_996 {strides = array<i32>} : memref<128x128xf32, #tpu.memory_space<vmem>>, vector<16xf32>,
        %mul3A_1000 = vector.broadcast %squeeze3A_979 : f32 to vector<16xf32>
        %mul3A_1001 = arith.mulf %convert_element_type3A_4, %mul3A_1000 : vector<16xf32>
        %swap3A_1002 = arith.index_cast %add3A_977 : i32 to index
        %swap3A_1003 = arith.constant 32 : index
        %swap3A_1004 = tpu.vector_load %arg10[%swap3A_1002, %swap3A_1003] {strides = array<i32>} : memref<128x128xf32, #tpu.memory_space<vmem>>, vector<16xf32>,
        tpu.vector_store %arg10[%swap3A_1002, %swap3A_1003], %mul3A_1001 {strides = array<i32>} : memref<128x128xf32, #tpu.memory_space<vmem>>, vector<16xf32>,
      }
      %scan3A_61 = arith.constant 8 : i32
      "tpu.region"() ({
        %run_scoped3A = tpu.sem_alloc : memref<!tpu.dma_semaphore, #tpu.memory_space<semaphore_mem>>
        %dma_start3A_62 = arith.constant 0 : i32
        %dma_start3A_63 = arith.constant 0 : i32
        %dma_start3A_64 = tpu.memref_slice %arg6[%dma_start3A_62, %dma_start3A_63] : memref<10240x128xf32, #tpu.memory_space<vmem_shared>> -> memref<10240x128xf32, #tpu.memory_space<vmem_shared>>
        tpu.enqueue_indirect_dma source(%arg10 : memref<128x128xf32, #tpu.memory_space<vmem>>) target(%dma_start3A_64 : memref<10240x128xf32, #tpu.memory_space<vmem_shared>>) offsets(%arg7 : memref<128xi32, #tpu.memory_space<vmem>>) semaphore(%run_scoped3A : memref<!tpu.dma_semaphore, #tpu.memory_space<semaphore_mem>>) {add = true}
        %dma_wait3A_65 = arith.constant 0 : i32
        %dma_wait3A_66 = arith.constant 0 : i32
        %dma_wait3A_67 = tpu.memref_slice %arg6[%dma_wait3A_65, %dma_wait3A_66] : memref<10240x128xf32, #tpu.memory_space<vmem_shared>> -> memref<10240x128xf32, #tpu.memory_space<vmem_shared>>
        tpu.wait_indirect_dma semaphore(%run_scoped3A : memref<!tpu.dma_semaphore, #tpu.memory_space<semaphore_mem>>) src(%arg10 : memref<128x128xf32, #tpu.memory_space<vmem>>) dst(%dma_wait3A_67 : memref<10240x128xf32, #tpu.memory_space<vmem_shared>>)
        tpu.yield
      }) : () -> ()
    }
    %scan3A_37 = arith.constant 40 : i32
    %barrier3A_38 = arith.constant 0 : index
    tpu.barrier barrier_id(%barrier3A_38)
    %mul3A_39 = arith.constant 640 : i32
    %mul3A_40 = arith.muli %arg1, %mul3A_39 : i32
    %mul3A_41 = arith.constant 10240 : i32
    %mul3A_42 = arith.muli %arg0, %mul3A_41 : i32
    %mul3A_43 = arith.constant 640 : i32
    %mul3A_44 = arith.muli %arg1, %mul3A_43 : i32
    %add3A_45 = arith.addi %mul3A_42, %mul3A_44 : i32
    "tpu.region"() ({
      %run_scoped3A = tpu.sem_alloc : memref<!tpu.dma_semaphore, #tpu.memory_space<semaphore_mem>>
      %dma_start3A = arith.constant 0 : i32
      %dma_start3A_46 = tpu.memref_slice %arg5[%add3A_45, %dma_start3A] : memref<20480x128xf32, #tpu.memory_space<hbm>> -> memref<640x128xf32, #tpu.memory_space<hbm>>
      %dma_start3A_47 = arith.constant 0 : i32
      %dma_start3A_48 = tpu.memref_slice %arg6[%mul3A_40, %dma_start3A_47] : memref<10240x128xf32, #tpu.memory_space<vmem_shared>> -> memref<640x128xf32, #tpu.memory_space<vmem_shared>>
      tpu.enqueue_dma source(%dma_start3A_48 : memref<640x128xf32, #tpu.memory_space<vmem_shared>>) target(%dma_start3A_46 : memref<640x128xf32, #tpu.memory_space<hbm>>) target_semaphore(%run_scoped3A : memref<!tpu.dma_semaphore, #tpu.memory_space<semaphore_mem>>)
      %dma_wait3A = arith.constant 0 : i32
      %dma_wait3A_49 = tpu.memref_slice %arg5[%add3A_45, %dma_wait3A] : memref<20480x128xf32, #tpu.memory_space<hbm>> -> memref<640x128xf32, #tpu.memory_space<hbm>>
      %dma_wait3A_50 = arith.constant 0 : i32
      %dma_wait3A_51 = tpu.memref_slice %arg6[%mul3A_40, %dma_wait3A_50] : memref<10240x128xf32, #tpu.memory_space<vmem_shared>> -> memref<640x128xf32, #tpu.memory_space<vmem_shared>>
      tpu.wait_dma2 semaphore(%run_scoped3A : memref<!tpu.dma_semaphore, #tpu.memory_space<semaphore_mem>>) src(%dma_wait3A_51 : memref<640x128xf32, #tpu.memory_space<vmem_shared>>) dst(%dma_wait3A_49 : memref<640x128xf32, #tpu.memory_space<hbm>>)
      tpu.yield
    }) : () -> ()
    return
  }
}

module attributes {stable_mosaic.version = 14 : i64} {
  func.func @_tc1_body(%arg0: i32, %arg1: memref<2000x768xf32, #tpu.memory_space<vmem>>, %arg2: memref<768x32xf32, #tpu.memory_space<vmem>>, %arg3: memref<2000x128xf32, #tpu.memory_space<vmem>>) attributes {dimension_semantics = [#tpu.dimension_semantics<arbitrary>], iteration_bounds = array<i64: 5>, scalar_prefetch = 0 : i64, scratch_operands = 0 : i64, tpu.core_type = #tpu.core_type<tc>, window_params = [{transform_indices = @transform_0, window_bounds = array<i64: 2000, 768>}, {pipeline_mode = #tpu.pipeline_mode<synchronous>, transform_indices = @transform_1, window_bounds = array<i64: 768, 32>}, {transform_indices = @transform_2, window_bounds = array<i64: 2000, 128>}]} {
    %get3A = arith.constant 0 : index
    %get3A_0 = arith.constant 0 : index
    %get3A_1 = vector.load %arg1[%get3A, %get3A_0] : memref<2000x768xf32, #tpu.memory_space<vmem>>, vector<2000x768xf32>
    %get3A_2 = arith.constant 0 : index
    %get3A_3 = arith.constant 0 : index
    %get3A_4 = vector.load %arg2[%get3A_2, %get3A_3] : memref<768x32xf32, #tpu.memory_space<vmem>>, vector<768x32xf32>
    %dot_general3A = arith.constant dense<0.000000e+00> : vector<2000x32xf32>
    %dot_general3A_5 = tpu.matmul %get3A_1, %get3A_4, %dot_general3A {dimension_numbers = #tpu.dot_dimension_numbers<[1], [0], [0], [1], [0, 0, 1, 1], [], []>, transpose_lhs_hint = false} : vector<2000x768xf32>, vector<768x32xf32>, vector<2000x32xf32> -> vector<2000x32xf32>
    %broadcast_in_dim3A = arith.constant 0.000000e+00 : f32
    %broadcast_in_dim3A_6 = vector.broadcast %broadcast_in_dim3A : f32 to vector<2000x96xf32>
    %concatenate3A = tpu.concatenate %dot_general3A_5, %broadcast_in_dim3A_6 in 1 : vector<2000x32xf32>, vector<2000x96xf32> -> vector<2000x128xf32>
    %swap3A = arith.constant 0 : index
    %swap3A_7 = arith.constant 0 : index
    %swap3A_8 = vector.load %arg3[%swap3A, %swap3A_7] : memref<2000x128xf32, #tpu.memory_space<vmem>>, vector<2000x128xf32>
    tpu.vector_store %arg3[%swap3A, %swap3A_7], %concatenate3A {strides = array<i32>} : memref<2000x128xf32, #tpu.memory_space<vmem>>, vector<2000x128xf32>,
    return
  }
  func.func @transform_0(%arg0: i32) -> (i32, i32) {
    %c0_i32 = arith.constant 0 : i32
    %c0_i32_0 = arith.constant 0 : i32
    return %arg0, %c0_i32 : i32, i32
  }
  func.func @transform_1(%arg0: i32) -> (i32, i32) {
    %c0_i32 = arith.constant 0 : i32
    %c0_i32_0 = arith.constant 0 : i32
    %c0_i32_1 = arith.constant 0 : i32
    return %c0_i32, %c0_i32_0 : i32, i32
  }
  func.func @transform_2(%arg0: i32) -> (i32, i32) {
    %c0_i32 = arith.constant 0 : i32
    %c0_i32_0 = arith.constant 0 : i32
    return %arg0, %c0_i32 : i32, i32
  }
}

module attributes {stable_mosaic.version = 14 : i64} {
  func.func @_tc2_body(%arg0: i32, %arg1: memref<2x2000x128xf32, #tpu.memory_space<vmem>>, %arg2: memref<2x2000x128xf32, #tpu.memory_space<vmem>>, %arg3: memref<2000x128xf32, #tpu.memory_space<vmem>>) attributes {dimension_semantics = [#tpu.dimension_semantics<arbitrary>], iteration_bounds = array<i64: 5>, scalar_prefetch = 0 : i64, scratch_operands = 0 : i64, tpu.core_type = #tpu.core_type<tc>, window_params = [{transform_indices = @transform_0, window_bounds = array<i64: 2, 2000, 128>}, {transform_indices = @transform_1, window_bounds = array<i64: 2, 2000, 128>}, {transform_indices = @transform_2, window_bounds = array<i64: 2000, 128>}]} {
    %get3A = arith.constant 0 : index
    %get3A_0 = arith.constant 0 : index
    %get3A_1 = arith.constant 0 : index
    %get3A_2 = vector.load %arg1[%get3A, %get3A_0, %get3A_1] : memref<2x2000x128xf32, #tpu.memory_space<vmem>>, vector<2x2000x128xf32>
    %get3A_3 = arith.constant 0 : index
    %get3A_4 = arith.constant 0 : index
    %get3A_5 = arith.constant 0 : index
    %get3A_6 = vector.load %arg2[%get3A_3, %get3A_4, %get3A_5] : memref<2x2000x128xf32, #tpu.memory_space<vmem>>, vector<2x2000x128xf32>
    %slice3A = vector.extract_strided_slice %get3A_2 {offsets = [0, 0, 0], sizes = [1, 2000, 128], strides = [1, 1, 1]} : vector<2x2000x128xf32> to vector<1x2000x128xf32>
    %squeeze3A = vector.shape_cast %slice3A : vector<1x2000x128xf32> to vector<2000x128xf32>
    %slice3A_7 = vector.extract_strided_slice %get3A_2 {offsets = [1, 0, 0], sizes = [1, 2000, 128], strides = [1, 1, 1]} : vector<2x2000x128xf32> to vector<1x2000x128xf32>
    %squeeze3A_8 = vector.shape_cast %slice3A_7 : vector<1x2000x128xf32> to vector<2000x128xf32>
    %add3A = arith.addf %squeeze3A, %squeeze3A_8 : vector<2000x128xf32>
    %slice3A_9 = vector.extract_strided_slice %get3A_6 {offsets = [0, 0, 0], sizes = [1, 2000, 128], strides = [1, 1, 1]} : vector<2x2000x128xf32> to vector<1x2000x128xf32>
    %squeeze3A_10 = vector.shape_cast %slice3A_9 : vector<1x2000x128xf32> to vector<2000x128xf32>
    %slice3A_11 = vector.extract_strided_slice %get3A_6 {offsets = [1, 0, 0], sizes = [1, 2000, 128], strides = [1, 1, 1]} : vector<2x2000x128xf32> to vector<1x2000x128xf32>
    %squeeze3A_12 = vector.shape_cast %slice3A_11 : vector<1x2000x128xf32> to vector<2000x128xf32>
    %add3A_13 = arith.addf %squeeze3A_10, %squeeze3A_12 : vector<2000x128xf32>
    %slice3A_14 = vector.extract_strided_slice %add3A {offsets = [0, 32], sizes = [2000, 1], strides = [1, 1]} : vector<2000x128xf32> to vector<2000x1xf32>
    %slice3A_15 = vector.extract_strided_slice %add3A_13 {offsets = [0, 32], sizes = [2000, 1], strides = [1, 1]} : vector<2000x128xf32> to vector<2000x1xf32>
    %slice3A_16 = vector.extract_strided_slice %add3A {offsets = [0, 0], sizes = [2000, 32], strides = [1, 1]} : vector<2000x128xf32> to vector<2000x32xf32>
    %gt3A = arith.constant 0.000000e+00 : f32
    %gt3A_17 = vector.broadcast %gt3A : f32 to vector<2000x1xf32>
    %gt3A_18 = arith.cmpf ogt, %slice3A_14, %gt3A_17 : vector<2000x1xf32>
    %jit3A = arith.constant 1.000000e+00 : f32
    %broadcast_in_dim3A = vector.broadcast %jit3A : f32 to vector<2000x1xf32>
    %select_n3A = arith.select %gt3A_18, %slice3A_14, %broadcast_in_dim3A : vector<2000x1xi1>, vector<2000x1xf32>
    %div3A = vector.broadcast %select_n3A : vector<2000x1xf32> to vector<2000x32xf32>
    %div3A_19 = arith.divf %slice3A_16, %div3A : vector<2000x32xf32>
    %slice3A_20 = vector.extract_strided_slice %add3A_13 {offsets = [0, 0], sizes = [2000, 32], strides = [1, 1]} : vector<2000x128xf32> to vector<2000x32xf32>
    %gt3A_21 = arith.constant 0.000000e+00 : f32
    %gt3A_22 = vector.broadcast %gt3A_21 : f32 to vector<2000x1xf32>
    %gt3A_23 = arith.cmpf ogt, %slice3A_15, %gt3A_22 : vector<2000x1xf32>
    %jit3A_24 = arith.constant 1.000000e+00 : f32
    %broadcast_in_dim3A_25 = vector.broadcast %jit3A_24 : f32 to vector<2000x1xf32>
    %select_n3A_26 = arith.select %gt3A_23, %slice3A_15, %broadcast_in_dim3A_25 : vector<2000x1xi1>, vector<2000x1xf32>
    %div3A_27 = vector.broadcast %select_n3A_26 : vector<2000x1xf32> to vector<2000x32xf32>
    %div3A_28 = arith.divf %slice3A_20, %div3A_27 : vector<2000x32xf32>
    %concatenate3A = tpu.concatenate %div3A_19, %div3A_28, %div3A_19, %div3A_28 in 1 : vector<2000x32xf32>, vector<2000x32xf32>, vector<2000x32xf32>, vector<2000x32xf32> -> vector<2000x128xf32>
    %swap3A = arith.constant 0 : index
    %swap3A_29 = arith.constant 0 : index
    %swap3A_30 = vector.load %arg3[%swap3A, %swap3A_29] : memref<2000x128xf32, #tpu.memory_space<vmem>>, vector<2000x128xf32>
    tpu.vector_store %arg3[%swap3A, %swap3A_29], %concatenate3A {strides = array<i32>} : memref<2000x128xf32, #tpu.memory_space<vmem>>, vector<2000x128xf32>,
    return
  }
  func.func @transform_0(%arg0: i32) -> (i32, i32, i32) {
    %c0_i32 = arith.constant 0 : i32
    %c0_i32_0 = arith.constant 0 : i32
    %c0_i32_1 = arith.constant 0 : i32
    return %c0_i32, %arg0, %c0_i32_0 : i32, i32, i32
  }
  func.func @transform_1(%arg0: i32) -> (i32, i32, i32) {
    %c0_i32 = arith.constant 0 : i32
    %c0_i32_0 = arith.constant 0 : i32
    %c0_i32_1 = arith.constant 0 : i32
    return %c0_i32, %arg0, %c0_i32_0 : i32, i32, i32
  }
  func.func @transform_2(%arg0: i32) -> (i32, i32) {
    %c0_i32 = arith.constant 0 : i32
    %c0_i32_0 = arith.constant 0 : i32
    return %arg0, %c0_i32 : i32, i32
  }
}

module attributes {stable_mosaic.version = 14 : i64} {
  func.func @_tc3_body(%arg0: i32, %arg1: memref<640x128xf32, #tpu.memory_space<vmem>>, %arg2: memref<640x128xf32, #tpu.memory_space<vmem>>, %arg3: memref<640x32xf32, #tpu.memory_space<vmem>>, %arg4: memref<64x2048xf32, #tpu.memory_space<vmem>>, %arg5: memref<2048x32xf32, #tpu.memory_space<vmem>>, %arg6: memref<1x32xf32, #tpu.memory_space<vmem>>, %arg7: memref<640x32xf32, #tpu.memory_space<vmem>>) attributes {dimension_semantics = [#tpu.dimension_semantics<arbitrary>], iteration_bounds = array<i64: 500>, scalar_prefetch = 0 : i64, scratch_operands = 0 : i64, tpu.core_type = #tpu.core_type<tc>, window_params = [{transform_indices = @transform_0, window_bounds = array<i64: 640, 128>}, {transform_indices = @transform_1, window_bounds = array<i64: 640, 128>}, {transform_indices = @transform_2, window_bounds = array<i64: 640, 32>}, {pipeline_mode = #tpu.pipeline_mode<synchronous>, transform_indices = @transform_3, window_bounds = array<i64: 64, 2048>}, {pipeline_mode = #tpu.pipeline_mode<synchronous>, transform_indices = @transform_4, window_bounds = array<i64: 2048, 32>}, {pipeline_mode = #tpu.pipeline_mode<synchronous>, transform_indices = @transform_5, window_bounds = array<i64: 1, 32>}, {transform_indices = @transform_6, window_bounds = array<i64: 640, 32>}]} {
    %get3A = arith.constant 0 : index
    %get3A_0 = arith.constant 0 : index
    %get3A_1 = vector.load %arg1[%get3A, %get3A_0] : memref<640x128xf32, #tpu.memory_space<vmem>>, vector<640x128xf32>
    %slice3A = vector.extract_strided_slice %get3A_1 {offsets = [0, 0], sizes = [640, 64], strides = [1, 1]} : vector<640x128xf32> to vector<640x64xf32>
    %get3A_2 = arith.constant 0 : index
    %get3A_3 = arith.constant 0 : index
    %get3A_4 = vector.load %arg4[%get3A_2, %get3A_3] : memref<64x2048xf32, #tpu.memory_space<vmem>>, vector<64x2048xf32>
    %dot_general3A = arith.constant dense<0.000000e+00> : vector<640x2048xf32>
    %dot_general3A_5 = tpu.matmul %slice3A, %get3A_4, %dot_general3A {dimension_numbers = #tpu.dot_dimension_numbers<[1], [0], [0], [1], [0, 0, 1, 1], [], []>, transpose_lhs_hint = false} : vector<640x64xf32>, vector<64x2048xf32>, vector<640x2048xf32> -> vector<640x2048xf32>
    %get3A_6 = arith.constant 0 : index
    %get3A_7 = arith.constant 0 : index
    %get3A_8 = vector.load %arg2[%get3A_6, %get3A_7] : memref<640x128xf32, #tpu.memory_space<vmem>>, vector<640x128xf32>
    %concatenate3A = tpu.concatenate %get3A_8, %get3A_8, %get3A_8, %get3A_8, %get3A_8, %get3A_8, %get3A_8, %get3A_8, %get3A_8, %get3A_8, %get3A_8, %get3A_8, %get3A_8, %get3A_8, %get3A_8, %get3A_8 in 1 : vector<640x128xf32>, vector<640x128xf32>, vector<640x128xf32>, vector<640x128xf32>, vector<640x128xf32>, vector<640x128xf32>, vector<640x128xf32>, vector<640x128xf32>, vector<640x128xf32>, vector<640x128xf32>, vector<640x128xf32>, vector<640x128xf32>, vector<640x128xf32>, vector<640x128xf32>, vector<640x128xf32>, vector<640x128xf32> -> vector<640x2048xf32>
    %mul3A = arith.mulf %dot_general3A_5, %concatenate3A : vector<640x2048xf32>
    %get3A_9 = arith.constant 0 : index
    %get3A_10 = arith.constant 0 : index
    %get3A_11 = vector.load %arg5[%get3A_9, %get3A_10] : memref<2048x32xf32, #tpu.memory_space<vmem>>, vector<2048x32xf32>
    %dot_general3A_12 = arith.constant dense<0.000000e+00> : vector<640x32xf32>
    %dot_general3A_13 = tpu.matmul %mul3A, %get3A_11, %dot_general3A_12 {dimension_numbers = #tpu.dot_dimension_numbers<[1], [0], [0], [1], [0, 0, 1, 1], [], []>, transpose_lhs_hint = false} : vector<640x2048xf32>, vector<2048x32xf32>, vector<640x32xf32> -> vector<640x32xf32>
    %get3A_14 = arith.constant 0 : index
    %get3A_15 = arith.constant 0 : index
    %get3A_16 = vector.load %arg6[%get3A_14, %get3A_15] : memref<1x32xf32, #tpu.memory_space<vmem>>, vector<1x32xf32>
    %add3A = vector.broadcast %get3A_16 : vector<1x32xf32> to vector<640x32xf32>
    %add3A_17 = arith.addf %dot_general3A_13, %add3A : vector<640x32xf32>
    %get3A_18 = arith.constant 0 : index
    %get3A_19 = arith.constant 0 : index
    %get3A_20 = vector.load %arg3[%get3A_18, %get3A_19] : memref<640x32xf32, #tpu.memory_space<vmem>>, vector<640x32xf32>
    %logistic3A = arith.negf %add3A_17 : vector<640x32xf32>
    %logistic3A_21 = math.exp %logistic3A : vector<640x32xf32>
    %logistic3A_22 = arith.constant 1.000000e+00 : f32
    %logistic3A_23 = vector.broadcast %logistic3A_22 : f32 to vector<640x32xf32>
    %logistic3A_24 = arith.addf %logistic3A_23, %logistic3A_21 : vector<640x32xf32>
    %logistic3A_25 = arith.divf %logistic3A_23, %logistic3A_24 : vector<640x32xf32>
    %mul3A_26 = arith.mulf %logistic3A_25, %get3A_20 : vector<640x32xf32>
    %add3A_27 = arith.addf %get3A_20, %mul3A_26 : vector<640x32xf32>
    %swap3A = arith.constant 0 : index
    %swap3A_28 = arith.constant 0 : index
    %swap3A_29 = vector.load %arg7[%swap3A, %swap3A_28] : memref<640x32xf32, #tpu.memory_space<vmem>>, vector<640x32xf32>
    tpu.vector_store %arg7[%swap3A, %swap3A_28], %add3A_27 {strides = array<i32>} : memref<640x32xf32, #tpu.memory_space<vmem>>, vector<640x32xf32>,
    return
  }
  func.func @transform_0(%arg0: i32) -> (i32, i32) {
    %c0_i32 = arith.constant 0 : i32
    %c0_i32_0 = arith.constant 0 : i32
    return %arg0, %c0_i32 : i32, i32
  }
  func.func @transform_1(%arg0: i32) -> (i32, i32) {
    %c0_i32 = arith.constant 0 : i32
    %c0_i32_0 = arith.constant 0 : i32
    return %arg0, %c0_i32 : i32, i32
  }
  func.func @transform_2(%arg0: i32) -> (i32, i32) {
    %c0_i32 = arith.constant 0 : i32
    %c0_i32_0 = arith.constant 0 : i32
    return %arg0, %c0_i32 : i32, i32
  }
  func.func @transform_3(%arg0: i32) -> (i32, i32) {
    %c0_i32 = arith.constant 0 : i32
    %c0_i32_0 = arith.constant 0 : i32
    %c0_i32_1 = arith.constant 0 : i32
    return %c0_i32, %c0_i32_0 : i32, i32
  }
  func.func @transform_4(%arg0: i32) -> (i32, i32) {
    %c0_i32 = arith.constant 0 : i32
    %c0_i32_0 = arith.constant 0 : i32
    %c0_i32_1 = arith.constant 0 : i32
    return %c0_i32, %c0_i32_0 : i32, i32
  }
  func.func @transform_5(%arg0: i32) -> (i32, i32) {
    %c0_i32 = arith.constant 0 : i32
    %c0_i32_0 = arith.constant 0 : i32
    %c0_i32_1 = arith.constant 0 : i32
    return %c0_i32, %c0_i32_0 : i32, i32
  }
  func.func @transform_6(%arg0: i32) -> (i32, i32) {
    %c0_i32 = arith.constant 0 : i32
    %c0_i32_0 = arith.constant 0 : i32
    return %arg0, %c0_i32 : i32, i32
  }
}

</mosaic_0001>

<sc_bundles>
// kernel: kernel.11.cloned.1.call-start
scs
__scs_entry_jumppad:
0x0: {  	(pc) =	sbr.rel $0x88, $3  }
0x1: {  	(tag) =	ssettag $0x0;
	lr =	simm.s32 $0x1  }
0x2: {  	[smem:$0x3F99] =	sst lr;
	_ =	strace $0xD0000000  }
0x3: {  	_ = 	snop  }
0x4: {  	_ = 	snop  }
0x5: {  	_ = 	snop  }
0x6: {  	_ = 	snop  }
0x7: {  	_ = 	snop  }
__scs_overlays_trampoline_lowered:
0x8: {  	[smem:$0x3FA8] =	sst s0  }
0x9: {  	[smem:$0x3FA9] =	sst s1  }
0xa: {  	[smem:$0x3FAA] =	sst s2  }
0xb: {  	[smem:$0x3FAB] =	sst s3  }
0xc: {  	[smem:$0x3FAC] =	sst s4  }
0xd: {  	[smem:$0x3FAD] =	sst s5  }
0xe: {  	[smem:$0x3FAE] =	sst s6  }
0xf: {  	[smem:$0x3FAF] =	sst s7  }
0x10: {  	[smem:$0x3FB0] =	sst s8  }
0x11: {  	[smem:$0x3FB1] =	sst s9;
	s0 =	simm.s32 @!p0 $0x0  }
0x12: {  	s1 =	sld [smem:$0x3F97];
	s0 =	simm.s32 @p0 $0x1  }
0x13: {  	[smem:$0x3FB2] =	sst s0;
	s0 =	simm.s32 @!p1 $0x0  }
0x14: {  	s2 =	sld [smem:$0x3F96];
	s0 =	simm.s32 @p1 $0x1  }
0x15: {  	[smem:$0x3FB3] =	sst s0;
	s0 =	simm.s32 @!p2 $0x0  }
0x16: {  	s3 =	sld [smem:$0x3FDB];
	s0 =	simm.s32 @p2 $0x1  }
0x17: {  	s4 =	simm.s32 $0x1BF5;
	[smem:$0x3FB5] =	sst s0  }
0x18: {  	s0 =	sld [smem:$0x3F98];
	_ =	swait.ge [sflag:s4], $0x0  }
0x19: {  	s7 =	sld [smem:$0x3F99]  }
0x1a: {  	s8 =	sadd.s32 $0xFFFFE003, lr  }
0x1b: {  	s9 =	sadd.s32 $0xFFFFFEF7, lr;
	s5 =	simm.s32 $0xFFFFFFFF;
	p2 =	slt.u32 s8, $0xFFFFF086  }
0x1c: {  	p1 =	slt.u32 s9, $0xF7A;
	s5 =	simm.s32 @!p2 $0x0  }
0x1d: {  	s5 =	simm.s32 @p1 $0x1;
	p0 =	seq.s32 s7, s2  }
0x1e: {  	s7 =	smul.u32 @!p0 $0xF7A, s2;
	p2 =	seq.s32 @!p0 s5, $0x0  }
0x1f: {  	s9 =	smul.u32 $0xF7A, s1;
	s8 =	simm.s32 @!p0 $0x1BF5;
	p2 =	por !p2, p0  }
0x20: {  	[sflag:s8] =	ssyncset.s32 @!p0 $0xFFFFF086;
	s6 =	sadd.s32 @!p0 s3, s7;
	s7 =	simm.s32 @!p0 $0x108  }
0x21: {  	s3 =	sadd.s32 s3, s9;
	s6 =	sadd.s32 @!p0 $0x88, s6;
	s7 =	simm.s32 @p2 $0x1082  }
0x22: {  	[simem:s7], [sflag:s8] =	dma.local @!p0 [hbm:s6], $0xF7A  }
0x23: {  	s9 =	sor.u32 $0xD0000000, s2;
	s6 =	simm.s32 $0x108;
	_ =	swait.ge @!p0 [sflag:s8], $0x0  }
0x24: {  	s3 =	sadd.s32 $0x88, s3;
	s6 =	simm.s32 @!p1 $0x1082;
	[sflag:s4] =	ssyncset.s32 $0xFFFFF086  }
0x25: {  	[simem:s6], [sflag:s4] =	dma.local [hbm:s3], $0xF7A  }
0x26: {  	[smem:$0x3F99] =	sst s1;
	(tag) =	ssettag s2;
	_ =	strace s9  }
0x27: {  	s1 =	sld [smem:$0x3FA9]  }
0x28: {  	s2 =	sld [smem:$0x3FAA]  }
0x29: {  	s4 =	sld [smem:$0x3FAC]  }
0x2a: {  	p0 =	seq.s32 s5, $0x0;
	s5 =	sld [smem:$0x3FAD]  }
0x2b: {  	s6 =	sld [smem:$0x3FAE]  }
0x2c: {  	s7 =	sld [smem:$0x3FAF]  }
0x2d: {  	s3 =	simm.s32 $0x108;
	s8 =	sld [smem:$0x3FB0]  }
0x2e: {  	s3 =	simm.s32 @!p0 $0x1082;
	s9 =	sld [smem:$0x3FB1]  }
0x2f: {  	lr =	sadd.s32 s0, s3;
	s0 =	sld [smem:$0x3FA8]  }
0x30: {  	s3 =	sld [smem:$0x3FAB]  }
0x31: {  	[smem:$0x3FB4] =	sst s10  }
0x32: {  	s10 =	sld [smem:$0x3FB2];
	_ =	sdelay $0x3  }
0x33: {  	p0 =	seq.s32 s10, $0x1;
	s10 =	sld [smem:$0x3FB4];
	_ =	sdelay $0x3  }
0x34: {  	[smem:$0x3FB4] =	sst s10  }
0x35: {  	s10 =	sld [smem:$0x3FB3];
	_ =	sdelay $0x3  }
0x36: {  	p1 =	seq.s32 s10, $0x1;
	s10 =	sld [smem:$0x3FB4];
	_ =	sdelay $0x3  }
0x37: {  	[smem:$0x3FB4] =	sst s10  }
0x38: {  	s10 =	sld [smem:$0x3FB5]  }
0x39: {  	_ = 	snop;
	(pc) =	sbr.ind lr, $3  }
0x3a: {  	_ = 	snop  }
0x3b: {  	_ = 	snop  }
0x3c: {  	p2 =	seq.s32 s10, $0x1;
	s10 =	sld [smem:$0x3FB4]  }
0x3d: {  	_ =	shalt  }
0x3e: {  	_ =	shalt  }
0x3f: {  	_ =	shalt  }
0x40: {  	_ =	shalt  }
0x41: {  	_ =	shalt  }
0x42: {  	_ =	shalt  }
0x43: {  	_ =	shalt  }
0x44: {  	_ =	shalt  }
0x45: {  	_ =	shalt  }
0x46: {  	_ =	shalt  }
0x47: {  	_ =	shalt  }
0x48: {  	_ =	shalt  }
0x49: {  	_ =	shalt  }
0x4a: {  	_ =	shalt  }
0x4b: {  	_ =	shalt  }
0x4c: {  	_ =	shalt  }
0x4d: {  	_ =	shalt  }
0x4e: {  	_ =	shalt  }
0x4f: {  	_ =	shalt  }
0x50: {  	_ =	shalt  }
0x51: {  	_ =	shalt  }
0x52: {  	_ =	shalt  }
0x53: {  	_ =	shalt  }
0x54: {  	_ =	shalt  }
0x55: {  	_ =	shalt  }
0x56: {  	_ =	shalt  }
0x57: {  	_ =	shalt  }
0x58: {  	_ =	shalt  }
0x59: {  	_ =	shalt  }
0x5a: {  	_ =	shalt  }
0x5b: {  	_ =	shalt  }
0x5c: {  	_ =	shalt  }
0x5d: {  	_ =	shalt  }
0x5e: {  	_ =	shalt  }
0x5f: {  	_ =	shalt  }
0x60: {  	_ =	shalt  }
0x61: {  	_ =	shalt  }
0x62: {  	_ =	shalt  }
0x63: {  	_ =	shalt  }
0x64: {  	_ =	shalt  }
0x65: {  	_ =	shalt  }
0x66: {  	_ =	shalt  }
0x67: {  	_ =	shalt  }
0x68: {  	_ =	shalt  }
0x69: {  	_ =	shalt  }
0x6a: {  	_ =	shalt  }
0x6b: {  	_ =	shalt  }
0x6c: {  	_ =	shalt  }
0x6d: {  	_ =	shalt  }
0x6e: {  	_ =	shalt  }
0x6f: {  	_ =	shalt  }
0x70: {  	_ =	shalt  }
0x71: {  	_ =	shalt  }
0x72: {  	_ =	shalt  }
0x73: {  	_ =	shalt  }
0x74: {  	_ =	shalt  }
0x75: {  	_ =	shalt  }
0x76: {  	_ =	shalt  }
0x77: {  	_ =	shalt  }
0x78: {  	_ =	shalt  }
0x79: {  	_ =	shalt  }
0x7a: {  	_ =	shalt  }
0x7b: {  	_ =	shalt  }
0x7c: {  	_ =	shalt  }
0x7d: {  	_ =	shalt  }
0x7e: {  	_ =	shalt  }
0x7f: {  	_ =	shalt  }
0x80: {  	_ =	shalt  }
0x81: {  	_ =	shalt  }
0x82: {  	_ =	shalt  }
0x83: {  	_ =	shalt  }
0x84: {  	_ =	shalt  }
0x85: {  	_ =	shalt  }
0x86: {  	_ =	shalt  }
0x87: {  	_ =	shalt  }
.Lfunc_end0:
.L_simem_size_0:
called_computation.2_lowered:
.L_overlay_start_0:
0x88: {  	s2 =	sld [smem:$0x3FD9]  }
0x89: {  	s3 =	sld [smem:$0x3FFE];
	_ =	sdelay $0x1  }
0x8a: {  	s1 =	srdreg.scid  }
0x8b: {  	s0 =	sand.u32 $0x1, s1  }
0x8c: {  	s17 =	sshll.u32 s0, $0xA;
	s2 =	sadd.s32 s3, s2  }
0x8d: {  	s2 =	sadd.s32 s2, s17  }
0x8e: {  	[smem:$0x3FC0] =	sst s2  }
0x8f: {  	_ = 	snop  }
0x90: {  	(tm) =	ssettm $0x1  }
0x91: {  	s18 =	sld [smem:$0x3FFB];
	_ =	sdelay $0x3  }
0x92: {  	_ =	strace s18  }
0x93: {  	s2 =	sld [smem:$0x3FFC];
	_ =	sdelay $0x3  }
0x94: {  	_ =	strace s2  }
0x95: {  	s2 =	sld [smem:$0x3FFD];
	_ =	sdelay $0x3  }
0x96: {  	_ =	strace s2  }
0x97: {  	_ =	strace $0x8FFFFFFF  }
0x98: {  	s19 =	sld [smem:$0x3FDB];
	_ =	sdelay $0x1  }
0x99: {  	s20 =	simm.s32 $_scs_section_size  }
0x9a: {  	s4 =	simm.s32 $_size__tile_overlayer_lowered;
	s5 =	simm.s32 $_tile_overlayer_lowered  }
0x9b: {  	s6 =	simm.s32 $0x1BFF;
	s21 =	sshll.u32 s5, $0x1;
	s3 =	sadd.s32 s20, s19  }
0x9c: {  	s22 =	simm.s32 $0x0;
	s4 =	sshll.u32 s4, $0x1;
	s5 =	sadd.s32 s21, s3  }
0x9d: {  	[timem:s22], [sflag:s6] =	dma.local [hbm:s5], s4  }
0x9e: {  	_ =	swait.ge [sflag:s6], s4  }
0x9f: {  	s4 =	ssub.s32 $0x0, s4;
	[sflag:s6] =	ssyncset.done $0x0  }
0xa0: {  	[sflag:s6] =	ssyncadd.s32 s4;
	_ =	sdelay $0x1  }
0xa1: {  	s23 =	simm.s32 $0x1B8B  }
0xa2: {  	_ =	swait.ge [sflag:s23], $0x1  }
0xa3: {  	[sflag:s23] =	ssyncset.done $0x0  }
0xa4: {  	[sflag:s23] =	ssyncadd.s32 $0xFFFFFFFF  }
0xa5: {  	s4 =	sld [smem:$0x0]  }
0xa6: {  	s5 =	sand.u32 $0xFFFFFFFE, s1  }
0xa7: {  	p0 =	sne.s32 s1, s5  }
0xa8: {  	s5 =	sshll.u32 @p0 s5, $0xE  }
0xa9: {  	s5 =	sadd.s32 @p0 $0x11B8D, s5;
	s6 =	sshll.u32 @p0 s4, $0x11  }
0xaa: {  	s5 =	sor.u32 @p0 s6, s5  }
0xab: {  	[sflag:s5] =	ssyncadd.remote.s32 @p0 $0x1;
	_ =	sdelay $0x1  }
0xac: {  	s5 =	simm.s32 @p0 $0x1B8D  }
0xad: {  	_ =	swait.eq @p0 [sflag:s5], $0x1  }
0xae: {  	[sflag:s5] =	ssyncadd.s32 @p0 $0xFFFFFFFF  }
0xaf: {  	s6 =	sshll.u32 @!p0 s1, $0xE  }
0xb0: {  	s6 =	sor.u32 @!p0 $0x4000, s6;
	s5 =	simm.s32 @!p0 $0x1B8D  }
0xb1: {  	s4 =	sshll.u32 @!p0 s4, $0x11;
	s6 =	sadd.s32 @!p0 $0x11B8D, s6;
	_ =	swait.eq @!p0 [sflag:s5], $0x1  }
0xb2: {  	s4 =	sor.u32 @!p0 s4, s6;
	[sflag:s5] =	ssyncadd.s32 @!p0 $0xFFFFFFFF  }
0xb3: {  	s25 =	simm.s32 $0x1B8E;
	s24 =	sld [smem:$0x3FFE];
	[sflag:s4] =	ssyncadd.remote.s32 @!p0 $0x1  }
0xb4: {  	s26 =	simm.s32 $execute0_lowered;
	[smem:$0x3FD2] =	sst s25  }
0xb5: {  	s5 =	sshll.u32 s26, $0x1;
	_ =	strace $0x80000049;
	[dreg:$0x1] =	wrdreg $0xFFFFFFFF  }
0xb6: {  	s28 =	simm.s32 $_size_execute0_lowered;
	s3 =	sadd.s32 s3, s5;
	[dreg:$0x0] =	wrdreg $0x0  }
0xb7: {  	s5 =	sshll.u32 s28, $0x1;
	[dreg:$0x2] =	wrdreg s3  }
0xb8: {  	[dreg:$0x3] =	wrdreg s5  }
0xb9: {  	[dreg:$0x4] =	wrdreg $0xC0  }
0xba: {  	_ =	task [dreg:s22], $0x5FFFF  }
0xbb: {  	[dreg:$0x1] =	wrdreg $0xFFFFFFFF  }
0xbc: {  	[dreg:$0x0] =	wrdreg $0x60  }
0xbd: {  	[dreg:$0x2] =	wrdreg s24  }
0xbe: {  	[dreg:$0x3] =	wrdreg $0x0  }
0xbf: {  	[dreg:$0x4] =	wrdreg $0xA  }
0xc0: {  	_ =	task.clear_ibuf [dreg:s22], $0x5FFFF;
	_ =	strace $0x90000049  }
0xc1: {  	s29 =	simm.s32 $0xA;
	_ =	strace $0x8000004B  }
0xc2: {  	_ =	swait.ge [sflag:s29], $0x1  }
0xc3: {  	[sflag:s29] =	ssyncadd.s32 $0xFFFFFFFF  }
0xc4: {  	_ =	strace $0x9000004B  }
0xc5: {  	_ =	sfence  }
0xc6: {  	s30 =	sld [smem:$0x0];
	_ =	sdelay $0x2  }
0xc7: {  	s31 =	sshll.u32 s1, $0xD;
	s1 =	sshrl.u32 s1, $0x2  }
0xc8: {  	s4 =	sand.u32 $0x4000, s31;
	s1 =	sadd.s32 s1, s30  }
0xc9: {  	s0 =	sor.u32 s4, s0;
	s1 =	sshll.u32 s1, $0x11  }
0xca: {  	s0 =	sor.u32 s1, s0  }
0xcb: {  	s0 =	sadd.s32 $0x8F2B, s0  }
0xcc: {  	[sflag:s0] =	ssyncadd.remote.s32 $0x1  }
0xcd: {  	_ =	sfence.sel $0xFFFF  }
0xce: {  	[dreg:$0x0] =	wrdreg $0xFFFFFFFF;
	(pc) =	sbr.abs _section_cstart, $3  }
0xcf: {  	[dreg:$0x1] =	wrdreg $0xFFFFFFFF  }
0xd0: {  	_ =	task.clear_ibuf [dreg:s22], $0x2FFFF;
	_ =	strace $0x9FFFFFFF  }
0xd1: {  	(tm) =	ssettm $0x7FFFFFFF  }
tec
execute0_lowered:
.L_overlay_start_1:
0x0: {  	(tag) =	ssettag $0x1  }
0x1: {  	s0 =	rddreg [dreg:$0x0]  }
0x2: {  	s10 =	rddreg [dreg:$0x1]  }
0x3: {  	s1 =	srdreg.scid;
	s9 =	stileid.u32;
	s3 =	simm.s32 $0x0  }
0x4: {  	s15 =	simm.s32 $0x19080;
	s16 =	simm.s32 $0x2;
	s17 =	simm.s32 $0x14000  }
0x5: {  	s19 =	simm.s32 $0x80;
	s20 =	simm.s32 $0x15080;
	s2 =	smul.u32 $0x2800, s9  }
0x6: {  	s21 =	simm.s32 $0x1;
	s1 =	sand.u32 $0x1, s1;
	s7 =	smul.u32 $0x50000, s9  }
0x7: {  	[smem:$0x7FF] =	sst s3;
	s4 =	sadd.s32 $0x8800, s0;
	s5 =	sadd.s32 $0x8A800, s0  }
0x8: {  	s9 =	sshll.u32 s9, $0x1;
	s6 =	smul.u32 $0x28000, s1;
	s7 =	sshrl.u32 s7, $0x2  }
0x9: {  	_ =	strace $0x8000004A;
	s25 =	ssub.s32 $0x2, s1;
	s7 =	sadd.s32 s7, s10  }
0xa: {  	s8 =	sshrl.u32 s25, $0x1;
	s26 =	sadd.s32 $0x4000, s7;
	[dreg:$0x3] =	wrdreg s7  }
0xb: {  	v0 =	vimm.f32 $0.0e+00;
	vm0 =	vmmov $0x1;
	vm1 =	vmmov $0x3;
	s2 =	sadd.s32 s2, s6;
	s28 =	sadd.s32 $0x8000, s7;
	[dreg:$0x4] =	wrdreg s26  }
0xc: {  	vm2 =	vmmov $0x7;
	vm3 =	vmmov $0xf;
	vm4 =	vmmov $0x1f;
	s6 =	sadd.s32 $0x85800, s0;
	s29 =	sadd.s32 $0xC000, s7;
	[dreg:$0x5] =	wrdreg s28  }
0xd: {  	vm5 =	vmmov $0x3f;
	vm6 =	vmmov $0x7f;
	vm7 =	vmmov $0xff;
	s0 =	sadd.s32 s2, s0;
	s30 =	sadd.s32 $0x10000, s7;
	[dreg:$0x6] =	wrdreg s29  }
0xe: {  	vm8 =	vmmov $0x1ff;
	vm9 =	vmmov $0x3ff;
	vm10 =	vmmov $0x7ff;
	s2 =	ssub.s32 s25, s8;
	[dreg:$0x7] =	wrdreg s30;
	s0 =	sadd.s32 $0x12A800, s0  }
0xf: {  	vm11 =	vmmov $0xfff;
	vm12 =	vmmov $0x1fff;
	vm15 =	vcmask $0x300;
	s1 =	sor.u32 s1, s9;
	s31 =	smax.u32 s2, $0x1;
	[dreg:$0x8] =	wrdreg s0  }
0x10: {  	vm13 =	vmmov $0x3fff;
	vm14 =	vmmov $0x7fff;
	v1 =	vsel vm15, $0x3F800000, v0;
	s12 =	smul.u32 $0x1400, s1;
	s1 =	simm.s32 $0x0;
	[dreg:$0x9] =	wrdreg s31  }
.LBB2_1:
0x11: {  	[dreg:$0xa] =	wrdreg s1;
	s0 =	simm.s32 $0x0;
	s1 =	simm.s32 $0x200  }
.LBB2_2:
0x12: {  	p0 =	sne.s32 s1, $0xFE00;
	[tilespmem:s0+$0x190F0] =	vst v0  }
0x13: {  	[tilespmem:s0+$0x19080] =	vst v0  }
0x14: {  	[tilespmem:s0+$0x19090] =	vst v0  }
.Ltmp0:
0x15: {  	[tilespmem:s0+$0x190A0] =	vst v0;
	(pc) =	sbr.rel @p0 .LBB2_2-.Ltmp0, $4  }
0x16: {  	[tilespmem:s0+$0x190B0] =	vst v0  }
0x17: {  	[tilespmem:s0+$0x190C0] =	vst v0  }
0x18: {  	[tilespmem:s0+$0x190D0] =	vst v0  }
0x19: {  	[tilespmem:s0+$0x190E0] =	vst v0;
	s0 =	sshra.s32 s1, $0x2;
	s1 =	sadd.s32 $0x200, s1  }
0x1a: {  	[tilespmem:s0+$0x190F0] =	vst v0  }
0x1b: {  	[tilespmem:s0+$0x19080] =	vst v0  }
0x1c: {  	[tilespmem:s0+$0x19090] =	vst v0  }
0x1d: {  	[tilespmem:s0+$0x190A0] =	vst v0  }
0x1e: {  	[tilespmem:s0+$0x190B0] =	vst v0  }
0x1f: {  	[tilespmem:s0+$0x190C0] =	vst v0  }
0x20: {  	[tilespmem:s0+$0x190D0] =	vst v0  }
0x21: {  	[tilespmem:s0+$0x190E0] =	vst v0  }
0x22: {  	[spmem:s7] =	stream.linear.scatter [tilespmem:s15], [sflag:$0x2], $0x4000, $0x38;
	[tilespmem:$0x1D080] =	vst v63  }
0x23: {  	_ =	swait.ge [sflag:s16], $0x4000  }
0x24: {  	[sflag:s16] =	ssyncset.done $0x0  }
0x25: {  	s28 =	rddreg [dreg:$0x4];
	[sflag:s16] =	ssyncadd.s32 $0xFFFFC000  }
0x26: {  	[spmem:s28] =	stream.linear.scatter [tilespmem:s15], [sflag:$0x2], $0x4000, $0x38;
	[tilespmem:$0x1D080] =	vst v63  }
0x27: {  	_ =	swait.ge [sflag:s16], $0x4000  }
0x28: {  	[sflag:s16] =	ssyncset.done $0x0  }
0x29: {  	s29 =	rddreg [dreg:$0x5];
	[sflag:s16] =	ssyncadd.s32 $0xFFFFC000  }
0x2a: {  	[spmem:s29] =	stream.linear.scatter [tilespmem:s15], [sflag:$0x2], $0x4000, $0x38;
	[tilespmem:$0x1D080] =	vst v63  }
0x2b: {  	_ =	swait.ge [sflag:s16], $0x4000  }
0x2c: {  	[sflag:s16] =	ssyncset.done $0x0  }
0x2d: {  	s30 =	rddreg [dreg:$0x6];
	[sflag:s16] =	ssyncadd.s32 $0xFFFFC000  }
0x2e: {  	[spmem:s30] =	stream.linear.scatter [tilespmem:s15], [sflag:$0x2], $0x4000, $0x38;
	[tilespmem:$0x1D080] =	vst v63  }
0x2f: {  	_ =	swait.ge [sflag:s16], $0x4000  }
0x30: {  	[sflag:s16] =	ssyncset.done $0x0  }
0x31: {  	s31 =	rddreg [dreg:$0x7];
	[sflag:s16] =	ssyncadd.s32 $0xFFFFC000  }
0x32: {  	[spmem:s31] =	stream.linear.scatter [tilespmem:s15], [sflag:$0x2], $0x4000, $0x38;
	[tilespmem:$0x1D080] =	vst v63  }
0x33: {  	_ =	swait.ge [sflag:s16], $0x4000  }
0x34: {  	[sflag:s16] =	ssyncset.done $0x0  }
0x35: {  	[sflag:s16] =	ssyncadd.s32 $0xFFFFC000  }
0x36: {  	s23 =	simm.s32 $0x0;
	[bflag:$0x0] =	sbarrier.arrive $0xFFFF  }
.LBB2_4:
0x37: {  	s0 =	sshll.u32 s23, $0x7  }
0x38: {  	s0 =	sadd.s32 s12, s0  }
0x39: {  	s1 =	sshrl.u32 s0, $0x3  }
0x3a: {  	s1 =	sadd.s32 s6, s1  }
0x3b: {  	[tilespmem:s17], [sflag:$0x2] =	stream.linear.gather [hbm4b:s1+s3], $0x80, $0x38;
	[tilespmem:$0x1D080] =	vst v63  }
0x3c: {  	_ =	swait.ge [sflag:s16], $0x80  }
0x3d: {  	s0 =	sshll.u32 s0, $0x2;
	[sflag:s16] =	ssyncset.done $0x0  }
0x3e: {  	s9 =	simm.s32 $0x14080;
	s0 =	sadd.s32 s5, s0;
	[sflag:s16] =	ssyncadd.s32 $0xFFFFFF80  }
0x3f: {  	[tilespmem:s9], [sflag:$0x2] =	stream.linear.gather [hbm4b:s0+s3], $0x1000, $0x38;
	[tilespmem:$0x1D080] =	vst v63  }
0x40: {  	_ =	swait.ge [sflag:s16], $0x1000  }
0x41: {  	[sflag:s16] =	ssyncset.done $0x0  }
0x42: {  	[sflag:s16] =	ssyncadd.s32 $0xFFFFF000  }
0x43: {  	[tilespmem:s20], [sflag:$0x1] =	stream.indirect.gather [hbm4b:s4+s19], $0x80, s17, s19, $0xb8;
	[tilespmem:$0x1D080] =	vst v63  }
0x44: {  	_ =	swait.ge [sflag:s21], $0x4000  }
0x45: {  	s10 =	simm.s32 $0x1C0;
	[sflag:s21] =	ssyncset.done $0x0  }
0x46: {  	s11 =	simm.s32 $0x1A0;
	s26 =	sor.u32 $0x50, s10;
	[sflag:s21] =	ssyncadd.s32 $0xFFFFC000  }
0x47: {  	s0 =	sor.u32 $0x30, s11;
	v2 =	vld [tilespmem:s26+$0x14080]  }
0x48: {  	s24 =	simm.s32 $0x14180;
	s13 =	simm.s32 $0x160;
	v4 =	vld [tilespmem:s0+$0x14080]  }
0x49: {  	s2 =	simm.s32 $0x140;
	s1 =	sor.u32 $0x70, s13;
	v5 =	vld [tilespmem:s24+$0x90]  }
0x4a: {  	s8 =	simm.s32 $0x120;
	s7 =	sor.u32 $0x50, s2;
	v6 =	vld [tilespmem:s1+$0x14080]  }
0x4b: {  	s2 =	sor.u32 $0x30, s8;
	v7 =	vld [tilespmem:s7+$0x14080]  }
0x4c: {  	s14 =	simm.s32 $0xE0;
	v8 =	vld [tilespmem:s2+$0x14080]  }
0x4d: {  	s8 =	sor.u32 $0x70, s14;
	s9 =	simm.s32 $0xC0;
	v9 =	vld [tilespmem:s24+$0x10]  }
0x4e: {  	s10 =	simm.s32 $0xA0;
	s9 =	sor.u32 $0x50, s9;
	v10 =	vld [tilespmem:s8+$0x14080]  }
0x4f: {  	s10 =	sor.u32 $0x30, s10;
	v11 =	vld [tilespmem:s9+$0x14080]  }
0x50: {  	s25 =	simm.s32 $0x15480;
	v12 =	vld [tilespmem:s10+$0x14080]  }
0x51: {  	v13 =	vld [tilespmem:s25+$0xFFFFFD10]  }
0x52: {  	v14 =	vld [tilespmem:s24+$0xFFFFFF40]  }
0x53: {  	v15 =	vld [tilespmem:s25+$0xFFFFFD00]  }
0x54: {  	v16 =	vld [tilespmem:s25+$0xFFFFFC90]  }
0x55: {  	v17 =	vld [tilespmem:s24+$0xFFFFFF20]  }
0x56: {  	v18 =	vld [tilespmem:s25+$0xFFFFFC00]  }
0x57: {  	v19 =	vld [tilespmem:s25+$0xFFFFFC80]  }
0x58: {  	v20 =	vld [tilespmem:s24+$0xFFFFFF10]  }
0x59: {  	s11 =	simm.s32 $0x20;
	v21 =	vld [tilespmem:s25+$0xFFFFFC10]  }
0x5a: {  	s18 =	simm.s32 $0x40;
	s14 =	sor.u32 $0x30, s11;
	v3 =	vld [tilespmem:s24+$0xFFFFFF00]  }
0x5b: {  	s13 =	sor.u32 $0x50, s18;
	v22 =	vld [tilespmem:s14+$0x14080]  }
0x5c: {  	s22 =	simm.s32 $0x60;
	v23 =	vld [tilespmem:s13+$0x14080]  }
0x5d: {  	s11 =	sor.u32 $0x70, s22;
	v24 =	vld [tilespmem:s24+$0xFFFFFF90]  }
0x5e: {  	v25 =	vld [tilespmem:s11+$0x14080]  }
0x5f: {  	v26 =	vld [tilespmem:s25+$0xFFFFFD90]  }
0x60: {  	v27 =	vld [tilespmem:s24+$0xFFFFFF60]  }
0x61: {  	v28 =	vld [tilespmem:s25+$0xFFFFFD80]  }
0x62: {  	v29 =	vld [tilespmem:s25+$0xFFFFFE10]  }
0x63: {  	v30 =	vld [tilespmem:s24+$0xFFFFFF80]  }
0x64: {  	v31 =	vld [tilespmem:s25+$0xFFFFFE00]  }
0x65: {  	v32 =	vld [tilespmem:s25+$0xFFFFFE90]  }
0x66: {  	v33 =	vld [tilespmem:s24+$0xFFFFFFA0]  }
0x67: {  	v34 =	vld [tilespmem:s25+$0xFFFFFE80]  }
0x68: {  	v35 =	vld [tilespmem:s25+$0xFFFFFF10]  }
0x69: {  	v36 =	vld [tilespmem:s24+$0xFFFFFFC0]  }
0x6a: {  	v37 =	vld [tilespmem:s25+$0xFFFFFF00]  }
0x6b: {  	v38 =	vld [tilespmem:s25+$0xFFFFFF90]  }
0x6c: {  	v39 =	vld [tilespmem:s24+$0xFFFFFFE0]  }
0x6d: {  	v40 =	vld [tilespmem:s25+$0xFFFFFF80]  }
0x6e: {  	v41 =	vld [tilespmem:s25+$0x10]  }
0x6f: {  	v42 =	vld [tilespmem:s24+$0x0]  }
0x70: {  	v43 =	vld [tilespmem:s25+$0x0]  }
0x71: {  	v44 =	vld [tilespmem:s25+$0x90]  }
0x72: {  	v45 =	vld [tilespmem:s24+$0x20]  }
0x73: {  	v46 =	vld [tilespmem:s25+$0x80]  }
0x74: {  	v47 =	vld [tilespmem:s25+$0x110]  }
0x75: {  	v48 =	vld [tilespmem:s24+$0x40]  }
0x76: {  	v49 =	vld [tilespmem:s25+$0x100]  }
0x77: {  	v50 =	vld [tilespmem:s25+$0x190]  }
0x78: {  	v51 =	vld [tilespmem:s24+$0x60];
	v20 =	vmul.f32 v20, v21;
	v18 =	vmul.f32 v3, v18  }
0x79: {  	v57 =	vld [tilespmem:s25+$0x180];
	v17 =	vmul.f32 v17, v19;
	v16 =	vmul.f32 v22, v16  }
0x7a: {  	v58 =	vld [tilespmem:s25+$0x210];
	v18 =	vadd.f32 v20, v18  }
0x7b: {  	v59 =	vld [tilespmem:s24+$0x80];
	v14 =	vmul.f32 v14, v15;
	v13 =	vmul.f32 v23, v13;
	v16 =	vadd.f32 v16, v17  }
0x7c: {  	v60 =	vld [tilespmem:s25+$0x200];
	v61 =	vmul.f32 v25, v26;
	v62 =	vmul.f32 v27, v28;
	(xrf2) =	vadd.scan.msk.f32 $0xffff, v18  }
0x7d: {  	v63 =	vld [tilespmem:s25+$0x290];
	v28 =	vmul.f32 v30, v31;
	v30 =	vmul.f32 v24, v29;
	v13 =	vadd.f32 v13, v14;
	(xrf2) =	vadd.scan.msk.f32 $0xffff, v16  }
0x7e: {  	v31 =	vld [tilespmem:s24+$0xA0];
	v12 =	vmul.f32 v12, v32;
	v33 =	vmul.f32 v33, v34;
	v14 =	vadd.f32 v61, v62  }
0x7f: {  	v34 =	vld [tilespmem:s25+$0x280];
	v11 =	vmul.f32 v11, v35;
	v36 =	vmul.f32 v36, v37;
	v16 =	vadd.f32 v30, v28;
	(xrf2) =	vadd.scan.msk.f32 $0xffff, v13  }
0x80: {  	v37 =	vld [tilespmem:s25+$0x310];
	v39 =	vmul.f32 v39, v40;
	v10 =	vmul.f32 v10, v38;
	v12 =	vadd.f32 v12, v33;
	(xrf2) =	vadd.scan.msk.f32 $0xffff, v14  }
0x81: {  	v40 =	vld [tilespmem:s24+$0xC0];
	v42 =	vmul.f32 v42, v43;
	v9 =	vmul.f32 v9, v41;
	v11 =	vadd.f32 v11, v36;
	(xrf2) =	vadd.scan.msk.f32 $0xffff, v16  }
0x82: {  	s18 =	simm.s32 $0x1E0;
	v43 =	vld [tilespmem:s25+$0x300];
	v45 =	vmul.f32 v45, v46;
	v8 =	vmul.f32 v8, v44;
	v10 =	vadd.f32 v10, v39;
	(xrf2) =	vadd.scan.msk.f32 $0xffff, v12  }
0x83: {  	s31 =	sor.u32 $0x70, s18;
	v53 =	vld [tilespmem:s24+$0xE0];
	v48 =	vmul.f32 v48, v49;
	v7 =	vmul.f32 v7, v47;
	v9 =	vadd.f32 v9, v42;
	(xrf2) =	vadd.scan.msk.f32 $0xffff, v11  }
0x84: {  	v46 =	vld [tilespmem:s31+$0x14080];
	v6 =	vmul.f32 v6, v50;
	v52 =	vmul.f32 v51, v57;
	v8 =	vadd.f32 v8, v45;
	(xrf2) =	vadd.scan.msk.f32 $0xffff, v10  }
0x85: {  	v49 =	vld [tilespmem:s25+$0x390];
	v54 =	vmul.f32 v59, v60;
	v5 =	vmul.f32 v5, v58;
	v7 =	vadd.f32 v7, v48;
	(xrf2) =	vadd.scan.msk.f32 $0xffff, v9  }
0x86: {  	v55 =	vld [tilespmem:s25+$0x380];
	v4 =	vmul.f32 v4, v63;
	v6 =	vadd.f32 v6, v52;
	v57 =	vmul.f32 v31, v34;
	v56, _, _ =	vpop (xrf2);
	(xrf2) =	vadd.scan.msk.f32 $0xffff, v8  }
0x87: {  	v5 =	vadd.f32 v5, v54;
	v2 =	vmul.f32 v2, v37;
	v58, _, _ =	vpop (xrf2);
	(xrf2) =	vadd.scan.msk.f32 $0xffff, v7;
	v7 =	vmul.f32 v40, v43;
	_ =	sdelay $0x1  }
0x88: {  	v4 =	vadd.f32 v4, v57;
	v60, _, _ =	vpop (xrf2);
	(xrf2) =	vadd.scan.msk.f32 $0xffff, v6;
	v2 =	vadd.f32 v2, v7  }
0x89: {  	v59 =	vbroadcast v56, $0xF;
	(xrf2) =	vadd.scan.msk.f32 $0xffff, v5;
	v7 =	vmul.f32 v46, v49  }
0x8a: {  	v6 =	vbroadcast v58, $0xF;
	v5, _, _ =	vpop (xrf2);
	(xrf2) =	vadd.scan.msk.f32 $0xffff, v4;
	v4 =	vmul.f32 v53, v55  }
0x8b: {  	v61 =	vbroadcast v60, $0xF;
	v62, _, _ =	vpop (xrf2)  }
0x8c: {  	v6 =	vsel vm0, v59, v6;
	v5 =	vbroadcast v5, $0xF;
	(xrf2) =	vadd.scan.msk.f32 $0xffff, v2;
	v4 =	vadd.f32 v7, v4;
	v2, _, _ =	vpop (xrf2)  }
0x8d: {  	v6 =	vsel vm1, v6, v61;
	v63 =	vbroadcast v62, $0xF;
	v7, _, _ =	vpop (xrf2)  }
0x8e: {  	v5 =	vsel vm2, v6, v5;
	v2 =	vbroadcast v2, $0xF;
	v6 =	vbroadcast v7, $0xF  }
0x8f: {  	v5 =	vsel vm3, v5, v63;
	v7, _, _ =	vpop (xrf2)  }
0x90: {  	(xrf2) =	vadd.scan.msk.f32 $0xffff, v4;
	v4, _, _ =	vpop (xrf2);
	v2 =	vsel vm4, v5, v2;
	v5 =	vbroadcast v7, $0xF  }
0x91: {  	v7, _, _ =	vpop (xrf2);
	v2 =	vsel vm5, v2, v6;
	v4 =	vbroadcast v4, $0xF  }
0x92: {  	v2 =	vsel vm6, v2, v5;
	v5 =	vbroadcast v7, $0xF;
	v6, _, _ =	vpop (xrf2)  }
0x93: {  	v2 =	vsel vm7, v2, v4;
	v7, _, _ =	vpop (xrf2);
	v4 =	vbroadcast v6, $0xF  }
0x94: {  	v2 =	vsel vm8, v2, v5;
	v5 =	vbroadcast v7, $0xF;
	v6, _, _ =	vpop (xrf2)  }
0x95: {  	v2 =	vsel vm9, v2, v4;
	v4 =	vbroadcast v6, $0xF;
	v6, _, _ =	vpop (xrf2)  }
0x96: {  	v2 =	vsel vm10, v2, v5;
	v5 =	vbroadcast v6, $0xF;
	v6, _, _ =	vpop (xrf2)  }
0x97: {  	v2 =	vsel vm11, v2, v4;
	v4 =	vbroadcast v6, $0xF;
	_ =	sdelay $0x2  }
0x98: {  	v2 =	vsel vm12, v2, v5  }
0x99: {  	v2 =	vsel vm13, v2, v4;
	v4, _, _ =	vpop (xrf2)  }
0x9a: {  	v2 =	vsel vm14, v2, v4  }
0x9b: {  	v2 =	vmul.f32 $1.442695020e+00, v2;
	_ =	sdelay $0x1  }
0x9c: {  	(erf) = vpow2.f32 v2;
	_ =	sdelay $0x8  }
0x9d: {  	v2 =	vpop (erf)  }
0x9e: {  	v4 =	vbroadcast v2, $0x0;
	_ =	sdelay $0x1  }
0x9f: {  	v3 =	vmul.f32 v4, v3  }
0xa0: {  	s28 =	simm.s32 $0x19480  }
0xa1: {  	[tilespmem:s28+$0xFFFFFC00] =	vst v3  }
0xa2: {  	v3 =	vld [tilespmem:s24+$0xFFFFFF10];
	_ =	sdelay $0x3  }
0xa3: {  	v5 =	vmul.f32 v1, v4  }
0xa4: {  	v3 =	vmul.f32 v4, v3  }
0xa5: {  	[tilespmem:s28+$0xFFFFFC20] =	vst v5  }
0xa6: {  	[tilespmem:s28+$0xFFFFFC10] =	vst v3  }
0xa7: {  	v3 =	vld [tilespmem:s24+$0xFFFFFF20];
	_ =	sdelay $0x2  }
0xa8: {  	v4 =	vbroadcast v2, $0x1;
	_ =	sdelay $0x1  }
0xa9: {  	v3 =	vmul.f32 v4, v3;
	_ =	sdelay $0x1  }
0xaa: {  	[tilespmem:s28+$0xFFFFFC80] =	vst v3  }
0xab: {  	v3 =	vld [tilespmem:s14+$0x14080];
	_ =	sdelay $0x3  }
0xac: {  	v5 =	vmul.f32 v1, v4  }
0xad: {  	v3 =	vmul.f32 v4, v3  }
0xae: {  	[tilespmem:s28+$0xFFFFFCA0] =	vst v5  }
0xaf: {  	[tilespmem:s28+$0xFFFFFC90] =	vst v3  }
0xb0: {  	v3 =	vld [tilespmem:s24+$0xFFFFFF40];
	_ =	sdelay $0x2  }
0xb1: {  	v4 =	vbroadcast v2, $0x2;
	_ =	sdelay $0x1  }
0xb2: {  	v3 =	vmul.f32 v3, v4;
	_ =	sdelay $0x1  }
0xb3: {  	[tilespmem:s28+$0xFFFFFD00] =	vst v3  }
0xb4: {  	v3 =	vld [tilespmem:s13+$0x14080];
	_ =	sdelay $0x3  }
0xb5: {  	v5 =	vmul.f32 v1, v4  }
0xb6: {  	v3 =	vmul.f32 v3, v4  }
0xb7: {  	[tilespmem:s28+$0xFFFFFD20] =	vst v5  }
0xb8: {  	[tilespmem:s28+$0xFFFFFD10] =	vst v3  }
0xb9: {  	v3 =	vld [tilespmem:s24+$0xFFFFFF60];
	_ =	sdelay $0x2  }
0xba: {  	v4 =	vbroadcast v2, $0x3;
	_ =	sdelay $0x1  }
0xbb: {  	v3 =	vmul.f32 v3, v4;
	_ =	sdelay $0x1  }
0xbc: {  	[tilespmem:s28+$0xFFFFFD80] =	vst v3  }
0xbd: {  	v3 =	vld [tilespmem:s11+$0x14080];
	_ =	sdelay $0x3  }
0xbe: {  	v5 =	vmul.f32 v1, v4  }
0xbf: {  	v3 =	vmul.f32 v3, v4  }
0xc0: {  	[tilespmem:s28+$0xFFFFFDA0] =	vst v5  }
0xc1: {  	[tilespmem:s28+$0xFFFFFD90] =	vst v3  }
0xc2: {  	v3 =	vld [tilespmem:s24+$0xFFFFFF80];
	_ =	sdelay $0x2  }
0xc3: {  	v4 =	vbroadcast v2, $0x4;
	_ =	sdelay $0x1  }
0xc4: {  	v3 =	vmul.f32 v3, v4;
	_ =	sdelay $0x1  }
0xc5: {  	[tilespmem:s28+$0xFFFFFE00] =	vst v3  }
0xc6: {  	v3 =	vld [tilespmem:s24+$0xFFFFFF90];
	_ =	sdelay $0x3  }
0xc7: {  	v5 =	vmul.f32 v1, v4  }
0xc8: {  	v3 =	vmul.f32 v3, v4  }
0xc9: {  	[tilespmem:s28+$0xFFFFFE20] =	vst v5  }
0xca: {  	[tilespmem:s28+$0xFFFFFE10] =	vst v3  }
0xcb: {  	v3 =	vld [tilespmem:s24+$0xFFFFFFA0];
	_ =	sdelay $0x2  }
0xcc: {  	v4 =	vbroadcast v2, $0x5;
	_ =	sdelay $0x1  }
0xcd: {  	v3 =	vmul.f32 v3, v4;
	_ =	sdelay $0x1  }
0xce: {  	[tilespmem:s28+$0xFFFFFE80] =	vst v3  }
0xcf: {  	v3 =	vld [tilespmem:s10+$0x14080];
	_ =	sdelay $0x3  }
0xd0: {  	v5 =	vmul.f32 v1, v4  }
0xd1: {  	v3 =	vmul.f32 v3, v4  }
0xd2: {  	[tilespmem:s28+$0xFFFFFEA0] =	vst v5  }
0xd3: {  	[tilespmem:s28+$0xFFFFFE90] =	vst v3  }
0xd4: {  	v3 =	vld [tilespmem:s24+$0xFFFFFFC0];
	_ =	sdelay $0x2  }
0xd5: {  	v4 =	vbroadcast v2, $0x6;
	_ =	sdelay $0x1  }
0xd6: {  	v3 =	vmul.f32 v3, v4;
	_ =	sdelay $0x1  }
0xd7: {  	[tilespmem:s28+$0xFFFFFF00] =	vst v3  }
0xd8: {  	v3 =	vld [tilespmem:s9+$0x14080];
	_ =	sdelay $0x3  }
0xd9: {  	v5 =	vmul.f32 v1, v4  }
0xda: {  	v3 =	vmul.f32 v3, v4  }
0xdb: {  	[tilespmem:s28+$0xFFFFFF20] =	vst v5  }
0xdc: {  	[tilespmem:s28+$0xFFFFFF10] =	vst v3  }
0xdd: {  	v3 =	vld [tilespmem:s24+$0xFFFFFFE0];
	_ =	sdelay $0x2  }
0xde: {  	v4 =	vbroadcast v2, $0x7;
	_ =	sdelay $0x1  }
0xdf: {  	v3 =	vmul.f32 v3, v4;
	_ =	sdelay $0x1  }
0xe0: {  	[tilespmem:s28+$0xFFFFFF80] =	vst v3  }
0xe1: {  	v3 =	vld [tilespmem:s8+$0x14080];
	_ =	sdelay $0x3  }
0xe2: {  	v5 =	vmul.f32 v1, v4  }
0xe3: {  	v3 =	vmul.f32 v3, v4  }
0xe4: {  	[tilespmem:s28+$0xFFFFFFA0] =	vst v5  }
0xe5: {  	[tilespmem:s28+$0xFFFFFF90] =	vst v3  }
0xe6: {  	v3 =	vld [tilespmem:s24+$0x0];
	_ =	sdelay $0x2  }
0xe7: {  	v4 =	vbroadcast v2, $0x8;
	_ =	sdelay $0x1  }
0xe8: {  	v3 =	vmul.f32 v3, v4;
	_ =	sdelay $0x1  }
0xe9: {  	[tilespmem:s28+$0x0] =	vst v3  }
0xea: {  	v3 =	vld [tilespmem:s24+$0x10];
	_ =	sdelay $0x3  }
0xeb: {  	v5 =	vmul.f32 v1, v4  }
0xec: {  	v3 =	vmul.f32 v3, v4  }
0xed: {  	[tilespmem:s28+$0x20] =	vst v5  }
0xee: {  	[tilespmem:s28+$0x10] =	vst v3  }
0xef: {  	v3 =	vld [tilespmem:s24+$0x20];
	_ =	sdelay $0x2  }
0xf0: {  	v4 =	vbroadcast v2, $0x9;
	_ =	sdelay $0x1  }
0xf1: {  	v3 =	vmul.f32 v3, v4;
	_ =	sdelay $0x1  }
0xf2: {  	[tilespmem:s28+$0x80] =	vst v3  }
0xf3: {  	v3 =	vld [tilespmem:s2+$0x14080];
	_ =	sdelay $0x3  }
0xf4: {  	v5 =	vmul.f32 v1, v4  }
0xf5: {  	v3 =	vmul.f32 v3, v4  }
0xf6: {  	[tilespmem:s28+$0xA0] =	vst v5  }
0xf7: {  	[tilespmem:s28+$0x90] =	vst v3  }
0xf8: {  	v3 =	vld [tilespmem:s24+$0x40];
	_ =	sdelay $0x2  }
0xf9: {  	v4 =	vbroadcast v2, $0xA;
	_ =	sdelay $0x1  }
0xfa: {  	v3 =	vmul.f32 v3, v4;
	_ =	sdelay $0x1  }
0xfb: {  	[tilespmem:s28+$0x100] =	vst v3  }
0xfc: {  	v3 =	vld [tilespmem:s7+$0x14080];
	_ =	sdelay $0x3  }
0xfd: {  	v5 =	vmul.f32 v1, v4  }
0xfe: {  	v3 =	vmul.f32 v3, v4  }
0xff: {  	[tilespmem:s28+$0x120] =	vst v5  }
0x100: {  	[tilespmem:s28+$0x110] =	vst v3  }
0x101: {  	v3 =	vld [tilespmem:s24+$0x60];
	_ =	sdelay $0x2  }
0x102: {  	v4 =	vbroadcast v2, $0xB;
	_ =	sdelay $0x1  }
0x103: {  	v3 =	vmul.f32 v3, v4;
	_ =	sdelay $0x1  }
0x104: {  	[tilespmem:s28+$0x180] =	vst v3  }
0x105: {  	v3 =	vld [tilespmem:s1+$0x14080];
	_ =	sdelay $0x3  }
0x106: {  	v5 =	vmul.f32 v1, v4  }
0x107: {  	v3 =	vmul.f32 v3, v4  }
0x108: {  	[tilespmem:s28+$0x1A0] =	vst v5  }
0x109: {  	[tilespmem:s28+$0x190] =	vst v3  }
0x10a: {  	v3 =	vld [tilespmem:s24+$0x80];
	_ =	sdelay $0x2  }
0x10b: {  	v4 =	vbroadcast v2, $0xC;
	_ =	sdelay $0x1  }
0x10c: {  	v3 =	vmul.f32 v3, v4;
	_ =	sdelay $0x1  }
0x10d: {  	[tilespmem:s28+$0x200] =	vst v3  }
0x10e: {  	v3 =	vld [tilespmem:s24+$0x90];
	_ =	sdelay $0x3  }
0x10f: {  	v5 =	vmul.f32 v1, v4  }
0x110: {  	v3 =	vmul.f32 v3, v4  }
0x111: {  	[tilespmem:s28+$0x220] =	vst v5  }
0x112: {  	[tilespmem:s28+$0x210] =	vst v3  }
0x113: {  	v3 =	vld [tilespmem:s24+$0xA0];
	_ =	sdelay $0x2  }
0x114: {  	v4 =	vbroadcast v2, $0xD;
	_ =	sdelay $0x1  }
0x115: {  	v3 =	vmul.f32 v3, v4;
	_ =	sdelay $0x1  }
0x116: {  	[tilespmem:s28+$0x280] =	vst v3  }
0x117: {  	v3 =	vld [tilespmem:s0+$0x14080];
	_ =	sdelay $0x3  }
0x118: {  	v5 =	vmul.f32 v1, v4  }
0x119: {  	v3 =	vmul.f32 v3, v4  }
0x11a: {  	[tilespmem:s28+$0x2A0] =	vst v5  }
0x11b: {  	[tilespmem:s28+$0x290] =	vst v3  }
0x11c: {  	s29 =	simm.s32 $0x19480;
	s30 =	simm.s32 $0x14180;
	s0 =	simm.s32 $0x3E0;
	v3 =	vbroadcast v2, $0xE;
	v4 =	vld [tilespmem:s24+$0xC0]  }
.LBB2_5:
0x11d: {  	_ =	sdelay $0x1  }
0x11e: {  	s25 =	sadd.s32 $0x800, s25;
	s28 =	sadd.s32 $0x800, s28;
	s24 =	sadd.s32 $0x200, s24  }
0x11f: {  	p0 =	sne.s32 s0, $0xFE0;
	s18 =	smov.u32 s0;
	s0 =	sadd.s32 $0x200, s0  }
0x120: {  	v4 =	vmul.f32 v4, v3;
	_ =	sdelay $0x1  }
0x121: {  	[tilespmem:s29+$0x300] =	vst v4;
	v4 =	vmul.f32 v1, v3  }
0x122: {  	v5 =	vld [tilespmem:s26+$0x14080]  }
0x123: {  	[tilespmem:s29+$0x320] =	vst v4;
	_ =	sdelay $0x3  }
0x124: {  	v3 =	vmul.f32 v5, v3;
	_ =	sdelay $0x1  }
0x125: {  	[tilespmem:s29+$0x310] =	vst v3  }
0x126: {  	v3 =	vld [tilespmem:s30+$0xE0];
	s30 =	smov.u32 s24;
	_ =	sdelay $0x2  }
0x127: {  	v2 =	vbroadcast v2, $0xF;
	_ =	sdelay $0x1  }
0x128: {  	v3 =	vmul.f32 v3, v2;
	_ =	sdelay $0x1  }
0x129: {  	[tilespmem:s29+$0x380] =	vst v3;
	v3 =	vmul.f32 v1, v2  }
0x12a: {  	v4 =	vld [tilespmem:s31+$0x14080]  }
0x12b: {  	[tilespmem:s29+$0x3A0] =	vst v3;
	_ =	sdelay $0x3  }
0x12c: {  	v2 =	vmul.f32 v4, v2  }
0x12d: {  	s1 =	sadd.s32 $0xFFFFFFE0, s18  }
0x12e: {  	s2 =	sadd.s32 $0xFFFFFFC0, s18;
	s26 =	sor.u32 $0x50, s1;
	[tilespmem:s29+$0x390] =	vst v2;
	s29 =	smov.u32 s28  }
0x12f: {  	s1 =	sor.u32 $0x30, s2;
	v2 =	vld [tilespmem:s26+$0x14080]  }
0x130: {  	s2 =	sadd.s32 $0xFFFFFF80, s18;
	v3 =	vld [tilespmem:s1+$0x14080]  }
0x131: {  	s7 =	sadd.s32 $0xFFFFFF60, s18;
	s8 =	sor.u32 $0x70, s2;
	v5 =	vld [tilespmem:s24+$0x90]  }
0x132: {  	s9 =	sor.u32 $0x50, s7;
	s2 =	sadd.s32 $0xFFFFFF40, s18;
	v6 =	vld [tilespmem:s8+$0x14080]  }
0x133: {  	s10 =	sor.u32 $0x30, s2;
	v7 =	vld [tilespmem:s9+$0x14080]  }
0x134: {  	s2 =	sadd.s32 $0xFFFFFF00, s18;
	v8 =	vld [tilespmem:s10+$0x14080]  }
0x135: {  	s7 =	sadd.s32 $0xFFFFFEE0, s18;
	s11 =	sor.u32 $0x70, s2;
	v9 =	vld [tilespmem:s24+$0x10]  }
0x136: {  	s13 =	sor.u32 $0x50, s7;
	s2 =	sadd.s32 $0xFFFFFEC0, s18;
	v10 =	vld [tilespmem:s11+$0x14080]  }
0x137: {  	s14 =	sor.u32 $0x30, s2;
	v11 =	vld [tilespmem:s13+$0x14080]  }
0x138: {  	v12 =	vld [tilespmem:s14+$0x14080]  }
0x139: {  	v13 =	vld [tilespmem:s25+$0xFFFFFD10]  }
0x13a: {  	v14 =	vld [tilespmem:s24+$0xFFFFFF40]  }
0x13b: {  	v15 =	vld [tilespmem:s25+$0xFFFFFD00]  }
0x13c: {  	v16 =	vld [tilespmem:s25+$0xFFFFFC90]  }
0x13d: {  	v17 =	vld [tilespmem:s24+$0xFFFFFF20]  }
0x13e: {  	v18 =	vld [tilespmem:s25+$0xFFFFFC00]  }
0x13f: {  	v19 =	vld [tilespmem:s25+$0xFFFFFC80]  }
0x140: {  	v20 =	vld [tilespmem:s24+$0xFFFFFF10]  }
0x141: {  	s2 =	sadd.s32 $0xFFFFFE40, s18;
	v21 =	vld [tilespmem:s25+$0xFFFFFC10]  }
0x142: {  	s7 =	sadd.s32 $0xFFFFFE60, s18;
	s2 =	sor.u32 $0x30, s2;
	v4 =	vld [tilespmem:s24+$0xFFFFFF00]  }
0x143: {  	s22 =	sor.u32 $0x50, s7;
	v22 =	vld [tilespmem:s2+$0x14080]  }
0x144: {  	s7 =	sadd.s32 $0xFFFFFE80, s18;
	v23 =	vld [tilespmem:s22+$0x14080]  }
0x145: {  	s7 =	sor.u32 $0x70, s7;
	v24 =	vld [tilespmem:s24+$0xFFFFFF90]  }
0x146: {  	v20 =	vmul.f32 v20, v21;
	v21 =	vld [tilespmem:s7+$0x14080]  }
0x147: {  	v18 =	vmul.f32 v4, v18;
	v25 =	vld [tilespmem:s25+$0xFFFFFD90]  }
0x148: {  	v17 =	vmul.f32 v17, v19;
	v16 =	vmul.f32 v22, v16;
	v19 =	vld [tilespmem:s24+$0xFFFFFF60]  }
0x149: {  	v14 =	vmul.f32 v14, v15;
	v18 =	vadd.f32 v20, v18;
	v13 =	vmul.f32 v23, v13;
	v15 =	vld [tilespmem:s25+$0xFFFFFD80]  }
0x14a: {  	v16 =	vadd.f32 v16, v17;
	v17 =	vld [tilespmem:s25+$0xFFFFFE10]  }
0x14b: {  	v13 =	vadd.f32 v13, v14;
	v14 =	vld [tilespmem:s24+$0xFFFFFF80];
	(xrf2) =	vadd.scan.msk.f32 $0xffff, v18  }
0x14c: {  	v18 =	vmul.f32 v21, v25;
	v20 =	vld [tilespmem:s25+$0xFFFFFE00]  }
0x14d: {  	v21 =	vld [tilespmem:s25+$0xFFFFFE90]  }
0x14e: {  	v15 =	vmul.f32 v19, v15;
	v19 =	vld [tilespmem:s24+$0xFFFFFFA0];
	(xrf2) =	vadd.scan.msk.f32 $0xffff, v16  }
0x14f: {  	v16 =	vld [tilespmem:s25+$0xFFFFFE80]  }
0x150: {  	v15 =	vadd.f32 v18, v15;
	v18 =	vld [tilespmem:s25+$0xFFFFFF10]  }
0x151: {  	v17 =	vmul.f32 v24, v17;
	v14 =	vmul.f32 v14, v20;
	v20 =	vld [tilespmem:s24+$0xFFFFFFC0];
	(xrf2) =	vadd.scan.msk.f32 $0xffff, v13  }
0x152: {  	v12 =	vmul.f32 v12, v21;
	v13 =	vld [tilespmem:s25+$0xFFFFFF00]  }
0x153: {  	v14 =	vadd.f32 v17, v14;
	v17 =	vld [tilespmem:s25+$0xFFFFFF90]  }
0x154: {  	v16 =	vmul.f32 v19, v16;
	v19 =	vld [tilespmem:s24+$0xFFFFFFE0];
	(xrf2) =	vadd.scan.msk.f32 $0xffff, v15  }
0x155: {  	v11 =	vmul.f32 v11, v18;
	v15 =	vld [tilespmem:s25+$0xFFFFFF80];
	v18, _, _ =	vpop (xrf2)  }
0x156: {  	v12 =	vadd.f32 v12, v16;
	v16 =	vld [tilespmem:s25+$0x10]  }
0x157: {  	v18 =	vbroadcast v18, $0xF;
	v13 =	vmul.f32 v20, v13;
	v20 =	vld [tilespmem:s24+$0x0];
	(xrf2) =	vadd.scan.msk.f32 $0xffff, v14  }
0x158: {  	v14 =	vld [tilespmem:s25+$0x0];
	v21, _, _ =	vpop (xrf2)  }
0x159: {  	v11 =	vadd.f32 v11, v13;
	v13 =	vld [tilespmem:s25+$0x90]  }
0x15a: {  	v10 =	vmul.f32 v10, v17;
	v15 =	vmul.f32 v19, v15;
	v17 =	vld [tilespmem:s24+$0x20];
	(xrf2) =	vadd.scan.msk.f32 $0xffff, v12  }
0x15b: {  	v12 =	vbroadcast v21, $0xF;
	v19 =	vld [tilespmem:s25+$0x80];
	v21, _, _ =	vpop (xrf2)  }
0x15c: {  	v10 =	vadd.f32 v10, v15;
	v15 =	vld [tilespmem:s25+$0x110]  }
0x15d: {  	v9 =	vmul.f32 v9, v16;
	v12 =	vsel vm0, v18, v12;
	v14 =	vmul.f32 v20, v14;
	v16 =	vld [tilespmem:s24+$0x40];
	(xrf2) =	vadd.scan.msk.f32 $0xffff, v11  }
0x15e: {  	v11 =	vbroadcast v21, $0xF;
	v18 =	vld [tilespmem:s25+$0x100];
	v20, _, _ =	vpop (xrf2)  }
0x15f: {  	v9 =	vadd.f32 v9, v14;
	v14 =	vld [tilespmem:s25+$0x190]  }
0x160: {  	v8 =	vmul.f32 v8, v13;
	v11 =	vsel vm1, v12, v11;
	v12 =	vmul.f32 v17, v19;
	v13 =	vld [tilespmem:s24+$0x60];
	(xrf2) =	vadd.scan.msk.f32 $0xffff, v10  }
0x161: {  	v10 =	vbroadcast v20, $0xF;
	v17 =	vld [tilespmem:s25+$0x180];
	v19, _, _ =	vpop (xrf2)  }
0x162: {  	v8 =	vadd.f32 v8, v12;
	v12 =	vld [tilespmem:s25+$0x210]  }
0x163: {  	v7 =	vmul.f32 v7, v15;
	v10 =	vsel vm2, v11, v10;
	v11 =	vmul.f32 v16, v18;
	v15 =	vld [tilespmem:s24+$0x80];
	(xrf2) =	vadd.scan.msk.f32 $0xffff, v9  }
0x164: {  	v9 =	vbroadcast v19, $0xF;
	v6 =	vmul.f32 v6, v14;
	v14 =	vld [tilespmem:s25+$0x200];
	v16, _, _ =	vpop (xrf2)  }
0x165: {  	v7 =	vadd.f32 v7, v11;
	v11 =	vld [tilespmem:s25+$0x290]  }
0x166: {  	v9 =	vsel vm3, v10, v9;
	v10 =	vmul.f32 v13, v17;
	v13 =	vld [tilespmem:s24+$0xA0];
	(xrf2) =	vadd.scan.msk.f32 $0xffff, v8  }
0x167: {  	v8 =	vbroadcast v16, $0xF;
	v16 =	vld [tilespmem:s25+$0x280];
	v17, _, _ =	vpop (xrf2)  }
0x168: {  	v6 =	vadd.f32 v6, v10;
	v10 =	vld [tilespmem:s25+$0x310]  }
0x169: {  	v5 =	vmul.f32 v5, v12;
	v8 =	vsel vm4, v9, v8;
	v9 =	vmul.f32 v15, v14;
	v12 =	vld [tilespmem:s24+$0xC0];
	(xrf2) =	vadd.scan.msk.f32 $0xffff, v7  }
0x16a: {  	v7 =	vbroadcast v17, $0xF;
	v14 =	vld [tilespmem:s25+$0x300];
	v15, _, _ =	vpop (xrf2)  }
0x16b: {  	s31 =	sor.u32 $0x70, s18;
	v5 =	vadd.f32 v5, v9  }
0x16c: {  	v3 =	vmul.f32 v3, v11;
	v7 =	vsel vm5, v8, v7;
	v8 =	vmul.f32 v13, v16;
	v9 =	vld [tilespmem:s31+$0x14080];
	(xrf2) =	vadd.scan.msk.f32 $0xffff, v6  }
0x16d: {  	v6 =	vbroadcast v15, $0xF;
	v11 =	vld [tilespmem:s25+$0x390];
	v13, _, _ =	vpop (xrf2)  }
0x16e: {  	v3 =	vadd.f32 v3, v8;
	v8 =	vld [tilespmem:s24+$0xE0]  }
0x16f: {  	v2 =	vmul.f32 v2, v10;
	v6 =	vsel vm6, v7, v6;
	v7 =	vmul.f32 v12, v14;
	v10 =	vld [tilespmem:s25+$0x380];
	(xrf2) =	vadd.scan.msk.f32 $0xffff, v5  }
0x170: {  	v5 =	vbroadcast v13, $0xF;
	v12, _, _ =	vpop (xrf2)  }
0x171: {  	v2 =	vadd.f32 v2, v7  }
0x172: {  	v5 =	vsel vm7, v6, v5;
	v6 =	vmul.f32 v9, v11;
	(xrf2) =	vadd.scan.msk.f32 $0xffff, v3  }
0x173: {  	v3 =	vbroadcast v12, $0xF;
	v7, _, _ =	vpop (xrf2)  }
0x174: {  	v8 =	vmul.f32 v8, v10  }
0x175: {  	v3 =	vsel vm8, v5, v3;
	(xrf2) =	vadd.scan.msk.f32 $0xffff, v2  }
0x176: {  	v2 =	vbroadcast v7, $0xF;
	v7 =	vadd.f32 v6, v8;
	v6, _, _ =	vpop (xrf2);
	_ =	sdelay $0x1  }
0x177: {  	v2 =	vsel vm9, v3, v2;
	(xrf2) =	vadd.scan.msk.f32 $0xffff, v7  }
0x178: {  	v3 =	vbroadcast v6, $0xF;
	v5, _, _ =	vpop (xrf2);
	_ =	sdelay $0x1  }
0x179: {  	v2 =	vsel vm10, v2, v3  }
0x17a: {  	v3 =	vbroadcast v5, $0xF;
	v5, _, _ =	vpop (xrf2);
	_ =	sdelay $0x1  }
0x17b: {  	v2 =	vsel vm11, v2, v3  }
0x17c: {  	v6 =	vbroadcast v5, $0xF;
	v5, _, _ =	vpop (xrf2)  }
0x17d: {  	v5 =	vbroadcast v5, $0xF  }
0x17e: {  	v2 =	vsel vm12, v2, v6  }
0x17f: {  	v2 =	vsel vm13, v2, v5;
	v3, _, _ =	vpop (xrf2)  }
0x180: {  	v2 =	vsel vm14, v2, v3  }
0x181: {  	v2 =	vmul.f32 $1.442695020e+00, v2;
	_ =	sdelay $0x1  }
0x182: {  	(erf) = vpow2.f32 v2;
	_ =	sdelay $0x8  }
0x183: {  	v2 =	vpop (erf)  }
0x184: {  	v5 =	vbroadcast v2, $0x0;
	v3 =	vbroadcast v2, $0xE;
	_ =	sdelay $0x1  }
0x185: {  	v4 =	vmul.f32 v5, v4;
	_ =	sdelay $0x1  }
0x186: {  	[tilespmem:s28+$0xFFFFFC00] =	vst v4;
	v4 =	vmul.f32 v1, v5  }
0x187: {  	v6 =	vld [tilespmem:s24+$0xFFFFFF10]  }
0x188: {  	[tilespmem:s28+$0xFFFFFC20] =	vst v4;
	_ =	sdelay $0x3  }
0x189: {  	v4 =	vmul.f32 v5, v6;
	_ =	sdelay $0x1  }
0x18a: {  	[tilespmem:s28+$0xFFFFFC10] =	vst v4  }
0x18b: {  	v4 =	vld [tilespmem:s24+$0xFFFFFF20];
	_ =	sdelay $0x2  }
0x18c: {  	v5 =	vbroadcast v2, $0x1;
	_ =	sdelay $0x1  }
0x18d: {  	v4 =	vmul.f32 v5, v4;
	_ =	sdelay $0x1  }
0x18e: {  	[tilespmem:s28+$0xFFFFFC80] =	vst v4;
	v4 =	vmul.f32 v1, v5  }
0x18f: {  	v6 =	vld [tilespmem:s2+$0x14080]  }
0x190: {  	[tilespmem:s28+$0xFFFFFCA0] =	vst v4;
	_ =	sdelay $0x3  }
0x191: {  	v4 =	vmul.f32 v5, v6;
	_ =	sdelay $0x1  }
0x192: {  	[tilespmem:s28+$0xFFFFFC90] =	vst v4  }
0x193: {  	v4 =	vld [tilespmem:s24+$0xFFFFFF40];
	_ =	sdelay $0x2  }
0x194: {  	v5 =	vbroadcast v2, $0x2;
	_ =	sdelay $0x1  }
0x195: {  	v4 =	vmul.f32 v4, v5;
	_ =	sdelay $0x1  }
0x196: {  	[tilespmem:s28+$0xFFFFFD00] =	vst v4;
	v4 =	vmul.f32 v1, v5  }
0x197: {  	v6 =	vld [tilespmem:s22+$0x14080]  }
0x198: {  	[tilespmem:s28+$0xFFFFFD20] =	vst v4;
	_ =	sdelay $0x3  }
0x199: {  	v4 =	vmul.f32 v6, v5;
	_ =	sdelay $0x1  }
0x19a: {  	[tilespmem:s28+$0xFFFFFD10] =	vst v4  }
0x19b: {  	v4 =	vld [tilespmem:s24+$0xFFFFFF60];
	_ =	sdelay $0x2  }
0x19c: {  	v5 =	vbroadcast v2, $0x3;
	_ =	sdelay $0x1  }
0x19d: {  	v4 =	vmul.f32 v4, v5;
	_ =	sdelay $0x1  }
0x19e: {  	[tilespmem:s28+$0xFFFFFD80] =	vst v4;
	v4 =	vmul.f32 v1, v5  }
0x19f: {  	v6 =	vld [tilespmem:s7+$0x14080]  }
0x1a0: {  	[tilespmem:s28+$0xFFFFFDA0] =	vst v4;
	_ =	sdelay $0x3  }
0x1a1: {  	v4 =	vmul.f32 v6, v5;
	_ =	sdelay $0x1  }
0x1a2: {  	[tilespmem:s28+$0xFFFFFD90] =	vst v4  }
0x1a3: {  	v4 =	vld [tilespmem:s24+$0xFFFFFF80];
	_ =	sdelay $0x2  }
0x1a4: {  	v5 =	vbroadcast v2, $0x4;
	_ =	sdelay $0x1  }
0x1a5: {  	v4 =	vmul.f32 v4, v5;
	_ =	sdelay $0x1  }
0x1a6: {  	[tilespmem:s28+$0xFFFFFE00] =	vst v4;
	v4 =	vmul.f32 v1, v5  }
0x1a7: {  	v6 =	vld [tilespmem:s24+$0xFFFFFF90]  }
0x1a8: {  	[tilespmem:s28+$0xFFFFFE20] =	vst v4;
	_ =	sdelay $0x3  }
0x1a9: {  	v4 =	vmul.f32 v6, v5;
	_ =	sdelay $0x1  }
0x1aa: {  	[tilespmem:s28+$0xFFFFFE10] =	vst v4  }
0x1ab: {  	v4 =	vld [tilespmem:s24+$0xFFFFFFA0];
	_ =	sdelay $0x2  }
0x1ac: {  	v5 =	vbroadcast v2, $0x5;
	_ =	sdelay $0x1  }
0x1ad: {  	v4 =	vmul.f32 v4, v5;
	_ =	sdelay $0x1  }
0x1ae: {  	[tilespmem:s28+$0xFFFFFE80] =	vst v4;
	v4 =	vmul.f32 v1, v5  }
0x1af: {  	v6 =	vld [tilespmem:s14+$0x14080]  }
0x1b0: {  	[tilespmem:s28+$0xFFFFFEA0] =	vst v4;
	_ =	sdelay $0x3  }
0x1b1: {  	v4 =	vmul.f32 v6, v5;
	_ =	sdelay $0x1  }
0x1b2: {  	[tilespmem:s28+$0xFFFFFE90] =	vst v4  }
0x1b3: {  	v4 =	vld [tilespmem:s24+$0xFFFFFFC0];
	_ =	sdelay $0x2  }
0x1b4: {  	v5 =	vbroadcast v2, $0x6;
	_ =	sdelay $0x1  }
0x1b5: {  	v4 =	vmul.f32 v4, v5;
	_ =	sdelay $0x1  }
0x1b6: {  	[tilespmem:s28+$0xFFFFFF00] =	vst v4;
	v4 =	vmul.f32 v1, v5  }
0x1b7: {  	v6 =	vld [tilespmem:s13+$0x14080]  }
0x1b8: {  	[tilespmem:s28+$0xFFFFFF20] =	vst v4;
	_ =	sdelay $0x3  }
0x1b9: {  	v4 =	vmul.f32 v6, v5;
	_ =	sdelay $0x1  }
0x1ba: {  	[tilespmem:s28+$0xFFFFFF10] =	vst v4  }
0x1bb: {  	v4 =	vld [tilespmem:s24+$0xFFFFFFE0];
	_ =	sdelay $0x2  }
0x1bc: {  	v5 =	vbroadcast v2, $0x7;
	_ =	sdelay $0x1  }
0x1bd: {  	v4 =	vmul.f32 v4, v5;
	_ =	sdelay $0x1  }
0x1be: {  	[tilespmem:s28+$0xFFFFFF80] =	vst v4;
	v4 =	vmul.f32 v1, v5  }
0x1bf: {  	v6 =	vld [tilespmem:s11+$0x14080]  }
0x1c0: {  	[tilespmem:s28+$0xFFFFFFA0] =	vst v4;
	_ =	sdelay $0x3  }
0x1c1: {  	v4 =	vmul.f32 v6, v5;
	_ =	sdelay $0x1  }
0x1c2: {  	[tilespmem:s28+$0xFFFFFF90] =	vst v4  }
0x1c3: {  	v4 =	vld [tilespmem:s24+$0x0];
	_ =	sdelay $0x2  }
0x1c4: {  	v5 =	vbroadcast v2, $0x8;
	_ =	sdelay $0x1  }
0x1c5: {  	v4 =	vmul.f32 v4, v5;
	_ =	sdelay $0x1  }
0x1c6: {  	[tilespmem:s28+$0x0] =	vst v4;
	v4 =	vmul.f32 v1, v5  }
0x1c7: {  	v6 =	vld [tilespmem:s24+$0x10]  }
0x1c8: {  	[tilespmem:s28+$0x20] =	vst v4;
	_ =	sdelay $0x3  }
0x1c9: {  	v4 =	vmul.f32 v6, v5;
	_ =	sdelay $0x1  }
0x1ca: {  	[tilespmem:s28+$0x10] =	vst v4  }
0x1cb: {  	v4 =	vld [tilespmem:s24+$0x20];
	_ =	sdelay $0x2  }
0x1cc: {  	v5 =	vbroadcast v2, $0x9;
	_ =	sdelay $0x1  }
0x1cd: {  	v4 =	vmul.f32 v4, v5;
	_ =	sdelay $0x1  }
0x1ce: {  	[tilespmem:s28+$0x80] =	vst v4;
	v4 =	vmul.f32 v1, v5  }
0x1cf: {  	v6 =	vld [tilespmem:s10+$0x14080]  }
0x1d0: {  	[tilespmem:s28+$0xA0] =	vst v4;
	_ =	sdelay $0x3  }
0x1d1: {  	v4 =	vmul.f32 v6, v5;
	_ =	sdelay $0x1  }
0x1d2: {  	[tilespmem:s28+$0x90] =	vst v4  }
0x1d3: {  	v4 =	vld [tilespmem:s24+$0x40];
	_ =	sdelay $0x2  }
0x1d4: {  	v5 =	vbroadcast v2, $0xA;
	_ =	sdelay $0x1  }
0x1d5: {  	v4 =	vmul.f32 v4, v5;
	_ =	sdelay $0x1  }
0x1d6: {  	[tilespmem:s28+$0x100] =	vst v4;
	v4 =	vmul.f32 v1, v5  }
0x1d7: {  	v6 =	vld [tilespmem:s9+$0x14080]  }
0x1d8: {  	[tilespmem:s28+$0x120] =	vst v4;
	_ =	sdelay $0x3  }
0x1d9: {  	v4 =	vmul.f32 v6, v5;
	_ =	sdelay $0x1  }
0x1da: {  	[tilespmem:s28+$0x110] =	vst v4  }
0x1db: {  	v4 =	vld [tilespmem:s24+$0x60];
	_ =	sdelay $0x2  }
0x1dc: {  	v5 =	vbroadcast v2, $0xB;
	_ =	sdelay $0x1  }
0x1dd: {  	v4 =	vmul.f32 v4, v5;
	_ =	sdelay $0x1  }
0x1de: {  	[tilespmem:s28+$0x180] =	vst v4;
	v4 =	vmul.f32 v1, v5  }
0x1df: {  	v6 =	vld [tilespmem:s8+$0x14080]  }
0x1e0: {  	[tilespmem:s28+$0x1A0] =	vst v4;
	_ =	sdelay $0x3  }
0x1e1: {  	v4 =	vmul.f32 v6, v5;
	_ =	sdelay $0x1  }
0x1e2: {  	[tilespmem:s28+$0x190] =	vst v4  }
0x1e3: {  	v4 =	vld [tilespmem:s24+$0x80];
	_ =	sdelay $0x2  }
0x1e4: {  	v5 =	vbroadcast v2, $0xC;
	_ =	sdelay $0x1  }
0x1e5: {  	v4 =	vmul.f32 v4, v5;
	_ =	sdelay $0x1  }
0x1e6: {  	[tilespmem:s28+$0x200] =	vst v4;
	v4 =	vmul.f32 v1, v5  }
0x1e7: {  	v6 =	vld [tilespmem:s24+$0x90]  }
0x1e8: {  	[tilespmem:s28+$0x220] =	vst v4;
	_ =	sdelay $0x3  }
0x1e9: {  	v4 =	vmul.f32 v6, v5;
	_ =	sdelay $0x1  }
0x1ea: {  	[tilespmem:s28+$0x210] =	vst v4  }
0x1eb: {  	v4 =	vld [tilespmem:s24+$0xA0];
	_ =	sdelay $0x2  }
0x1ec: {  	v5 =	vbroadcast v2, $0xD;
	_ =	sdelay $0x1  }
0x1ed: {  	v4 =	vmul.f32 v4, v5;
	_ =	sdelay $0x1  }
0x1ee: {  	[tilespmem:s28+$0x280] =	vst v4;
	v4 =	vmul.f32 v1, v5  }
0x1ef: {  	v6 =	vld [tilespmem:s1+$0x14080]  }
0x1f0: {  	[tilespmem:s28+$0x2A0] =	vst v4;
	_ =	sdelay $0x2  }
.Ltmp1:
0x1f1: {  	(pc) =	sbr.rel @p0 .LBB2_5-.Ltmp1, $3  }
0x1f2: {  	v4 =	vmul.f32 v6, v5;
	_ =	sdelay $0x1  }
0x1f3: {  	[tilespmem:s28+$0x290] =	vst v4  }
0x1f4: {  	v4 =	vld [tilespmem:s24+$0xC0]  }
0x1f5: {  	_ =	sdelay $0x3  }
0x1f6: {  	v4 =	vmul.f32 v4, v3;
	_ =	sdelay $0x1  }
0x1f7: {  	[tilespmem:s29+$0x300] =	vst v4  }
0x1f8: {  	v4 =	vld [tilespmem:s26+$0x14080];
	_ =	sdelay $0x3  }
0x1f9: {  	v5 =	vmul.f32 v1, v3  }
0x1fa: {  	v3 =	vmul.f32 v4, v3  }
0x1fb: {  	[tilespmem:s29+$0x320] =	vst v5  }
0x1fc: {  	[tilespmem:s29+$0x310] =	vst v3  }
0x1fd: {  	v3 =	vld [tilespmem:s30+$0xE0];
	_ =	sdelay $0x2  }
0x1fe: {  	v2 =	vbroadcast v2, $0xF;
	_ =	sdelay $0x1  }
0x1ff: {  	v3 =	vmul.f32 v3, v2;
	_ =	sdelay $0x1  }
0x200: {  	[tilespmem:s29+$0x380] =	vst v3  }
0x201: {  	v3 =	vld [tilespmem:s31+$0x14080];
	_ =	sdelay $0x3  }
0x202: {  	v63 =	vmul.f32 v1, v2  }
0x203: {  	s23 =	sadd.s32 $0x1, s23;
	v2 =	vmul.f32 v3, v2  }
0x204: {  	p0 =	sne.s32 s23, $0x28;
	[tilespmem:s29+$0x3A0] =	vst v63  }
.Ltmp2:
0x205: {  	s0 =	rddreg [dreg:$0x1];
	[tilespmem:s29+$0x390] =	vst v2;
	(pc) =	sbr.rel @p0 .LBB2_4-.Ltmp2, $4  }
0x206: {  	[spmem:s0] =	stream.indirect.scatter.add.f32 [tilespmem:s15], [sflag:$0x2], $0x80, s17, s19, $0xb8;
	[tilespmem:$0x1D080] =	vst v63  }
0x207: {  	_ =	swait.ge [sflag:s16], $0x4000  }
0x208: {  	[sflag:s16] =	ssyncset.done $0x0  }
0x209: {  	[sflag:s16] =	ssyncadd.s32 $0xFFFFC000  }
0x20a: {  	s0 =	stileid.u32;
	[bflag:$0x0] =	sbarrier.arrive $0xFFFF  }
0x20b: {  	s0 =	sshll.u32 s0, $0x6;
	s7 =	rddreg [dreg:$0x3]  }
0x20c: {  	s2 =	rddreg [dreg:$0x8];
	s0 =	sor.u32 $0x1C02, s0;
	s1 =	sshrl.u32 s7, $0x3  }
0x20d: {  	[hbm:s2], [sflag:s0] =	dma.local [spmem:s1], $0x2800  }
0x20e: {  	_ =	swait.ge [sflag:s16], $0x2800  }
0x20f: {  	s30 =	rddreg [dreg:$0xa]  }
0x210: {  	s31 =	rddreg [dreg:$0x9];
	s1 =	sadd.s32 $0x1, s30  }
0x211: {  	p0 =	sne.s32 s1, s31  }
.Ltmp3:
0x212: {  	_ = 	snop;
	(pc) =	sbr.rel @p0 .LBB2_1-.Ltmp3, $3  }
0x213: {  	_ =	sdelay $0x1  }
0x214: {  	[sflag:s16] =	ssyncset.done $0x0  }
0x215: {  	[sflag:s16] =	ssyncadd.s32 $0xFFFFD800  }
0x216: {  	_ =	sfence.sel $0x180000  }
0x217: {  	[bflag:$0x0] =	sbarrier.arrive $0xFFFF  }
0x218: {  	_ =	strace $0x9000004A  }
0x219: {  	s0 =	stileid.u32;
	[bflag:$0x2] =	sbarrier.arrive $0xFFFF  }
0x21a: {  	p0 =	sne.s32 s0, $0x0;
	s0 =	rddreg [dreg:$0x2]  }
0x21b: {  	s0 =	sadd.s32 @!p0 $0x100000, s0  }
0x21c: {  	[sflag:s0] =	ssyncadd.tile.s32 @!p0 $0x1;
	_ =	shalt  }
.Lfunc_end2:
_tile_overlayer_lowered:
.L_overlay_start_2:
0x21d: {  	(tag) =	ssettag $0x2  }
0x21e: {  	s0 =	rddreg [dreg:$0x0];
	s2 =	stileid.u32  }
0x21f: {  	s1 =	rddreg [dreg:$0x1];
	p0 =	sne.s32 s2, $0x0  }
0x220: {  	s3 =	rddreg [dreg:$0x2];
	[bflag:$0x3] =	sbarrier.arrive $0xFFFF;
	s2 =	simm.s32 @!p0 $0x1C02  }
0x221: {  	[timem:s3], [sflag:s2] =	dma.local @!p0 [hbm:s0], s1  }
0x222: {  	s0 =	simm.s32 @!p0 $0x2  }
0x223: {  	_ =	swait.ge @!p0 [sflag:s0], s1  }
0x224: {  	s1 =	ssub.s32 @!p0 $0x0, s1;
	[sflag:s0] =	ssyncset.done @!p0 $0x0  }
0x225: {  	[sflag:s0] =	ssyncadd.s32 @!p0 s1  }
0x226: {  	[bflag:$0x3] =	sbarrier.arrive $0xFFFF  }
0x227: {  	_ =	shalt  }

// kernel: kernel.14.cloned.1.call-start
scs
__scs_entry_jumppad:
0x0: {  	(pc) =	sbr.rel $0x88, $3  }
0x1: {  	(tag) =	ssettag $0x0;
	lr =	simm.s32 $0x1  }
0x2: {  	[smem:$0x3F99] =	sst lr;
	_ =	strace $0xD0000000  }
0x3: {  	_ = 	snop  }
0x4: {  	_ = 	snop  }
0x5: {  	_ = 	snop  }
0x6: {  	_ = 	snop  }
0x7: {  	_ = 	snop  }
__scs_overlays_trampoline_lowered:
0x8: {  	[smem:$0x3FA8] =	sst s0  }
0x9: {  	[smem:$0x3FA9] =	sst s1  }
0xa: {  	[smem:$0x3FAA] =	sst s2  }
0xb: {  	[smem:$0x3FAB] =	sst s3  }
0xc: {  	[smem:$0x3FAC] =	sst s4  }
0xd: {  	[smem:$0x3FAD] =	sst s5  }
0xe: {  	[smem:$0x3FAE] =	sst s6  }
0xf: {  	[smem:$0x3FAF] =	sst s7  }
0x10: {  	[smem:$0x3FB0] =	sst s8  }
0x11: {  	[smem:$0x3FB1] =	sst s9;
	s0 =	simm.s32 @!p0 $0x0  }
0x12: {  	s1 =	sld [smem:$0x3F97];
	s0 =	simm.s32 @p0 $0x1  }
0x13: {  	[smem:$0x3FB2] =	sst s0;
	s0 =	simm.s32 @!p1 $0x0  }
0x14: {  	s2 =	sld [smem:$0x3F96];
	s0 =	simm.s32 @p1 $0x1  }
0x15: {  	[smem:$0x3FB3] =	sst s0;
	s0 =	simm.s32 @!p2 $0x0  }
0x16: {  	s3 =	sld [smem:$0x3FDB];
	s0 =	simm.s32 @p2 $0x1  }
0x17: {  	s4 =	simm.s32 $0x1BF5;
	[smem:$0x3FB5] =	sst s0  }
0x18: {  	s0 =	sld [smem:$0x3F98];
	_ =	swait.ge [sflag:s4], $0x0  }
0x19: {  	s7 =	sld [smem:$0x3F99]  }
0x1a: {  	s8 =	sadd.s32 $0xFFFFE003, lr  }
0x1b: {  	s9 =	sadd.s32 $0xFFFFFEF7, lr;
	s5 =	simm.s32 $0xFFFFFFFF;
	p2 =	slt.u32 s8, $0xFFFFF086  }
0x1c: {  	p1 =	slt.u32 s9, $0xF7A;
	s5 =	simm.s32 @!p2 $0x0  }
0x1d: {  	s5 =	simm.s32 @p1 $0x1;
	p0 =	seq.s32 s7, s2  }
0x1e: {  	s7 =	smul.u32 @!p0 $0xF7A, s2;
	p2 =	seq.s32 @!p0 s5, $0x0  }
0x1f: {  	s9 =	smul.u32 $0xF7A, s1;
	s8 =	simm.s32 @!p0 $0x1BF5;
	p2 =	por !p2, p0  }
0x20: {  	[sflag:s8] =	ssyncset.s32 @!p0 $0xFFFFF086;
	s6 =	sadd.s32 @!p0 s3, s7;
	s7 =	simm.s32 @!p0 $0x108  }
0x21: {  	s3 =	sadd.s32 s3, s9;
	s6 =	sadd.s32 @!p0 $0x88, s6;
	s7 =	simm.s32 @p2 $0x1082  }
0x22: {  	[simem:s7], [sflag:s8] =	dma.local @!p0 [hbm:s6], $0xF7A  }
0x23: {  	s9 =	sor.u32 $0xD0000000, s2;
	s6 =	simm.s32 $0x108;
	_ =	swait.ge @!p0 [sflag:s8], $0x0  }
0x24: {  	s3 =	sadd.s32 $0x88, s3;
	s6 =	simm.s32 @!p1 $0x1082;
	[sflag:s4] =	ssyncset.s32 $0xFFFFF086  }
0x25: {  	[simem:s6], [sflag:s4] =	dma.local [hbm:s3], $0xF7A  }
0x26: {  	[smem:$0x3F99] =	sst s1;
	(tag) =	ssettag s2;
	_ =	strace s9  }
0x27: {  	s1 =	sld [smem:$0x3FA9]  }
0x28: {  	s2 =	sld [smem:$0x3FAA]  }
0x29: {  	s4 =	sld [smem:$0x3FAC]  }
0x2a: {  	p0 =	seq.s32 s5, $0x0;
	s5 =	sld [smem:$0x3FAD]  }
0x2b: {  	s6 =	sld [smem:$0x3FAE]  }
0x2c: {  	s7 =	sld [smem:$0x3FAF]  }
0x2d: {  	s3 =	simm.s32 $0x108;
	s8 =	sld [smem:$0x3FB0]  }
0x2e: {  	s3 =	simm.s32 @!p0 $0x1082;
	s9 =	sld [smem:$0x3FB1]  }
0x2f: {  	lr =	sadd.s32 s0, s3;
	s0 =	sld [smem:$0x3FA8]  }
0x30: {  	s3 =	sld [smem:$0x3FAB]  }
0x31: {  	[smem:$0x3FB4] =	sst s10  }
0x32: {  	s10 =	sld [smem:$0x3FB2];
	_ =	sdelay $0x3  }
0x33: {  	p0 =	seq.s32 s10, $0x1;
	s10 =	sld [smem:$0x3FB4];
	_ =	sdelay $0x3  }
0x34: {  	[smem:$0x3FB4] =	sst s10  }
0x35: {  	s10 =	sld [smem:$0x3FB3];
	_ =	sdelay $0x3  }
0x36: {  	p1 =	seq.s32 s10, $0x1;
	s10 =	sld [smem:$0x3FB4];
	_ =	sdelay $0x3  }
0x37: {  	[smem:$0x3FB4] =	sst s10  }
0x38: {  	s10 =	sld [smem:$0x3FB5]  }
0x39: {  	_ = 	snop;
	(pc) =	sbr.ind lr, $3  }
0x3a: {  	_ = 	snop  }
0x3b: {  	_ = 	snop  }
0x3c: {  	p2 =	seq.s32 s10, $0x1;
	s10 =	sld [smem:$0x3FB4]  }
0x3d: {  	_ =	shalt  }
0x3e: {  	_ =	shalt  }
0x3f: {  	_ =	shalt  }
0x40: {  	_ =	shalt  }
0x41: {  	_ =	shalt  }
0x42: {  	_ =	shalt  }
0x43: {  	_ =	shalt  }
0x44: {  	_ =	shalt  }
0x45: {  	_ =	shalt  }
0x46: {  	_ =	shalt  }
0x47: {  	_ =	shalt  }
0x48: {  	_ =	shalt  }
0x49: {  	_ =	shalt  }
0x4a: {  	_ =	shalt  }
0x4b: {  	_ =	shalt  }
0x4c: {  	_ =	shalt  }
0x4d: {  	_ =	shalt  }
0x4e: {  	_ =	shalt  }
0x4f: {  	_ =	shalt  }
0x50: {  	_ =	shalt  }
0x51: {  	_ =	shalt  }
0x52: {  	_ =	shalt  }
0x53: {  	_ =	shalt  }
0x54: {  	_ =	shalt  }
0x55: {  	_ =	shalt  }
0x56: {  	_ =	shalt  }
0x57: {  	_ =	shalt  }
0x58: {  	_ =	shalt  }
0x59: {  	_ =	shalt  }
0x5a: {  	_ =	shalt  }
0x5b: {  	_ =	shalt  }
0x5c: {  	_ =	shalt  }
0x5d: {  	_ =	shalt  }
0x5e: {  	_ =	shalt  }
0x5f: {  	_ =	shalt  }
0x60: {  	_ =	shalt  }
0x61: {  	_ =	shalt  }
0x62: {  	_ =	shalt  }
0x63: {  	_ =	shalt  }
0x64: {  	_ =	shalt  }
0x65: {  	_ =	shalt  }
0x66: {  	_ =	shalt  }
0x67: {  	_ =	shalt  }
0x68: {  	_ =	shalt  }
0x69: {  	_ =	shalt  }
0x6a: {  	_ =	shalt  }
0x6b: {  	_ =	shalt  }
0x6c: {  	_ =	shalt  }
0x6d: {  	_ =	shalt  }
0x6e: {  	_ =	shalt  }
0x6f: {  	_ =	shalt  }
0x70: {  	_ =	shalt  }
0x71: {  	_ =	shalt  }
0x72: {  	_ =	shalt  }
0x73: {  	_ =	shalt  }
0x74: {  	_ =	shalt  }
0x75: {  	_ =	shalt  }
0x76: {  	_ =	shalt  }
0x77: {  	_ =	shalt  }
0x78: {  	_ =	shalt  }
0x79: {  	_ =	shalt  }
0x7a: {  	_ =	shalt  }
0x7b: {  	_ =	shalt  }
0x7c: {  	_ =	shalt  }
0x7d: {  	_ =	shalt  }
0x7e: {  	_ =	shalt  }
0x7f: {  	_ =	shalt  }
0x80: {  	_ =	shalt  }
0x81: {  	_ =	shalt  }
0x82: {  	_ =	shalt  }
0x83: {  	_ =	shalt  }
0x84: {  	_ =	shalt  }
0x85: {  	_ =	shalt  }
0x86: {  	_ =	shalt  }
0x87: {  	_ =	shalt  }
.Lfunc_end0:
.L_simem_size_0:
called_computation.3_lowered:
.L_overlay_start_0:
0x88: {  	s2 =	sld [smem:$0x3FD9]  }
0x89: {  	s3 =	sld [smem:$0x3FFE];
	_ =	sdelay $0x1  }
0x8a: {  	s1 =	srdreg.scid  }
0x8b: {  	s0 =	sand.u32 $0x1, s1  }
0x8c: {  	s16 =	sshll.u32 s0, $0xA;
	s2 =	sadd.s32 s3, s2  }
0x8d: {  	s2 =	sadd.s32 s2, s16  }
0x8e: {  	[smem:$0x3FC0] =	sst s2  }
0x8f: {  	_ = 	snop  }
0x90: {  	(tm) =	ssettm $0x1  }
0x91: {  	s17 =	sld [smem:$0x3FFB];
	_ =	sdelay $0x3  }
0x92: {  	_ =	strace s17  }
0x93: {  	s2 =	sld [smem:$0x3FFC];
	_ =	sdelay $0x3  }
0x94: {  	_ =	strace s2  }
0x95: {  	s2 =	sld [smem:$0x3FFD];
	_ =	sdelay $0x3  }
0x96: {  	_ =	strace s2  }
0x97: {  	_ =	strace $0x8FFFFFFF  }
0x98: {  	s18 =	sld [smem:$0x3FDB];
	_ =	sdelay $0x1  }
0x99: {  	s19 =	simm.s32 $_scs_section_size  }
0x9a: {  	s4 =	simm.s32 $_size__tile_overlayer_lowered;
	s5 =	simm.s32 $_tile_overlayer_lowered  }
0x9b: {  	s22 =	simm.s32 $0x1BFF;
	s21 =	sshll.u32 s5, $0x1;
	s2 =	sadd.s32 s19, s18  }
0x9c: {  	s6 =	simm.s32 $0x0;
	s20 =	sshll.u32 s4, $0x1;
	s4 =	sadd.s32 s21, s2  }
0x9d: {  	[timem:s6], [sflag:s22] =	dma.local [hbm:s4], s20  }
0x9e: {  	_ =	swait.ge [sflag:s22], s20  }
0x9f: {  	s3 =	ssub.s32 $0x0, s20;
	[sflag:s22] =	ssyncset.done $0x0  }
0xa0: {  	[sflag:s22] =	ssyncadd.s32 s3;
	_ =	sdelay $0x1  }
0xa1: {  	s23 =	simm.s32 $0x1B8B  }
0xa2: {  	_ =	swait.ge [sflag:s23], $0x1  }
0xa3: {  	[sflag:s23] =	ssyncset.done $0x0  }
0xa4: {  	s25 =	simm.s32 $0x1B8E;
	s24 =	sld [smem:$0x3FFE];
	[sflag:s23] =	ssyncadd.s32 $0xFFFFFFFF  }
0xa5: {  	s26 =	simm.s32 $execute0_lowered;
	[smem:$0x3FD2] =	sst s25  }
0xa6: {  	s4 =	sshll.u32 s26, $0x1;
	_ =	strace $0x8000004C;
	[dreg:$0x1] =	wrdreg $0xFFFFFFFF  }
0xa7: {  	s28 =	simm.s32 $_size_execute0_lowered;
	s2 =	sadd.s32 s2, s4;
	[dreg:$0x0] =	wrdreg $0x0  }
0xa8: {  	s4 =	sshll.u32 s28, $0x1;
	[dreg:$0x2] =	wrdreg s2  }
0xa9: {  	[dreg:$0x3] =	wrdreg s4  }
0xaa: {  	[dreg:$0x4] =	wrdreg $0xC0  }
0xab: {  	_ =	task [dreg:s6], $0x5FFFF  }
0xac: {  	[dreg:$0x1] =	wrdreg $0xFFFFFFFF  }
0xad: {  	[dreg:$0x0] =	wrdreg $0x60  }
0xae: {  	[dreg:$0x2] =	wrdreg s24  }
0xaf: {  	[dreg:$0x3] =	wrdreg $0x9  }
0xb0: {  	_ =	task.clear_ibuf [dreg:s6], $0x4FFFF;
	_ =	strace $0x9000004C  }
0xb1: {  	s29 =	simm.s32 $0x9;
	_ =	strace $0x8000004E  }
0xb2: {  	_ =	swait.ge [sflag:s29], $0x1  }
0xb3: {  	[sflag:s29] =	ssyncadd.s32 $0xFFFFFFFF  }
0xb4: {  	_ =	strace $0x9000004E  }
0xb5: {  	_ =	sfence  }
0xb6: {  	s30 =	sld [smem:$0x0];
	_ =	sdelay $0x2  }
0xb7: {  	s31 =	sshll.u32 s1, $0xD;
	s1 =	sshrl.u32 s1, $0x2  }
0xb8: {  	s3 =	sand.u32 $0x4000, s31;
	s1 =	sadd.s32 s1, s30  }
0xb9: {  	s0 =	sor.u32 s3, s0;
	s1 =	sshll.u32 s1, $0x11  }
0xba: {  	s0 =	sor.u32 s1, s0  }
0xbb: {  	s0 =	sadd.s32 $0x8F2B, s0  }
0xbc: {  	[sflag:s0] =	ssyncadd.remote.s32 $0x1  }
0xbd: {  	_ =	sfence.sel $0xFFFF  }
0xbe: {  	[dreg:$0x0] =	wrdreg $0xFFFFFFFF;
	(pc) =	sbr.abs _section_cstart, $3  }
0xbf: {  	[dreg:$0x1] =	wrdreg $0xFFFFFFFF  }
0xc0: {  	_ =	task.clear_ibuf [dreg:s6], $0x2FFFF;
	_ =	strace $0x9FFFFFFF  }
0xc1: {  	(tm) =	ssettm $0x7FFFFFFF  }
tec
execute0_lowered:
.L_overlay_start_1:
0x0: {  	(tag) =	ssettag $0x1  }
0x1: {  	s1 =	srdreg.scid  }
0x2: {  	s0 =	stileid.u32;
	s4 =	rddreg [dreg:$0x0];
	s2 =	simm.s32 $0x0  }
0x3: {  	s10 =	simm.s32 $0x190;
	s11 =	simm.s32 $0x200;
	s6 =	smul.u32 $0x4E20, s0  }
0x4: {  	s12 =	simm.s32 $0x1;
	s5 =	sand.u32 $0x1, s1;
	s8 =	smul.u32 $0x4E200, s0  }
0x5: {  	s13 =	simm.s32 $0x0;
	s1 =	rddreg [dreg:$0x1];
	s7 =	smul.u32 $0x2710, s5  }
0x6: {  	[smem:$0x7FF] =	sst s2;
	s3 =	sadd.s32 $0x3800, s4;
	s9 =	smul.u32 $0x27100, s5  }
0x7: {  	_ =	strace $0x8000004D;
	s5 =	ssub.s32 $0x2, s5;
	s29 =	sadd.s32 s8, s4  }
0x8: {  	s30 =	sshrl.u32 s5, $0x1;
	s6 =	sadd.s32 s7, s6;
	s7 =	sadd.s32 s9, s29  }
0x9: {  	s5 =	ssub.s32 s5, s30;
	s9 =	simm.s32 $0x2;
	s6 =	sshrl.u32 s6, $0x3  }
0xa: {  	s31 =	sadd.s32 s6, s4;
	s4 =	sadd.s32 $0x18E400, s7;
	s6 =	sadd.s32 $0x670400, s7  }
0xb: {  	s5 =	smax.u32 s5, $0x1;
	s7 =	sadd.s32 $0x184600, s31;
	s8 =	sadd.s32 $0x17A800, s31  }
.LBB2_1:
0xc: {  	s14 =	sadd.s32 $0x0, s8  }
0xd: {  	[tilespmem:s2], [sflag:$0x2] =	stream.linear.gather [hbm4b:s14+s2], $0x190, $0x38;
	[tilespmem:$0xCA00] =	vst v63  }
0xe: {  	_ =	swait.ge [sflag:s9], $0x190  }
0xf: {  	[sflag:s9] =	ssyncset.done $0x0  }
0x10: {  	[sflag:s9] =	ssyncadd.s32 $0xFFFFFE70  }
0x11: {  	[tilespmem:s11], [sflag:$0x1] =	stream.indirect.gather [hbm4b:s3+s10], $0x80, s2, s10, $0xb8;
	[tilespmem:$0xCA00] =	vst v63  }
0x12: {  	_ =	swait.ge [sflag:s12], $0xC800  }
0x13: {  	[sflag:s12] =	ssyncset.done $0x0  }
0x14: {  	[sflag:s12] =	ssyncadd.s32 $0xFFFF3800  }
0x15: {  	[hbm4b:s4+s2] =	stream.linear.scatter [tilespmem:s11], [sflag:$0x2], $0xC800, $0x38;
	[tilespmem:$0xCA00] =	vst v63  }
0x16: {  	_ =	swait.ge [sflag:s9], $0xC800  }
0x17: {  	[sflag:s9] =	ssyncset.done $0x0  }
0x18: {  	s31 =	sadd.s32 $0x0, s7;
	[sflag:s9] =	ssyncadd.s32 $0xFFFF3800  }
0x19: {  	[tilespmem:s2], [sflag:$0x2] =	stream.linear.gather [hbm4b:s31+s2], $0x190, $0x38;
	[tilespmem:$0xCA00] =	vst v63  }
0x1a: {  	_ =	swait.ge [sflag:s9], $0x190  }
0x1b: {  	[sflag:s9] =	ssyncset.done $0x0  }
0x1c: {  	[sflag:s9] =	ssyncadd.s32 $0xFFFFFE70  }
0x1d: {  	[tilespmem:s11], [sflag:$0x1] =	stream.indirect.gather [hbm4b:s3+s10], $0x80, s2, s10, $0xb8;
	[tilespmem:$0xCA00] =	vst v63  }
0x1e: {  	_ =	swait.ge [sflag:s12], $0xC800  }
0x1f: {  	[sflag:s12] =	ssyncset.done $0x0  }
0x20: {  	[sflag:s12] =	ssyncadd.s32 $0xFFFF3800  }
0x21: {  	[hbm4b:s6+s2] =	stream.linear.scatter [tilespmem:s11], [sflag:$0x2], $0xC800, $0x38;
	[tilespmem:$0xCA00] =	vst v63  }
0x22: {  	s15 =	simm.s32 $0x32;
	s17 =	simm.s32 $0x64;
	_ =	swait.ge [sflag:s9], $0xC800  }
0x23: {  	s16 =	sadd.s32 $0x1900, s4;
	s14 =	sadd.s32 $0x1900, s6;
	[sflag:s9] =	ssyncset.done $0x0  }
.LBB2_2:
0x24: {  	s18 =	sadd.s32 s15, s8  }
0x25: {  	[sflag:s9] =	ssyncadd.s32 $0xFFFF3800;
	s19 =	smov.u32 s17;
	s20 =	sadd.s32 $0x32, s17  }
0x26: {  	[tilespmem:s2], [sflag:$0x2] =	stream.linear.gather [hbm4b:s18+s2], $0x190, $0x38;
	[tilespmem:$0xCA00] =	vst v63  }
0x27: {  	p0 =	sne.s32 s17, $0x4B0;
	_ =	swait.ge [sflag:s9], $0x190  }
0x28: {  	[sflag:s9] =	ssyncset.done $0x0  }
0x29: {  	[sflag:s9] =	ssyncadd.s32 $0xFFFFFE70  }
0x2a: {  	[tilespmem:s11], [sflag:$0x1] =	stream.indirect.gather [hbm4b:s3+s10], $0x80, s2, s10, $0xb8;
	[tilespmem:$0xCA00] =	vst v63  }
0x2b: {  	_ =	swait.ge [sflag:s12], $0xC800  }
0x2c: {  	[sflag:s12] =	ssyncset.done $0x0  }
0x2d: {  	[sflag:s12] =	ssyncadd.s32 $0xFFFF3800  }
0x2e: {  	[hbm4b:s16+s2] =	stream.linear.scatter [tilespmem:s11], [sflag:$0x2], $0xC800, $0x38;
	[tilespmem:$0xCA00] =	vst v63  }
0x2f: {  	_ =	swait.ge [sflag:s9], $0xC800  }
0x30: {  	[sflag:s9] =	ssyncset.done $0x0  }
0x31: {  	s17 =	sadd.s32 s15, s7;
	s15 =	smov.u32 s19;
	[sflag:s9] =	ssyncadd.s32 $0xFFFF3800  }
0x32: {  	[tilespmem:s2], [sflag:$0x2] =	stream.linear.gather [hbm4b:s17+s2], $0x190, $0x38;
	[tilespmem:$0xCA00] =	vst v63  }
0x33: {  	_ =	swait.ge [sflag:s9], $0x190  }
0x34: {  	[sflag:s9] =	ssyncset.done $0x0  }
0x35: {  	[sflag:s9] =	ssyncadd.s32 $0xFFFFFE70  }
0x36: {  	[tilespmem:s11], [sflag:$0x1] =	stream.indirect.gather [hbm4b:s3+s10], $0x80, s2, s10, $0xb8;
	[tilespmem:$0xCA00] =	vst v63  }
0x37: {  	_ =	swait.ge [sflag:s12], $0xC800  }
.Ltmp0:
0x38: {  	[sflag:s12] =	ssyncset.done $0x0;
	(pc) =	sbr.rel @p0 .LBB2_2-.Ltmp0, $4  }
0x39: {  	[sflag:s12] =	ssyncadd.s32 $0xFFFF3800  }
0x3a: {  	[hbm4b:s14+s2] =	stream.linear.scatter [tilespmem:s11], [sflag:$0x2], $0xC800, $0x38;
	[tilespmem:$0xCA00] =	vst v63  }
0x3b: {  	s16 =	sadd.s32 $0x1900, s16;
	_ =	swait.ge [sflag:s9], $0xC800  }
0x3c: {  	s17 =	smov.u32 s20;
	s14 =	sadd.s32 $0x1900, s14;
	[sflag:s9] =	ssyncset.done $0x0  }
0x3d: {  	s17 =	sadd.s32 s15, s8;
	[sflag:s9] =	ssyncadd.s32 $0xFFFF3800  }
0x3e: {  	[tilespmem:s2], [sflag:$0x2] =	stream.linear.gather [hbm4b:s17+s2], $0x190, $0x38;
	[tilespmem:$0xCA00] =	vst v63  }
0x3f: {  	_ =	swait.ge [sflag:s9], $0x190  }
0x40: {  	[sflag:s9] =	ssyncset.done $0x0  }
0x41: {  	[sflag:s9] =	ssyncadd.s32 $0xFFFFFE70  }
0x42: {  	[tilespmem:s11], [sflag:$0x1] =	stream.indirect.gather [hbm4b:s3+s10], $0x80, s2, s10, $0xb8;
	[tilespmem:$0xCA00] =	vst v63  }
0x43: {  	_ =	swait.ge [sflag:s12], $0xC800  }
0x44: {  	[sflag:s12] =	ssyncset.done $0x0  }
0x45: {  	[sflag:s12] =	ssyncadd.s32 $0xFFFF3800  }
0x46: {  	[hbm4b:s16+s2] =	stream.linear.scatter [tilespmem:s11], [sflag:$0x2], $0xC800, $0x38;
	[tilespmem:$0xCA00] =	vst v63  }
0x47: {  	_ =	swait.ge [sflag:s9], $0xC800  }
0x48: {  	[sflag:s9] =	ssyncset.done $0x0  }
0x49: {  	s31 =	sadd.s32 s15, s7;
	[sflag:s9] =	ssyncadd.s32 $0xFFFF3800  }
0x4a: {  	[tilespmem:s2], [sflag:$0x2] =	stream.linear.gather [hbm4b:s31+s2], $0x190, $0x38;
	[tilespmem:$0xCA00] =	vst v63  }
0x4b: {  	_ =	swait.ge [sflag:s9], $0x190  }
0x4c: {  	[sflag:s9] =	ssyncset.done $0x0  }
0x4d: {  	[sflag:s9] =	ssyncadd.s32 $0xFFFFFE70  }
0x4e: {  	[tilespmem:s11], [sflag:$0x1] =	stream.indirect.gather [hbm4b:s3+s10], $0x80, s2, s10, $0xb8;
	[tilespmem:$0xCA00] =	vst v63  }
0x4f: {  	s13 =	sadd.s32 $0x1, s13;
	_ =	swait.ge [sflag:s12], $0xC800  }
0x50: {  	p0 =	sne.s32 s13, s5;
	[sflag:s12] =	ssyncset.done $0x0  }
.Ltmp1:
0x51: {  	[sflag:s12] =	ssyncadd.s32 $0xFFFF3800;
	(pc) =	sbr.rel @p0 .LBB2_1-.Ltmp1, $4  }
0x52: {  	[hbm4b:s14+s2] =	stream.linear.scatter [tilespmem:s11], [sflag:$0x2], $0xC800, $0x38;
	[tilespmem:$0xCA00] =	vst v63  }
0x53: {  	_ =	swait.ge [sflag:s9], $0xC800  }
0x54: {  	[sflag:s9] =	ssyncset.done $0x0  }
0x55: {  	[sflag:s9] =	ssyncadd.s32 $0xFFFF3800  }
0x56: {  	_ =	sfence.sel $0x180000  }
0x57: {  	[bflag:$0x0] =	sbarrier.arrive $0xFFFF  }
0x58: {  	p0 =	sne.s32 s0, $0x0;
	_ =	strace $0x9000004D  }
0x59: {  	s0 =	sadd.s32 @!p0 $0x100000, s1;
	[bflag:$0x2] =	sbarrier.arrive $0xFFFF  }
0x5a: {  	[sflag:s0] =	ssyncadd.tile.s32 @!p0 $0x1;
	_ =	shalt  }
.Lfunc_end2:
_tile_overlayer_lowered:
.L_overlay_start_2:
0x5b: {  	(tag) =	ssettag $0x2  }
0x5c: {  	s0 =	rddreg [dreg:$0x0];
	s2 =	stileid.u32  }
0x5d: {  	s1 =	rddreg [dreg:$0x1];
	p0 =	sne.s32 s2, $0x0  }
0x5e: {  	s3 =	rddreg [dreg:$0x2];
	[bflag:$0x3] =	sbarrier.arrive $0xFFFF;
	s2 =	simm.s32 @!p0 $0x1C02  }
0x5f: {  	[timem:s3], [sflag:s2] =	dma.local @!p0 [hbm:s0], s1  }
0x60: {  	s0 =	simm.s32 @!p0 $0x2  }
0x61: {  	_ =	swait.ge @!p0 [sflag:s0], s1  }
0x62: {  	s1 =	ssub.s32 @!p0 $0x0, s1;
	[sflag:s0] =	ssyncset.done @!p0 $0x0  }
0x63: {  	[sflag:s0] =	ssyncadd.s32 @!p0 s1  }
0x64: {  	[bflag:$0x3] =	sbarrier.arrive $0xFFFF  }
0x65: {  	_ =	shalt  }

// kernel: kernel.8.cloned.1.call-start
scs
__scs_entry_jumppad:
0x0: {  	(pc) =	sbr.rel $0x88, $3  }
0x1: {  	(tag) =	ssettag $0x0;
	lr =	simm.s32 $0x1  }
0x2: {  	[smem:$0x3F99] =	sst lr;
	_ =	strace $0xD0000000  }
0x3: {  	_ = 	snop  }
0x4: {  	_ = 	snop  }
0x5: {  	_ = 	snop  }
0x6: {  	_ = 	snop  }
0x7: {  	_ = 	snop  }
__scs_overlays_trampoline_lowered:
0x8: {  	[smem:$0x3FA8] =	sst s0  }
0x9: {  	[smem:$0x3FA9] =	sst s1  }
0xa: {  	[smem:$0x3FAA] =	sst s2  }
0xb: {  	[smem:$0x3FAB] =	sst s3  }
0xc: {  	[smem:$0x3FAC] =	sst s4  }
0xd: {  	[smem:$0x3FAD] =	sst s5  }
0xe: {  	[smem:$0x3FAE] =	sst s6  }
0xf: {  	[smem:$0x3FAF] =	sst s7  }
0x10: {  	[smem:$0x3FB0] =	sst s8  }
0x11: {  	[smem:$0x3FB1] =	sst s9;
	s0 =	simm.s32 @!p0 $0x0  }
0x12: {  	s1 =	sld [smem:$0x3F97];
	s0 =	simm.s32 @p0 $0x1  }
0x13: {  	[smem:$0x3FB2] =	sst s0;
	s0 =	simm.s32 @!p1 $0x0  }
0x14: {  	s2 =	sld [smem:$0x3F96];
	s0 =	simm.s32 @p1 $0x1  }
0x15: {  	[smem:$0x3FB3] =	sst s0;
	s0 =	simm.s32 @!p2 $0x0  }
0x16: {  	s3 =	sld [smem:$0x3FDB];
	s0 =	simm.s32 @p2 $0x1  }
0x17: {  	s4 =	simm.s32 $0x1BF5;
	[smem:$0x3FB5] =	sst s0  }
0x18: {  	s0 =	sld [smem:$0x3F98];
	_ =	swait.ge [sflag:s4], $0x0  }
0x19: {  	s7 =	sld [smem:$0x3F99]  }
0x1a: {  	s8 =	sadd.s32 $0xFFFFE003, lr  }
0x1b: {  	s9 =	sadd.s32 $0xFFFFFEF7, lr;
	s5 =	simm.s32 $0xFFFFFFFF;
	p2 =	slt.u32 s8, $0xFFFFF086  }
0x1c: {  	p1 =	slt.u32 s9, $0xF7A;
	s5 =	simm.s32 @!p2 $0x0  }
0x1d: {  	s5 =	simm.s32 @p1 $0x1;
	p0 =	seq.s32 s7, s2  }
0x1e: {  	s7 =	smul.u32 @!p0 $0xF7A, s2;
	p2 =	seq.s32 @!p0 s5, $0x0  }
0x1f: {  	s9 =	smul.u32 $0xF7A, s1;
	s8 =	simm.s32 @!p0 $0x1BF5;
	p2 =	por !p2, p0  }
0x20: {  	[sflag:s8] =	ssyncset.s32 @!p0 $0xFFFFF086;
	s6 =	sadd.s32 @!p0 s3, s7;
	s7 =	simm.s32 @!p0 $0x108  }
0x21: {  	s3 =	sadd.s32 s3, s9;
	s6 =	sadd.s32 @!p0 $0x88, s6;
	s7 =	simm.s32 @p2 $0x1082  }
0x22: {  	[simem:s7], [sflag:s8] =	dma.local @!p0 [hbm:s6], $0xF7A  }
0x23: {  	s9 =	sor.u32 $0xD0000000, s2;
	s6 =	simm.s32 $0x108;
	_ =	swait.ge @!p0 [sflag:s8], $0x0  }
0x24: {  	s3 =	sadd.s32 $0x88, s3;
	s6 =	simm.s32 @!p1 $0x1082;
	[sflag:s4] =	ssyncset.s32 $0xFFFFF086  }
0x25: {  	[simem:s6], [sflag:s4] =	dma.local [hbm:s3], $0xF7A  }
0x26: {  	[smem:$0x3F99] =	sst s1;
	(tag) =	ssettag s2;
	_ =	strace s9  }
0x27: {  	s1 =	sld [smem:$0x3FA9]  }
0x28: {  	s2 =	sld [smem:$0x3FAA]  }
0x29: {  	s4 =	sld [smem:$0x3FAC]  }
0x2a: {  	p0 =	seq.s32 s5, $0x0;
	s5 =	sld [smem:$0x3FAD]  }
0x2b: {  	s6 =	sld [smem:$0x3FAE]  }
0x2c: {  	s7 =	sld [smem:$0x3FAF]  }
0x2d: {  	s3 =	simm.s32 $0x108;
	s8 =	sld [smem:$0x3FB0]  }
0x2e: {  	s3 =	simm.s32 @!p0 $0x1082;
	s9 =	sld [smem:$0x3FB1]  }
0x2f: {  	lr =	sadd.s32 s0, s3;
	s0 =	sld [smem:$0x3FA8]  }
0x30: {  	s3 =	sld [smem:$0x3FAB]  }
0x31: {  	[smem:$0x3FB4] =	sst s10  }
0x32: {  	s10 =	sld [smem:$0x3FB2];
	_ =	sdelay $0x3  }
0x33: {  	p0 =	seq.s32 s10, $0x1;
	s10 =	sld [smem:$0x3FB4];
	_ =	sdelay $0x3  }
0x34: {  	[smem:$0x3FB4] =	sst s10  }
0x35: {  	s10 =	sld [smem:$0x3FB3];
	_ =	sdelay $0x3  }
0x36: {  	p1 =	seq.s32 s10, $0x1;
	s10 =	sld [smem:$0x3FB4];
	_ =	sdelay $0x3  }
0x37: {  	[smem:$0x3FB4] =	sst s10  }
0x38: {  	s10 =	sld [smem:$0x3FB5]  }
0x39: {  	_ = 	snop;
	(pc) =	sbr.ind lr, $3  }
0x3a: {  	_ = 	snop  }
0x3b: {  	_ = 	snop  }
0x3c: {  	p2 =	seq.s32 s10, $0x1;
	s10 =	sld [smem:$0x3FB4]  }
0x3d: {  	_ =	shalt  }
0x3e: {  	_ =	shalt  }
0x3f: {  	_ =	shalt  }
0x40: {  	_ =	shalt  }
0x41: {  	_ =	shalt  }
0x42: {  	_ =	shalt  }
0x43: {  	_ =	shalt  }
0x44: {  	_ =	shalt  }
0x45: {  	_ =	shalt  }
0x46: {  	_ =	shalt  }
0x47: {  	_ =	shalt  }
0x48: {  	_ =	shalt  }
0x49: {  	_ =	shalt  }
0x4a: {  	_ =	shalt  }
0x4b: {  	_ =	shalt  }
0x4c: {  	_ =	shalt  }
0x4d: {  	_ =	shalt  }
0x4e: {  	_ =	shalt  }
0x4f: {  	_ =	shalt  }
0x50: {  	_ =	shalt  }
0x51: {  	_ =	shalt  }
0x52: {  	_ =	shalt  }
0x53: {  	_ =	shalt  }
0x54: {  	_ =	shalt  }
0x55: {  	_ =	shalt  }
0x56: {  	_ =	shalt  }
0x57: {  	_ =	shalt  }
0x58: {  	_ =	shalt  }
0x59: {  	_ =	shalt  }
0x5a: {  	_ =	shalt  }
0x5b: {  	_ =	shalt  }
0x5c: {  	_ =	shalt  }
0x5d: {  	_ =	shalt  }
0x5e: {  	_ =	shalt  }
0x5f: {  	_ =	shalt  }
0x60: {  	_ =	shalt  }
0x61: {  	_ =	shalt  }
0x62: {  	_ =	shalt  }
0x63: {  	_ =	shalt  }
0x64: {  	_ =	shalt  }
0x65: {  	_ =	shalt  }
0x66: {  	_ =	shalt  }
0x67: {  	_ =	shalt  }
0x68: {  	_ =	shalt  }
0x69: {  	_ =	shalt  }
0x6a: {  	_ =	shalt  }
0x6b: {  	_ =	shalt  }
0x6c: {  	_ =	shalt  }
0x6d: {  	_ =	shalt  }
0x6e: {  	_ =	shalt  }
0x6f: {  	_ =	shalt  }
0x70: {  	_ =	shalt  }
0x71: {  	_ =	shalt  }
0x72: {  	_ =	shalt  }
0x73: {  	_ =	shalt  }
0x74: {  	_ =	shalt  }
0x75: {  	_ =	shalt  }
0x76: {  	_ =	shalt  }
0x77: {  	_ =	shalt  }
0x78: {  	_ =	shalt  }
0x79: {  	_ =	shalt  }
0x7a: {  	_ =	shalt  }
0x7b: {  	_ =	shalt  }
0x7c: {  	_ =	shalt  }
0x7d: {  	_ =	shalt  }
0x7e: {  	_ =	shalt  }
0x7f: {  	_ =	shalt  }
0x80: {  	_ =	shalt  }
0x81: {  	_ =	shalt  }
0x82: {  	_ =	shalt  }
0x83: {  	_ =	shalt  }
0x84: {  	_ =	shalt  }
0x85: {  	_ =	shalt  }
0x86: {  	_ =	shalt  }
0x87: {  	_ =	shalt  }
.Lfunc_end0:
.L_simem_size_0:
called_computation.1_lowered:
.L_overlay_start_0:
0x88: {  	s2 =	sld [smem:$0x3FD9]  }
0x89: {  	s3 =	sld [smem:$0x3FFE];
	_ =	sdelay $0x1  }
0x8a: {  	s1 =	srdreg.scid  }
0x8b: {  	s0 =	sand.u32 $0x1, s1  }
0x8c: {  	s17 =	sshll.u32 s0, $0xA;
	s2 =	sadd.s32 s3, s2  }
0x8d: {  	s2 =	sadd.s32 s2, s17  }
0x8e: {  	[smem:$0x3FC0] =	sst s2  }
0x8f: {  	_ = 	snop  }
0x90: {  	s2 =	sld [smem:$0x3FD0];
	(tm) =	ssettm $0x1  }
0x91: {  	s18 =	sld [smem:$0x3FFB];
	_ =	sdelay $0x3  }
0x92: {  	_ =	strace s18  }
0x93: {  	s3 =	sld [smem:$0x3FFC];
	_ =	sdelay $0x3  }
0x94: {  	_ =	strace s3  }
0x95: {  	s3 =	sld [smem:$0x3FFD];
	_ =	sdelay $0x3  }
0x96: {  	_ =	strace s3  }
0x97: {  	_ =	strace $0x8FFFFFFF  }
0x98: {  	s19 =	sld [smem:$0x3FDB];
	_ =	sdelay $0x1  }
0x99: {  	s4 =	simm.s32 $_scs_section_size  }
0x9a: {  	s5 =	simm.s32 $_size__tile_overlayer_lowered;
	s6 =	simm.s32 $_tile_overlayer_lowered  }
0x9b: {  	s22 =	simm.s32 $0x1BFF;
	s21 =	sshll.u32 s6, $0x1;
	s3 =	sadd.s32 s4, s19  }
0x9c: {  	s7 =	simm.s32 $0x0;
	s20 =	sshll.u32 s5, $0x1;
	s5 =	sadd.s32 s21, s3  }
0x9d: {  	[timem:s7], [sflag:s22] =	dma.local [hbm:s5], s20  }
0x9e: {  	_ =	swait.ge [sflag:s22], s20  }
0x9f: {  	s4 =	ssub.s32 $0x0, s20;
	[sflag:s22] =	ssyncset.done $0x0  }
0xa0: {  	[sflag:s22] =	ssyncadd.s32 s4;
	_ =	sdelay $0x1  }
0xa1: {  	s23 =	simm.s32 $0x1B8B  }
0xa2: {  	_ =	swait.ge [sflag:s23], $0x1  }
0xa3: {  	[sflag:s23] =	ssyncset.done $0x0  }
0xa4: {  	s25 =	simm.s32 $0x1B8E;
	s24 =	sld [smem:$0x3FFE];
	[sflag:s23] =	ssyncadd.s32 $0xFFFFFFFF  }
0xa5: {  	s26 =	simm.s32 $execute0_lowered;
	[smem:$0x3FD2] =	sst s25  }
0xa6: {  	s5 =	sshll.u32 s26, $0x1;
	_ =	strace $0x80000046;
	[dreg:$0x1] =	wrdreg $0xFFFFFFFF  }
0xa7: {  	s28 =	simm.s32 $_size_execute0_lowered;
	s3 =	sadd.s32 s3, s5;
	[dreg:$0x0] =	wrdreg $0x0  }
0xa8: {  	s5 =	sshll.u32 s28, $0x1;
	[dreg:$0x2] =	wrdreg s3  }
0xa9: {  	[dreg:$0x3] =	wrdreg s5  }
0xaa: {  	[dreg:$0x4] =	wrdreg $0xC0  }
0xab: {  	_ =	task [dreg:s7], $0x5FFFF  }
0xac: {  	[dreg:$0x1] =	wrdreg $0xFFFFFFFF  }
0xad: {  	[dreg:$0x0] =	wrdreg $0x60  }
0xae: {  	[dreg:$0x2] =	wrdreg s24  }
0xaf: {  	[dreg:$0x3] =	wrdreg s2  }
0xb0: {  	[dreg:$0x4] =	wrdreg $0x0  }
0xb1: {  	[dreg:$0x5] =	wrdreg $0x9  }
0xb2: {  	_ =	task.clear_ibuf [dreg:s7], $0x6FFFF;
	_ =	strace $0x90000046  }
0xb3: {  	s29 =	simm.s32 $0x9;
	_ =	strace $0x80000048  }
0xb4: {  	_ =	swait.ge [sflag:s29], $0x1  }
0xb5: {  	[sflag:s29] =	ssyncadd.s32 $0xFFFFFFFF  }
0xb6: {  	_ =	strace $0x90000048  }
0xb7: {  	_ =	sfence  }
0xb8: {  	s30 =	sld [smem:$0x0];
	_ =	sdelay $0x2  }
0xb9: {  	s31 =	sshll.u32 s1, $0xD;
	s1 =	sshrl.u32 s1, $0x2  }
0xba: {  	s3 =	sand.u32 $0x4000, s31;
	s1 =	sadd.s32 s1, s30  }
0xbb: {  	s0 =	sor.u32 s3, s0;
	s1 =	sshll.u32 s1, $0x11  }
0xbc: {  	s0 =	sor.u32 s1, s0  }
0xbd: {  	s0 =	sadd.s32 $0x8F2B, s0  }
0xbe: {  	[sflag:s0] =	ssyncadd.remote.s32 $0x1  }
0xbf: {  	_ =	sfence.sel $0xFFFF  }
0xc0: {  	[dreg:$0x0] =	wrdreg $0xFFFFFFFF;
	(pc) =	sbr.abs _section_cstart, $3  }
0xc1: {  	[dreg:$0x1] =	wrdreg $0xFFFFFFFF  }
0xc2: {  	_ =	task.clear_ibuf [dreg:s7], $0x2FFFF;
	_ =	strace $0x9FFFFFFF  }
0xc3: {  	(tm) =	ssettm $0x7FFFFFFF  }
tec
execute0_lowered:
.L_overlay_start_1:
0x0: {  	(tag) =	ssettag $0x1  }
0x1: {  	s0 =	rddreg [dreg:$0x0]  }
0x2: {  	s9 =	rddreg [dreg:$0x2]  }
0x3: {  	s1 =	srdreg.scid;
	s8 =	stileid.u32;
	s4 =	simm.s32 $0x0  }
0x4: {  	s15 =	simm.s32 $0x19080;
	s16 =	simm.s32 $0x2;
	s2 =	smul.u32 $0x2800, s8  }
0x5: {  	s17 =	simm.s32 $0x14000;
	s1 =	sand.u32 $0x1, s1;
	s24 =	smul.u32 $0x50000, s8  }
0x6: {  	s18 =	simm.s32 $0x14080;
	s19 =	simm.s32 $0x80;
	s3 =	smul.u32 $0x28000, s1  }
0x7: {  	s20 =	simm.s32 $0x15080;
	s21 =	simm.s32 $0x1;
	[smem:$0x7FF] =	sst s4  }
0x8: {  	s5 =	sadd.s32 $0x8800, s0;
	s2 =	sadd.s32 s2, s3;
	s3 =	sshrl.u32 s24, $0x2  }
0x9: {  	s6 =	sadd.s32 $0x30800, s0;
	s8 =	sshll.u32 s8, $0x1;
	s3 =	sadd.s32 s3, s9  }
0xa: {  	_ =	strace $0x80000047;
	s26 =	sadd.s32 $0x4000, s3;
	[dreg:$0x4] =	wrdreg s3  }
0xb: {  	v0 =	vimm.f32 $0.0e+00;
	vm0 =	vmmov $0x1;
	vm1 =	vmmov $0x3;
	s25 =	ssub.s32 $0x2, s1;
	s28 =	sadd.s32 $0x8000, s3;
	[dreg:$0x5] =	wrdreg s26  }
0xc: {  	vm2 =	vmmov $0x7;
	vm3 =	vmmov $0xf;
	vm4 =	vmmov $0x1f;
	s7 =	sshrl.u32 s25, $0x1;
	s29 =	sadd.s32 $0xC000, s3;
	[dreg:$0x6] =	wrdreg s28  }
0xd: {  	vm5 =	vmmov $0x3f;
	vm6 =	vmmov $0x7f;
	vm7 =	vmmov $0xff;
	s0 =	sadd.s32 s2, s0;
	s30 =	sadd.s32 $0x10000, s3;
	[dreg:$0x7] =	wrdreg s29  }
0xe: {  	vm8 =	vmmov $0x1ff;
	vm9 =	vmmov $0x3ff;
	vm10 =	vmmov $0x7ff;
	s2 =	ssub.s32 s25, s7;
	s0 =	sadd.s32 $0x35800, s0;
	[dreg:$0x8] =	wrdreg s30  }
0xf: {  	vm11 =	vmmov $0xfff;
	vm12 =	vmmov $0x1fff;
	vm15 =	vcmask $0x300;
	s1 =	sor.u32 s1, s8;
	s31 =	smax.u32 s2, $0x1;
	[dreg:$0x9] =	wrdreg s0  }
0x10: {  	vm13 =	vmmov $0x3fff;
	vm14 =	vmmov $0x7fff;
	v1 =	vsel vm15, $0x3F800000, v0;
	s12 =	smul.u32 $0x1400, s1;
	s1 =	simm.s32 $0x0;
	[dreg:$0xa] =	wrdreg s31  }
.LBB2_1:
0x11: {  	[dreg:$0xb] =	wrdreg s1;
	s0 =	simm.s32 $0x0;
	s1 =	simm.s32 $0x200  }
.LBB2_2:
0x12: {  	p0 =	sne.s32 s1, $0xFE00;
	[tilespmem:s0+$0x190F0] =	vst v0  }
0x13: {  	[tilespmem:s0+$0x19080] =	vst v0  }
0x14: {  	[tilespmem:s0+$0x19090] =	vst v0  }
.Ltmp0:
0x15: {  	[tilespmem:s0+$0x190A0] =	vst v0;
	(pc) =	sbr.rel @p0 .LBB2_2-.Ltmp0, $4  }
0x16: {  	[tilespmem:s0+$0x190B0] =	vst v0  }
0x17: {  	[tilespmem:s0+$0x190C0] =	vst v0  }
0x18: {  	[tilespmem:s0+$0x190D0] =	vst v0  }
0x19: {  	[tilespmem:s0+$0x190E0] =	vst v0;
	s0 =	sshra.s32 s1, $0x2;
	s1 =	sadd.s32 $0x200, s1  }
0x1a: {  	[tilespmem:s0+$0x190F0] =	vst v0  }
0x1b: {  	[tilespmem:s0+$0x19080] =	vst v0  }
0x1c: {  	[tilespmem:s0+$0x19090] =	vst v0  }
0x1d: {  	[tilespmem:s0+$0x190A0] =	vst v0  }
0x1e: {  	[tilespmem:s0+$0x190B0] =	vst v0  }
0x1f: {  	[tilespmem:s0+$0x190C0] =	vst v0  }
0x20: {  	[tilespmem:s0+$0x190D0] =	vst v0  }
0x21: {  	[tilespmem:s0+$0x190E0] =	vst v0  }
0x22: {  	[spmem:s3] =	stream.linear.scatter [tilespmem:s15], [sflag:$0x2], $0x4000, $0x38;
	[tilespmem:$0x1D080] =	vst v63  }
0x23: {  	_ =	swait.ge [sflag:s16], $0x4000  }
0x24: {  	[sflag:s16] =	ssyncset.done $0x0  }
0x25: {  	s28 =	rddreg [dreg:$0x5];
	[sflag:s16] =	ssyncadd.s32 $0xFFFFC000  }
0x26: {  	[spmem:s28] =	stream.linear.scatter [tilespmem:s15], [sflag:$0x2], $0x4000, $0x38;
	[tilespmem:$0x1D080] =	vst v63  }
0x27: {  	_ =	swait.ge [sflag:s16], $0x4000  }
0x28: {  	[sflag:s16] =	ssyncset.done $0x0  }
0x29: {  	s29 =	rddreg [dreg:$0x6];
	[sflag:s16] =	ssyncadd.s32 $0xFFFFC000  }
0x2a: {  	[spmem:s29] =	stream.linear.scatter [tilespmem:s15], [sflag:$0x2], $0x4000, $0x38;
	[tilespmem:$0x1D080] =	vst v63  }
0x2b: {  	_ =	swait.ge [sflag:s16], $0x4000  }
0x2c: {  	[sflag:s16] =	ssyncset.done $0x0  }
0x2d: {  	s30 =	rddreg [dreg:$0x7];
	[sflag:s16] =	ssyncadd.s32 $0xFFFFC000  }
0x2e: {  	[spmem:s30] =	stream.linear.scatter [tilespmem:s15], [sflag:$0x2], $0x4000, $0x38;
	[tilespmem:$0x1D080] =	vst v63  }
0x2f: {  	_ =	swait.ge [sflag:s16], $0x4000  }
0x30: {  	[sflag:s16] =	ssyncset.done $0x0  }
0x31: {  	s31 =	rddreg [dreg:$0x8];
	[sflag:s16] =	ssyncadd.s32 $0xFFFFC000  }
0x32: {  	[spmem:s31] =	stream.linear.scatter [tilespmem:s15], [sflag:$0x2], $0x4000, $0x38;
	[tilespmem:$0x1D080] =	vst v63  }
0x33: {  	_ =	swait.ge [sflag:s16], $0x4000  }
0x34: {  	[sflag:s16] =	ssyncset.done $0x0  }
0x35: {  	[sflag:s16] =	ssyncadd.s32 $0xFFFFC000  }
0x36: {  	s23 =	simm.s32 $0x0;
	[bflag:$0x0] =	sbarrier.arrive $0xFFFF  }
.LBB2_4:
0x37: {  	s0 =	sshll.u32 s23, $0x7  }
0x38: {  	s0 =	sadd.s32 s12, s0  }
0x39: {  	s1 =	sshrl.u32 s0, $0x3  }
0x3a: {  	s1 =	sadd.s32 s6, s1  }
0x3b: {  	[tilespmem:s17], [sflag:$0x2] =	stream.linear.gather [hbm4b:s1+s4], $0x80, $0x38;
	[tilespmem:$0x1D080] =	vst v63  }
0x3c: {  	_ =	swait.ge [sflag:s16], $0x80  }
0x3d: {  	[sflag:s16] =	ssyncset.done $0x0  }
0x3e: {  	[sflag:s16] =	ssyncadd.s32 $0xFFFFFF80  }
0x3f: {  	s0 =	sshll.u32 s0, $0x2;
	s8 =	rddreg [dreg:$0x1]  }
0x40: {  	s0 =	sadd.s32 s8, s0  }
0x41: {  	[tilespmem:s18], [sflag:$0x2] =	stream.linear.gather [hbm4b:s0+s4], $0x1000, $0x38;
	[tilespmem:$0x1D080] =	vst v63  }
0x42: {  	_ =	swait.ge [sflag:s16], $0x1000  }
0x43: {  	[sflag:s16] =	ssyncset.done $0x0  }
0x44: {  	[sflag:s16] =	ssyncadd.s32 $0xFFFFF000  }
0x45: {  	[tilespmem:s20], [sflag:$0x1] =	stream.indirect.gather [hbm4b:s5+s19], $0x80, s17, s19, $0xb8;
	[tilespmem:$0x1D080] =	vst v63  }
0x46: {  	_ =	swait.ge [sflag:s21], $0x4000  }
0x47: {  	s9 =	simm.s32 $0x1C0;
	[sflag:s21] =	ssyncset.done $0x0  }
0x48: {  	s10 =	simm.s32 $0x1A0;
	s26 =	sor.u32 $0x50, s9;
	[sflag:s21] =	ssyncadd.s32 $0xFFFFC000  }
0x49: {  	s0 =	sor.u32 $0x30, s10;
	v2 =	vld [tilespmem:s26+$0x14080]  }
0x4a: {  	s24 =	simm.s32 $0x14180;
	s11 =	simm.s32 $0x160;
	v4 =	vld [tilespmem:s0+$0x14080]  }
0x4b: {  	s2 =	simm.s32 $0x140;
	s1 =	sor.u32 $0x70, s11;
	v5 =	vld [tilespmem:s24+$0x90]  }
0x4c: {  	s3 =	simm.s32 $0x120;
	s7 =	sor.u32 $0x50, s2;
	v6 =	vld [tilespmem:s1+$0x14080]  }
0x4d: {  	s2 =	sor.u32 $0x30, s3;
	v7 =	vld [tilespmem:s7+$0x14080]  }
0x4e: {  	s13 =	simm.s32 $0xE0;
	v8 =	vld [tilespmem:s2+$0x14080]  }
0x4f: {  	s3 =	sor.u32 $0x70, s13;
	s8 =	simm.s32 $0xC0;
	v9 =	vld [tilespmem:s24+$0x10]  }
0x50: {  	s9 =	simm.s32 $0xA0;
	s8 =	sor.u32 $0x50, s8;
	v10 =	vld [tilespmem:s3+$0x14080]  }
0x51: {  	s9 =	sor.u32 $0x30, s9;
	v11 =	vld [tilespmem:s8+$0x14080]  }
0x52: {  	s25 =	simm.s32 $0x15480;
	v12 =	vld [tilespmem:s9+$0x14080]  }
0x53: {  	v13 =	vld [tilespmem:s25+$0xFFFFFD10]  }
0x54: {  	v14 =	vld [tilespmem:s24+$0xFFFFFF40]  }
0x55: {  	v15 =	vld [tilespmem:s25+$0xFFFFFD00]  }
0x56: {  	v16 =	vld [tilespmem:s25+$0xFFFFFC90]  }
0x57: {  	v17 =	vld [tilespmem:s24+$0xFFFFFF20]  }
0x58: {  	v18 =	vld [tilespmem:s25+$0xFFFFFC00]  }
0x59: {  	v19 =	vld [tilespmem:s25+$0xFFFFFC80]  }
0x5a: {  	v20 =	vld [tilespmem:s24+$0xFFFFFF10]  }
0x5b: {  	s10 =	simm.s32 $0x20;
	v21 =	vld [tilespmem:s25+$0xFFFFFC10]  }
0x5c: {  	s14 =	simm.s32 $0x40;
	s13 =	sor.u32 $0x30, s10;
	v3 =	vld [tilespmem:s24+$0xFFFFFF00]  }
0x5d: {  	s11 =	sor.u32 $0x50, s14;
	v22 =	vld [tilespmem:s13+$0x14080]  }
0x5e: {  	s22 =	simm.s32 $0x60;
	v23 =	vld [tilespmem:s11+$0x14080]  }
0x5f: {  	s10 =	sor.u32 $0x70, s22;
	v24 =	vld [tilespmem:s24+$0xFFFFFF90]  }
0x60: {  	v25 =	vld [tilespmem:s10+$0x14080]  }
0x61: {  	v26 =	vld [tilespmem:s25+$0xFFFFFD90]  }
0x62: {  	v27 =	vld [tilespmem:s24+$0xFFFFFF60]  }
0x63: {  	v28 =	vld [tilespmem:s25+$0xFFFFFD80]  }
0x64: {  	v29 =	vld [tilespmem:s25+$0xFFFFFE10]  }
0x65: {  	v30 =	vld [tilespmem:s24+$0xFFFFFF80]  }
0x66: {  	v31 =	vld [tilespmem:s25+$0xFFFFFE00]  }
0x67: {  	v32 =	vld [tilespmem:s25+$0xFFFFFE90]  }
0x68: {  	v33 =	vld [tilespmem:s24+$0xFFFFFFA0]  }
0x69: {  	v34 =	vld [tilespmem:s25+$0xFFFFFE80]  }
0x6a: {  	v35 =	vld [tilespmem:s25+$0xFFFFFF10]  }
0x6b: {  	v36 =	vld [tilespmem:s24+$0xFFFFFFC0]  }
0x6c: {  	v37 =	vld [tilespmem:s25+$0xFFFFFF00]  }
0x6d: {  	v38 =	vld [tilespmem:s25+$0xFFFFFF90]  }
0x6e: {  	v39 =	vld [tilespmem:s24+$0xFFFFFFE0]  }
0x6f: {  	v40 =	vld [tilespmem:s25+$0xFFFFFF80]  }
0x70: {  	v41 =	vld [tilespmem:s25+$0x10]  }
0x71: {  	v42 =	vld [tilespmem:s24+$0x0]  }
0x72: {  	v43 =	vld [tilespmem:s25+$0x0]  }
0x73: {  	v44 =	vld [tilespmem:s25+$0x90]  }
0x74: {  	v45 =	vld [tilespmem:s24+$0x20]  }
0x75: {  	v46 =	vld [tilespmem:s25+$0x80]  }
0x76: {  	v47 =	vld [tilespmem:s25+$0x110]  }
0x77: {  	v48 =	vld [tilespmem:s24+$0x40]  }
0x78: {  	v49 =	vld [tilespmem:s25+$0x100]  }
0x79: {  	v50 =	vld [tilespmem:s25+$0x190]  }
0x7a: {  	v51 =	vld [tilespmem:s24+$0x60];
	v20 =	vmul.f32 v20, v21;
	v18 =	vmul.f32 v3, v18  }
0x7b: {  	v57 =	vld [tilespmem:s25+$0x180];
	v17 =	vmul.f32 v17, v19;
	v16 =	vmul.f32 v22, v16  }
0x7c: {  	v58 =	vld [tilespmem:s25+$0x210];
	v18 =	vadd.f32 v20, v18  }
0x7d: {  	v59 =	vld [tilespmem:s24+$0x80];
	v14 =	vmul.f32 v14, v15;
	v13 =	vmul.f32 v23, v13;
	v16 =	vadd.f32 v16, v17  }
0x7e: {  	v60 =	vld [tilespmem:s25+$0x200];
	v61 =	vmul.f32 v25, v26;
	v62 =	vmul.f32 v27, v28;
	(xrf2) =	vadd.scan.msk.f32 $0xffff, v18  }
0x7f: {  	v63 =	vld [tilespmem:s25+$0x290];
	v28 =	vmul.f32 v30, v31;
	v30 =	vmul.f32 v24, v29;
	v13 =	vadd.f32 v13, v14;
	(xrf2) =	vadd.scan.msk.f32 $0xffff, v16  }
0x80: {  	v31 =	vld [tilespmem:s24+$0xA0];
	v12 =	vmul.f32 v12, v32;
	v33 =	vmul.f32 v33, v34;
	v14 =	vadd.f32 v61, v62  }
0x81: {  	v34 =	vld [tilespmem:s25+$0x280];
	v11 =	vmul.f32 v11, v35;
	v36 =	vmul.f32 v36, v37;
	v16 =	vadd.f32 v30, v28;
	(xrf2) =	vadd.scan.msk.f32 $0xffff, v13  }
0x82: {  	v37 =	vld [tilespmem:s25+$0x310];
	v39 =	vmul.f32 v39, v40;
	v10 =	vmul.f32 v10, v38;
	v12 =	vadd.f32 v12, v33;
	(xrf2) =	vadd.scan.msk.f32 $0xffff, v14  }
0x83: {  	v40 =	vld [tilespmem:s24+$0xC0];
	v42 =	vmul.f32 v42, v43;
	v9 =	vmul.f32 v9, v41;
	v11 =	vadd.f32 v11, v36;
	(xrf2) =	vadd.scan.msk.f32 $0xffff, v16  }
0x84: {  	s14 =	simm.s32 $0x1E0;
	v43 =	vld [tilespmem:s25+$0x300];
	v45 =	vmul.f32 v45, v46;
	v8 =	vmul.f32 v8, v44;
	v10 =	vadd.f32 v10, v39;
	(xrf2) =	vadd.scan.msk.f32 $0xffff, v12  }
0x85: {  	s31 =	sor.u32 $0x70, s14;
	v53 =	vld [tilespmem:s24+$0xE0];
	v48 =	vmul.f32 v48, v49;
	v7 =	vmul.f32 v7, v47;
	v9 =	vadd.f32 v9, v42;
	(xrf2) =	vadd.scan.msk.f32 $0xffff, v11  }
0x86: {  	v46 =	vld [tilespmem:s31+$0x14080];
	v6 =	vmul.f32 v6, v50;
	v52 =	vmul.f32 v51, v57;
	v8 =	vadd.f32 v8, v45;
	(xrf2) =	vadd.scan.msk.f32 $0xffff, v10  }
0x87: {  	v49 =	vld [tilespmem:s25+$0x390];
	v54 =	vmul.f32 v59, v60;
	v5 =	vmul.f32 v5, v58;
	v7 =	vadd.f32 v7, v48;
	(xrf2) =	vadd.scan.msk.f32 $0xffff, v9  }
0x88: {  	v55 =	vld [tilespmem:s25+$0x380];
	v4 =	vmul.f32 v4, v63;
	v6 =	vadd.f32 v6, v52;
	v57 =	vmul.f32 v31, v34;
	v56, _, _ =	vpop (xrf2);
	(xrf2) =	vadd.scan.msk.f32 $0xffff, v8  }
0x89: {  	v5 =	vadd.f32 v5, v54;
	v2 =	vmul.f32 v2, v37;
	v58, _, _ =	vpop (xrf2);
	(xrf2) =	vadd.scan.msk.f32 $0xffff, v7;
	v7 =	vmul.f32 v40, v43;
	_ =	sdelay $0x1  }
0x8a: {  	v4 =	vadd.f32 v4, v57;
	v60, _, _ =	vpop (xrf2);
	(xrf2) =	vadd.scan.msk.f32 $0xffff, v6;
	v2 =	vadd.f32 v2, v7  }
0x8b: {  	v59 =	vbroadcast v56, $0xF;
	(xrf2) =	vadd.scan.msk.f32 $0xffff, v5;
	v7 =	vmul.f32 v46, v49  }
0x8c: {  	v6 =	vbroadcast v58, $0xF;
	v5, _, _ =	vpop (xrf2);
	(xrf2) =	vadd.scan.msk.f32 $0xffff, v4;
	v4 =	vmul.f32 v53, v55  }
0x8d: {  	v61 =	vbroadcast v60, $0xF;
	v62, _, _ =	vpop (xrf2)  }
0x8e: {  	v6 =	vsel vm0, v59, v6;
	v5 =	vbroadcast v5, $0xF;
	(xrf2) =	vadd.scan.msk.f32 $0xffff, v2;
	v4 =	vadd.f32 v7, v4;
	v2, _, _ =	vpop (xrf2)  }
0x8f: {  	v6 =	vsel vm1, v6, v61;
	v63 =	vbroadcast v62, $0xF;
	v7, _, _ =	vpop (xrf2)  }
0x90: {  	v5 =	vsel vm2, v6, v5;
	v2 =	vbroadcast v2, $0xF;
	v6 =	vbroadcast v7, $0xF  }
0x91: {  	v5 =	vsel vm3, v5, v63;
	v7, _, _ =	vpop (xrf2)  }
0x92: {  	(xrf2) =	vadd.scan.msk.f32 $0xffff, v4;
	v4, _, _ =	vpop (xrf2);
	v2 =	vsel vm4, v5, v2;
	v5 =	vbroadcast v7, $0xF  }
0x93: {  	v7, _, _ =	vpop (xrf2);
	v2 =	vsel vm5, v2, v6;
	v4 =	vbroadcast v4, $0xF  }
0x94: {  	v2 =	vsel vm6, v2, v5;
	v5 =	vbroadcast v7, $0xF;
	v6, _, _ =	vpop (xrf2)  }
0x95: {  	v2 =	vsel vm7, v2, v4;
	v7, _, _ =	vpop (xrf2);
	v4 =	vbroadcast v6, $0xF  }
0x96: {  	v2 =	vsel vm8, v2, v5;
	v5 =	vbroadcast v7, $0xF;
	v6, _, _ =	vpop (xrf2)  }
0x97: {  	v2 =	vsel vm9, v2, v4;
	v4 =	vbroadcast v6, $0xF;
	v6, _, _ =	vpop (xrf2)  }
0x98: {  	v2 =	vsel vm10, v2, v5;
	v5 =	vbroadcast v6, $0xF;
	v6, _, _ =	vpop (xrf2)  }
0x99: {  	v2 =	vsel vm11, v2, v4;
	v4 =	vbroadcast v6, $0xF;
	_ =	sdelay $0x2  }
0x9a: {  	v2 =	vsel vm12, v2, v5  }
0x9b: {  	v2 =	vsel vm13, v2, v4;
	v4, _, _ =	vpop (xrf2)  }
0x9c: {  	v2 =	vsel vm14, v2, v4  }
0x9d: {  	v2 =	vmul.f32 $1.442695020e+00, v2;
	_ =	sdelay $0x1  }
0x9e: {  	(erf) = vpow2.f32 v2;
	_ =	sdelay $0x8  }
0x9f: {  	v2 =	vpop (erf)  }
0xa0: {  	v4 =	vbroadcast v2, $0x0;
	_ =	sdelay $0x1  }
0xa1: {  	v3 =	vmul.f32 v4, v3  }
0xa2: {  	s28 =	simm.s32 $0x19480  }
0xa3: {  	[tilespmem:s28+$0xFFFFFC00] =	vst v3  }
0xa4: {  	v3 =	vld [tilespmem:s24+$0xFFFFFF10];
	_ =	sdelay $0x3  }
0xa5: {  	v5 =	vmul.f32 v1, v4  }
0xa6: {  	v3 =	vmul.f32 v4, v3  }
0xa7: {  	[tilespmem:s28+$0xFFFFFC20] =	vst v5  }
0xa8: {  	[tilespmem:s28+$0xFFFFFC10] =	vst v3  }
0xa9: {  	v3 =	vld [tilespmem:s24+$0xFFFFFF20];
	_ =	sdelay $0x2  }
0xaa: {  	v4 =	vbroadcast v2, $0x1;
	_ =	sdelay $0x1  }
0xab: {  	v3 =	vmul.f32 v4, v3;
	_ =	sdelay $0x1  }
0xac: {  	[tilespmem:s28+$0xFFFFFC80] =	vst v3  }
0xad: {  	v3 =	vld [tilespmem:s13+$0x14080];
	_ =	sdelay $0x3  }
0xae: {  	v5 =	vmul.f32 v1, v4  }
0xaf: {  	v3 =	vmul.f32 v4, v3  }
0xb0: {  	[tilespmem:s28+$0xFFFFFCA0] =	vst v5  }
0xb1: {  	[tilespmem:s28+$0xFFFFFC90] =	vst v3  }
0xb2: {  	v3 =	vld [tilespmem:s24+$0xFFFFFF40];
	_ =	sdelay $0x2  }
0xb3: {  	v4 =	vbroadcast v2, $0x2;
	_ =	sdelay $0x1  }
0xb4: {  	v3 =	vmul.f32 v3, v4;
	_ =	sdelay $0x1  }
0xb5: {  	[tilespmem:s28+$0xFFFFFD00] =	vst v3  }
0xb6: {  	v3 =	vld [tilespmem:s11+$0x14080];
	_ =	sdelay $0x3  }
0xb7: {  	v5 =	vmul.f32 v1, v4  }
0xb8: {  	v3 =	vmul.f32 v3, v4  }
0xb9: {  	[tilespmem:s28+$0xFFFFFD20] =	vst v5  }
0xba: {  	[tilespmem:s28+$0xFFFFFD10] =	vst v3  }
0xbb: {  	v3 =	vld [tilespmem:s24+$0xFFFFFF60];
	_ =	sdelay $0x2  }
0xbc: {  	v4 =	vbroadcast v2, $0x3;
	_ =	sdelay $0x1  }
0xbd: {  	v3 =	vmul.f32 v3, v4;
	_ =	sdelay $0x1  }
0xbe: {  	[tilespmem:s28+$0xFFFFFD80] =	vst v3  }
0xbf: {  	v3 =	vld [tilespmem:s10+$0x14080];
	_ =	sdelay $0x3  }
0xc0: {  	v5 =	vmul.f32 v1, v4  }
0xc1: {  	v3 =	vmul.f32 v3, v4  }
0xc2: {  	[tilespmem:s28+$0xFFFFFDA0] =	vst v5  }
0xc3: {  	[tilespmem:s28+$0xFFFFFD90] =	vst v3  }
0xc4: {  	v3 =	vld [tilespmem:s24+$0xFFFFFF80];
	_ =	sdelay $0x2  }
0xc5: {  	v4 =	vbroadcast v2, $0x4;
	_ =	sdelay $0x1  }
0xc6: {  	v3 =	vmul.f32 v3, v4;
	_ =	sdelay $0x1  }
0xc7: {  	[tilespmem:s28+$0xFFFFFE00] =	vst v3  }
0xc8: {  	v3 =	vld [tilespmem:s24+$0xFFFFFF90];
	_ =	sdelay $0x3  }
0xc9: {  	v5 =	vmul.f32 v1, v4  }
0xca: {  	v3 =	vmul.f32 v3, v4  }
0xcb: {  	[tilespmem:s28+$0xFFFFFE20] =	vst v5  }
0xcc: {  	[tilespmem:s28+$0xFFFFFE10] =	vst v3  }
0xcd: {  	v3 =	vld [tilespmem:s24+$0xFFFFFFA0];
	_ =	sdelay $0x2  }
0xce: {  	v4 =	vbroadcast v2, $0x5;
	_ =	sdelay $0x1  }
0xcf: {  	v3 =	vmul.f32 v3, v4;
	_ =	sdelay $0x1  }
0xd0: {  	[tilespmem:s28+$0xFFFFFE80] =	vst v3  }
0xd1: {  	v3 =	vld [tilespmem:s9+$0x14080];
	_ =	sdelay $0x3  }
0xd2: {  	v5 =	vmul.f32 v1, v4  }
0xd3: {  	v3 =	vmul.f32 v3, v4  }
0xd4: {  	[tilespmem:s28+$0xFFFFFEA0] =	vst v5  }
0xd5: {  	[tilespmem:s28+$0xFFFFFE90] =	vst v3  }
0xd6: {  	v3 =	vld [tilespmem:s24+$0xFFFFFFC0];
	_ =	sdelay $0x2  }
0xd7: {  	v4 =	vbroadcast v2, $0x6;
	_ =	sdelay $0x1  }
0xd8: {  	v3 =	vmul.f32 v3, v4;
	_ =	sdelay $0x1  }
0xd9: {  	[tilespmem:s28+$0xFFFFFF00] =	vst v3  }
0xda: {  	v3 =	vld [tilespmem:s8+$0x14080];
	_ =	sdelay $0x3  }
0xdb: {  	v5 =	vmul.f32 v1, v4  }
0xdc: {  	v3 =	vmul.f32 v3, v4  }
0xdd: {  	[tilespmem:s28+$0xFFFFFF20] =	vst v5  }
0xde: {  	[tilespmem:s28+$0xFFFFFF10] =	vst v3  }
0xdf: {  	v3 =	vld [tilespmem:s24+$0xFFFFFFE0];
	_ =	sdelay $0x2  }
0xe0: {  	v4 =	vbroadcast v2, $0x7;
	_ =	sdelay $0x1  }
0xe1: {  	v3 =	vmul.f32 v3, v4;
	_ =	sdelay $0x1  }
0xe2: {  	[tilespmem:s28+$0xFFFFFF80] =	vst v3  }
0xe3: {  	v3 =	vld [tilespmem:s3+$0x14080];
	_ =	sdelay $0x3  }
0xe4: {  	v5 =	vmul.f32 v1, v4  }
0xe5: {  	v3 =	vmul.f32 v3, v4  }
0xe6: {  	[tilespmem:s28+$0xFFFFFFA0] =	vst v5  }
0xe7: {  	[tilespmem:s28+$0xFFFFFF90] =	vst v3  }
0xe8: {  	v3 =	vld [tilespmem:s24+$0x0];
	_ =	sdelay $0x2  }
0xe9: {  	v4 =	vbroadcast v2, $0x8;
	_ =	sdelay $0x1  }
0xea: {  	v3 =	vmul.f32 v3, v4;
	_ =	sdelay $0x1  }
0xeb: {  	[tilespmem:s28+$0x0] =	vst v3  }
0xec: {  	v3 =	vld [tilespmem:s24+$0x10];
	_ =	sdelay $0x3  }
0xed: {  	v5 =	vmul.f32 v1, v4  }
0xee: {  	v3 =	vmul.f32 v3, v4  }
0xef: {  	[tilespmem:s28+$0x20] =	vst v5  }
0xf0: {  	[tilespmem:s28+$0x10] =	vst v3  }
0xf1: {  	v3 =	vld [tilespmem:s24+$0x20];
	_ =	sdelay $0x2  }
0xf2: {  	v4 =	vbroadcast v2, $0x9;
	_ =	sdelay $0x1  }
0xf3: {  	v3 =	vmul.f32 v3, v4;
	_ =	sdelay $0x1  }
0xf4: {  	[tilespmem:s28+$0x80] =	vst v3  }
0xf5: {  	v3 =	vld [tilespmem:s2+$0x14080];
	_ =	sdelay $0x3  }
0xf6: {  	v5 =	vmul.f32 v1, v4  }
0xf7: {  	v3 =	vmul.f32 v3, v4  }
0xf8: {  	[tilespmem:s28+$0xA0] =	vst v5  }
0xf9: {  	[tilespmem:s28+$0x90] =	vst v3  }
0xfa: {  	v3 =	vld [tilespmem:s24+$0x40];
	_ =	sdelay $0x2  }
0xfb: {  	v4 =	vbroadcast v2, $0xA;
	_ =	sdelay $0x1  }
0xfc: {  	v3 =	vmul.f32 v3, v4;
	_ =	sdelay $0x1  }
0xfd: {  	[tilespmem:s28+$0x100] =	vst v3  }
0xfe: {  	v3 =	vld [tilespmem:s7+$0x14080];
	_ =	sdelay $0x3  }
0xff: {  	v5 =	vmul.f32 v1, v4  }
0x100: {  	v3 =	vmul.f32 v3, v4  }
0x101: {  	[tilespmem:s28+$0x120] =	vst v5  }
0x102: {  	[tilespmem:s28+$0x110] =	vst v3  }
0x103: {  	v3 =	vld [tilespmem:s24+$0x60];
	_ =	sdelay $0x2  }
0x104: {  	v4 =	vbroadcast v2, $0xB;
	_ =	sdelay $0x1  }
0x105: {  	v3 =	vmul.f32 v3, v4;
	_ =	sdelay $0x1  }
0x106: {  	[tilespmem:s28+$0x180] =	vst v3  }
0x107: {  	v3 =	vld [tilespmem:s1+$0x14080];
	_ =	sdelay $0x3  }
0x108: {  	v5 =	vmul.f32 v1, v4  }
0x109: {  	v3 =	vmul.f32 v3, v4  }
0x10a: {  	[tilespmem:s28+$0x1A0] =	vst v5  }
0x10b: {  	[tilespmem:s28+$0x190] =	vst v3  }
0x10c: {  	v3 =	vld [tilespmem:s24+$0x80];
	_ =	sdelay $0x2  }
0x10d: {  	v4 =	vbroadcast v2, $0xC;
	_ =	sdelay $0x1  }
0x10e: {  	v3 =	vmul.f32 v3, v4;
	_ =	sdelay $0x1  }
0x10f: {  	[tilespmem:s28+$0x200] =	vst v3  }
0x110: {  	v3 =	vld [tilespmem:s24+$0x90];
	_ =	sdelay $0x3  }
0x111: {  	v5 =	vmul.f32 v1, v4  }
0x112: {  	v3 =	vmul.f32 v3, v4  }
0x113: {  	[tilespmem:s28+$0x220] =	vst v5  }
0x114: {  	[tilespmem:s28+$0x210] =	vst v3  }
0x115: {  	v3 =	vld [tilespmem:s24+$0xA0];
	_ =	sdelay $0x2  }
0x116: {  	v4 =	vbroadcast v2, $0xD;
	_ =	sdelay $0x1  }
0x117: {  	v3 =	vmul.f32 v3, v4;
	_ =	sdelay $0x1  }
0x118: {  	[tilespmem:s28+$0x280] =	vst v3  }
0x119: {  	v3 =	vld [tilespmem:s0+$0x14080];
	_ =	sdelay $0x3  }
0x11a: {  	v5 =	vmul.f32 v1, v4  }
0x11b: {  	v3 =	vmul.f32 v3, v4  }
0x11c: {  	[tilespmem:s28+$0x2A0] =	vst v5  }
0x11d: {  	[tilespmem:s28+$0x290] =	vst v3  }
0x11e: {  	s29 =	simm.s32 $0x19480;
	s30 =	simm.s32 $0x14180;
	s0 =	simm.s32 $0x3E0;
	v3 =	vbroadcast v2, $0xE;
	v4 =	vld [tilespmem:s24+$0xC0]  }
.LBB2_5:
0x11f: {  	_ =	sdelay $0x1  }
0x120: {  	s25 =	sadd.s32 $0x800, s25;
	s28 =	sadd.s32 $0x800, s28;
	s24 =	sadd.s32 $0x200, s24  }
0x121: {  	p0 =	sne.s32 s0, $0xFE0;
	s3 =	smov.u32 s0;
	s0 =	sadd.s32 $0x200, s0  }
0x122: {  	v4 =	vmul.f32 v4, v3;
	_ =	sdelay $0x1  }
0x123: {  	[tilespmem:s29+$0x300] =	vst v4;
	v4 =	vmul.f32 v1, v3  }
0x124: {  	v5 =	vld [tilespmem:s26+$0x14080]  }
0x125: {  	[tilespmem:s29+$0x320] =	vst v4;
	_ =	sdelay $0x3  }
0x126: {  	v3 =	vmul.f32 v5, v3;
	_ =	sdelay $0x1  }
0x127: {  	[tilespmem:s29+$0x310] =	vst v3  }
0x128: {  	v3 =	vld [tilespmem:s30+$0xE0];
	s30 =	smov.u32 s24;
	_ =	sdelay $0x2  }
0x129: {  	v2 =	vbroadcast v2, $0xF;
	_ =	sdelay $0x1  }
0x12a: {  	v3 =	vmul.f32 v3, v2;
	_ =	sdelay $0x1  }
0x12b: {  	[tilespmem:s29+$0x380] =	vst v3;
	v3 =	vmul.f32 v1, v2  }
0x12c: {  	v4 =	vld [tilespmem:s31+$0x14080]  }
0x12d: {  	[tilespmem:s29+$0x3A0] =	vst v3;
	_ =	sdelay $0x3  }
0x12e: {  	v2 =	vmul.f32 v4, v2  }
0x12f: {  	s1 =	sadd.s32 $0xFFFFFFE0, s3  }
0x130: {  	s2 =	sadd.s32 $0xFFFFFFC0, s3;
	s26 =	sor.u32 $0x50, s1;
	[tilespmem:s29+$0x390] =	vst v2;
	s29 =	smov.u32 s28  }
0x131: {  	s1 =	sor.u32 $0x30, s2;
	v2 =	vld [tilespmem:s26+$0x14080]  }
0x132: {  	s2 =	sadd.s32 $0xFFFFFF80, s3;
	v3 =	vld [tilespmem:s1+$0x14080]  }
0x133: {  	s7 =	sadd.s32 $0xFFFFFF60, s3;
	s8 =	sor.u32 $0x70, s2;
	v5 =	vld [tilespmem:s24+$0x90]  }
0x134: {  	s9 =	sor.u32 $0x50, s7;
	s2 =	sadd.s32 $0xFFFFFF40, s3;
	v6 =	vld [tilespmem:s8+$0x14080]  }
0x135: {  	s10 =	sor.u32 $0x30, s2;
	v7 =	vld [tilespmem:s9+$0x14080]  }
0x136: {  	s2 =	sadd.s32 $0xFFFFFF00, s3;
	v8 =	vld [tilespmem:s10+$0x14080]  }
0x137: {  	s7 =	sadd.s32 $0xFFFFFEE0, s3;
	s11 =	sor.u32 $0x70, s2;
	v9 =	vld [tilespmem:s24+$0x10]  }
0x138: {  	s13 =	sor.u32 $0x50, s7;
	s2 =	sadd.s32 $0xFFFFFEC0, s3;
	v10 =	vld [tilespmem:s11+$0x14080]  }
0x139: {  	s14 =	sor.u32 $0x30, s2;
	v11 =	vld [tilespmem:s13+$0x14080]  }
0x13a: {  	v12 =	vld [tilespmem:s14+$0x14080]  }
0x13b: {  	v13 =	vld [tilespmem:s25+$0xFFFFFD10]  }
0x13c: {  	v14 =	vld [tilespmem:s24+$0xFFFFFF40]  }
0x13d: {  	v15 =	vld [tilespmem:s25+$0xFFFFFD00]  }
0x13e: {  	v16 =	vld [tilespmem:s25+$0xFFFFFC90]  }
0x13f: {  	v17 =	vld [tilespmem:s24+$0xFFFFFF20]  }
0x140: {  	v18 =	vld [tilespmem:s25+$0xFFFFFC00]  }
0x141: {  	v19 =	vld [tilespmem:s25+$0xFFFFFC80]  }
0x142: {  	v20 =	vld [tilespmem:s24+$0xFFFFFF10]  }
0x143: {  	s2 =	sadd.s32 $0xFFFFFE40, s3;
	v21 =	vld [tilespmem:s25+$0xFFFFFC10]  }
0x144: {  	s7 =	sadd.s32 $0xFFFFFE60, s3;
	s2 =	sor.u32 $0x30, s2;
	v4 =	vld [tilespmem:s24+$0xFFFFFF00]  }
0x145: {  	s22 =	sor.u32 $0x50, s7;
	v22 =	vld [tilespmem:s2+$0x14080]  }
0x146: {  	s7 =	sadd.s32 $0xFFFFFE80, s3;
	v23 =	vld [tilespmem:s22+$0x14080]  }
0x147: {  	s7 =	sor.u32 $0x70, s7;
	v24 =	vld [tilespmem:s24+$0xFFFFFF90]  }
0x148: {  	v20 =	vmul.f32 v20, v21;
	v21 =	vld [tilespmem:s7+$0x14080]  }
0x149: {  	v18 =	vmul.f32 v4, v18;
	v25 =	vld [tilespmem:s25+$0xFFFFFD90]  }
0x14a: {  	v17 =	vmul.f32 v17, v19;
	v16 =	vmul.f32 v22, v16;
	v19 =	vld [tilespmem:s24+$0xFFFFFF60]  }
0x14b: {  	v14 =	vmul.f32 v14, v15;
	v18 =	vadd.f32 v20, v18;
	v13 =	vmul.f32 v23, v13;
	v15 =	vld [tilespmem:s25+$0xFFFFFD80]  }
0x14c: {  	v16 =	vadd.f32 v16, v17;
	v17 =	vld [tilespmem:s25+$0xFFFFFE10]  }
0x14d: {  	v13 =	vadd.f32 v13, v14;
	v14 =	vld [tilespmem:s24+$0xFFFFFF80];
	(xrf2) =	vadd.scan.msk.f32 $0xffff, v18  }
0x14e: {  	v18 =	vmul.f32 v21, v25;
	v20 =	vld [tilespmem:s25+$0xFFFFFE00]  }
0x14f: {  	v21 =	vld [tilespmem:s25+$0xFFFFFE90]  }
0x150: {  	v15 =	vmul.f32 v19, v15;
	v19 =	vld [tilespmem:s24+$0xFFFFFFA0];
	(xrf2) =	vadd.scan.msk.f32 $0xffff, v16  }
0x151: {  	v16 =	vld [tilespmem:s25+$0xFFFFFE80]  }
0x152: {  	v15 =	vadd.f32 v18, v15;
	v18 =	vld [tilespmem:s25+$0xFFFFFF10]  }
0x153: {  	v17 =	vmul.f32 v24, v17;
	v14 =	vmul.f32 v14, v20;
	v20 =	vld [tilespmem:s24+$0xFFFFFFC0];
	(xrf2) =	vadd.scan.msk.f32 $0xffff, v13  }
0x154: {  	v12 =	vmul.f32 v12, v21;
	v13 =	vld [tilespmem:s25+$0xFFFFFF00]  }
0x155: {  	v14 =	vadd.f32 v17, v14;
	v17 =	vld [tilespmem:s25+$0xFFFFFF90]  }
0x156: {  	v16 =	vmul.f32 v19, v16;
	v19 =	vld [tilespmem:s24+$0xFFFFFFE0];
	(xrf2) =	vadd.scan.msk.f32 $0xffff, v15  }
0x157: {  	v11 =	vmul.f32 v11, v18;
	v15 =	vld [tilespmem:s25+$0xFFFFFF80];
	v18, _, _ =	vpop (xrf2)  }
0x158: {  	v12 =	vadd.f32 v12, v16;
	v16 =	vld [tilespmem:s25+$0x10]  }
0x159: {  	v18 =	vbroadcast v18, $0xF;
	v13 =	vmul.f32 v20, v13;
	v20 =	vld [tilespmem:s24+$0x0];
	(xrf2) =	vadd.scan.msk.f32 $0xffff, v14  }
0x15a: {  	v14 =	vld [tilespmem:s25+$0x0];
	v21, _, _ =	vpop (xrf2)  }
0x15b: {  	v11 =	vadd.f32 v11, v13;
	v13 =	vld [tilespmem:s25+$0x90]  }
0x15c: {  	v10 =	vmul.f32 v10, v17;
	v15 =	vmul.f32 v19, v15;
	v17 =	vld [tilespmem:s24+$0x20];
	(xrf2) =	vadd.scan.msk.f32 $0xffff, v12  }
0x15d: {  	v12 =	vbroadcast v21, $0xF;
	v19 =	vld [tilespmem:s25+$0x80];
	v21, _, _ =	vpop (xrf2)  }
0x15e: {  	v10 =	vadd.f32 v10, v15;
	v15 =	vld [tilespmem:s25+$0x110]  }
0x15f: {  	v9 =	vmul.f32 v9, v16;
	v12 =	vsel vm0, v18, v12;
	v14 =	vmul.f32 v20, v14;
	v16 =	vld [tilespmem:s24+$0x40];
	(xrf2) =	vadd.scan.msk.f32 $0xffff, v11  }
0x160: {  	v11 =	vbroadcast v21, $0xF;
	v18 =	vld [tilespmem:s25+$0x100];
	v20, _, _ =	vpop (xrf2)  }
0x161: {  	v9 =	vadd.f32 v9, v14;
	v14 =	vld [tilespmem:s25+$0x190]  }
0x162: {  	v8 =	vmul.f32 v8, v13;
	v11 =	vsel vm1, v12, v11;
	v12 =	vmul.f32 v17, v19;
	v13 =	vld [tilespmem:s24+$0x60];
	(xrf2) =	vadd.scan.msk.f32 $0xffff, v10  }
0x163: {  	v10 =	vbroadcast v20, $0xF;
	v17 =	vld [tilespmem:s25+$0x180];
	v19, _, _ =	vpop (xrf2)  }
0x164: {  	v8 =	vadd.f32 v8, v12;
	v12 =	vld [tilespmem:s25+$0x210]  }
0x165: {  	v7 =	vmul.f32 v7, v15;
	v10 =	vsel vm2, v11, v10;
	v11 =	vmul.f32 v16, v18;
	v15 =	vld [tilespmem:s24+$0x80];
	(xrf2) =	vadd.scan.msk.f32 $0xffff, v9  }
0x166: {  	v9 =	vbroadcast v19, $0xF;
	v6 =	vmul.f32 v6, v14;
	v14 =	vld [tilespmem:s25+$0x200];
	v16, _, _ =	vpop (xrf2)  }
0x167: {  	v7 =	vadd.f32 v7, v11;
	v11 =	vld [tilespmem:s25+$0x290]  }
0x168: {  	v9 =	vsel vm3, v10, v9;
	v10 =	vmul.f32 v13, v17;
	v13 =	vld [tilespmem:s24+$0xA0];
	(xrf2) =	vadd.scan.msk.f32 $0xffff, v8  }
0x169: {  	v8 =	vbroadcast v16, $0xF;
	v16 =	vld [tilespmem:s25+$0x280];
	v17, _, _ =	vpop (xrf2)  }
0x16a: {  	v6 =	vadd.f32 v6, v10;
	v10 =	vld [tilespmem:s25+$0x310]  }
0x16b: {  	v5 =	vmul.f32 v5, v12;
	v8 =	vsel vm4, v9, v8;
	v9 =	vmul.f32 v15, v14;
	v12 =	vld [tilespmem:s24+$0xC0];
	(xrf2) =	vadd.scan.msk.f32 $0xffff, v7  }
0x16c: {  	v7 =	vbroadcast v17, $0xF;
	v14 =	vld [tilespmem:s25+$0x300];
	v15, _, _ =	vpop (xrf2)  }
0x16d: {  	s31 =	sor.u32 $0x70, s3;
	v5 =	vadd.f32 v5, v9  }
0x16e: {  	v3 =	vmul.f32 v3, v11;
	v7 =	vsel vm5, v8, v7;
	v8 =	vmul.f32 v13, v16;
	v9 =	vld [tilespmem:s31+$0x14080];
	(xrf2) =	vadd.scan.msk.f32 $0xffff, v6  }
0x16f: {  	v6 =	vbroadcast v15, $0xF;
	v11 =	vld [tilespmem:s25+$0x390];
	v13, _, _ =	vpop (xrf2)  }
0x170: {  	v3 =	vadd.f32 v3, v8;
	v8 =	vld [tilespmem:s24+$0xE0]  }
0x171: {  	v2 =	vmul.f32 v2, v10;
	v6 =	vsel vm6, v7, v6;
	v7 =	vmul.f32 v12, v14;
	v10 =	vld [tilespmem:s25+$0x380];
	(xrf2) =	vadd.scan.msk.f32 $0xffff, v5  }
0x172: {  	v5 =	vbroadcast v13, $0xF;
	v12, _, _ =	vpop (xrf2)  }
0x173: {  	v2 =	vadd.f32 v2, v7  }
0x174: {  	v5 =	vsel vm7, v6, v5;
	v6 =	vmul.f32 v9, v11;
	(xrf2) =	vadd.scan.msk.f32 $0xffff, v3  }
0x175: {  	v3 =	vbroadcast v12, $0xF;
	v7, _, _ =	vpop (xrf2)  }
0x176: {  	v8 =	vmul.f32 v8, v10  }
0x177: {  	v3 =	vsel vm8, v5, v3;
	(xrf2) =	vadd.scan.msk.f32 $0xffff, v2  }
0x178: {  	v2 =	vbroadcast v7, $0xF;
	v7 =	vadd.f32 v6, v8;
	v6, _, _ =	vpop (xrf2);
	_ =	sdelay $0x1  }
0x179: {  	v2 =	vsel vm9, v3, v2;
	(xrf2) =	vadd.scan.msk.f32 $0xffff, v7  }
0x17a: {  	v3 =	vbroadcast v6, $0xF;
	v5, _, _ =	vpop (xrf2);
	_ =	sdelay $0x1  }
0x17b: {  	v2 =	vsel vm10, v2, v3  }
0x17c: {  	v3 =	vbroadcast v5, $0xF;
	v5, _, _ =	vpop (xrf2);
	_ =	sdelay $0x1  }
0x17d: {  	v2 =	vsel vm11, v2, v3  }
0x17e: {  	v6 =	vbroadcast v5, $0xF;
	v5, _, _ =	vpop (xrf2)  }
0x17f: {  	v5 =	vbroadcast v5, $0xF  }
0x180: {  	v2 =	vsel vm12, v2, v6  }
0x181: {  	v2 =	vsel vm13, v2, v5;
	v3, _, _ =	vpop (xrf2)  }
0x182: {  	v2 =	vsel vm14, v2, v3  }
0x183: {  	v2 =	vmul.f32 $1.442695020e+00, v2;
	_ =	sdelay $0x1  }
0x184: {  	(erf) = vpow2.f32 v2;
	_ =	sdelay $0x8  }
0x185: {  	v2 =	vpop (erf)  }
0x186: {  	v5 =	vbroadcast v2, $0x0;
	v3 =	vbroadcast v2, $0xE;
	_ =	sdelay $0x1  }
0x187: {  	v4 =	vmul.f32 v5, v4;
	_ =	sdelay $0x1  }
0x188: {  	[tilespmem:s28+$0xFFFFFC00] =	vst v4;
	v4 =	vmul.f32 v1, v5  }
0x189: {  	v6 =	vld [tilespmem:s24+$0xFFFFFF10]  }
0x18a: {  	[tilespmem:s28+$0xFFFFFC20] =	vst v4;
	_ =	sdelay $0x3  }
0x18b: {  	v4 =	vmul.f32 v5, v6;
	_ =	sdelay $0x1  }
0x18c: {  	[tilespmem:s28+$0xFFFFFC10] =	vst v4  }
0x18d: {  	v4 =	vld [tilespmem:s24+$0xFFFFFF20];
	_ =	sdelay $0x2  }
0x18e: {  	v5 =	vbroadcast v2, $0x1;
	_ =	sdelay $0x1  }
0x18f: {  	v4 =	vmul.f32 v5, v4;
	_ =	sdelay $0x1  }
0x190: {  	[tilespmem:s28+$0xFFFFFC80] =	vst v4;
	v4 =	vmul.f32 v1, v5  }
0x191: {  	v6 =	vld [tilespmem:s2+$0x14080]  }
0x192: {  	[tilespmem:s28+$0xFFFFFCA0] =	vst v4;
	_ =	sdelay $0x3  }
0x193: {  	v4 =	vmul.f32 v5, v6;
	_ =	sdelay $0x1  }
0x194: {  	[tilespmem:s28+$0xFFFFFC90] =	vst v4  }
0x195: {  	v4 =	vld [tilespmem:s24+$0xFFFFFF40];
	_ =	sdelay $0x2  }
0x196: {  	v5 =	vbroadcast v2, $0x2;
	_ =	sdelay $0x1  }
0x197: {  	v4 =	vmul.f32 v4, v5;
	_ =	sdelay $0x1  }
0x198: {  	[tilespmem:s28+$0xFFFFFD00] =	vst v4;
	v4 =	vmul.f32 v1, v5  }
0x199: {  	v6 =	vld [tilespmem:s22+$0x14080]  }
0x19a: {  	[tilespmem:s28+$0xFFFFFD20] =	vst v4;
	_ =	sdelay $0x3  }
0x19b: {  	v4 =	vmul.f32 v6, v5;
	_ =	sdelay $0x1  }
0x19c: {  	[tilespmem:s28+$0xFFFFFD10] =	vst v4  }
0x19d: {  	v4 =	vld [tilespmem:s24+$0xFFFFFF60];
	_ =	sdelay $0x2  }
0x19e: {  	v5 =	vbroadcast v2, $0x3;
	_ =	sdelay $0x1  }
0x19f: {  	v4 =	vmul.f32 v4, v5;
	_ =	sdelay $0x1  }
0x1a0: {  	[tilespmem:s28+$0xFFFFFD80] =	vst v4;
	v4 =	vmul.f32 v1, v5  }
0x1a1: {  	v6 =	vld [tilespmem:s7+$0x14080]  }
0x1a2: {  	[tilespmem:s28+$0xFFFFFDA0] =	vst v4;
	_ =	sdelay $0x3  }
0x1a3: {  	v4 =	vmul.f32 v6, v5;
	_ =	sdelay $0x1  }
0x1a4: {  	[tilespmem:s28+$0xFFFFFD90] =	vst v4  }
0x1a5: {  	v4 =	vld [tilespmem:s24+$0xFFFFFF80];
	_ =	sdelay $0x2  }
0x1a6: {  	v5 =	vbroadcast v2, $0x4;
	_ =	sdelay $0x1  }
0x1a7: {  	v4 =	vmul.f32 v4, v5;
	_ =	sdelay $0x1  }
0x1a8: {  	[tilespmem:s28+$0xFFFFFE00] =	vst v4;
	v4 =	vmul.f32 v1, v5  }
0x1a9: {  	v6 =	vld [tilespmem:s24+$0xFFFFFF90]  }
0x1aa: {  	[tilespmem:s28+$0xFFFFFE20] =	vst v4;
	_ =	sdelay $0x3  }
0x1ab: {  	v4 =	vmul.f32 v6, v5;
	_ =	sdelay $0x1  }
0x1ac: {  	[tilespmem:s28+$0xFFFFFE10] =	vst v4  }
0x1ad: {  	v4 =	vld [tilespmem:s24+$0xFFFFFFA0];
	_ =	sdelay $0x2  }
0x1ae: {  	v5 =	vbroadcast v2, $0x5;
	_ =	sdelay $0x1  }
0x1af: {  	v4 =	vmul.f32 v4, v5;
	_ =	sdelay $0x1  }
0x1b0: {  	[tilespmem:s28+$0xFFFFFE80] =	vst v4;
	v4 =	vmul.f32 v1, v5  }
0x1b1: {  	v6 =	vld [tilespmem:s14+$0x14080]  }
0x1b2: {  	[tilespmem:s28+$0xFFFFFEA0] =	vst v4;
	_ =	sdelay $0x3  }
0x1b3: {  	v4 =	vmul.f32 v6, v5;
	_ =	sdelay $0x1  }
0x1b4: {  	[tilespmem:s28+$0xFFFFFE90] =	vst v4  }
0x1b5: {  	v4 =	vld [tilespmem:s24+$0xFFFFFFC0];
	_ =	sdelay $0x2  }
0x1b6: {  	v5 =	vbroadcast v2, $0x6;
	_ =	sdelay $0x1  }
0x1b7: {  	v4 =	vmul.f32 v4, v5;
	_ =	sdelay $0x1  }
0x1b8: {  	[tilespmem:s28+$0xFFFFFF00] =	vst v4;
	v4 =	vmul.f32 v1, v5  }
0x1b9: {  	v6 =	vld [tilespmem:s13+$0x14080]  }
0x1ba: {  	[tilespmem:s28+$0xFFFFFF20] =	vst v4;
	_ =	sdelay $0x3  }
0x1bb: {  	v4 =	vmul.f32 v6, v5;
	_ =	sdelay $0x1  }
0x1bc: {  	[tilespmem:s28+$0xFFFFFF10] =	vst v4  }
0x1bd: {  	v4 =	vld [tilespmem:s24+$0xFFFFFFE0];
	_ =	sdelay $0x2  }
0x1be: {  	v5 =	vbroadcast v2, $0x7;
	_ =	sdelay $0x1  }
0x1bf: {  	v4 =	vmul.f32 v4, v5;
	_ =	sdelay $0x1  }
0x1c0: {  	[tilespmem:s28+$0xFFFFFF80] =	vst v4;
	v4 =	vmul.f32 v1, v5  }
0x1c1: {  	v6 =	vld [tilespmem:s11+$0x14080]  }
0x1c2: {  	[tilespmem:s28+$0xFFFFFFA0] =	vst v4;
	_ =	sdelay $0x3  }
0x1c3: {  	v4 =	vmul.f32 v6, v5;
	_ =	sdelay $0x1  }
0x1c4: {  	[tilespmem:s28+$0xFFFFFF90] =	vst v4  }
0x1c5: {  	v4 =	vld [tilespmem:s24+$0x0];
	_ =	sdelay $0x2  }
0x1c6: {  	v5 =	vbroadcast v2, $0x8;
	_ =	sdelay $0x1  }
0x1c7: {  	v4 =	vmul.f32 v4, v5;
	_ =	sdelay $0x1  }
0x1c8: {  	[tilespmem:s28+$0x0] =	vst v4;
	v4 =	vmul.f32 v1, v5  }
0x1c9: {  	v6 =	vld [tilespmem:s24+$0x10]  }
0x1ca: {  	[tilespmem:s28+$0x20] =	vst v4;
	_ =	sdelay $0x3  }
0x1cb: {  	v4 =	vmul.f32 v6, v5;
	_ =	sdelay $0x1  }
0x1cc: {  	[tilespmem:s28+$0x10] =	vst v4  }
0x1cd: {  	v4 =	vld [tilespmem:s24+$0x20];
	_ =	sdelay $0x2  }
0x1ce: {  	v5 =	vbroadcast v2, $0x9;
	_ =	sdelay $0x1  }
0x1cf: {  	v4 =	vmul.f32 v4, v5;
	_ =	sdelay $0x1  }
0x1d0: {  	[tilespmem:s28+$0x80] =	vst v4;
	v4 =	vmul.f32 v1, v5  }
0x1d1: {  	v6 =	vld [tilespmem:s10+$0x14080]  }
0x1d2: {  	[tilespmem:s28+$0xA0] =	vst v4;
	_ =	sdelay $0x3  }
0x1d3: {  	v4 =	vmul.f32 v6, v5;
	_ =	sdelay $0x1  }
0x1d4: {  	[tilespmem:s28+$0x90] =	vst v4  }
0x1d5: {  	v4 =	vld [tilespmem:s24+$0x40];
	_ =	sdelay $0x2  }
0x1d6: {  	v5 =	vbroadcast v2, $0xA;
	_ =	sdelay $0x1  }
0x1d7: {  	v4 =	vmul.f32 v4, v5;
	_ =	sdelay $0x1  }
0x1d8: {  	[tilespmem:s28+$0x100] =	vst v4;
	v4 =	vmul.f32 v1, v5  }
0x1d9: {  	v6 =	vld [tilespmem:s9+$0x14080]  }
0x1da: {  	[tilespmem:s28+$0x120] =	vst v4;
	_ =	sdelay $0x3  }
0x1db: {  	v4 =	vmul.f32 v6, v5;
	_ =	sdelay $0x1  }
0x1dc: {  	[tilespmem:s28+$0x110] =	vst v4  }
0x1dd: {  	v4 =	vld [tilespmem:s24+$0x60];
	_ =	sdelay $0x2  }
0x1de: {  	v5 =	vbroadcast v2, $0xB;
	_ =	sdelay $0x1  }
0x1df: {  	v4 =	vmul.f32 v4, v5;
	_ =	sdelay $0x1  }
0x1e0: {  	[tilespmem:s28+$0x180] =	vst v4;
	v4 =	vmul.f32 v1, v5  }
0x1e1: {  	v6 =	vld [tilespmem:s8+$0x14080]  }
0x1e2: {  	[tilespmem:s28+$0x1A0] =	vst v4;
	_ =	sdelay $0x3  }
0x1e3: {  	v4 =	vmul.f32 v6, v5;
	_ =	sdelay $0x1  }
0x1e4: {  	[tilespmem:s28+$0x190] =	vst v4  }
0x1e5: {  	v4 =	vld [tilespmem:s24+$0x80];
	_ =	sdelay $0x2  }
0x1e6: {  	v5 =	vbroadcast v2, $0xC;
	_ =	sdelay $0x1  }
0x1e7: {  	v4 =	vmul.f32 v4, v5;
	_ =	sdelay $0x1  }
0x1e8: {  	[tilespmem:s28+$0x200] =	vst v4;
	v4 =	vmul.f32 v1, v5  }
0x1e9: {  	v6 =	vld [tilespmem:s24+$0x90]  }
0x1ea: {  	[tilespmem:s28+$0x220] =	vst v4;
	_ =	sdelay $0x3  }
0x1eb: {  	v4 =	vmul.f32 v6, v5;
	_ =	sdelay $0x1  }
0x1ec: {  	[tilespmem:s28+$0x210] =	vst v4  }
0x1ed: {  	v4 =	vld [tilespmem:s24+$0xA0];
	_ =	sdelay $0x2  }
0x1ee: {  	v5 =	vbroadcast v2, $0xD;
	_ =	sdelay $0x1  }
0x1ef: {  	v4 =	vmul.f32 v4, v5;
	_ =	sdelay $0x1  }
0x1f0: {  	[tilespmem:s28+$0x280] =	vst v4;
	v4 =	vmul.f32 v1, v5  }
0x1f1: {  	v6 =	vld [tilespmem:s1+$0x14080]  }
0x1f2: {  	[tilespmem:s28+$0x2A0] =	vst v4;
	_ =	sdelay $0x2  }
.Ltmp1:
0x1f3: {  	(pc) =	sbr.rel @p0 .LBB2_5-.Ltmp1, $3  }
0x1f4: {  	v4 =	vmul.f32 v6, v5;
	_ =	sdelay $0x1  }
0x1f5: {  	[tilespmem:s28+$0x290] =	vst v4  }
0x1f6: {  	v4 =	vld [tilespmem:s24+$0xC0]  }
0x1f7: {  	_ =	sdelay $0x3  }
0x1f8: {  	v4 =	vmul.f32 v4, v3;
	_ =	sdelay $0x1  }
0x1f9: {  	[tilespmem:s29+$0x300] =	vst v4  }
0x1fa: {  	v4 =	vld [tilespmem:s26+$0x14080];
	_ =	sdelay $0x3  }
0x1fb: {  	v5 =	vmul.f32 v1, v3  }
0x1fc: {  	v3 =	vmul.f32 v4, v3  }
0x1fd: {  	[tilespmem:s29+$0x320] =	vst v5  }
0x1fe: {  	[tilespmem:s29+$0x310] =	vst v3  }
0x1ff: {  	v3 =	vld [tilespmem:s30+$0xE0];
	_ =	sdelay $0x2  }
0x200: {  	v2 =	vbroadcast v2, $0xF;
	_ =	sdelay $0x1  }
0x201: {  	v3 =	vmul.f32 v3, v2;
	_ =	sdelay $0x1  }
0x202: {  	[tilespmem:s29+$0x380] =	vst v3  }
0x203: {  	v3 =	vld [tilespmem:s31+$0x14080];
	_ =	sdelay $0x3  }
0x204: {  	v63 =	vmul.f32 v1, v2  }
0x205: {  	s23 =	sadd.s32 $0x1, s23;
	v2 =	vmul.f32 v3, v2  }
0x206: {  	p0 =	sne.s32 s23, $0x28;
	[tilespmem:s29+$0x3A0] =	vst v63  }
.Ltmp2:
0x207: {  	s0 =	rddreg [dreg:$0x2];
	[tilespmem:s29+$0x390] =	vst v2;
	(pc) =	sbr.rel @p0 .LBB2_4-.Ltmp2, $4  }
0x208: {  	[spmem:s0] =	stream.indirect.scatter.add.f32 [tilespmem:s15], [sflag:$0x2], $0x80, s17, s19, $0xb8;
	[tilespmem:$0x1D080] =	vst v63  }
0x209: {  	_ =	swait.ge [sflag:s16], $0x4000  }
0x20a: {  	[sflag:s16] =	ssyncset.done $0x0  }
0x20b: {  	[sflag:s16] =	ssyncadd.s32 $0xFFFFC000  }
0x20c: {  	s0 =	stileid.u32;
	[bflag:$0x0] =	sbarrier.arrive $0xFFFF  }
0x20d: {  	s0 =	sshll.u32 s0, $0x6;
	s3 =	rddreg [dreg:$0x4]  }
0x20e: {  	s2 =	rddreg [dreg:$0x9];
	s0 =	sor.u32 $0x1C02, s0;
	s1 =	sshrl.u32 s3, $0x3  }
0x20f: {  	[hbm:s2], [sflag:s0] =	dma.local [spmem:s1], $0x2800  }
0x210: {  	_ =	swait.ge [sflag:s16], $0x2800  }
0x211: {  	s30 =	rddreg [dreg:$0xb]  }
0x212: {  	s31 =	rddreg [dreg:$0xa];
	s1 =	sadd.s32 $0x1, s30  }
0x213: {  	p0 =	sne.s32 s1, s31  }
.Ltmp3:
0x214: {  	_ = 	snop;
	(pc) =	sbr.rel @p0 .LBB2_1-.Ltmp3, $3  }
0x215: {  	_ =	sdelay $0x1  }
0x216: {  	[sflag:s16] =	ssyncset.done $0x0  }
0x217: {  	[sflag:s16] =	ssyncadd.s32 $0xFFFFD800  }
0x218: {  	_ =	sfence.sel $0x180000  }
0x219: {  	[bflag:$0x0] =	sbarrier.arrive $0xFFFF  }
0x21a: {  	_ =	strace $0x90000047  }
0x21b: {  	s0 =	stileid.u32;
	[bflag:$0x2] =	sbarrier.arrive $0xFFFF  }
0x21c: {  	p0 =	sne.s32 s0, $0x0;
	s0 =	rddreg [dreg:$0x3]  }
0x21d: {  	s0 =	sadd.s32 @!p0 $0x100000, s0  }
0x21e: {  	[sflag:s0] =	ssyncadd.tile.s32 @!p0 $0x1;
	_ =	shalt  }
.Lfunc_end2:
_tile_overlayer_lowered:
.L_overlay_start_2:
0x21f: {  	(tag) =	ssettag $0x2  }
0x220: {  	s0 =	rddreg [dreg:$0x0];
	s2 =	stileid.u32  }
0x221: {  	s1 =	rddreg [dreg:$0x1];
	p0 =	sne.s32 s2, $0x0  }
0x222: {  	s3 =	rddreg [dreg:$0x2];
	[bflag:$0x3] =	sbarrier.arrive $0xFFFF;
	s2 =	simm.s32 @!p0 $0x1C02  }
0x223: {  	[timem:s3], [sflag:s2] =	dma.local @!p0 [hbm:s0], s1  }
0x224: {  	s0 =	simm.s32 @!p0 $0x2  }
0x225: {  	_ =	swait.ge @!p0 [sflag:s0], s1  }
0x226: {  	s1 =	ssub.s32 @!p0 $0x0, s1;
	[sflag:s0] =	ssyncset.done @!p0 $0x0  }
0x227: {  	[sflag:s0] =	ssyncadd.s32 @!p0 s1  }
0x228: {  	[bflag:$0x3] =	sbarrier.arrive $0xFFFF  }
0x229: {  	_ =	shalt  }

// kernel: sparse-core-data-format-call.cloned.1.call-start
scs
called_computation_lowered:
.L_overlay_start_0:
0x0: {  	s2 =	sld [smem:$0x3FD9]  }
0x1: {  	s3 =	sld [smem:$0x3FFE];
	_ =	sdelay $0x1  }
0x2: {  	s1 =	srdreg.scid  }
0x3: {  	s0 =	sand.u32 $0x1, s1  }
0x4: {  	s18 =	sshll.u32 s0, $0xA;
	s2 =	sadd.s32 s3, s2  }
0x5: {  	s2 =	sadd.s32 s2, s18  }
0x6: {  	[smem:$0x3FC0] =	sst s2  }
0x7: {  	_ = 	snop  }
0x8: {  	s2 =	sld [smem:$0x3FD0];
	(tm) =	ssettm $0x1  }
0x9: {  	s19 =	sld [smem:$0x3FFB];
	_ =	sdelay $0x3  }
0xa: {  	_ =	strace s19  }
0xb: {  	s3 =	sld [smem:$0x3FFC];
	_ =	sdelay $0x3  }
0xc: {  	_ =	strace s3  }
0xd: {  	s3 =	sld [smem:$0x3FFD];
	_ =	sdelay $0x3  }
0xe: {  	_ =	strace s3  }
0xf: {  	_ =	strace $0x8FFFFFFF  }
0x10: {  	s20 =	sld [smem:$0x3FDB];
	_ =	sdelay $0x1  }
0x11: {  	s4 =	simm.s32 $_scs_section_size  }
0x12: {  	s5 =	simm.s32 $_size__tile_overlayer_lowered;
	s6 =	simm.s32 $_tile_overlayer_lowered  }
0x13: {  	s23 =	simm.s32 $0x1BFF;
	s22 =	sshll.u32 s6, $0x1;
	s3 =	sadd.s32 s4, s20  }
0x14: {  	s7 =	simm.s32 $0x0;
	s21 =	sshll.u32 s5, $0x1;
	s5 =	sadd.s32 s22, s3  }
0x15: {  	[timem:s7], [sflag:s23] =	dma.local [hbm:s5], s21  }
0x16: {  	_ =	swait.ge [sflag:s23], s21  }
0x17: {  	s4 =	ssub.s32 $0x0, s21;
	[sflag:s23] =	ssyncset.done $0x0  }
0x18: {  	[sflag:s23] =	ssyncadd.s32 s4;
	_ =	sdelay $0x1  }
0x19: {  	s24 =	simm.s32 $0x1B8B  }
0x1a: {  	_ =	swait.ge [sflag:s24], $0x1  }
0x1b: {  	[sflag:s24] =	ssyncset.done $0x0  }
0x1c: {  	s26 =	simm.s32 $0x1B8E;
	s25 =	sld [smem:$0x3FFE];
	[sflag:s24] =	ssyncadd.s32 $0xFFFFFFFF  }
0x1d: {  	s27 =	simm.s32 $execute0_lowered;
	[smem:$0x3FD2] =	sst s26  }
0x1e: {  	s5 =	sshll.u32 s27, $0x1;
	_ =	strace $0x8000004F;
	[dreg:$0x1] =	wrdreg $0xFFFFFFFF  }
0x1f: {  	s28 =	simm.s32 $_size_execute0_lowered;
	s3 =	sadd.s32 s3, s5;
	[dreg:$0x0] =	wrdreg $0x0  }
0x20: {  	s5 =	sshll.u32 s28, $0x1;
	[dreg:$0x2] =	wrdreg s3  }
0x21: {  	[dreg:$0x3] =	wrdreg s5  }
0x22: {  	[dreg:$0x4] =	wrdreg $0xC0  }
0x23: {  	_ =	task [dreg:s7], $0x5FFFF  }
0x24: {  	[dreg:$0x1] =	wrdreg $0xFFFFFFFF  }
0x25: {  	[dreg:$0x0] =	wrdreg $0x60  }
0x26: {  	[dreg:$0x2] =	wrdreg s25  }
0x27: {  	[dreg:$0x3] =	wrdreg s2  }
0x28: {  	[dreg:$0x4] =	wrdreg $0x9  }
0x29: {  	_ =	task.clear_ibuf [dreg:s7], $0x5FFFF;
	_ =	strace $0x9000004F  }
0x2a: {  	s29 =	simm.s32 $0x9;
	_ =	strace $0x80000051  }
0x2b: {  	_ =	swait.ge [sflag:s29], $0x1  }
0x2c: {  	[sflag:s29] =	ssyncadd.s32 $0xFFFFFFFF  }
0x2d: {  	_ =	strace $0x90000051  }
0x2e: {  	_ =	sfence  }
0x2f: {  	s30 =	sld [smem:$0x0];
	_ =	sdelay $0x2  }
0x30: {  	s31 =	sshll.u32 s1, $0xD;
	s1 =	sshrl.u32 s1, $0x2  }
0x31: {  	s3 =	sand.u32 $0x4000, s31;
	s1 =	sadd.s32 s1, s30  }
0x32: {  	s0 =	sor.u32 s3, s0;
	s1 =	sshll.u32 s1, $0x11  }
0x33: {  	s0 =	sor.u32 s1, s0  }
0x34: {  	s0 =	sadd.s32 $0x8F2B, s0  }
0x35: {  	[sflag:s0] =	ssyncadd.remote.s32 $0x1  }
0x36: {  	_ =	sfence.sel $0xFFFF  }
0x37: {  	[dreg:$0x0] =	wrdreg $0xFFFFFFFF;
	(pc) =	sbr.abs _section_cstart, $3  }
0x38: {  	[dreg:$0x1] =	wrdreg $0xFFFFFFFF  }
0x39: {  	_ =	task.clear_ibuf [dreg:s7], $0x2FFFF;
	_ =	strace $0x9FFFFFFF  }
0x3a: {  	(tm) =	ssettm $0x7FFFFFFF  }
0x3b: {  	_ =	shalt  }
tec
execute0_lowered:
.L_overlay_start_1:
0x0: {  	(tag) =	ssettag $0x1  }
0x1: {  	s0 =	srdreg.scid;
	s7 =	rddreg [dreg:$0x0]  }
0x2: {  	s2 =	rddreg [dreg:$0x1];
	s8 =	simm.s32 $0x1;
	s1 =	sshll.u32 s0, $0x4  }
0x3: {  	s9 =	simm.s32 $0x2;
	s0 =	stileid.u32;
	s1 =	sand.u32 $0x10, s1  }
0x4: {  	s14 =	simm.s32 $0x0;
	s13 =	simm.s32 $0x0;
	s1 =	sor.u32 s0, s1  }
0x5: {  	s11 =	simm.s32 $0x0;
	s4 =	sadd.s32 $0x1034400, s7;
	s3 =	sshll.u32 s1, $0x7  }
0x6: {  	s12 =	simm.s32 $0x0;
	s7 =	sadd.s32 $0x12A5400, s7;
	s6 =	ssub.s32 $0x27100, s3  }
.Ltmp0:
0x7: {  	s1 =	rddreg [dreg:$0x2];
	s5 =	sand.u32 $0xF80, s6;
	(pc) =	sbr.rel .LBB1_1-.Ltmp0, $4  }
0x8: {  	_ =	strace $0x80000050;
	s10 =	smov.u32 s3;
	p0 =	sne.s32 s5, $0x0  }
0x9: {  	s6 =	sshrl.u32 s6, $0xC;
	s5 =	simm.s32 $0x1;
	s8 =	simm.s32 @!p0 $0x0  }
0xa: {  	[sflag:s5] =	ssyncpa.u1 $0x0;
	p0 =	por $0x0, $0x0;
	s6 =	sadd.s32 s8, s6  }
0xb: {  	[sflag:s9] =	ssyncpa.u1 $0x0;
	s9 =	simm.s32 $0x138800;
	s8 =	sadd.s32 $0x1, s6  }
.LBB1_7:
0xc: {  	s15 =	sadd.s32 $0x1000, s10  }
0xd: {  	s13 =	sadd.s32 $0x2, s11;
	s17 =	smov.u32 s11;
	p2 =	sgt.s32 s15, $0x270FF  }
0xe: {  	s17 =	smov.u32 @p2 s13  }
0xf: {  	s15 =	smov.u32 @p2 s3;
	p2 =	sgt.s32 s17, $0x1  }
0x10: {  	s17 =	simm.s32 @p2 $0x0;
	p2 =	sne.s32 s12, s8  }
.Ltmp1:
0x11: {  	p1 =	slt.u32 s12, $0x2;
	(pc) =	sbr.rel @!p2 .LBB1_8-.Ltmp1, $4  }
0x12: {  	s16 =	simm.s32 @!p1 $0x2  }
0x13: {  	s14 =	smov.u32 s10;
	p0 =	por !p0, !p0;
	_ =	swait.ge @!p1 [sflag:s16], $0x2000  }
0x14: {  	s13 =	smov.u32 s11;
	[sflag:s16] =	ssyncset.done @!p1 $0x0;
	s10 =	smov.u32 s15  }
0x15: {  	s12 =	sadd.s32 $0x1, s12;
	[sflag:s16] =	ssyncadd.s32 @!p1 $0xFFFFE000;
	s11 =	smov.u32 s17  }
.LBB1_1:
0x16: {  	p1 =	sge.u32 s12, s6  }
0x17: {  	s15 =	sand.u32 @!p1 $0x1FFFFFF, s10  }
0x18: {  	s16 =	smulhi.u32 @!p1 $0x1A36E2F, s15;
	_ =	sdelay $0x1  }
0x19: {  	s16 =	sshrl.u32 @!p1 s16, $0xA  }
0x1a: {  	s16 =	smul.u32 @!p1 $0x27100, s16  }
0x1b: {  	s17 =	sxor.u32 @!p1 $0xFFFFFFFF, s12;
	s18 =	smul.u32 @!p1 $0x271000, s11  }
0x1c: {  	s17 =	sshll.u32 @!p1 s17, $0xD;
	s15 =	ssub.s32 @!p1 s15, s16  }
0x1d: {  	s16 =	sand.u32 @!p1 $0x2000, s17;
	s17 =	sadd.s32 @!p1 s4, s18;
	s15 =	sshll.u32 @!p1 s15, $0x4  }
0x1e: {  	s19 =	simm.s32 @!p1 $0x20;
	s20 =	simm.s32 @!p1 $0x80;
	s17 =	sadd.s32 @!p1 s15, s17  }
0x1f: {  	[tilespmem:s16], [sflag:$0x1] =	stream.strided.gather @!p1 [hbm4b:s17+s19], $0x1000, s20, s19, $0x38;
	[tilespmem:$0x8080] =	vst v63  }
0x20: {  	s17 =	sadd.s32 @!p1 s18, s7  }
0x21: {  	s31 =	sadd.s32 $0xFFFFFFFF, s12;
	s16 =	sor.u32 @!p1 $0x1000, s16;
	s15 =	sadd.s32 @!p1 s15, s17  }
0x22: {  	[tilespmem:s16], [sflag:$0x1] =	stream.strided.gather @!p1 [hbm4b:s15+s19], $0x1000, s20, s19, $0x38;
	[tilespmem:$0x8080] =	vst v63  }
0x23: {  	p1 =	sge.u32 s31, s6  }
.Ltmp2:
0x24: {  	_ = 	snop;
	(pc) =	sbr.rel @p1 .LBB1_7-.Ltmp2, $1  }
0x25: {  	_ =	sdelay $0x3  }
0x26: {  	s15 =	simm.s32 $0x1;
	s17 =	sand.u32 $0x1, s12  }
0x27: {  	_ =	swait.ge [sflag:s5], $0x2000;
	s15 =	simm.s32 @!p0 $0x0;
	s17 =	smul.u32 $0x8100, s17  }
0x28: {  	p2 =	por $0x1, $0x1;
	[sflag:s5] =	ssyncset.done $0x0;
	s16 =	smul.u32 $0x8100, s15  }
0x29: {  	s18 =	sshll.u32 s15, $0xF;
	[sflag:s5] =	ssyncadd.s32 $0xFFFFE000;
	s30 =	sshrl.u32 s17, $0x2  }
0x2a: {  	s31 =	sshrl.u32 s18, $0x2;
	s18 =	simm.s32 $0x0;
	s16 =	sshrl.u32 s16, $0x2  }
0x2b: {  	s15 =	sor.u32 $0x4000, s30;
	s17 =	sadd.s32 $0x10, s31;
	s16 =	sor.u32 $0x4000, s16  }
.LBB1_3:
0x2c: {  	s19 =	sshll.u32 s18, $0xC  }
0x2d: {  	s19 =	sand.u32 $0x3FFFF000, s19  }
0x2e: {  	s20 =	sadd.s32 s19, s17  }
0x2f: {  	s31 =	smul.u32 $0x4080, s18;
	v1 =	vld [tilespmem:s20+$0x0]  }
0x30: {  	v0 =	vld [tilespmem:s20+$0xFFFFFFF0]  }
0x31: {  	s18 =	sshra.s32 s31, $0x2  }
0x32: {  	s18 =	sadd.s32 s18, s16  }
0x33: {  	s21 =	sadd.s32 $0x0, s18  }
0x34: {  	p1 =	por p2, p2;
	s19 =	simm.s32 $0x4;
	s20 =	sadd.s32 $0x20, s20;
	[tilespmem:s21+$0x810 ss:$0x81] =	vst.msk $0xffff, v1  }
.LBB1_4:
0x35: {  	v1 =	vld [tilespmem:s20+$0x0];
	p2 =	sne.s32 s19, $0x1FC;
	[tilespmem:s21+$0x0 ss:$0x81] =	vst.msk $0xffff, v0;
	s21 =	smov.u32 s19;
	s19 =	sadd.s32 $0x4, s19  }
.Ltmp3:
0x36: {  	v0 =	vld [tilespmem:s20+$0xFFFFFFF0];
	(pc) =	sbr.rel @p2 .LBB1_4-.Ltmp3, $4  }
0x37: {  	_ = 	snop  }
0x38: {  	s21 =	sshra.s32 s21, $0x2  }
0x39: {  	s21 =	sadd.s32 s21, s18  }
0x3a: {  	s20 =	sadd.s32 $0x20, s20;
	[tilespmem:s21+$0x810 ss:$0x81] =	vst.msk $0xffff, v1  }
.Ltmp4:
0x3b: {  	(pc) =	sbr.rel @p1 .LBB1_3-.Ltmp4, $2  }
0x3c: {  	_ =	sdelay $0x2  }
0x3d: {  	[tilespmem:s21+$0x0 ss:$0x81] =	vst.msk $0xffff, v0;
	s18 =	simm.s32 $0x1;
	p2 =	por $0x0, $0x0  }
0x3e: {  	s16 =	sshll.u32 s14, $0x3  }
0x3f: {  	s29 =	sand.u32 $0x7F, s14;
	s16 =	sand.u32 $0xFFFFFC00, s16  }
0x40: {  	s14 =	sor.u32 s29, s16;
	s16 =	smulhi.u32 $0xD1B71759, s16  }
0x41: {  	s17 =	smulhi.u32 $0xD1B71759, s14;
	_ =	sdelay $0x1  }
0x42: {  	s13 =	smul.u32 $0x9C400, s13;
	s16 =	sshrl.u32 s16, $0x11;
	s17 =	sshrl.u32 s17, $0x11  }
0x43: {  	s16 =	sand.u32 $0x1F, s16;
	s17 =	smul.u32 $0x27100, s17  }
0x44: {  	s16 =	smul.u32 $0x4E20, s16  }
.Ltmp5:
0x45: {  	s14 =	ssub.s32 s14, s17;
	(pc) =	sbr.rel .LBB1_7-.Ltmp5, $4  }
0x46: {  	s13 =	sadd.s32 s2, s13;
	s17 =	sand.u32 $0x7, s14  }
0x47: {  	s13 =	sadd.s32 s16, s13;
	s14 =	sshrl.u32 s14, $0x3;
	s30 =	sshll.u32 s17, $0x12  }
0x48: {  	s13 =	sadd.s32 s14, s13;
	s31 =	sor.u32 $0x400, s30  }
0x49: {  	[hbm4b:s13+s31] =	stream.strided.scatter [tilespmem:s15], [sflag:$0x2], $0x2000, s9, s31, $0x20;
	[tilespmem:$0x8080] =	vst v63  }
.LBB1_8:
0x4a: {  	_ =	sfence.sel $0x180000  }
0x4b: {  	s2 =	simm.s32 $0x1;
	[bflag:$0x0] =	sbarrier.arrive $0xFFFF  }
0x4c: {  	s31 =	simm.s32 $0x2;
	[sflag:s2] =	ssyncpa.u1 $0x1  }
0x4d: {  	[sflag:s31] =	ssyncpa.u1 $0x1  }
0x4e: {  	p0 =	sne.s32 s0, $0x0;
	_ =	strace $0x90000050  }
0x4f: {  	s0 =	sadd.s32 @!p0 $0x100000, s1;
	[bflag:$0x2] =	sbarrier.arrive $0xFFFF  }
0x50: {  	[sflag:s0] =	ssyncadd.tile.s32 @!p0 $0x1;
	_ =	shalt  }
.Lfunc_end1:
_tile_overlayer_lowered:
.L_overlay_start_2:
0x51: {  	(tag) =	ssettag $0x2  }
0x52: {  	s0 =	rddreg [dreg:$0x0];
	s2 =	stileid.u32  }
0x53: {  	s1 =	rddreg [dreg:$0x1];
	p0 =	sne.s32 s2, $0x0  }
0x54: {  	s3 =	rddreg [dreg:$0x2];
	[bflag:$0x3] =	sbarrier.arrive $0xFFFF;
	s2 =	simm.s32 @!p0 $0x1C01  }
0x55: {  	[timem:s3], [sflag:s2] =	dma.local @!p0 [hbm:s0], s1  }
0x56: {  	s0 =	simm.s32 @!p0 $0x1  }
0x57: {  	_ =	swait.ge @!p0 [sflag:s0], s1  }
0x58: {  	s1 =	ssub.s32 @!p0 $0x0, s1;
	[sflag:s0] =	ssyncset.done @!p0 $0x0  }
0x59: {  	[sflag:s0] =	ssyncadd.s32 @!p0 s1  }
0x5a: {  	[bflag:$0x3] =	sbarrier.arrive $0xFFFF  }
0x5b: {  	_ =	shalt  }

</sc_bundles>
